<compile_context>
chip_gen: v7x
topology: tpu7x:2x2x1
jax: 0.10.2.dev20260603
libtpu: 0.0.44.dev20260713+nightly
codegen_flags: <defaults>
</compile_context>

<pallas_src>
import functools

import jax
import jax.numpy as jnp
from jax import lax
from jax.experimental import pallas as pl
from jax.experimental.pallas import tpu as pltpu
from jax.experimental.pallas import tpu_sc as plsc

A, H, W, CH = 3, 256, 256, 85
NPOS = A * H * W
N = 4096
NCLS = 80
NC, NS = 2, 16
NW = NC * NS
GPW = N // NW
SPT = N // NS
ZPT = NPOS // NS
EPS = 1e-07


def _sc_body(pred1d, idx2, widx3, ones_h, zeros_h, gath_out, obj_out,
             widx_v, rows_v, sidx_v, ones_v, zeros_v, sem, sem2):
    c = lax.axis_index("c")
    s = lax.axis_index("s")
    wid = s * NC + c
    pltpu.sync_copy(widx3.at[wid], widx_v)
    handles = [pltpu.async_copy(pred1d.at[widx_v.at[j]], rows_v.at[j], sem)
               for j in range(CH)]

    @pl.when(c == 0)
    def _():
        pltpu.sync_copy(zeros_h, zeros_v)
        pltpu.sync_copy(zeros_v, obj_out.at[pl.ds(s * ZPT, ZPT)])
        plsc.subcore_barrier()
        pltpu.sync_copy(ones_h, ones_v)
        for j in range(SPT // GPW):
            pltpu.sync_copy(idx2.at[s * (SPT // GPW) + j], sidx_v)
            pltpu.async_copy(ones_v, obj_out.at[sidx_v], sem2).wait()

    for h in handles:
        h.wait()
    pltpu.sync_copy(rows_v, gath_out.at[wid])


@functools.lru_cache(maxsize=1)
def _get_sc_call():
    return pl.kernel(
        _sc_body,
        out_type=[
            jax.ShapeDtypeStruct((NW, CH, GPW), jnp.float32),
            jax.ShapeDtypeStruct((NPOS,), jnp.float32),
        ],
        mesh=plsc.VectorSubcoreMesh(core_axis_name="c", subcore_axis_name="s",
                                    num_cores=NC, num_subcores=NS),
        compiler_params=pltpu.CompilerParams(use_tc_tiling_on_sc=False),
        scratch_types=[
            pltpu.VMEM((CH, GPW), jnp.int32),
            pltpu.VMEM((CH, GPW), jnp.float32),
            pltpu.VMEM((GPW,), jnp.int32),
            pltpu.VMEM((GPW,), jnp.float32),
            pltpu.VMEM((ZPT,), jnp.float32),
            pltpu.SemaphoreType.DMA,
            pltpu.SemaphoreType.DMA,
        ],
    )


TI = 512
TJ = 2048
INV_NPOS = 1.0 / NPOS
INV_CLS = 1.0 / (N * NCLS)
INV_NN = 1.0 / (N * N)
ANG_S = 2.0 / 3.1416


def _atan(t):
    a = jnp.abs(t)
    inv = a > 1.0
    u = jnp.where(inv, 1.0 / a, a)
    red = u > 0.41421356
    w = jnp.where(red, (u - 1.0) / (u + 1.0), u)
    z = w * w
    p = w + w * z * (-3.33329491539e-1 + z * (1.99777106478e-1
                     + z * (-1.38776856032e-1 + z * 8.05374449538e-2)))
    r = jnp.where(red, 0.78539816339 + p, p)
    r = jnp.where(inv, 1.57079632679 - r, r)
    return jnp.where(t < 0.0, -r, r)


def _bce_sum(x, z):
    return jnp.sum(jnp.maximum(x, 0.0) - x * z
                   + jnp.log(1.0 + jnp.exp(-jnp.abs(x))))


def _prep(x1, y1, x2, y2):
    w = x2 - x1
    h = y2 - y1
    area = w * h
    cx = (x1 + x2) * 0.5
    cy = (y1 + y2) * 0.5
    ang = ANG_S * _atan(w / (h + EPS))
    return [x1, y1, x2, y2, w, h, area, cx, cy, ang]


NPAR = 10


def _fused_body(ox_ref, mz_ref, cx_ref, cz_ref, pr_ref, bt_ref, out_ref,
                *scr):
    pc = scr[:NPAR]
    pr_s = scr[NPAR:]
    k = pl.program_id(0)

    @pl.when(k == 0)
    def _():
        s_obj = _bce_sum(ox_ref[...], mz_ref[...])
        s_cls = _bce_sum(cx_ref[...], cz_ref[...])
        out_ref[...] = (s_obj * INV_NPOS + s_cls * INV_CLS
                        + 1.0).reshape(1, 1)
        cvals = _prep(pr_ref[:, 0:1], pr_ref[:, 1:2],
                      pr_ref[:, 2:3], pr_ref[:, 3:4])
        rvals = _prep(bt_ref[0:1, :], bt_ref[1:2, :],
                      bt_ref[2:3, :], bt_ref[3:4, :])
        for q in range(NPAR):
            pc[q][...] = cvals[q]
            pr_s[q][...] = rvals[q]

    @pl.when(k > 0)
    def _():
        kk = k - 1
        ib = kk // (N // TJ)
        jb = kk % (N // TJ)
        ci = ib * TI
        rj = jb * TJ
        (x1c, y1c, x2c, y2c, wc, hc, areac, cxc, cyc, angc) = [
            p[pl.ds(ci, TI), :] for p in pc]
        (x1r, y1r, x2r, y2r, wr, hr, arear, cxr, cyr, angr) = [
            p[:, pl.ds(rj, TJ)] for p in pr_s]

        ix1 = jnp.maximum(x1c, x1r)
        iy1 = jnp.maximum(y1c, y1r)
        ix2 = jnp.minimum(x2c, x2r)
        iy2 = jnp.minimum(y2c, y2r)
        iw = ix2 - ix1
        ih = iy2 - iy1
        inter = jnp.maximum(iw, 0.0) * jnp.maximum(ih, 0.0)
        union = (areac + arear) - inter
        iou = inter / (union + EPS)
        encw = (wc + wr) - iw
        ench = (hc + hr) - ih
        diag2 = encw * encw + (ench * ench + EPS)
        dx = cxc - cxr
        dy = cyc - cyr
        dist2 = dx * dx + dy * dy
        dv = angc - angr
        v = dv * dv
        denom = ((1.0 - iou) + v) + EPS
        ciou = (iou - dist2 / diag2) - (v / denom) * v
        out_ref[...] += (jnp.sum(ciou) * (-INV_NN)).reshape(1, 1)


def kernel(pred, box, cls, grid_x, grid_y, grid_anchor):
    f32 = jnp.float32
    flat = (grid_anchor.astype(jnp.int32) * (H * W)
            + grid_y.astype(jnp.int32) * W + grid_x.astype(jnp.int32))
    idx2 = flat.reshape(NW, GPW)
    widx3 = (flat[:, None] * CH
             + jnp.arange(CH, dtype=jnp.int32)[None, :]).reshape(NW, CH, GPW)
    pred1d = pred.reshape(NPOS * CH)
    ones_h = jnp.ones((GPW,), f32)
    zeros_h = jnp.zeros((ZPT,), f32)

    gath3, mask = _get_sc_call()(pred1d, idx2, widx3, ones_h, zeros_h)
    gath = gath3.reshape(N, CH)

    obj_x = pred[..., 4].reshape(NPOS // 128, 128)
    mask2 = mask.reshape(NPOS // 128, 128)
    boxt = jnp.zeros((8, N), f32).at[0:4, :].set(box.T)

    njt = N // TJ
    total = pl.pallas_call(
        _fused_body,
        grid=(1 + (N // TI) * njt,),
        in_specs=[
            pl.BlockSpec((NPOS // 128, 128), lambda k: (0, 0)),
            pl.BlockSpec((NPOS // 128, 128), lambda k: (0, 0)),
            pl.BlockSpec((N, NCLS), lambda k: (0, 0)),
            pl.BlockSpec((N, NCLS), lambda k: (0, 0)),
            pl.BlockSpec((N, 4), lambda k: (0, 0)),
            pl.BlockSpec((8, N), lambda k: (0, 0)),
        ],
        out_specs=pl.BlockSpec((1, 1), lambda k: (0, 0)),
        out_shape=jax.ShapeDtypeStruct((1, 1), f32),
        scratch_shapes=([pltpu.VMEM((N, 1), f32)] * 10
                        + [pltpu.VMEM((1, N), f32)] * 10),
    )(obj_x, mask2, gath[:, 5:CH], cls, gath[:, 0:4], boxt)
    return total[0, 0]

# --- scband reference (transcript-rebuilt; emitter-appended) ---
"""Pipeline reference for scband-yolo-loss-42056319762950 (READ-ONLY COPY).

The authoritative reference and input builder live on the scoring server;
editing this copy changes nothing except your own understanding.
"""

import jax, jax.numpy as jnp
import numpy as np


def bce_with_logits_mean(x, z):
    # numerically-stable BCEWithLogitsLoss, mean reduction
    return jnp.mean(jnp.maximum(x, 0.0) - x * z + jnp.log1p(jnp.exp(-jnp.abs(x))))


def bbox_ciou(box1, box2, eps=1e-07):
    b1_x1, b1_y1, b1_x2, b1_y2 = box1[:, 0], box1[:, 1], box1[:, 2], box1[:, 3]
    b2_x1, b2_y1, b2_x2, b2_y2 = box2[:, 0], box2[:, 1], box2[:, 2], box2[:, 3]
    inter_x1 = jnp.maximum(b1_x1[:, None], b2_x1[None, :])
    inter_y1 = jnp.maximum(b1_y1[:, None], b2_y1[None, :])
    inter_x2 = jnp.minimum(b1_x2[:, None], b2_x2[None, :])
    inter_y2 = jnp.minimum(b1_y2[:, None], b2_y2[None, :])
    inter = jnp.clip(inter_x2 - inter_x1, 0) * jnp.clip(inter_y2 - inter_y1, 0)
    area1 = (b1_x2 - b1_x1) * (b1_y2 - b1_y1)
    area2 = (b2_x2 - b2_x1) * (b2_y2 - b2_y1)
    union = area1[:, None] + area2[None, :] - inter
    iou = inter / (union + eps)
    enc_w = jnp.maximum(b1_x2[:, None], b2_x2[None, :]) - jnp.minimum(b1_x1[:, None], b2_x1[None, :])
    enc_h = jnp.maximum(b1_y2[:, None], b2_y2[None, :]) - jnp.minimum(b1_y1[:, None], b2_y1[None, :])
    diag2 = enc_w ** 2 + enc_h ** 2 + eps
    cen_x_b1, cen_y_b1 = (b1_x1 + b1_x2) / 2, (b1_y1 + b1_y2) / 2
    cen_x_b2, cen_y_b2 = (b2_x1 + b2_x2) / 2, (b2_y1 + b2_y2) / 2
    dist2 = (cen_x_b1[:, None] - cen_x_b2[None, :]) ** 2 + (cen_y_b1[:, None] - cen_y_b2[None, :]) ** 2
    angle1 = jnp.arctan((b1_x2 - b1_x1) / (b1_y2 - b1_y1 + eps))
    angle2 = jnp.arctan((b2_x2 - b2_x1) / (b2_y2 - b2_y1 + eps))
    v = 4 / 3.1416 ** 2 * (angle1[:, None] - angle2[None, :]) ** 2
    alpha = jax.lax.stop_gradient(v / (1 - iou + v + eps))
    ciou = iou - dist2 / diag2 - alpha * v
    return ciou


def setup_inputs(seed: int = 0) -> dict:
    key = jax.random.key(seed)
    k1, k2, k3, k4, k5, k6 = jax.random.split(key, 6)
    A, H, W, CH = 3, 256, 256, 85
    N = 4096
    pred = jax.random.normal(k1, (A, H, W, CH), dtype=jnp.float32)
    box = jax.random.uniform(k2, (N, 4), dtype=jnp.float32)
    cls = jax.random.uniform(k3, (N, 80), dtype=jnp.float32)
    grid_x = jax.random.randint(k4, (N,), 0, W)
    grid_y = jax.random.randint(k5, (N,), 0, H)
    grid_anchor = jax.random.randint(k6, (N,), 0, A)
    return {"pred": pred, "box": box, "cls": cls, "grid_x": grid_x, "grid_y": grid_y, "grid_anchor": grid_anchor}


def reference(pred, box, cls, grid_x, grid_y, grid_anchor):
    # single pyramid level (predict = [pred], target = [tar])
    obj_target = jnp.zeros_like(pred[..., 4]).at[grid_anchor, grid_y, grid_x].set(1.0)
    loss_obj = bce_with_logits_mean(pred[..., 4], obj_target)
    pr = pred[grid_anchor, grid_y, grid_x, :4]
    ciou = bbox_ciou(pr, box)
    loss_box = 1.0 - ciou.mean()
    cls_pred = pred[grid_anchor, grid_y, grid_x, 5:]
    loss_cls = bce_with_logits_mean(cls_pred, cls)
    total_loss = loss_obj + loss_box + loss_cls
    return total_loss

if __name__ == "__main__":
    import jax
    _d = setup_inputs()
    print(jax.jit(kernel)(*tuple(_d.values())))

</pallas_src>

<mosaic_0001>
#map = affine_map<(d0, d1) -> (0)>
#map1 = affine_map<(d0, d1) -> (0, 0)>
#map2 = affine_map<(d0, d1) -> (0, 0, 0)>
module attributes {stable_mosaic.version = 14 : i64} {
  func.func @_sc_body(%arg0: i32, %arg1: i32, %arg2: memref<16711680xf32, #tpu.memory_space<hbm>>, %arg3: memref<32x128xi32, #tpu.memory_space<hbm>>, %arg4: memref<32x85x128xi32, #tpu.memory_space<hbm>>, %arg5: memref<128xf32, #tpu.memory_space<hbm>>, %arg6: memref<12288xf32, #tpu.memory_space<hbm>>, %arg7: memref<32x85x128xf32, #tpu.memory_space<hbm>>, %arg8: memref<196608xf32, #tpu.memory_space<hbm>>, %arg9: memref<85x128xi32, #tpu.memory_space<vmem>>, %arg10: memref<85x128xf32, #tpu.memory_space<vmem>>, %arg11: memref<128xi32, #tpu.memory_space<vmem>>, %arg12: memref<128xf32, #tpu.memory_space<vmem>>, %arg13: memref<12288xf32, #tpu.memory_space<vmem>>, %arg14: memref<!tpu.dma_semaphore, #tpu.memory_space<semaphore_mem>>, %arg15: memref<!tpu.dma_semaphore, #tpu.memory_space<semaphore_mem>>) attributes {dimension_semantics = [#tpu.dimension_semantics<core_parallel>, #tpu.dimension_semantics<subcore_parallel>], iteration_bounds = array<i64: 2, 16>, scalar_prefetch = 0 : i64, scratch_operands = 7 : i64, tpu.core_type = #tpu.core_type<sc_vector_subcore>, window_params = [{transform_indices = #map}, {transform_indices = #map1}, {transform_indices = #map2}, {transform_indices = #map}, {transform_indices = #map}, {transform_indices = #map2}, {transform_indices = #map}]} {
    %mul3A = arith.constant 2 : i32
    %mul3A_0 = arith.muli %arg1, %mul3A : i32
    %add3A = arith.addi %mul3A_0, %arg0 : i32
    "tpu.region"() ({
      %run_scoped3A = tpu.sem_alloc : memref<!tpu.dma_semaphore, #tpu.memory_space<semaphore_mem>>
      %dma_start3A_1701 = arith.constant 0 : i32
      %dma_start3A_1702 = arith.constant 0 : i32
      %dma_start3A_1703 = tpu.memref_slice %arg4[%add3A, %dma_start3A_1701, %dma_start3A_1702] : memref<32x85x128xi32, #tpu.memory_space<hbm>> -> memref<1x85x128xi32, #tpu.memory_space<hbm>>
      %dma_start3A_1704 = tpu.memref_squeeze %dma_start3A_1703 : memref<1x85x128xi32, #tpu.memory_space<hbm>> -> memref<85x128xi32, #tpu.memory_space<hbm>>
      %dma_start3A_1705 = arith.constant 0 : i32
      %dma_start3A_1706 = arith.constant 0 : i32
      %dma_start3A_1707 = tpu.memref_slice %arg4[%add3A, %dma_start3A_1705, %dma_start3A_1706] : memref<32x85x128xi32, #tpu.memory_space<hbm>> -> memref<1x85x128xi32, #tpu.memory_space<hbm>>
      %dma_start3A_1708 = tpu.memref_squeeze %dma_start3A_1707 : memref<1x85x128xi32, #tpu.memory_space<hbm>> -> memref<85x128xi32, #tpu.memory_space<hbm>>
      tpu.enqueue_dma source(%dma_start3A_1708 : memref<85x128xi32, #tpu.memory_space<hbm>>) target(%arg9 : memref<85x128xi32, #tpu.memory_space<vmem>>) target_semaphore(%run_scoped3A : memref<!tpu.dma_semaphore, #tpu.memory_space<semaphore_mem>>)
      %dma_wait3A_1709 = arith.constant 0 : i32
      %dma_wait3A_1710 = arith.constant 0 : i32
      %dma_wait3A_1711 = tpu.memref_slice %arg4[%add3A, %dma_wait3A_1709, %dma_wait3A_1710] : memref<32x85x128xi32, #tpu.memory_space<hbm>> -> memref<1x85x128xi32, #tpu.memory_space<hbm>>
      %dma_wait3A_1712 = tpu.memref_squeeze %dma_wait3A_1711 : memref<1x85x128xi32, #tpu.memory_space<hbm>> -> memref<85x128xi32, #tpu.memory_space<hbm>>
      %dma_wait3A_1713 = arith.constant 0 : i32
      %dma_wait3A_1714 = arith.constant 0 : i32
      %dma_wait3A_1715 = tpu.memref_slice %arg4[%add3A, %dma_wait3A_1713, %dma_wait3A_1714] : memref<32x85x128xi32, #tpu.memory_space<hbm>> -> memref<1x85x128xi32, #tpu.memory_space<hbm>>
      %dma_wait3A_1716 = tpu.memref_squeeze %dma_wait3A_1715 : memref<1x85x128xi32, #tpu.memory_space<hbm>> -> memref<85x128xi32, #tpu.memory_space<hbm>>
      tpu.wait_dma2 semaphore(%run_scoped3A : memref<!tpu.dma_semaphore, #tpu.memory_space<semaphore_mem>>) src(%dma_wait3A_1716 : memref<85x128xi32, #tpu.memory_space<hbm>>) dst(%arg9 : memref<85x128xi32, #tpu.memory_space<vmem>>)
      tpu.yield
    }) : () -> ()
    %dma_start3A = arith.constant 0 : i32
    %dma_start3A_1 = arith.constant 0 : i32
    %dma_start3A_2 = arith.constant 0 : i32
    %dma_start3A_3 = tpu.memref_slice %arg10[%dma_start3A_1, %dma_start3A_2] : memref<85x128xf32, #tpu.memory_space<vmem>> -> memref<1x128xf32, #tpu.memory_space<vmem>>
    %dma_start3A_4 = tpu.memref_squeeze %dma_start3A_3 : memref<1x128xf32, #tpu.memory_space<vmem>> -> memref<128xf32, #tpu.memory_space<vmem>>
    %dma_start3A_5 = arith.constant 0 : i32
    %dma_start3A_6 = tpu.memref_slice %arg9[%dma_start3A, %dma_start3A_5] : memref<85x128xi32, #tpu.memory_space<vmem>> -> memref<1x128xi32, #tpu.memory_space<vmem>>
    %dma_start3A_7 = tpu.memref_squeeze %dma_start3A_6 : memref<1x128xi32, #tpu.memory_space<vmem>> -> memref<128xi32, #tpu.memory_space<vmem>>
    %dma_start3A_8 = arith.constant 0 : i32
    %dma_start3A_9 = tpu.memref_slice %arg2[%dma_start3A_8] : memref<16711680xf32, #tpu.memory_space<hbm>> -> memref<16711680xf32, #tpu.memory_space<hbm>>
    tpu.enqueue_indirect_dma source(%dma_start3A_9 : memref<16711680xf32, #tpu.memory_space<hbm>>) target(%dma_start3A_4 : memref<128xf32, #tpu.memory_space<vmem>>) offsets(%dma_start3A_7 : memref<128xi32, #tpu.memory_space<vmem>>) semaphore(%arg14 : memref<!tpu.dma_semaphore, #tpu.memory_space<semaphore_mem>>)
    %dma_start3A_10 = arith.constant 1 : i32
    %dma_start3A_11 = arith.constant 1 : i32
    %dma_start3A_12 = arith.constant 0 : i32
    %dma_start3A_13 = tpu.memref_slice %arg10[%dma_start3A_11, %dma_start3A_12] : memref<85x128xf32, #tpu.memory_space<vmem>> -> memref<1x128xf32, #tpu.memory_space<vmem>>
    %dma_start3A_14 = tpu.memref_squeeze %dma_start3A_13 : memref<1x128xf32, #tpu.memory_space<vmem>> -> memref<128xf32, #tpu.memory_space<vmem>>
    %dma_start3A_15 = arith.constant 0 : i32
    %dma_start3A_16 = tpu.memref_slice %arg9[%dma_start3A_10, %dma_start3A_15] : memref<85x128xi32, #tpu.memory_space<vmem>> -> memref<1x128xi32, #tpu.memory_space<vmem>>
    %dma_start3A_17 = tpu.memref_squeeze %dma_start3A_16 : memref<1x128xi32, #tpu.memory_space<vmem>> -> memref<128xi32, #tpu.memory_space<vmem>>
    %dma_start3A_18 = arith.constant 0 : i32
    %dma_start3A_19 = tpu.memref_slice %arg2[%dma_start3A_18] : memref<16711680xf32, #tpu.memory_space<hbm>> -> memref<16711680xf32, #tpu.memory_space<hbm>>
    tpu.enqueue_indirect_dma source(%dma_start3A_19 : memref<16711680xf32, #tpu.memory_space<hbm>>) target(%dma_start3A_14 : memref<128xf32, #tpu.memory_space<vmem>>) offsets(%dma_start3A_17 : memref<128xi32, #tpu.memory_space<vmem>>) semaphore(%arg14 : memref<!tpu.dma_semaphore, #tpu.memory_space<semaphore_mem>>)
    %dma_start3A_20 = arith.constant 2 : i32
    %dma_start3A_21 = arith.constant 2 : i32
    %dma_start3A_22 = arith.constant 0 : i32
    %dma_start3A_23 = tpu.memref_slice %arg10[%dma_start3A_21, %dma_start3A_22] : memref<85x128xf32, #tpu.memory_space<vmem>> -> memref<1x128xf32, #tpu.memory_space<vmem>>
    %dma_start3A_24 = tpu.memref_squeeze %dma_start3A_23 : memref<1x128xf32, #tpu.memory_space<vmem>> -> memref<128xf32, #tpu.memory_space<vmem>>
    %dma_start3A_25 = arith.constant 0 : i32
    %dma_start3A_26 = tpu.memref_slice %arg9[%dma_start3A_20, %dma_start3A_25] : memref<85x128xi32, #tpu.memory_space<vmem>> -> memref<1x128xi32, #tpu.memory_space<vmem>>
    %dma_start3A_27 = tpu.memref_squeeze %dma_start3A_26 : memref<1x128xi32, #tpu.memory_space<vmem>> -> memref<128xi32, #tpu.memory_space<vmem>>
    %dma_start3A_28 = arith.constant 0 : i32
    %dma_start3A_29 = tpu.memref_slice %arg2[%dma_start3A_28] : memref<16711680xf32, #tpu.memory_space<hbm>> -> memref<16711680xf32, #tpu.memory_space<hbm>>
    tpu.enqueue_indirect_dma source(%dma_start3A_29 : memref<16711680xf32, #tpu.memory_space<hbm>>) target(%dma_start3A_24 : memref<128xf32, #tpu.memory_space<vmem>>) offsets(%dma_start3A_27 : memref<128xi32, #tpu.memory_space<vmem>>) semaphore(%arg14 : memref<!tpu.dma_semaphore, #tpu.memory_space<semaphore_mem>>)
    %dma_start3A_30 = arith.constant 3 : i32
    %dma_start3A_31 = arith.constant 3 : i32
    %dma_start3A_32 = arith.constant 0 : i32
    %dma_start3A_33 = tpu.memref_slice %arg10[%dma_start3A_31, %dma_start3A_32] : memref<85x128xf32, #tpu.memory_space<vmem>> -> memref<1x128xf32, #tpu.memory_space<vmem>>
    %dma_start3A_34 = tpu.memref_squeeze %dma_start3A_33 : memref<1x128xf32, #tpu.memory_space<vmem>> -> memref<128xf32, #tpu.memory_space<vmem>>
    %dma_start3A_35 = arith.constant 0 : i32
    %dma_start3A_36 = tpu.memref_slice %arg9[%dma_start3A_30, %dma_start3A_35] : memref<85x128xi32, #tpu.memory_space<vmem>> -> memref<1x128xi32, #tpu.memory_space<vmem>>
    %dma_start3A_37 = tpu.memref_squeeze %dma_start3A_36 : memref<1x128xi32, #tpu.memory_space<vmem>> -> memref<128xi32, #tpu.memory_space<vmem>>
    %dma_start3A_38 = arith.constant 0 : i32
    %dma_start3A_39 = tpu.memref_slice %arg2[%dma_start3A_38] : memref<16711680xf32, #tpu.memory_space<hbm>> -> memref<16711680xf32, #tpu.memory_space<hbm>>
    tpu.enqueue_indirect_dma source(%dma_start3A_39 : memref<16711680xf32, #tpu.memory_space<hbm>>) target(%dma_start3A_34 : memref<128xf32, #tpu.memory_space<vmem>>) offsets(%dma_start3A_37 : memref<128xi32, #tpu.memory_space<vmem>>) semaphore(%arg14 : memref<!tpu.dma_semaphore, #tpu.memory_space<semaphore_mem>>)
    %dma_start3A_40 = arith.constant 4 : i32
    %dma_start3A_41 = arith.constant 4 : i32
    %dma_start3A_42 = arith.constant 0 : i32
    %dma_start3A_43 = tpu.memref_slice %arg10[%dma_start3A_41, %dma_start3A_42] : memref<85x128xf32, #tpu.memory_space<vmem>> -> memref<1x128xf32, #tpu.memory_space<vmem>>
    %dma_start3A_44 = tpu.memref_squeeze %dma_start3A_43 : memref<1x128xf32, #tpu.memory_space<vmem>> -> memref<128xf32, #tpu.memory_space<vmem>>
    %dma_start3A_45 = arith.constant 0 : i32
    %dma_start3A_46 = tpu.memref_slice %arg9[%dma_start3A_40, %dma_start3A_45] : memref<85x128xi32, #tpu.memory_space<vmem>> -> memref<1x128xi32, #tpu.memory_space<vmem>>
    %dma_start3A_47 = tpu.memref_squeeze %dma_start3A_46 : memref<1x128xi32, #tpu.memory_space<vmem>> -> memref<128xi32, #tpu.memory_space<vmem>>
    %dma_start3A_48 = arith.constant 0 : i32
    %dma_start3A_49 = tpu.memref_slice %arg2[%dma_start3A_48] : memref<16711680xf32, #tpu.memory_space<hbm>> -> memref<16711680xf32, #tpu.memory_space<hbm>>
    tpu.enqueue_indirect_dma source(%dma_start3A_49 : memref<16711680xf32, #tpu.memory_space<hbm>>) target(%dma_start3A_44 : memref<128xf32, #tpu.memory_space<vmem>>) offsets(%dma_start3A_47 : memref<128xi32, #tpu.memory_space<vmem>>) semaphore(%arg14 : memref<!tpu.dma_semaphore, #tpu.memory_space<semaphore_mem>>)
    %dma_start3A_50 = arith.constant 5 : i32
    %dma_start3A_51 = arith.constant 5 : i32
    %dma_start3A_52 = arith.constant 0 : i32
    %dma_start3A_53 = tpu.memref_slice %arg10[%dma_start3A_51, %dma_start3A_52] : memref<85x128xf32, #tpu.memory_space<vmem>> -> memref<1x128xf32, #tpu.memory_space<vmem>>
    %dma_start3A_54 = tpu.memref_squeeze %dma_start3A_53 : memref<1x128xf32, #tpu.memory_space<vmem>> -> memref<128xf32, #tpu.memory_space<vmem>>
    %dma_start3A_55 = arith.constant 0 : i32
    %dma_start3A_56 = tpu.memref_slice %arg9[%dma_start3A_50, %dma_start3A_55] : memref<85x128xi32, #tpu.memory_space<vmem>> -> memref<1x128xi32, #tpu.memory_space<vmem>>
    %dma_start3A_57 = tpu.memref_squeeze %dma_start3A_56 : memref<1x128xi32, #tpu.memory_space<vmem>> -> memref<128xi32, #tpu.memory_space<vmem>>
    %dma_start3A_58 = arith.constant 0 : i32
    %dma_start3A_59 = tpu.memref_slice %arg2[%dma_start3A_58] : memref<16711680xf32, #tpu.memory_space<hbm>> -> memref<16711680xf32, #tpu.memory_space<hbm>>
    tpu.enqueue_indirect_dma source(%dma_start3A_59 : memref<16711680xf32, #tpu.memory_space<hbm>>) target(%dma_start3A_54 : memref<128xf32, #tpu.memory_space<vmem>>) offsets(%dma_start3A_57 : memref<128xi32, #tpu.memory_space<vmem>>) semaphore(%arg14 : memref<!tpu.dma_semaphore, #tpu.memory_space<semaphore_mem>>)
    %dma_start3A_60 = arith.constant 6 : i32
    %dma_start3A_61 = arith.constant 6 : i32
    %dma_start3A_62 = arith.constant 0 : i32
    %dma_start3A_63 = tpu.memref_slice %arg10[%dma_start3A_61, %dma_start3A_62] : memref<85x128xf32, #tpu.memory_space<vmem>> -> memref<1x128xf32, #tpu.memory_space<vmem>>
    %dma_start3A_64 = tpu.memref_squeeze %dma_start3A_63 : memref<1x128xf32, #tpu.memory_space<vmem>> -> memref<128xf32, #tpu.memory_space<vmem>>
    %dma_start3A_65 = arith.constant 0 : i32
    %dma_start3A_66 = tpu.memref_slice %arg9[%dma_start3A_60, %dma_start3A_65] : memref<85x128xi32, #tpu.memory_space<vmem>> -> memref<1x128xi32, #tpu.memory_space<vmem>>
    %dma_start3A_67 = tpu.memref_squeeze %dma_start3A_66 : memref<1x128xi32, #tpu.memory_space<vmem>> -> memref<128xi32, #tpu.memory_space<vmem>>
    %dma_start3A_68 = arith.constant 0 : i32
    %dma_start3A_69 = tpu.memref_slice %arg2[%dma_start3A_68] : memref<16711680xf32, #tpu.memory_space<hbm>> -> memref<16711680xf32, #tpu.memory_space<hbm>>
    tpu.enqueue_indirect_dma source(%dma_start3A_69 : memref<16711680xf32, #tpu.memory_space<hbm>>) target(%dma_start3A_64 : memref<128xf32, #tpu.memory_space<vmem>>) offsets(%dma_start3A_67 : memref<128xi32, #tpu.memory_space<vmem>>) semaphore(%arg14 : memref<!tpu.dma_semaphore, #tpu.memory_space<semaphore_mem>>)
    %dma_start3A_70 = arith.constant 7 : i32
    %dma_start3A_71 = arith.constant 7 : i32
    %dma_start3A_72 = arith.constant 0 : i32
    %dma_start3A_73 = tpu.memref_slice %arg10[%dma_start3A_71, %dma_start3A_72] : memref<85x128xf32, #tpu.memory_space<vmem>> -> memref<1x128xf32, #tpu.memory_space<vmem>>
    %dma_start3A_74 = tpu.memref_squeeze %dma_start3A_73 : memref<1x128xf32, #tpu.memory_space<vmem>> -> memref<128xf32, #tpu.memory_space<vmem>>
    %dma_start3A_75 = arith.constant 0 : i32
    %dma_start3A_76 = tpu.memref_slice %arg9[%dma_start3A_70, %dma_start3A_75] : memref<85x128xi32, #tpu.memory_space<vmem>> -> memref<1x128xi32, #tpu.memory_space<vmem>>
    %dma_start3A_77 = tpu.memref_squeeze %dma_start3A_76 : memref<1x128xi32, #tpu.memory_space<vmem>> -> memref<128xi32, #tpu.memory_space<vmem>>
    %dma_start3A_78 = arith.constant 0 : i32
    %dma_start3A_79 = tpu.memref_slice %arg2[%dma_start3A_78] : memref<16711680xf32, #tpu.memory_space<hbm>> -> memref<16711680xf32, #tpu.memory_space<hbm>>
    tpu.enqueue_indirect_dma source(%dma_start3A_79 : memref<16711680xf32, #tpu.memory_space<hbm>>) target(%dma_start3A_74 : memref<128xf32, #tpu.memory_space<vmem>>) offsets(%dma_start3A_77 : memref<128xi32, #tpu.memory_space<vmem>>) semaphore(%arg14 : memref<!tpu.dma_semaphore, #tpu.memory_space<semaphore_mem>>)
    %dma_start3A_80 = arith.constant 8 : i32
    %dma_start3A_81 = arith.constant 8 : i32
    %dma_start3A_82 = arith.constant 0 : i32
    %dma_start3A_83 = tpu.memref_slice %arg10[%dma_start3A_81, %dma_start3A_82] : memref<85x128xf32, #tpu.memory_space<vmem>> -> memref<1x128xf32, #tpu.memory_space<vmem>>
    %dma_start3A_84 = tpu.memref_squeeze %dma_start3A_83 : memref<1x128xf32, #tpu.memory_space<vmem>> -> memref<128xf32, #tpu.memory_space<vmem>>
    %dma_start3A_85 = arith.constant 0 : i32
    %dma_start3A_86 = tpu.memref_slice %arg9[%dma_start3A_80, %dma_start3A_85] : memref<85x128xi32, #tpu.memory_space<vmem>> -> memref<1x128xi32, #tpu.memory_space<vmem>>
    %dma_start3A_87 = tpu.memref_squeeze %dma_start3A_86 : memref<1x128xi32, #tpu.memory_space<vmem>> -> memref<128xi32, #tpu.memory_space<vmem>>
    %dma_start3A_88 = arith.constant 0 : i32
    %dma_start3A_89 = tpu.memref_slice %arg2[%dma_start3A_88] : memref<16711680xf32, #tpu.memory_space<hbm>> -> memref<16711680xf32, #tpu.memory_space<hbm>>
    tpu.enqueue_indirect_dma source(%dma_start3A_89 : memref<16711680xf32, #tpu.memory_space<hbm>>) target(%dma_start3A_84 : memref<128xf32, #tpu.memory_space<vmem>>) offsets(%dma_start3A_87 : memref<128xi32, #tpu.memory_space<vmem>>) semaphore(%arg14 : memref<!tpu.dma_semaphore, #tpu.memory_space<semaphore_mem>>)
    %dma_start3A_90 = arith.constant 9 : i32
    %dma_start3A_91 = arith.constant 9 : i32
    %dma_start3A_92 = arith.constant 0 : i32
    %dma_start3A_93 = tpu.memref_slice %arg10[%dma_start3A_91, %dma_start3A_92] : memref<85x128xf32, #tpu.memory_space<vmem>> -> memref<1x128xf32, #tpu.memory_space<vmem>>
    %dma_start3A_94 = tpu.memref_squeeze %dma_start3A_93 : memref<1x128xf32, #tpu.memory_space<vmem>> -> memref<128xf32, #tpu.memory_space<vmem>>
    %dma_start3A_95 = arith.constant 0 : i32
    %dma_start3A_96 = tpu.memref_slice %arg9[%dma_start3A_90, %dma_start3A_95] : memref<85x128xi32, #tpu.memory_space<vmem>> -> memref<1x128xi32, #tpu.memory_space<vmem>>
    %dma_start3A_97 = tpu.memref_squeeze %dma_start3A_96 : memref<1x128xi32, #tpu.memory_space<vmem>> -> memref<128xi32, #tpu.memory_space<vmem>>
    %dma_start3A_98 = arith.constant 0 : i32
    %dma_start3A_99 = tpu.memref_slice %arg2[%dma_start3A_98] : memref<16711680xf32, #tpu.memory_space<hbm>> -> memref<16711680xf32, #tpu.memory_space<hbm>>
    tpu.enqueue_indirect_dma source(%dma_start3A_99 : memref<16711680xf32, #tpu.memory_space<hbm>>) target(%dma_start3A_94 : memref<128xf32, #tpu.memory_space<vmem>>) offsets(%dma_start3A_97 : memref<128xi32, #tpu.memory_space<vmem>>) semaphore(%arg14 : memref<!tpu.dma_semaphore, #tpu.memory_space<semaphore_mem>>)
    %dma_start3A_100 = arith.constant 10 : i32
    %dma_start3A_101 = arith.constant 10 : i32
    %dma_start3A_102 = arith.constant 0 : i32
    %dma_start3A_103 = tpu.memref_slice %arg10[%dma_start3A_101, %dma_start3A_102] : memref<85x128xf32, #tpu.memory_space<vmem>> -> memref<1x128xf32, #tpu.memory_space<vmem>>
    %dma_start3A_104 = tpu.memref_squeeze %dma_start3A_103 : memref<1x128xf32, #tpu.memory_space<vmem>> -> memref<128xf32, #tpu.memory_space<vmem>>
    %dma_start3A_105 = arith.constant 0 : i32
    %dma_start3A_106 = tpu.memref_slice %arg9[%dma_start3A_100, %dma_start3A_105] : memref<85x128xi32, #tpu.memory_space<vmem>> -> memref<1x128xi32, #tpu.memory_space<vmem>>
    %dma_start3A_107 = tpu.memref_squeeze %dma_start3A_106 : memref<1x128xi32, #tpu.memory_space<vmem>> -> memref<128xi32, #tpu.memory_space<vmem>>
    %dma_start3A_108 = arith.constant 0 : i32
    %dma_start3A_109 = tpu.memref_slice %arg2[%dma_start3A_108] : memref<16711680xf32, #tpu.memory_space<hbm>> -> memref<16711680xf32, #tpu.memory_space<hbm>>
    tpu.enqueue_indirect_dma source(%dma_start3A_109 : memref<16711680xf32, #tpu.memory_space<hbm>>) target(%dma_start3A_104 : memref<128xf32, #tpu.memory_space<vmem>>) offsets(%dma_start3A_107 : memref<128xi32, #tpu.memory_space<vmem>>) semaphore(%arg14 : memref<!tpu.dma_semaphore, #tpu.memory_space<semaphore_mem>>)
    %dma_start3A_110 = arith.constant 11 : i32
    %dma_start3A_111 = arith.constant 11 : i32
    %dma_start3A_112 = arith.constant 0 : i32
    %dma_start3A_113 = tpu.memref_slice %arg10[%dma_start3A_111, %dma_start3A_112] : memref<85x128xf32, #tpu.memory_space<vmem>> -> memref<1x128xf32, #tpu.memory_space<vmem>>
    %dma_start3A_114 = tpu.memref_squeeze %dma_start3A_113 : memref<1x128xf32, #tpu.memory_space<vmem>> -> memref<128xf32, #tpu.memory_space<vmem>>
    %dma_start3A_115 = arith.constant 0 : i32
    %dma_start3A_116 = tpu.memref_slice %arg9[%dma_start3A_110, %dma_start3A_115] : memref<85x128xi32, #tpu.memory_space<vmem>> -> memref<1x128xi32, #tpu.memory_space<vmem>>
    %dma_start3A_117 = tpu.memref_squeeze %dma_start3A_116 : memref<1x128xi32, #tpu.memory_space<vmem>> -> memref<128xi32, #tpu.memory_space<vmem>>
    %dma_start3A_118 = arith.constant 0 : i32
    %dma_start3A_119 = tpu.memref_slice %arg2[%dma_start3A_118] : memref<16711680xf32, #tpu.memory_space<hbm>> -> memref<16711680xf32, #tpu.memory_space<hbm>>
    tpu.enqueue_indirect_dma source(%dma_start3A_119 : memref<16711680xf32, #tpu.memory_space<hbm>>) target(%dma_start3A_114 : memref<128xf32, #tpu.memory_space<vmem>>) offsets(%dma_start3A_117 : memref<128xi32, #tpu.memory_space<vmem>>) semaphore(%arg14 : memref<!tpu.dma_semaphore, #tpu.memory_space<semaphore_mem>>)
    %dma_start3A_120 = arith.constant 12 : i32
    %dma_start3A_121 = arith.constant 12 : i32
    %dma_start3A_122 = arith.constant 0 : i32
    %dma_start3A_123 = tpu.memref_slice %arg10[%dma_start3A_121, %dma_start3A_122] : memref<85x128xf32, #tpu.memory_space<vmem>> -> memref<1x128xf32, #tpu.memory_space<vmem>>
    %dma_start3A_124 = tpu.memref_squeeze %dma_start3A_123 : memref<1x128xf32, #tpu.memory_space<vmem>> -> memref<128xf32, #tpu.memory_space<vmem>>
    %dma_start3A_125 = arith.constant 0 : i32
    %dma_start3A_126 = tpu.memref_slice %arg9[%dma_start3A_120, %dma_start3A_125] : memref<85x128xi32, #tpu.memory_space<vmem>> -> memref<1x128xi32, #tpu.memory_space<vmem>>
    %dma_start3A_127 = tpu.memref_squeeze %dma_start3A_126 : memref<1x128xi32, #tpu.memory_space<vmem>> -> memref<128xi32, #tpu.memory_space<vmem>>
    %dma_start3A_128 = arith.constant 0 : i32
    %dma_start3A_129 = tpu.memref_slice %arg2[%dma_start3A_128] : memref<16711680xf32, #tpu.memory_space<hbm>> -> memref<16711680xf32, #tpu.memory_space<hbm>>
    tpu.enqueue_indirect_dma source(%dma_start3A_129 : memref<16711680xf32, #tpu.memory_space<hbm>>) target(%dma_start3A_124 : memref<128xf32, #tpu.memory_space<vmem>>) offsets(%dma_start3A_127 : memref<128xi32, #tpu.memory_space<vmem>>) semaphore(%arg14 : memref<!tpu.dma_semaphore, #tpu.memory_space<semaphore_mem>>)
    %dma_start3A_130 = arith.constant 13 : i32
    %dma_start3A_131 = arith.constant 13 : i32
    %dma_start3A_132 = arith.constant 0 : i32
    %dma_start3A_133 = tpu.memref_slice %arg10[%dma_start3A_131, %dma_start3A_132] : memref<85x128xf32, #tpu.memory_space<vmem>> -> memref<1x128xf32, #tpu.memory_space<vmem>>
    %dma_start3A_134 = tpu.memref_squeeze %dma_start3A_133 : memref<1x128xf32, #tpu.memory_space<vmem>> -> memref<128xf32, #tpu.memory_space<vmem>>
    %dma_start3A_135 = arith.constant 0 : i32
    %dma_start3A_136 = tpu.memref_slice %arg9[%dma_start3A_130, %dma_start3A_135] : memref<85x128xi32, #tpu.memory_space<vmem>> -> memref<1x128xi32, #tpu.memory_space<vmem>>
    %dma_start3A_137 = tpu.memref_squeeze %dma_start3A_136 : memref<1x128xi32, #tpu.memory_space<vmem>> -> memref<128xi32, #tpu.memory_space<vmem>>
    %dma_start3A_138 = arith.constant 0 : i32
    %dma_start3A_139 = tpu.memref_slice %arg2[%dma_start3A_138] : memref<16711680xf32, #tpu.memory_space<hbm>> -> memref<16711680xf32, #tpu.memory_space<hbm>>
    tpu.enqueue_indirect_dma source(%dma_start3A_139 : memref<16711680xf32, #tpu.memory_space<hbm>>) target(%dma_start3A_134 : memref<128xf32, #tpu.memory_space<vmem>>) offsets(%dma_start3A_137 : memref<128xi32, #tpu.memory_space<vmem>>) semaphore(%arg14 : memref<!tpu.dma_semaphore, #tpu.memory_space<semaphore_mem>>)
    %dma_start3A_140 = arith.constant 14 : i32
    %dma_start3A_141 = arith.constant 14 : i32
    %dma_start3A_142 = arith.constant 0 : i32
    %dma_start3A_143 = tpu.memref_slice %arg10[%dma_start3A_141, %dma_start3A_142] : memref<85x128xf32, #tpu.memory_space<vmem>> -> memref<1x128xf32, #tpu.memory_space<vmem>>
    %dma_start3A_144 = tpu.memref_squeeze %dma_start3A_143 : memref<1x128xf32, #tpu.memory_space<vmem>> -> memref<128xf32, #tpu.memory_space<vmem>>
    %dma_start3A_145 = arith.constant 0 : i32
    %dma_start3A_146 = tpu.memref_slice %arg9[%dma_start3A_140, %dma_start3A_145] : memref<85x128xi32, #tpu.memory_space<vmem>> -> memref<1x128xi32, #tpu.memory_space<vmem>>
    %dma_start3A_147 = tpu.memref_squeeze %dma_start3A_146 : memref<1x128xi32, #tpu.memory_space<vmem>> -> memref<128xi32, #tpu.memory_space<vmem>>
    %dma_start3A_148 = arith.constant 0 : i32
    %dma_start3A_149 = tpu.memref_slice %arg2[%dma_start3A_148] : memref<16711680xf32, #tpu.memory_space<hbm>> -> memref<16711680xf32, #tpu.memory_space<hbm>>
    tpu.enqueue_indirect_dma source(%dma_start3A_149 : memref<16711680xf32, #tpu.memory_space<hbm>>) target(%dma_start3A_144 : memref<128xf32, #tpu.memory_space<vmem>>) offsets(%dma_start3A_147 : memref<128xi32, #tpu.memory_space<vmem>>) semaphore(%arg14 : memref<!tpu.dma_semaphore, #tpu.memory_space<semaphore_mem>>)
    %dma_start3A_150 = arith.constant 15 : i32
    %dma_start3A_151 = arith.constant 15 : i32
    %dma_start3A_152 = arith.constant 0 : i32
    %dma_start3A_153 = tpu.memref_slice %arg10[%dma_start3A_151, %dma_start3A_152] : memref<85x128xf32, #tpu.memory_space<vmem>> -> memref<1x128xf32, #tpu.memory_space<vmem>>
    %dma_start3A_154 = tpu.memref_squeeze %dma_start3A_153 : memref<1x128xf32, #tpu.memory_space<vmem>> -> memref<128xf32, #tpu.memory_space<vmem>>
    %dma_start3A_155 = arith.constant 0 : i32
    %dma_start3A_156 = tpu.memref_slice %arg9[%dma_start3A_150, %dma_start3A_155] : memref<85x128xi32, #tpu.memory_space<vmem>> -> memref<1x128xi32, #tpu.memory_space<vmem>>
    %dma_start3A_157 = tpu.memref_squeeze %dma_start3A_156 : memref<1x128xi32, #tpu.memory_space<vmem>> -> memref<128xi32, #tpu.memory_space<vmem>>
    %dma_start3A_158 = arith.constant 0 : i32
    %dma_start3A_159 = tpu.memref_slice %arg2[%dma_start3A_158] : memref<16711680xf32, #tpu.memory_space<hbm>> -> memref<16711680xf32, #tpu.memory_space<hbm>>
    tpu.enqueue_indirect_dma source(%dma_start3A_159 : memref<16711680xf32, #tpu.memory_space<hbm>>) target(%dma_start3A_154 : memref<128xf32, #tpu.memory_space<vmem>>) offsets(%dma_start3A_157 : memref<128xi32, #tpu.memory_space<vmem>>) semaphore(%arg14 : memref<!tpu.dma_semaphore, #tpu.memory_space<semaphore_mem>>)
    %dma_start3A_160 = arith.constant 16 : i32
    %dma_start3A_161 = arith.constant 16 : i32
    %dma_start3A_162 = arith.constant 0 : i32
    %dma_start3A_163 = tpu.memref_slice %arg10[%dma_start3A_161, %dma_start3A_162] : memref<85x128xf32, #tpu.memory_space<vmem>> -> memref<1x128xf32, #tpu.memory_space<vmem>>
    %dma_start3A_164 = tpu.memref_squeeze %dma_start3A_163 : memref<1x128xf32, #tpu.memory_space<vmem>> -> memref<128xf32, #tpu.memory_space<vmem>>
    %dma_start3A_165 = arith.constant 0 : i32
    %dma_start3A_166 = tpu.memref_slice %arg9[%dma_start3A_160, %dma_start3A_165] : memref<85x128xi32, #tpu.memory_space<vmem>> -> memref<1x128xi32, #tpu.memory_space<vmem>>
    %dma_start3A_167 = tpu.memref_squeeze %dma_start3A_166 : memref<1x128xi32, #tpu.memory_space<vmem>> -> memref<128xi32, #tpu.memory_space<vmem>>
    %dma_start3A_168 = arith.constant 0 : i32
    %dma_start3A_169 = tpu.memref_slice %arg2[%dma_start3A_168] : memref<16711680xf32, #tpu.memory_space<hbm>> -> memref<16711680xf32, #tpu.memory_space<hbm>>
    tpu.enqueue_indirect_dma source(%dma_start3A_169 : memref<16711680xf32, #tpu.memory_space<hbm>>) target(%dma_start3A_164 : memref<128xf32, #tpu.memory_space<vmem>>) offsets(%dma_start3A_167 : memref<128xi32, #tpu.memory_space<vmem>>) semaphore(%arg14 : memref<!tpu.dma_semaphore, #tpu.memory_space<semaphore_mem>>)
    %dma_start3A_170 = arith.constant 17 : i32
    %dma_start3A_171 = arith.constant 17 : i32
    %dma_start3A_172 = arith.constant 0 : i32
    %dma_start3A_173 = tpu.memref_slice %arg10[%dma_start3A_171, %dma_start3A_172] : memref<85x128xf32, #tpu.memory_space<vmem>> -> memref<1x128xf32, #tpu.memory_space<vmem>>
    %dma_start3A_174 = tpu.memref_squeeze %dma_start3A_173 : memref<1x128xf32, #tpu.memory_space<vmem>> -> memref<128xf32, #tpu.memory_space<vmem>>
    %dma_start3A_175 = arith.constant 0 : i32
    %dma_start3A_176 = tpu.memref_slice %arg9[%dma_start3A_170, %dma_start3A_175] : memref<85x128xi32, #tpu.memory_space<vmem>> -> memref<1x128xi32, #tpu.memory_space<vmem>>
    %dma_start3A_177 = tpu.memref_squeeze %dma_start3A_176 : memref<1x128xi32, #tpu.memory_space<vmem>> -> memref<128xi32, #tpu.memory_space<vmem>>
    %dma_start3A_178 = arith.constant 0 : i32
    %dma_start3A_179 = tpu.memref_slice %arg2[%dma_start3A_178] : memref<16711680xf32, #tpu.memory_space<hbm>> -> memref<16711680xf32, #tpu.memory_space<hbm>>
    tpu.enqueue_indirect_dma source(%dma_start3A_179 : memref<16711680xf32, #tpu.memory_space<hbm>>) target(%dma_start3A_174 : memref<128xf32, #tpu.memory_space<vmem>>) offsets(%dma_start3A_177 : memref<128xi32, #tpu.memory_space<vmem>>) semaphore(%arg14 : memref<!tpu.dma_semaphore, #tpu.memory_space<semaphore_mem>>)
    %dma_start3A_180 = arith.constant 18 : i32
    %dma_start3A_181 = arith.constant 18 : i32
    %dma_start3A_182 = arith.constant 0 : i32
    %dma_start3A_183 = tpu.memref_slice %arg10[%dma_start3A_181, %dma_start3A_182] : memref<85x128xf32, #tpu.memory_space<vmem>> -> memref<1x128xf32, #tpu.memory_space<vmem>>
    %dma_start3A_184 = tpu.memref_squeeze %dma_start3A_183 : memref<1x128xf32, #tpu.memory_space<vmem>> -> memref<128xf32, #tpu.memory_space<vmem>>
    %dma_start3A_185 = arith.constant 0 : i32
    %dma_start3A_186 = tpu.memref_slice %arg9[%dma_start3A_180, %dma_start3A_185] : memref<85x128xi32, #tpu.memory_space<vmem>> -> memref<1x128xi32, #tpu.memory_space<vmem>>
    %dma_start3A_187 = tpu.memref_squeeze %dma_start3A_186 : memref<1x128xi32, #tpu.memory_space<vmem>> -> memref<128xi32, #tpu.memory_space<vmem>>
    %dma_start3A_188 = arith.constant 0 : i32
    %dma_start3A_189 = tpu.memref_slice %arg2[%dma_start3A_188] : memref<16711680xf32, #tpu.memory_space<hbm>> -> memref<16711680xf32, #tpu.memory_space<hbm>>
    tpu.enqueue_indirect_dma source(%dma_start3A_189 : memref<16711680xf32, #tpu.memory_space<hbm>>) target(%dma_start3A_184 : memref<128xf32, #tpu.memory_space<vmem>>) offsets(%dma_start3A_187 : memref<128xi32, #tpu.memory_space<vmem>>) semaphore(%arg14 : memref<!tpu.dma_semaphore, #tpu.memory_space<semaphore_mem>>)
    %dma_start3A_190 = arith.constant 19 : i32
    %dma_start3A_191 = arith.constant 19 : i32
    %dma_start3A_192 = arith.constant 0 : i32
    %dma_start3A_193 = tpu.memref_slice %arg10[%dma_start3A_191, %dma_start3A_192] : memref<85x128xf32, #tpu.memory_space<vmem>> -> memref<1x128xf32, #tpu.memory_space<vmem>>
    %dma_start3A_194 = tpu.memref_squeeze %dma_start3A_193 : memref<1x128xf32, #tpu.memory_space<vmem>> -> memref<128xf32, #tpu.memory_space<vmem>>
    %dma_start3A_195 = arith.constant 0 : i32
    %dma_start3A_196 = tpu.memref_slice %arg9[%dma_start3A_190, %dma_start3A_195] : memref<85x128xi32, #tpu.memory_space<vmem>> -> memref<1x128xi32, #tpu.memory_space<vmem>>
    %dma_start3A_197 = tpu.memref_squeeze %dma_start3A_196 : memref<1x128xi32, #tpu.memory_space<vmem>> -> memref<128xi32, #tpu.memory_space<vmem>>
    %dma_start3A_198 = arith.constant 0 : i32
    %dma_start3A_199 = tpu.memref_slice %arg2[%dma_start3A_198] : memref<16711680xf32, #tpu.memory_space<hbm>> -> memref<16711680xf32, #tpu.memory_space<hbm>>
    tpu.enqueue_indirect_dma source(%dma_start3A_199 : memref<16711680xf32, #tpu.memory_space<hbm>>) target(%dma_start3A_194 : memref<128xf32, #tpu.memory_space<vmem>>) offsets(%dma_start3A_197 : memref<128xi32, #tpu.memory_space<vmem>>) semaphore(%arg14 : memref<!tpu.dma_semaphore, #tpu.memory_space<semaphore_mem>>)
    %dma_start3A_200 = arith.constant 20 : i32
    %dma_start3A_201 = arith.constant 20 : i32
    %dma_start3A_202 = arith.constant 0 : i32
    %dma_start3A_203 = tpu.memref_slice %arg10[%dma_start3A_201, %dma_start3A_202] : memref<85x128xf32, #tpu.memory_space<vmem>> -> memref<1x128xf32, #tpu.memory_space<vmem>>
    %dma_start3A_204 = tpu.memref_squeeze %dma_start3A_203 : memref<1x128xf32, #tpu.memory_space<vmem>> -> memref<128xf32, #tpu.memory_space<vmem>>
    %dma_start3A_205 = arith.constant 0 : i32
    %dma_start3A_206 = tpu.memref_slice %arg9[%dma_start3A_200, %dma_start3A_205] : memref<85x128xi32, #tpu.memory_space<vmem>> -> memref<1x128xi32, #tpu.memory_space<vmem>>
    %dma_start3A_207 = tpu.memref_squeeze %dma_start3A_206 : memref<1x128xi32, #tpu.memory_space<vmem>> -> memref<128xi32, #tpu.memory_space<vmem>>
    %dma_start3A_208 = arith.constant 0 : i32
    %dma_start3A_209 = tpu.memref_slice %arg2[%dma_start3A_208] : memref<16711680xf32, #tpu.memory_space<hbm>> -> memref<16711680xf32, #tpu.memory_space<hbm>>
    tpu.enqueue_indirect_dma source(%dma_start3A_209 : memref<16711680xf32, #tpu.memory_space<hbm>>) target(%dma_start3A_204 : memref<128xf32, #tpu.memory_space<vmem>>) offsets(%dma_start3A_207 : memref<128xi32, #tpu.memory_space<vmem>>) semaphore(%arg14 : memref<!tpu.dma_semaphore, #tpu.memory_space<semaphore_mem>>)
    %dma_start3A_210 = arith.constant 21 : i32
    %dma_start3A_211 = arith.constant 21 : i32
    %dma_start3A_212 = arith.constant 0 : i32
    %dma_start3A_213 = tpu.memref_slice %arg10[%dma_start3A_211, %dma_start3A_212] : memref<85x128xf32, #tpu.memory_space<vmem>> -> memref<1x128xf32, #tpu.memory_space<vmem>>
    %dma_start3A_214 = tpu.memref_squeeze %dma_start3A_213 : memref<1x128xf32, #tpu.memory_space<vmem>> -> memref<128xf32, #tpu.memory_space<vmem>>
    %dma_start3A_215 = arith.constant 0 : i32
    %dma_start3A_216 = tpu.memref_slice %arg9[%dma_start3A_210, %dma_start3A_215] : memref<85x128xi32, #tpu.memory_space<vmem>> -> memref<1x128xi32, #tpu.memory_space<vmem>>
    %dma_start3A_217 = tpu.memref_squeeze %dma_start3A_216 : memref<1x128xi32, #tpu.memory_space<vmem>> -> memref<128xi32, #tpu.memory_space<vmem>>
    %dma_start3A_218 = arith.constant 0 : i32
    %dma_start3A_219 = tpu.memref_slice %arg2[%dma_start3A_218] : memref<16711680xf32, #tpu.memory_space<hbm>> -> memref<16711680xf32, #tpu.memory_space<hbm>>
    tpu.enqueue_indirect_dma source(%dma_start3A_219 : memref<16711680xf32, #tpu.memory_space<hbm>>) target(%dma_start3A_214 : memref<128xf32, #tpu.memory_space<vmem>>) offsets(%dma_start3A_217 : memref<128xi32, #tpu.memory_space<vmem>>) semaphore(%arg14 : memref<!tpu.dma_semaphore, #tpu.memory_space<semaphore_mem>>)
    %dma_start3A_220 = arith.constant 22 : i32
    %dma_start3A_221 = arith.constant 22 : i32
    %dma_start3A_222 = arith.constant 0 : i32
    %dma_start3A_223 = tpu.memref_slice %arg10[%dma_start3A_221, %dma_start3A_222] : memref<85x128xf32, #tpu.memory_space<vmem>> -> memref<1x128xf32, #tpu.memory_space<vmem>>
    %dma_start3A_224 = tpu.memref_squeeze %dma_start3A_223 : memref<1x128xf32, #tpu.memory_space<vmem>> -> memref<128xf32, #tpu.memory_space<vmem>>
    %dma_start3A_225 = arith.constant 0 : i32
    %dma_start3A_226 = tpu.memref_slice %arg9[%dma_start3A_220, %dma_start3A_225] : memref<85x128xi32, #tpu.memory_space<vmem>> -> memref<1x128xi32, #tpu.memory_space<vmem>>
    %dma_start3A_227 = tpu.memref_squeeze %dma_start3A_226 : memref<1x128xi32, #tpu.memory_space<vmem>> -> memref<128xi32, #tpu.memory_space<vmem>>
    %dma_start3A_228 = arith.constant 0 : i32
    %dma_start3A_229 = tpu.memref_slice %arg2[%dma_start3A_228] : memref<16711680xf32, #tpu.memory_space<hbm>> -> memref<16711680xf32, #tpu.memory_space<hbm>>
    tpu.enqueue_indirect_dma source(%dma_start3A_229 : memref<16711680xf32, #tpu.memory_space<hbm>>) target(%dma_start3A_224 : memref<128xf32, #tpu.memory_space<vmem>>) offsets(%dma_start3A_227 : memref<128xi32, #tpu.memory_space<vmem>>) semaphore(%arg14 : memref<!tpu.dma_semaphore, #tpu.memory_space<semaphore_mem>>)
    %dma_start3A_230 = arith.constant 23 : i32
    %dma_start3A_231 = arith.constant 23 : i32
    %dma_start3A_232 = arith.constant 0 : i32
    %dma_start3A_233 = tpu.memref_slice %arg10[%dma_start3A_231, %dma_start3A_232] : memref<85x128xf32, #tpu.memory_space<vmem>> -> memref<1x128xf32, #tpu.memory_space<vmem>>
    %dma_start3A_234 = tpu.memref_squeeze %dma_start3A_233 : memref<1x128xf32, #tpu.memory_space<vmem>> -> memref<128xf32, #tpu.memory_space<vmem>>
    %dma_start3A_235 = arith.constant 0 : i32
    %dma_start3A_236 = tpu.memref_slice %arg9[%dma_start3A_230, %dma_start3A_235] : memref<85x128xi32, #tpu.memory_space<vmem>> -> memref<1x128xi32, #tpu.memory_space<vmem>>
    %dma_start3A_237 = tpu.memref_squeeze %dma_start3A_236 : memref<1x128xi32, #tpu.memory_space<vmem>> -> memref<128xi32, #tpu.memory_space<vmem>>
    %dma_start3A_238 = arith.constant 0 : i32
    %dma_start3A_239 = tpu.memref_slice %arg2[%dma_start3A_238] : memref<16711680xf32, #tpu.memory_space<hbm>> -> memref<16711680xf32, #tpu.memory_space<hbm>>
    tpu.enqueue_indirect_dma source(%dma_start3A_239 : memref<16711680xf32, #tpu.memory_space<hbm>>) target(%dma_start3A_234 : memref<128xf32, #tpu.memory_space<vmem>>) offsets(%dma_start3A_237 : memref<128xi32, #tpu.memory_space<vmem>>) semaphore(%arg14 : memref<!tpu.dma_semaphore, #tpu.memory_space<semaphore_mem>>)
    %dma_start3A_240 = arith.constant 24 : i32
    %dma_start3A_241 = arith.constant 24 : i32
    %dma_start3A_242 = arith.constant 0 : i32
    %dma_start3A_243 = tpu.memref_slice %arg10[%dma_start3A_241, %dma_start3A_242] : memref<85x128xf32, #tpu.memory_space<vmem>> -> memref<1x128xf32, #tpu.memory_space<vmem>>
    %dma_start3A_244 = tpu.memref_squeeze %dma_start3A_243 : memref<1x128xf32, #tpu.memory_space<vmem>> -> memref<128xf32, #tpu.memory_space<vmem>>
    %dma_start3A_245 = arith.constant 0 : i32
    %dma_start3A_246 = tpu.memref_slice %arg9[%dma_start3A_240, %dma_start3A_245] : memref<85x128xi32, #tpu.memory_space<vmem>> -> memref<1x128xi32, #tpu.memory_space<vmem>>
    %dma_start3A_247 = tpu.memref_squeeze %dma_start3A_246 : memref<1x128xi32, #tpu.memory_space<vmem>> -> memref<128xi32, #tpu.memory_space<vmem>>
    %dma_start3A_248 = arith.constant 0 : i32
    %dma_start3A_249 = tpu.memref_slice %arg2[%dma_start3A_248] : memref<16711680xf32, #tpu.memory_space<hbm>> -> memref<16711680xf32, #tpu.memory_space<hbm>>
    tpu.enqueue_indirect_dma source(%dma_start3A_249 : memref<16711680xf32, #tpu.memory_space<hbm>>) target(%dma_start3A_244 : memref<128xf32, #tpu.memory_space<vmem>>) offsets(%dma_start3A_247 : memref<128xi32, #tpu.memory_space<vmem>>) semaphore(%arg14 : memref<!tpu.dma_semaphore, #tpu.memory_space<semaphore_mem>>)
    %dma_start3A_250 = arith.constant 25 : i32
    %dma_start3A_251 = arith.constant 25 : i32
    %dma_start3A_252 = arith.constant 0 : i32
    %dma_start3A_253 = tpu.memref_slice %arg10[%dma_start3A_251, %dma_start3A_252] : memref<85x128xf32, #tpu.memory_space<vmem>> -> memref<1x128xf32, #tpu.memory_space<vmem>>
    %dma_start3A_254 = tpu.memref_squeeze %dma_start3A_253 : memref<1x128xf32, #tpu.memory_space<vmem>> -> memref<128xf32, #tpu.memory_space<vmem>>
    %dma_start3A_255 = arith.constant 0 : i32
    %dma_start3A_256 = tpu.memref_slice %arg9[%dma_start3A_250, %dma_start3A_255] : memref<85x128xi32, #tpu.memory_space<vmem>> -> memref<1x128xi32, #tpu.memory_space<vmem>>
    %dma_start3A_257 = tpu.memref_squeeze %dma_start3A_256 : memref<1x128xi32, #tpu.memory_space<vmem>> -> memref<128xi32, #tpu.memory_space<vmem>>
    %dma_start3A_258 = arith.constant 0 : i32
    %dma_start3A_259 = tpu.memref_slice %arg2[%dma_start3A_258] : memref<16711680xf32, #tpu.memory_space<hbm>> -> memref<16711680xf32, #tpu.memory_space<hbm>>
    tpu.enqueue_indirect_dma source(%dma_start3A_259 : memref<16711680xf32, #tpu.memory_space<hbm>>) target(%dma_start3A_254 : memref<128xf32, #tpu.memory_space<vmem>>) offsets(%dma_start3A_257 : memref<128xi32, #tpu.memory_space<vmem>>) semaphore(%arg14 : memref<!tpu.dma_semaphore, #tpu.memory_space<semaphore_mem>>)
    %dma_start3A_260 = arith.constant 26 : i32
    %dma_start3A_261 = arith.constant 26 : i32
    %dma_start3A_262 = arith.constant 0 : i32
    %dma_start3A_263 = tpu.memref_slice %arg10[%dma_start3A_261, %dma_start3A_262] : memref<85x128xf32, #tpu.memory_space<vmem>> -> memref<1x128xf32, #tpu.memory_space<vmem>>
    %dma_start3A_264 = tpu.memref_squeeze %dma_start3A_263 : memref<1x128xf32, #tpu.memory_space<vmem>> -> memref<128xf32, #tpu.memory_space<vmem>>
    %dma_start3A_265 = arith.constant 0 : i32
    %dma_start3A_266 = tpu.memref_slice %arg9[%dma_start3A_260, %dma_start3A_265] : memref<85x128xi32, #tpu.memory_space<vmem>> -> memref<1x128xi32, #tpu.memory_space<vmem>>
    %dma_start3A_267 = tpu.memref_squeeze %dma_start3A_266 : memref<1x128xi32, #tpu.memory_space<vmem>> -> memref<128xi32, #tpu.memory_space<vmem>>
    %dma_start3A_268 = arith.constant 0 : i32
    %dma_start3A_269 = tpu.memref_slice %arg2[%dma_start3A_268] : memref<16711680xf32, #tpu.memory_space<hbm>> -> memref<16711680xf32, #tpu.memory_space<hbm>>
    tpu.enqueue_indirect_dma source(%dma_start3A_269 : memref<16711680xf32, #tpu.memory_space<hbm>>) target(%dma_start3A_264 : memref<128xf32, #tpu.memory_space<vmem>>) offsets(%dma_start3A_267 : memref<128xi32, #tpu.memory_space<vmem>>) semaphore(%arg14 : memref<!tpu.dma_semaphore, #tpu.memory_space<semaphore_mem>>)
    %dma_start3A_270 = arith.constant 27 : i32
    %dma_start3A_271 = arith.constant 27 : i32
    %dma_start3A_272 = arith.constant 0 : i32
    %dma_start3A_273 = tpu.memref_slice %arg10[%dma_start3A_271, %dma_start3A_272] : memref<85x128xf32, #tpu.memory_space<vmem>> -> memref<1x128xf32, #tpu.memory_space<vmem>>
    %dma_start3A_274 = tpu.memref_squeeze %dma_start3A_273 : memref<1x128xf32, #tpu.memory_space<vmem>> -> memref<128xf32, #tpu.memory_space<vmem>>
    %dma_start3A_275 = arith.constant 0 : i32
    %dma_start3A_276 = tpu.memref_slice %arg9[%dma_start3A_270, %dma_start3A_275] : memref<85x128xi32, #tpu.memory_space<vmem>> -> memref<1x128xi32, #tpu.memory_space<vmem>>
    %dma_start3A_277 = tpu.memref_squeeze %dma_start3A_276 : memref<1x128xi32, #tpu.memory_space<vmem>> -> memref<128xi32, #tpu.memory_space<vmem>>
    %dma_start3A_278 = arith.constant 0 : i32
    %dma_start3A_279 = tpu.memref_slice %arg2[%dma_start3A_278] : memref<16711680xf32, #tpu.memory_space<hbm>> -> memref<16711680xf32, #tpu.memory_space<hbm>>
    tpu.enqueue_indirect_dma source(%dma_start3A_279 : memref<16711680xf32, #tpu.memory_space<hbm>>) target(%dma_start3A_274 : memref<128xf32, #tpu.memory_space<vmem>>) offsets(%dma_start3A_277 : memref<128xi32, #tpu.memory_space<vmem>>) semaphore(%arg14 : memref<!tpu.dma_semaphore, #tpu.memory_space<semaphore_mem>>)
    %dma_start3A_280 = arith.constant 28 : i32
    %dma_start3A_281 = arith.constant 28 : i32
    %dma_start3A_282 = arith.constant 0 : i32
    %dma_start3A_283 = tpu.memref_slice %arg10[%dma_start3A_281, %dma_start3A_282] : memref<85x128xf32, #tpu.memory_space<vmem>> -> memref<1x128xf32, #tpu.memory_space<vmem>>
    %dma_start3A_284 = tpu.memref_squeeze %dma_start3A_283 : memref<1x128xf32, #tpu.memory_space<vmem>> -> memref<128xf32, #tpu.memory_space<vmem>>
    %dma_start3A_285 = arith.constant 0 : i32
    %dma_start3A_286 = tpu.memref_slice %arg9[%dma_start3A_280, %dma_start3A_285] : memref<85x128xi32, #tpu.memory_space<vmem>> -> memref<1x128xi32, #tpu.memory_space<vmem>>
    %dma_start3A_287 = tpu.memref_squeeze %dma_start3A_286 : memref<1x128xi32, #tpu.memory_space<vmem>> -> memref<128xi32, #tpu.memory_space<vmem>>
    %dma_start3A_288 = arith.constant 0 : i32
    %dma_start3A_289 = tpu.memref_slice %arg2[%dma_start3A_288] : memref<16711680xf32, #tpu.memory_space<hbm>> -> memref<16711680xf32, #tpu.memory_space<hbm>>
    tpu.enqueue_indirect_dma source(%dma_start3A_289 : memref<16711680xf32, #tpu.memory_space<hbm>>) target(%dma_start3A_284 : memref<128xf32, #tpu.memory_space<vmem>>) offsets(%dma_start3A_287 : memref<128xi32, #tpu.memory_space<vmem>>) semaphore(%arg14 : memref<!tpu.dma_semaphore, #tpu.memory_space<semaphore_mem>>)
    %dma_start3A_290 = arith.constant 29 : i32
    %dma_start3A_291 = arith.constant 29 : i32
    %dma_start3A_292 = arith.constant 0 : i32
    %dma_start3A_293 = tpu.memref_slice %arg10[%dma_start3A_291, %dma_start3A_292] : memref<85x128xf32, #tpu.memory_space<vmem>> -> memref<1x128xf32, #tpu.memory_space<vmem>>
    %dma_start3A_294 = tpu.memref_squeeze %dma_start3A_293 : memref<1x128xf32, #tpu.memory_space<vmem>> -> memref<128xf32, #tpu.memory_space<vmem>>
    %dma_start3A_295 = arith.constant 0 : i32
    %dma_start3A_296 = tpu.memref_slice %arg9[%dma_start3A_290, %dma_start3A_295] : memref<85x128xi32, #tpu.memory_space<vmem>> -> memref<1x128xi32, #tpu.memory_space<vmem>>
    %dma_start3A_297 = tpu.memref_squeeze %dma_start3A_296 : memref<1x128xi32, #tpu.memory_space<vmem>> -> memref<128xi32, #tpu.memory_space<vmem>>
    %dma_start3A_298 = arith.constant 0 : i32
    %dma_start3A_299 = tpu.memref_slice %arg2[%dma_start3A_298] : memref<16711680xf32, #tpu.memory_space<hbm>> -> memref<16711680xf32, #tpu.memory_space<hbm>>
    tpu.enqueue_indirect_dma source(%dma_start3A_299 : memref<16711680xf32, #tpu.memory_space<hbm>>) target(%dma_start3A_294 : memref<128xf32, #tpu.memory_space<vmem>>) offsets(%dma_start3A_297 : memref<128xi32, #tpu.memory_space<vmem>>) semaphore(%arg14 : memref<!tpu.dma_semaphore, #tpu.memory_space<semaphore_mem>>)
    %dma_start3A_300 = arith.constant 30 : i32
    %dma_start3A_301 = arith.constant 30 : i32
    %dma_start3A_302 = arith.constant 0 : i32
    %dma_start3A_303 = tpu.memref_slice %arg10[%dma_start3A_301, %dma_start3A_302] : memref<85x128xf32, #tpu.memory_space<vmem>> -> memref<1x128xf32, #tpu.memory_space<vmem>>
    %dma_start3A_304 = tpu.memref_squeeze %dma_start3A_303 : memref<1x128xf32, #tpu.memory_space<vmem>> -> memref<128xf32, #tpu.memory_space<vmem>>
    %dma_start3A_305 = arith.constant 0 : i32
    %dma_start3A_306 = tpu.memref_slice %arg9[%dma_start3A_300, %dma_start3A_305] : memref<85x128xi32, #tpu.memory_space<vmem>> -> memref<1x128xi32, #tpu.memory_space<vmem>>
    %dma_start3A_307 = tpu.memref_squeeze %dma_start3A_306 : memref<1x128xi32, #tpu.memory_space<vmem>> -> memref<128xi32, #tpu.memory_space<vmem>>
    %dma_start3A_308 = arith.constant 0 : i32
    %dma_start3A_309 = tpu.memref_slice %arg2[%dma_start3A_308] : memref<16711680xf32, #tpu.memory_space<hbm>> -> memref<16711680xf32, #tpu.memory_space<hbm>>
    tpu.enqueue_indirect_dma source(%dma_start3A_309 : memref<16711680xf32, #tpu.memory_space<hbm>>) target(%dma_start3A_304 : memref<128xf32, #tpu.memory_space<vmem>>) offsets(%dma_start3A_307 : memref<128xi32, #tpu.memory_space<vmem>>) semaphore(%arg14 : memref<!tpu.dma_semaphore, #tpu.memory_space<semaphore_mem>>)
    %dma_start3A_310 = arith.constant 31 : i32
    %dma_start3A_311 = arith.constant 31 : i32
    %dma_start3A_312 = arith.constant 0 : i32
    %dma_start3A_313 = tpu.memref_slice %arg10[%dma_start3A_311, %dma_start3A_312] : memref<85x128xf32, #tpu.memory_space<vmem>> -> memref<1x128xf32, #tpu.memory_space<vmem>>
    %dma_start3A_314 = tpu.memref_squeeze %dma_start3A_313 : memref<1x128xf32, #tpu.memory_space<vmem>> -> memref<128xf32, #tpu.memory_space<vmem>>
    %dma_start3A_315 = arith.constant 0 : i32
    %dma_start3A_316 = tpu.memref_slice %arg9[%dma_start3A_310, %dma_start3A_315] : memref<85x128xi32, #tpu.memory_space<vmem>> -> memref<1x128xi32, #tpu.memory_space<vmem>>
    %dma_start3A_317 = tpu.memref_squeeze %dma_start3A_316 : memref<1x128xi32, #tpu.memory_space<vmem>> -> memref<128xi32, #tpu.memory_space<vmem>>
    %dma_start3A_318 = arith.constant 0 : i32
    %dma_start3A_319 = tpu.memref_slice %arg2[%dma_start3A_318] : memref<16711680xf32, #tpu.memory_space<hbm>> -> memref<16711680xf32, #tpu.memory_space<hbm>>
    tpu.enqueue_indirect_dma source(%dma_start3A_319 : memref<16711680xf32, #tpu.memory_space<hbm>>) target(%dma_start3A_314 : memref<128xf32, #tpu.memory_space<vmem>>) offsets(%dma_start3A_317 : memref<128xi32, #tpu.memory_space<vmem>>) semaphore(%arg14 : memref<!tpu.dma_semaphore, #tpu.memory_space<semaphore_mem>>)
    %dma_start3A_320 = arith.constant 32 : i32
    %dma_start3A_321 = arith.constant 32 : i32
    %dma_start3A_322 = arith.constant 0 : i32
    %dma_start3A_323 = tpu.memref_slice %arg10[%dma_start3A_321, %dma_start3A_322] : memref<85x128xf32, #tpu.memory_space<vmem>> -> memref<1x128xf32, #tpu.memory_space<vmem>>
    %dma_start3A_324 = tpu.memref_squeeze %dma_start3A_323 : memref<1x128xf32, #tpu.memory_space<vmem>> -> memref<128xf32, #tpu.memory_space<vmem>>
    %dma_start3A_325 = arith.constant 0 : i32
    %dma_start3A_326 = tpu.memref_slice %arg9[%dma_start3A_320, %dma_start3A_325] : memref<85x128xi32, #tpu.memory_space<vmem>> -> memref<1x128xi32, #tpu.memory_space<vmem>>
    %dma_start3A_327 = tpu.memref_squeeze %dma_start3A_326 : memref<1x128xi32, #tpu.memory_space<vmem>> -> memref<128xi32, #tpu.memory_space<vmem>>
    %dma_start3A_328 = arith.constant 0 : i32
    %dma_start3A_329 = tpu.memref_slice %arg2[%dma_start3A_328] : memref<16711680xf32, #tpu.memory_space<hbm>> -> memref<16711680xf32, #tpu.memory_space<hbm>>
    tpu.enqueue_indirect_dma source(%dma_start3A_329 : memref<16711680xf32, #tpu.memory_space<hbm>>) target(%dma_start3A_324 : memref<128xf32, #tpu.memory_space<vmem>>) offsets(%dma_start3A_327 : memref<128xi32, #tpu.memory_space<vmem>>) semaphore(%arg14 : memref<!tpu.dma_semaphore, #tpu.memory_space<semaphore_mem>>)
    %dma_start3A_330 = arith.constant 33 : i32
    %dma_start3A_331 = arith.constant 33 : i32
    %dma_start3A_332 = arith.constant 0 : i32
    %dma_start3A_333 = tpu.memref_slice %arg10[%dma_start3A_331, %dma_start3A_332] : memref<85x128xf32, #tpu.memory_space<vmem>> -> memref<1x128xf32, #tpu.memory_space<vmem>>
    %dma_start3A_334 = tpu.memref_squeeze %dma_start3A_333 : memref<1x128xf32, #tpu.memory_space<vmem>> -> memref<128xf32, #tpu.memory_space<vmem>>
    %dma_start3A_335 = arith.constant 0 : i32
    %dma_start3A_336 = tpu.memref_slice %arg9[%dma_start3A_330, %dma_start3A_335] : memref<85x128xi32, #tpu.memory_space<vmem>> -> memref<1x128xi32, #tpu.memory_space<vmem>>
    %dma_start3A_337 = tpu.memref_squeeze %dma_start3A_336 : memref<1x128xi32, #tpu.memory_space<vmem>> -> memref<128xi32, #tpu.memory_space<vmem>>
    %dma_start3A_338 = arith.constant 0 : i32
    %dma_start3A_339 = tpu.memref_slice %arg2[%dma_start3A_338] : memref<16711680xf32, #tpu.memory_space<hbm>> -> memref<16711680xf32, #tpu.memory_space<hbm>>
    tpu.enqueue_indirect_dma source(%dma_start3A_339 : memref<16711680xf32, #tpu.memory_space<hbm>>) target(%dma_start3A_334 : memref<128xf32, #tpu.memory_space<vmem>>) offsets(%dma_start3A_337 : memref<128xi32, #tpu.memory_space<vmem>>) semaphore(%arg14 : memref<!tpu.dma_semaphore, #tpu.memory_space<semaphore_mem>>)
    %dma_start3A_340 = arith.constant 34 : i32
    %dma_start3A_341 = arith.constant 34 : i32
    %dma_start3A_342 = arith.constant 0 : i32
    %dma_start3A_343 = tpu.memref_slice %arg10[%dma_start3A_341, %dma_start3A_342] : memref<85x128xf32, #tpu.memory_space<vmem>> -> memref<1x128xf32, #tpu.memory_space<vmem>>
    %dma_start3A_344 = tpu.memref_squeeze %dma_start3A_343 : memref<1x128xf32, #tpu.memory_space<vmem>> -> memref<128xf32, #tpu.memory_space<vmem>>
    %dma_start3A_345 = arith.constant 0 : i32
    %dma_start3A_346 = tpu.memref_slice %arg9[%dma_start3A_340, %dma_start3A_345] : memref<85x128xi32, #tpu.memory_space<vmem>> -> memref<1x128xi32, #tpu.memory_space<vmem>>
    %dma_start3A_347 = tpu.memref_squeeze %dma_start3A_346 : memref<1x128xi32, #tpu.memory_space<vmem>> -> memref<128xi32, #tpu.memory_space<vmem>>
    %dma_start3A_348 = arith.constant 0 : i32
    %dma_start3A_349 = tpu.memref_slice %arg2[%dma_start3A_348] : memref<16711680xf32, #tpu.memory_space<hbm>> -> memref<16711680xf32, #tpu.memory_space<hbm>>
    tpu.enqueue_indirect_dma source(%dma_start3A_349 : memref<16711680xf32, #tpu.memory_space<hbm>>) target(%dma_start3A_344 : memref<128xf32, #tpu.memory_space<vmem>>) offsets(%dma_start3A_347 : memref<128xi32, #tpu.memory_space<vmem>>) semaphore(%arg14 : memref<!tpu.dma_semaphore, #tpu.memory_space<semaphore_mem>>)
    %dma_start3A_350 = arith.constant 35 : i32
    %dma_start3A_351 = arith.constant 35 : i32
    %dma_start3A_352 = arith.constant 0 : i32
    %dma_start3A_353 = tpu.memref_slice %arg10[%dma_start3A_351, %dma_start3A_352] : memref<85x128xf32, #tpu.memory_space<vmem>> -> memref<1x128xf32, #tpu.memory_space<vmem>>
    %dma_start3A_354 = tpu.memref_squeeze %dma_start3A_353 : memref<1x128xf32, #tpu.memory_space<vmem>> -> memref<128xf32, #tpu.memory_space<vmem>>
    %dma_start3A_355 = arith.constant 0 : i32
    %dma_start3A_356 = tpu.memref_slice %arg9[%dma_start3A_350, %dma_start3A_355] : memref<85x128xi32, #tpu.memory_space<vmem>> -> memref<1x128xi32, #tpu.memory_space<vmem>>
    %dma_start3A_357 = tpu.memref_squeeze %dma_start3A_356 : memref<1x128xi32, #tpu.memory_space<vmem>> -> memref<128xi32, #tpu.memory_space<vmem>>
    %dma_start3A_358 = arith.constant 0 : i32
    %dma_start3A_359 = tpu.memref_slice %arg2[%dma_start3A_358] : memref<16711680xf32, #tpu.memory_space<hbm>> -> memref<16711680xf32, #tpu.memory_space<hbm>>
    tpu.enqueue_indirect_dma source(%dma_start3A_359 : memref<16711680xf32, #tpu.memory_space<hbm>>) target(%dma_start3A_354 : memref<128xf32, #tpu.memory_space<vmem>>) offsets(%dma_start3A_357 : memref<128xi32, #tpu.memory_space<vmem>>) semaphore(%arg14 : memref<!tpu.dma_semaphore, #tpu.memory_space<semaphore_mem>>)
    %dma_start3A_360 = arith.constant 36 : i32
    %dma_start3A_361 = arith.constant 36 : i32
    %dma_start3A_362 = arith.constant 0 : i32
    %dma_start3A_363 = tpu.memref_slice %arg10[%dma_start3A_361, %dma_start3A_362] : memref<85x128xf32, #tpu.memory_space<vmem>> -> memref<1x128xf32, #tpu.memory_space<vmem>>
    %dma_start3A_364 = tpu.memref_squeeze %dma_start3A_363 : memref<1x128xf32, #tpu.memory_space<vmem>> -> memref<128xf32, #tpu.memory_space<vmem>>
    %dma_start3A_365 = arith.constant 0 : i32
    %dma_start3A_366 = tpu.memref_slice %arg9[%dma_start3A_360, %dma_start3A_365] : memref<85x128xi32, #tpu.memory_space<vmem>> -> memref<1x128xi32, #tpu.memory_space<vmem>>
    %dma_start3A_367 = tpu.memref_squeeze %dma_start3A_366 : memref<1x128xi32, #tpu.memory_space<vmem>> -> memref<128xi32, #tpu.memory_space<vmem>>
    %dma_start3A_368 = arith.constant 0 : i32
    %dma_start3A_369 = tpu.memref_slice %arg2[%dma_start3A_368] : memref<16711680xf32, #tpu.memory_space<hbm>> -> memref<16711680xf32, #tpu.memory_space<hbm>>
    tpu.enqueue_indirect_dma source(%dma_start3A_369 : memref<16711680xf32, #tpu.memory_space<hbm>>) target(%dma_start3A_364 : memref<128xf32, #tpu.memory_space<vmem>>) offsets(%dma_start3A_367 : memref<128xi32, #tpu.memory_space<vmem>>) semaphore(%arg14 : memref<!tpu.dma_semaphore, #tpu.memory_space<semaphore_mem>>)
    %dma_start3A_370 = arith.constant 37 : i32
    %dma_start3A_371 = arith.constant 37 : i32
    %dma_start3A_372 = arith.constant 0 : i32
    %dma_start3A_373 = tpu.memref_slice %arg10[%dma_start3A_371, %dma_start3A_372] : memref<85x128xf32, #tpu.memory_space<vmem>> -> memref<1x128xf32, #tpu.memory_space<vmem>>
    %dma_start3A_374 = tpu.memref_squeeze %dma_start3A_373 : memref<1x128xf32, #tpu.memory_space<vmem>> -> memref<128xf32, #tpu.memory_space<vmem>>
    %dma_start3A_375 = arith.constant 0 : i32
    %dma_start3A_376 = tpu.memref_slice %arg9[%dma_start3A_370, %dma_start3A_375] : memref<85x128xi32, #tpu.memory_space<vmem>> -> memref<1x128xi32, #tpu.memory_space<vmem>>
    %dma_start3A_377 = tpu.memref_squeeze %dma_start3A_376 : memref<1x128xi32, #tpu.memory_space<vmem>> -> memref<128xi32, #tpu.memory_space<vmem>>
    %dma_start3A_378 = arith.constant 0 : i32
    %dma_start3A_379 = tpu.memref_slice %arg2[%dma_start3A_378] : memref<16711680xf32, #tpu.memory_space<hbm>> -> memref<16711680xf32, #tpu.memory_space<hbm>>
    tpu.enqueue_indirect_dma source(%dma_start3A_379 : memref<16711680xf32, #tpu.memory_space<hbm>>) target(%dma_start3A_374 : memref<128xf32, #tpu.memory_space<vmem>>) offsets(%dma_start3A_377 : memref<128xi32, #tpu.memory_space<vmem>>) semaphore(%arg14 : memref<!tpu.dma_semaphore, #tpu.memory_space<semaphore_mem>>)
    %dma_start3A_380 = arith.constant 38 : i32
    %dma_start3A_381 = arith.constant 38 : i32
    %dma_start3A_382 = arith.constant 0 : i32
    %dma_start3A_383 = tpu.memref_slice %arg10[%dma_start3A_381, %dma_start3A_382] : memref<85x128xf32, #tpu.memory_space<vmem>> -> memref<1x128xf32, #tpu.memory_space<vmem>>
    %dma_start3A_384 = tpu.memref_squeeze %dma_start3A_383 : memref<1x128xf32, #tpu.memory_space<vmem>> -> memref<128xf32, #tpu.memory_space<vmem>>
    %dma_start3A_385 = arith.constant 0 : i32
    %dma_start3A_386 = tpu.memref_slice %arg9[%dma_start3A_380, %dma_start3A_385] : memref<85x128xi32, #tpu.memory_space<vmem>> -> memref<1x128xi32, #tpu.memory_space<vmem>>
    %dma_start3A_387 = tpu.memref_squeeze %dma_start3A_386 : memref<1x128xi32, #tpu.memory_space<vmem>> -> memref<128xi32, #tpu.memory_space<vmem>>
    %dma_start3A_388 = arith.constant 0 : i32
    %dma_start3A_389 = tpu.memref_slice %arg2[%dma_start3A_388] : memref<16711680xf32, #tpu.memory_space<hbm>> -> memref<16711680xf32, #tpu.memory_space<hbm>>
    tpu.enqueue_indirect_dma source(%dma_start3A_389 : memref<16711680xf32, #tpu.memory_space<hbm>>) target(%dma_start3A_384 : memref<128xf32, #tpu.memory_space<vmem>>) offsets(%dma_start3A_387 : memref<128xi32, #tpu.memory_space<vmem>>) semaphore(%arg14 : memref<!tpu.dma_semaphore, #tpu.memory_space<semaphore_mem>>)
    %dma_start3A_390 = arith.constant 39 : i32
    %dma_start3A_391 = arith.constant 39 : i32
    %dma_start3A_392 = arith.constant 0 : i32
    %dma_start3A_393 = tpu.memref_slice %arg10[%dma_start3A_391, %dma_start3A_392] : memref<85x128xf32, #tpu.memory_space<vmem>> -> memref<1x128xf32, #tpu.memory_space<vmem>>
    %dma_start3A_394 = tpu.memref_squeeze %dma_start3A_393 : memref<1x128xf32, #tpu.memory_space<vmem>> -> memref<128xf32, #tpu.memory_space<vmem>>
    %dma_start3A_395 = arith.constant 0 : i32
    %dma_start3A_396 = tpu.memref_slice %arg9[%dma_start3A_390, %dma_start3A_395] : memref<85x128xi32, #tpu.memory_space<vmem>> -> memref<1x128xi32, #tpu.memory_space<vmem>>
    %dma_start3A_397 = tpu.memref_squeeze %dma_start3A_396 : memref<1x128xi32, #tpu.memory_space<vmem>> -> memref<128xi32, #tpu.memory_space<vmem>>
    %dma_start3A_398 = arith.constant 0 : i32
    %dma_start3A_399 = tpu.memref_slice %arg2[%dma_start3A_398] : memref<16711680xf32, #tpu.memory_space<hbm>> -> memref<16711680xf32, #tpu.memory_space<hbm>>
    tpu.enqueue_indirect_dma source(%dma_start3A_399 : memref<16711680xf32, #tpu.memory_space<hbm>>) target(%dma_start3A_394 : memref<128xf32, #tpu.memory_space<vmem>>) offsets(%dma_start3A_397 : memref<128xi32, #tpu.memory_space<vmem>>) semaphore(%arg14 : memref<!tpu.dma_semaphore, #tpu.memory_space<semaphore_mem>>)
    %dma_start3A_400 = arith.constant 40 : i32
    %dma_start3A_401 = arith.constant 40 : i32
    %dma_start3A_402 = arith.constant 0 : i32
    %dma_start3A_403 = tpu.memref_slice %arg10[%dma_start3A_401, %dma_start3A_402] : memref<85x128xf32, #tpu.memory_space<vmem>> -> memref<1x128xf32, #tpu.memory_space<vmem>>
    %dma_start3A_404 = tpu.memref_squeeze %dma_start3A_403 : memref<1x128xf32, #tpu.memory_space<vmem>> -> memref<128xf32, #tpu.memory_space<vmem>>
    %dma_start3A_405 = arith.constant 0 : i32
    %dma_start3A_406 = tpu.memref_slice %arg9[%dma_start3A_400, %dma_start3A_405] : memref<85x128xi32, #tpu.memory_space<vmem>> -> memref<1x128xi32, #tpu.memory_space<vmem>>
    %dma_start3A_407 = tpu.memref_squeeze %dma_start3A_406 : memref<1x128xi32, #tpu.memory_space<vmem>> -> memref<128xi32, #tpu.memory_space<vmem>>
    %dma_start3A_408 = arith.constant 0 : i32
    %dma_start3A_409 = tpu.memref_slice %arg2[%dma_start3A_408] : memref<16711680xf32, #tpu.memory_space<hbm>> -> memref<16711680xf32, #tpu.memory_space<hbm>>
    tpu.enqueue_indirect_dma source(%dma_start3A_409 : memref<16711680xf32, #tpu.memory_space<hbm>>) target(%dma_start3A_404 : memref<128xf32, #tpu.memory_space<vmem>>) offsets(%dma_start3A_407 : memref<128xi32, #tpu.memory_space<vmem>>) semaphore(%arg14 : memref<!tpu.dma_semaphore, #tpu.memory_space<semaphore_mem>>)
    %dma_start3A_410 = arith.constant 41 : i32
    %dma_start3A_411 = arith.constant 41 : i32
    %dma_start3A_412 = arith.constant 0 : i32
    %dma_start3A_413 = tpu.memref_slice %arg10[%dma_start3A_411, %dma_start3A_412] : memref<85x128xf32, #tpu.memory_space<vmem>> -> memref<1x128xf32, #tpu.memory_space<vmem>>
    %dma_start3A_414 = tpu.memref_squeeze %dma_start3A_413 : memref<1x128xf32, #tpu.memory_space<vmem>> -> memref<128xf32, #tpu.memory_space<vmem>>
    %dma_start3A_415 = arith.constant 0 : i32
    %dma_start3A_416 = tpu.memref_slice %arg9[%dma_start3A_410, %dma_start3A_415] : memref<85x128xi32, #tpu.memory_space<vmem>> -> memref<1x128xi32, #tpu.memory_space<vmem>>
    %dma_start3A_417 = tpu.memref_squeeze %dma_start3A_416 : memref<1x128xi32, #tpu.memory_space<vmem>> -> memref<128xi32, #tpu.memory_space<vmem>>
    %dma_start3A_418 = arith.constant 0 : i32
    %dma_start3A_419 = tpu.memref_slice %arg2[%dma_start3A_418] : memref<16711680xf32, #tpu.memory_space<hbm>> -> memref<16711680xf32, #tpu.memory_space<hbm>>
    tpu.enqueue_indirect_dma source(%dma_start3A_419 : memref<16711680xf32, #tpu.memory_space<hbm>>) target(%dma_start3A_414 : memref<128xf32, #tpu.memory_space<vmem>>) offsets(%dma_start3A_417 : memref<128xi32, #tpu.memory_space<vmem>>) semaphore(%arg14 : memref<!tpu.dma_semaphore, #tpu.memory_space<semaphore_mem>>)
    %dma_start3A_420 = arith.constant 42 : i32
    %dma_start3A_421 = arith.constant 42 : i32
    %dma_start3A_422 = arith.constant 0 : i32
    %dma_start3A_423 = tpu.memref_slice %arg10[%dma_start3A_421, %dma_start3A_422] : memref<85x128xf32, #tpu.memory_space<vmem>> -> memref<1x128xf32, #tpu.memory_space<vmem>>
    %dma_start3A_424 = tpu.memref_squeeze %dma_start3A_423 : memref<1x128xf32, #tpu.memory_space<vmem>> -> memref<128xf32, #tpu.memory_space<vmem>>
    %dma_start3A_425 = arith.constant 0 : i32
    %dma_start3A_426 = tpu.memref_slice %arg9[%dma_start3A_420, %dma_start3A_425] : memref<85x128xi32, #tpu.memory_space<vmem>> -> memref<1x128xi32, #tpu.memory_space<vmem>>
    %dma_start3A_427 = tpu.memref_squeeze %dma_start3A_426 : memref<1x128xi32, #tpu.memory_space<vmem>> -> memref<128xi32, #tpu.memory_space<vmem>>
    %dma_start3A_428 = arith.constant 0 : i32
    %dma_start3A_429 = tpu.memref_slice %arg2[%dma_start3A_428] : memref<16711680xf32, #tpu.memory_space<hbm>> -> memref<16711680xf32, #tpu.memory_space<hbm>>
    tpu.enqueue_indirect_dma source(%dma_start3A_429 : memref<16711680xf32, #tpu.memory_space<hbm>>) target(%dma_start3A_424 : memref<128xf32, #tpu.memory_space<vmem>>) offsets(%dma_start3A_427 : memref<128xi32, #tpu.memory_space<vmem>>) semaphore(%arg14 : memref<!tpu.dma_semaphore, #tpu.memory_space<semaphore_mem>>)
    %dma_start3A_430 = arith.constant 43 : i32
    %dma_start3A_431 = arith.constant 43 : i32
    %dma_start3A_432 = arith.constant 0 : i32
    %dma_start3A_433 = tpu.memref_slice %arg10[%dma_start3A_431, %dma_start3A_432] : memref<85x128xf32, #tpu.memory_space<vmem>> -> memref<1x128xf32, #tpu.memory_space<vmem>>
    %dma_start3A_434 = tpu.memref_squeeze %dma_start3A_433 : memref<1x128xf32, #tpu.memory_space<vmem>> -> memref<128xf32, #tpu.memory_space<vmem>>
    %dma_start3A_435 = arith.constant 0 : i32
    %dma_start3A_436 = tpu.memref_slice %arg9[%dma_start3A_430, %dma_start3A_435] : memref<85x128xi32, #tpu.memory_space<vmem>> -> memref<1x128xi32, #tpu.memory_space<vmem>>
    %dma_start3A_437 = tpu.memref_squeeze %dma_start3A_436 : memref<1x128xi32, #tpu.memory_space<vmem>> -> memref<128xi32, #tpu.memory_space<vmem>>
    %dma_start3A_438 = arith.constant 0 : i32
    %dma_start3A_439 = tpu.memref_slice %arg2[%dma_start3A_438] : memref<16711680xf32, #tpu.memory_space<hbm>> -> memref<16711680xf32, #tpu.memory_space<hbm>>
    tpu.enqueue_indirect_dma source(%dma_start3A_439 : memref<16711680xf32, #tpu.memory_space<hbm>>) target(%dma_start3A_434 : memref<128xf32, #tpu.memory_space<vmem>>) offsets(%dma_start3A_437 : memref<128xi32, #tpu.memory_space<vmem>>) semaphore(%arg14 : memref<!tpu.dma_semaphore, #tpu.memory_space<semaphore_mem>>)
    %dma_start3A_440 = arith.constant 44 : i32
    %dma_start3A_441 = arith.constant 44 : i32
    %dma_start3A_442 = arith.constant 0 : i32
    %dma_start3A_443 = tpu.memref_slice %arg10[%dma_start3A_441, %dma_start3A_442] : memref<85x128xf32, #tpu.memory_space<vmem>> -> memref<1x128xf32, #tpu.memory_space<vmem>>
    %dma_start3A_444 = tpu.memref_squeeze %dma_start3A_443 : memref<1x128xf32, #tpu.memory_space<vmem>> -> memref<128xf32, #tpu.memory_space<vmem>>
    %dma_start3A_445 = arith.constant 0 : i32
    %dma_start3A_446 = tpu.memref_slice %arg9[%dma_start3A_440, %dma_start3A_445] : memref<85x128xi32, #tpu.memory_space<vmem>> -> memref<1x128xi32, #tpu.memory_space<vmem>>
    %dma_start3A_447 = tpu.memref_squeeze %dma_start3A_446 : memref<1x128xi32, #tpu.memory_space<vmem>> -> memref<128xi32, #tpu.memory_space<vmem>>
    %dma_start3A_448 = arith.constant 0 : i32
    %dma_start3A_449 = tpu.memref_slice %arg2[%dma_start3A_448] : memref<16711680xf32, #tpu.memory_space<hbm>> -> memref<16711680xf32, #tpu.memory_space<hbm>>
    tpu.enqueue_indirect_dma source(%dma_start3A_449 : memref<16711680xf32, #tpu.memory_space<hbm>>) target(%dma_start3A_444 : memref<128xf32, #tpu.memory_space<vmem>>) offsets(%dma_start3A_447 : memref<128xi32, #tpu.memory_space<vmem>>) semaphore(%arg14 : memref<!tpu.dma_semaphore, #tpu.memory_space<semaphore_mem>>)
    %dma_start3A_450 = arith.constant 45 : i32
    %dma_start3A_451 = arith.constant 45 : i32
    %dma_start3A_452 = arith.constant 0 : i32
    %dma_start3A_453 = tpu.memref_slice %arg10[%dma_start3A_451, %dma_start3A_452] : memref<85x128xf32, #tpu.memory_space<vmem>> -> memref<1x128xf32, #tpu.memory_space<vmem>>
    %dma_start3A_454 = tpu.memref_squeeze %dma_start3A_453 : memref<1x128xf32, #tpu.memory_space<vmem>> -> memref<128xf32, #tpu.memory_space<vmem>>
    %dma_start3A_455 = arith.constant 0 : i32
    %dma_start3A_456 = tpu.memref_slice %arg9[%dma_start3A_450, %dma_start3A_455] : memref<85x128xi32, #tpu.memory_space<vmem>> -> memref<1x128xi32, #tpu.memory_space<vmem>>
    %dma_start3A_457 = tpu.memref_squeeze %dma_start3A_456 : memref<1x128xi32, #tpu.memory_space<vmem>> -> memref<128xi32, #tpu.memory_space<vmem>>
    %dma_start3A_458 = arith.constant 0 : i32
    %dma_start3A_459 = tpu.memref_slice %arg2[%dma_start3A_458] : memref<16711680xf32, #tpu.memory_space<hbm>> -> memref<16711680xf32, #tpu.memory_space<hbm>>
    tpu.enqueue_indirect_dma source(%dma_start3A_459 : memref<16711680xf32, #tpu.memory_space<hbm>>) target(%dma_start3A_454 : memref<128xf32, #tpu.memory_space<vmem>>) offsets(%dma_start3A_457 : memref<128xi32, #tpu.memory_space<vmem>>) semaphore(%arg14 : memref<!tpu.dma_semaphore, #tpu.memory_space<semaphore_mem>>)
    %dma_start3A_460 = arith.constant 46 : i32
    %dma_start3A_461 = arith.constant 46 : i32
    %dma_start3A_462 = arith.constant 0 : i32
    %dma_start3A_463 = tpu.memref_slice %arg10[%dma_start3A_461, %dma_start3A_462] : memref<85x128xf32, #tpu.memory_space<vmem>> -> memref<1x128xf32, #tpu.memory_space<vmem>>
    %dma_start3A_464 = tpu.memref_squeeze %dma_start3A_463 : memref<1x128xf32, #tpu.memory_space<vmem>> -> memref<128xf32, #tpu.memory_space<vmem>>
    %dma_start3A_465 = arith.constant 0 : i32
    %dma_start3A_466 = tpu.memref_slice %arg9[%dma_start3A_460, %dma_start3A_465] : memref<85x128xi32, #tpu.memory_space<vmem>> -> memref<1x128xi32, #tpu.memory_space<vmem>>
    %dma_start3A_467 = tpu.memref_squeeze %dma_start3A_466 : memref<1x128xi32, #tpu.memory_space<vmem>> -> memref<128xi32, #tpu.memory_space<vmem>>
    %dma_start3A_468 = arith.constant 0 : i32
    %dma_start3A_469 = tpu.memref_slice %arg2[%dma_start3A_468] : memref<16711680xf32, #tpu.memory_space<hbm>> -> memref<16711680xf32, #tpu.memory_space<hbm>>
    tpu.enqueue_indirect_dma source(%dma_start3A_469 : memref<16711680xf32, #tpu.memory_space<hbm>>) target(%dma_start3A_464 : memref<128xf32, #tpu.memory_space<vmem>>) offsets(%dma_start3A_467 : memref<128xi32, #tpu.memory_space<vmem>>) semaphore(%arg14 : memref<!tpu.dma_semaphore, #tpu.memory_space<semaphore_mem>>)
    %dma_start3A_470 = arith.constant 47 : i32
    %dma_start3A_471 = arith.constant 47 : i32
    %dma_start3A_472 = arith.constant 0 : i32
    %dma_start3A_473 = tpu.memref_slice %arg10[%dma_start3A_471, %dma_start3A_472] : memref<85x128xf32, #tpu.memory_space<vmem>> -> memref<1x128xf32, #tpu.memory_space<vmem>>
    %dma_start3A_474 = tpu.memref_squeeze %dma_start3A_473 : memref<1x128xf32, #tpu.memory_space<vmem>> -> memref<128xf32, #tpu.memory_space<vmem>>
    %dma_start3A_475 = arith.constant 0 : i32
    %dma_start3A_476 = tpu.memref_slice %arg9[%dma_start3A_470, %dma_start3A_475] : memref<85x128xi32, #tpu.memory_space<vmem>> -> memref<1x128xi32, #tpu.memory_space<vmem>>
    %dma_start3A_477 = tpu.memref_squeeze %dma_start3A_476 : memref<1x128xi32, #tpu.memory_space<vmem>> -> memref<128xi32, #tpu.memory_space<vmem>>
    %dma_start3A_478 = arith.constant 0 : i32
    %dma_start3A_479 = tpu.memref_slice %arg2[%dma_start3A_478] : memref<16711680xf32, #tpu.memory_space<hbm>> -> memref<16711680xf32, #tpu.memory_space<hbm>>
    tpu.enqueue_indirect_dma source(%dma_start3A_479 : memref<16711680xf32, #tpu.memory_space<hbm>>) target(%dma_start3A_474 : memref<128xf32, #tpu.memory_space<vmem>>) offsets(%dma_start3A_477 : memref<128xi32, #tpu.memory_space<vmem>>) semaphore(%arg14 : memref<!tpu.dma_semaphore, #tpu.memory_space<semaphore_mem>>)
    %dma_start3A_480 = arith.constant 48 : i32
    %dma_start3A_481 = arith.constant 48 : i32
    %dma_start3A_482 = arith.constant 0 : i32
    %dma_start3A_483 = tpu.memref_slice %arg10[%dma_start3A_481, %dma_start3A_482] : memref<85x128xf32, #tpu.memory_space<vmem>> -> memref<1x128xf32, #tpu.memory_space<vmem>>
    %dma_start3A_484 = tpu.memref_squeeze %dma_start3A_483 : memref<1x128xf32, #tpu.memory_space<vmem>> -> memref<128xf32, #tpu.memory_space<vmem>>
    %dma_start3A_485 = arith.constant 0 : i32
    %dma_start3A_486 = tpu.memref_slice %arg9[%dma_start3A_480, %dma_start3A_485] : memref<85x128xi32, #tpu.memory_space<vmem>> -> memref<1x128xi32, #tpu.memory_space<vmem>>
    %dma_start3A_487 = tpu.memref_squeeze %dma_start3A_486 : memref<1x128xi32, #tpu.memory_space<vmem>> -> memref<128xi32, #tpu.memory_space<vmem>>
    %dma_start3A_488 = arith.constant 0 : i32
    %dma_start3A_489 = tpu.memref_slice %arg2[%dma_start3A_488] : memref<16711680xf32, #tpu.memory_space<hbm>> -> memref<16711680xf32, #tpu.memory_space<hbm>>
    tpu.enqueue_indirect_dma source(%dma_start3A_489 : memref<16711680xf32, #tpu.memory_space<hbm>>) target(%dma_start3A_484 : memref<128xf32, #tpu.memory_space<vmem>>) offsets(%dma_start3A_487 : memref<128xi32, #tpu.memory_space<vmem>>) semaphore(%arg14 : memref<!tpu.dma_semaphore, #tpu.memory_space<semaphore_mem>>)
    %dma_start3A_490 = arith.constant 49 : i32
    %dma_start3A_491 = arith.constant 49 : i32
    %dma_start3A_492 = arith.constant 0 : i32
    %dma_start3A_493 = tpu.memref_slice %arg10[%dma_start3A_491, %dma_start3A_492] : memref<85x128xf32, #tpu.memory_space<vmem>> -> memref<1x128xf32, #tpu.memory_space<vmem>>
    %dma_start3A_494 = tpu.memref_squeeze %dma_start3A_493 : memref<1x128xf32, #tpu.memory_space<vmem>> -> memref<128xf32, #tpu.memory_space<vmem>>
    %dma_start3A_495 = arith.constant 0 : i32
    %dma_start3A_496 = tpu.memref_slice %arg9[%dma_start3A_490, %dma_start3A_495] : memref<85x128xi32, #tpu.memory_space<vmem>> -> memref<1x128xi32, #tpu.memory_space<vmem>>
    %dma_start3A_497 = tpu.memref_squeeze %dma_start3A_496 : memref<1x128xi32, #tpu.memory_space<vmem>> -> memref<128xi32, #tpu.memory_space<vmem>>
    %dma_start3A_498 = arith.constant 0 : i32
    %dma_start3A_499 = tpu.memref_slice %arg2[%dma_start3A_498] : memref<16711680xf32, #tpu.memory_space<hbm>> -> memref<16711680xf32, #tpu.memory_space<hbm>>
    tpu.enqueue_indirect_dma source(%dma_start3A_499 : memref<16711680xf32, #tpu.memory_space<hbm>>) target(%dma_start3A_494 : memref<128xf32, #tpu.memory_space<vmem>>) offsets(%dma_start3A_497 : memref<128xi32, #tpu.memory_space<vmem>>) semaphore(%arg14 : memref<!tpu.dma_semaphore, #tpu.memory_space<semaphore_mem>>)
    %dma_start3A_500 = arith.constant 50 : i32
    %dma_start3A_501 = arith.constant 50 : i32
    %dma_start3A_502 = arith.constant 0 : i32
    %dma_start3A_503 = tpu.memref_slice %arg10[%dma_start3A_501, %dma_start3A_502] : memref<85x128xf32, #tpu.memory_space<vmem>> -> memref<1x128xf32, #tpu.memory_space<vmem>>
    %dma_start3A_504 = tpu.memref_squeeze %dma_start3A_503 : memref<1x128xf32, #tpu.memory_space<vmem>> -> memref<128xf32, #tpu.memory_space<vmem>>
    %dma_start3A_505 = arith.constant 0 : i32
    %dma_start3A_506 = tpu.memref_slice %arg9[%dma_start3A_500, %dma_start3A_505] : memref<85x128xi32, #tpu.memory_space<vmem>> -> memref<1x128xi32, #tpu.memory_space<vmem>>
    %dma_start3A_507 = tpu.memref_squeeze %dma_start3A_506 : memref<1x128xi32, #tpu.memory_space<vmem>> -> memref<128xi32, #tpu.memory_space<vmem>>
    %dma_start3A_508 = arith.constant 0 : i32
    %dma_start3A_509 = tpu.memref_slice %arg2[%dma_start3A_508] : memref<16711680xf32, #tpu.memory_space<hbm>> -> memref<16711680xf32, #tpu.memory_space<hbm>>
    tpu.enqueue_indirect_dma source(%dma_start3A_509 : memref<16711680xf32, #tpu.memory_space<hbm>>) target(%dma_start3A_504 : memref<128xf32, #tpu.memory_space<vmem>>) offsets(%dma_start3A_507 : memref<128xi32, #tpu.memory_space<vmem>>) semaphore(%arg14 : memref<!tpu.dma_semaphore, #tpu.memory_space<semaphore_mem>>)
    %dma_start3A_510 = arith.constant 51 : i32
    %dma_start3A_511 = arith.constant 51 : i32
    %dma_start3A_512 = arith.constant 0 : i32
    %dma_start3A_513 = tpu.memref_slice %arg10[%dma_start3A_511, %dma_start3A_512] : memref<85x128xf32, #tpu.memory_space<vmem>> -> memref<1x128xf32, #tpu.memory_space<vmem>>
    %dma_start3A_514 = tpu.memref_squeeze %dma_start3A_513 : memref<1x128xf32, #tpu.memory_space<vmem>> -> memref<128xf32, #tpu.memory_space<vmem>>
    %dma_start3A_515 = arith.constant 0 : i32
    %dma_start3A_516 = tpu.memref_slice %arg9[%dma_start3A_510, %dma_start3A_515] : memref<85x128xi32, #tpu.memory_space<vmem>> -> memref<1x128xi32, #tpu.memory_space<vmem>>
    %dma_start3A_517 = tpu.memref_squeeze %dma_start3A_516 : memref<1x128xi32, #tpu.memory_space<vmem>> -> memref<128xi32, #tpu.memory_space<vmem>>
    %dma_start3A_518 = arith.constant 0 : i32
    %dma_start3A_519 = tpu.memref_slice %arg2[%dma_start3A_518] : memref<16711680xf32, #tpu.memory_space<hbm>> -> memref<16711680xf32, #tpu.memory_space<hbm>>
    tpu.enqueue_indirect_dma source(%dma_start3A_519 : memref<16711680xf32, #tpu.memory_space<hbm>>) target(%dma_start3A_514 : memref<128xf32, #tpu.memory_space<vmem>>) offsets(%dma_start3A_517 : memref<128xi32, #tpu.memory_space<vmem>>) semaphore(%arg14 : memref<!tpu.dma_semaphore, #tpu.memory_space<semaphore_mem>>)
    %dma_start3A_520 = arith.constant 52 : i32
    %dma_start3A_521 = arith.constant 52 : i32
    %dma_start3A_522 = arith.constant 0 : i32
    %dma_start3A_523 = tpu.memref_slice %arg10[%dma_start3A_521, %dma_start3A_522] : memref<85x128xf32, #tpu.memory_space<vmem>> -> memref<1x128xf32, #tpu.memory_space<vmem>>
    %dma_start3A_524 = tpu.memref_squeeze %dma_start3A_523 : memref<1x128xf32, #tpu.memory_space<vmem>> -> memref<128xf32, #tpu.memory_space<vmem>>
    %dma_start3A_525 = arith.constant 0 : i32
    %dma_start3A_526 = tpu.memref_slice %arg9[%dma_start3A_520, %dma_start3A_525] : memref<85x128xi32, #tpu.memory_space<vmem>> -> memref<1x128xi32, #tpu.memory_space<vmem>>
    %dma_start3A_527 = tpu.memref_squeeze %dma_start3A_526 : memref<1x128xi32, #tpu.memory_space<vmem>> -> memref<128xi32, #tpu.memory_space<vmem>>
    %dma_start3A_528 = arith.constant 0 : i32
    %dma_start3A_529 = tpu.memref_slice %arg2[%dma_start3A_528] : memref<16711680xf32, #tpu.memory_space<hbm>> -> memref<16711680xf32, #tpu.memory_space<hbm>>
    tpu.enqueue_indirect_dma source(%dma_start3A_529 : memref<16711680xf32, #tpu.memory_space<hbm>>) target(%dma_start3A_524 : memref<128xf32, #tpu.memory_space<vmem>>) offsets(%dma_start3A_527 : memref<128xi32, #tpu.memory_space<vmem>>) semaphore(%arg14 : memref<!tpu.dma_semaphore, #tpu.memory_space<semaphore_mem>>)
    %dma_start3A_530 = arith.constant 53 : i32
    %dma_start3A_531 = arith.constant 53 : i32
    %dma_start3A_532 = arith.constant 0 : i32
    %dma_start3A_533 = tpu.memref_slice %arg10[%dma_start3A_531, %dma_start3A_532] : memref<85x128xf32, #tpu.memory_space<vmem>> -> memref<1x128xf32, #tpu.memory_space<vmem>>
    %dma_start3A_534 = tpu.memref_squeeze %dma_start3A_533 : memref<1x128xf32, #tpu.memory_space<vmem>> -> memref<128xf32, #tpu.memory_space<vmem>>
    %dma_start3A_535 = arith.constant 0 : i32
    %dma_start3A_536 = tpu.memref_slice %arg9[%dma_start3A_530, %dma_start3A_535] : memref<85x128xi32, #tpu.memory_space<vmem>> -> memref<1x128xi32, #tpu.memory_space<vmem>>
    %dma_start3A_537 = tpu.memref_squeeze %dma_start3A_536 : memref<1x128xi32, #tpu.memory_space<vmem>> -> memref<128xi32, #tpu.memory_space<vmem>>
    %dma_start3A_538 = arith.constant 0 : i32
    %dma_start3A_539 = tpu.memref_slice %arg2[%dma_start3A_538] : memref<16711680xf32, #tpu.memory_space<hbm>> -> memref<16711680xf32, #tpu.memory_space<hbm>>
    tpu.enqueue_indirect_dma source(%dma_start3A_539 : memref<16711680xf32, #tpu.memory_space<hbm>>) target(%dma_start3A_534 : memref<128xf32, #tpu.memory_space<vmem>>) offsets(%dma_start3A_537 : memref<128xi32, #tpu.memory_space<vmem>>) semaphore(%arg14 : memref<!tpu.dma_semaphore, #tpu.memory_space<semaphore_mem>>)
    %dma_start3A_540 = arith.constant 54 : i32
    %dma_start3A_541 = arith.constant 54 : i32
    %dma_start3A_542 = arith.constant 0 : i32
    %dma_start3A_543 = tpu.memref_slice %arg10[%dma_start3A_541, %dma_start3A_542] : memref<85x128xf32, #tpu.memory_space<vmem>> -> memref<1x128xf32, #tpu.memory_space<vmem>>
    %dma_start3A_544 = tpu.memref_squeeze %dma_start3A_543 : memref<1x128xf32, #tpu.memory_space<vmem>> -> memref<128xf32, #tpu.memory_space<vmem>>
    %dma_start3A_545 = arith.constant 0 : i32
    %dma_start3A_546 = tpu.memref_slice %arg9[%dma_start3A_540, %dma_start3A_545] : memref<85x128xi32, #tpu.memory_space<vmem>> -> memref<1x128xi32, #tpu.memory_space<vmem>>
    %dma_start3A_547 = tpu.memref_squeeze %dma_start3A_546 : memref<1x128xi32, #tpu.memory_space<vmem>> -> memref<128xi32, #tpu.memory_space<vmem>>
    %dma_start3A_548 = arith.constant 0 : i32
    %dma_start3A_549 = tpu.memref_slice %arg2[%dma_start3A_548] : memref<16711680xf32, #tpu.memory_space<hbm>> -> memref<16711680xf32, #tpu.memory_space<hbm>>
    tpu.enqueue_indirect_dma source(%dma_start3A_549 : memref<16711680xf32, #tpu.memory_space<hbm>>) target(%dma_start3A_544 : memref<128xf32, #tpu.memory_space<vmem>>) offsets(%dma_start3A_547 : memref<128xi32, #tpu.memory_space<vmem>>) semaphore(%arg14 : memref<!tpu.dma_semaphore, #tpu.memory_space<semaphore_mem>>)
    %dma_start3A_550 = arith.constant 55 : i32
    %dma_start3A_551 = arith.constant 55 : i32
    %dma_start3A_552 = arith.constant 0 : i32
    %dma_start3A_553 = tpu.memref_slice %arg10[%dma_start3A_551, %dma_start3A_552] : memref<85x128xf32, #tpu.memory_space<vmem>> -> memref<1x128xf32, #tpu.memory_space<vmem>>
    %dma_start3A_554 = tpu.memref_squeeze %dma_start3A_553 : memref<1x128xf32, #tpu.memory_space<vmem>> -> memref<128xf32, #tpu.memory_space<vmem>>
    %dma_start3A_555 = arith.constant 0 : i32
    %dma_start3A_556 = tpu.memref_slice %arg9[%dma_start3A_550, %dma_start3A_555] : memref<85x128xi32, #tpu.memory_space<vmem>> -> memref<1x128xi32, #tpu.memory_space<vmem>>
    %dma_start3A_557 = tpu.memref_squeeze %dma_start3A_556 : memref<1x128xi32, #tpu.memory_space<vmem>> -> memref<128xi32, #tpu.memory_space<vmem>>
    %dma_start3A_558 = arith.constant 0 : i32
    %dma_start3A_559 = tpu.memref_slice %arg2[%dma_start3A_558] : memref<16711680xf32, #tpu.memory_space<hbm>> -> memref<16711680xf32, #tpu.memory_space<hbm>>
    tpu.enqueue_indirect_dma source(%dma_start3A_559 : memref<16711680xf32, #tpu.memory_space<hbm>>) target(%dma_start3A_554 : memref<128xf32, #tpu.memory_space<vmem>>) offsets(%dma_start3A_557 : memref<128xi32, #tpu.memory_space<vmem>>) semaphore(%arg14 : memref<!tpu.dma_semaphore, #tpu.memory_space<semaphore_mem>>)
    %dma_start3A_560 = arith.constant 56 : i32
    %dma_start3A_561 = arith.constant 56 : i32
    %dma_start3A_562 = arith.constant 0 : i32
    %dma_start3A_563 = tpu.memref_slice %arg10[%dma_start3A_561, %dma_start3A_562] : memref<85x128xf32, #tpu.memory_space<vmem>> -> memref<1x128xf32, #tpu.memory_space<vmem>>
    %dma_start3A_564 = tpu.memref_squeeze %dma_start3A_563 : memref<1x128xf32, #tpu.memory_space<vmem>> -> memref<128xf32, #tpu.memory_space<vmem>>
    %dma_start3A_565 = arith.constant 0 : i32
    %dma_start3A_566 = tpu.memref_slice %arg9[%dma_start3A_560, %dma_start3A_565] : memref<85x128xi32, #tpu.memory_space<vmem>> -> memref<1x128xi32, #tpu.memory_space<vmem>>
    %dma_start3A_567 = tpu.memref_squeeze %dma_start3A_566 : memref<1x128xi32, #tpu.memory_space<vmem>> -> memref<128xi32, #tpu.memory_space<vmem>>
    %dma_start3A_568 = arith.constant 0 : i32
    %dma_start3A_569 = tpu.memref_slice %arg2[%dma_start3A_568] : memref<16711680xf32, #tpu.memory_space<hbm>> -> memref<16711680xf32, #tpu.memory_space<hbm>>
    tpu.enqueue_indirect_dma source(%dma_start3A_569 : memref<16711680xf32, #tpu.memory_space<hbm>>) target(%dma_start3A_564 : memref<128xf32, #tpu.memory_space<vmem>>) offsets(%dma_start3A_567 : memref<128xi32, #tpu.memory_space<vmem>>) semaphore(%arg14 : memref<!tpu.dma_semaphore, #tpu.memory_space<semaphore_mem>>)
    %dma_start3A_570 = arith.constant 57 : i32
    %dma_start3A_571 = arith.constant 57 : i32
    %dma_start3A_572 = arith.constant 0 : i32
    %dma_start3A_573 = tpu.memref_slice %arg10[%dma_start3A_571, %dma_start3A_572] : memref<85x128xf32, #tpu.memory_space<vmem>> -> memref<1x128xf32, #tpu.memory_space<vmem>>
    %dma_start3A_574 = tpu.memref_squeeze %dma_start3A_573 : memref<1x128xf32, #tpu.memory_space<vmem>> -> memref<128xf32, #tpu.memory_space<vmem>>
    %dma_start3A_575 = arith.constant 0 : i32
    %dma_start3A_576 = tpu.memref_slice %arg9[%dma_start3A_570, %dma_start3A_575] : memref<85x128xi32, #tpu.memory_space<vmem>> -> memref<1x128xi32, #tpu.memory_space<vmem>>
    %dma_start3A_577 = tpu.memref_squeeze %dma_start3A_576 : memref<1x128xi32, #tpu.memory_space<vmem>> -> memref<128xi32, #tpu.memory_space<vmem>>
    %dma_start3A_578 = arith.constant 0 : i32
    %dma_start3A_579 = tpu.memref_slice %arg2[%dma_start3A_578] : memref<16711680xf32, #tpu.memory_space<hbm>> -> memref<16711680xf32, #tpu.memory_space<hbm>>
    tpu.enqueue_indirect_dma source(%dma_start3A_579 : memref<16711680xf32, #tpu.memory_space<hbm>>) target(%dma_start3A_574 : memref<128xf32, #tpu.memory_space<vmem>>) offsets(%dma_start3A_577 : memref<128xi32, #tpu.memory_space<vmem>>) semaphore(%arg14 : memref<!tpu.dma_semaphore, #tpu.memory_space<semaphore_mem>>)
    %dma_start3A_580 = arith.constant 58 : i32
    %dma_start3A_581 = arith.constant 58 : i32
    %dma_start3A_582 = arith.constant 0 : i32
    %dma_start3A_583 = tpu.memref_slice %arg10[%dma_start3A_581, %dma_start3A_582] : memref<85x128xf32, #tpu.memory_space<vmem>> -> memref<1x128xf32, #tpu.memory_space<vmem>>
    %dma_start3A_584 = tpu.memref_squeeze %dma_start3A_583 : memref<1x128xf32, #tpu.memory_space<vmem>> -> memref<128xf32, #tpu.memory_space<vmem>>
    %dma_start3A_585 = arith.constant 0 : i32
    %dma_start3A_586 = tpu.memref_slice %arg9[%dma_start3A_580, %dma_start3A_585] : memref<85x128xi32, #tpu.memory_space<vmem>> -> memref<1x128xi32, #tpu.memory_space<vmem>>
    %dma_start3A_587 = tpu.memref_squeeze %dma_start3A_586 : memref<1x128xi32, #tpu.memory_space<vmem>> -> memref<128xi32, #tpu.memory_space<vmem>>
    %dma_start3A_588 = arith.constant 0 : i32
    %dma_start3A_589 = tpu.memref_slice %arg2[%dma_start3A_588] : memref<16711680xf32, #tpu.memory_space<hbm>> -> memref<16711680xf32, #tpu.memory_space<hbm>>
    tpu.enqueue_indirect_dma source(%dma_start3A_589 : memref<16711680xf32, #tpu.memory_space<hbm>>) target(%dma_start3A_584 : memref<128xf32, #tpu.memory_space<vmem>>) offsets(%dma_start3A_587 : memref<128xi32, #tpu.memory_space<vmem>>) semaphore(%arg14 : memref<!tpu.dma_semaphore, #tpu.memory_space<semaphore_mem>>)
    %dma_start3A_590 = arith.constant 59 : i32
    %dma_start3A_591 = arith.constant 59 : i32
    %dma_start3A_592 = arith.constant 0 : i32
    %dma_start3A_593 = tpu.memref_slice %arg10[%dma_start3A_591, %dma_start3A_592] : memref<85x128xf32, #tpu.memory_space<vmem>> -> memref<1x128xf32, #tpu.memory_space<vmem>>
    %dma_start3A_594 = tpu.memref_squeeze %dma_start3A_593 : memref<1x128xf32, #tpu.memory_space<vmem>> -> memref<128xf32, #tpu.memory_space<vmem>>
    %dma_start3A_595 = arith.constant 0 : i32
    %dma_start3A_596 = tpu.memref_slice %arg9[%dma_start3A_590, %dma_start3A_595] : memref<85x128xi32, #tpu.memory_space<vmem>> -> memref<1x128xi32, #tpu.memory_space<vmem>>
    %dma_start3A_597 = tpu.memref_squeeze %dma_start3A_596 : memref<1x128xi32, #tpu.memory_space<vmem>> -> memref<128xi32, #tpu.memory_space<vmem>>
    %dma_start3A_598 = arith.constant 0 : i32
    %dma_start3A_599 = tpu.memref_slice %arg2[%dma_start3A_598] : memref<16711680xf32, #tpu.memory_space<hbm>> -> memref<16711680xf32, #tpu.memory_space<hbm>>
    tpu.enqueue_indirect_dma source(%dma_start3A_599 : memref<16711680xf32, #tpu.memory_space<hbm>>) target(%dma_start3A_594 : memref<128xf32, #tpu.memory_space<vmem>>) offsets(%dma_start3A_597 : memref<128xi32, #tpu.memory_space<vmem>>) semaphore(%arg14 : memref<!tpu.dma_semaphore, #tpu.memory_space<semaphore_mem>>)
    %dma_start3A_600 = arith.constant 60 : i32
    %dma_start3A_601 = arith.constant 60 : i32
    %dma_start3A_602 = arith.constant 0 : i32
    %dma_start3A_603 = tpu.memref_slice %arg10[%dma_start3A_601, %dma_start3A_602] : memref<85x128xf32, #tpu.memory_space<vmem>> -> memref<1x128xf32, #tpu.memory_space<vmem>>
    %dma_start3A_604 = tpu.memref_squeeze %dma_start3A_603 : memref<1x128xf32, #tpu.memory_space<vmem>> -> memref<128xf32, #tpu.memory_space<vmem>>
    %dma_start3A_605 = arith.constant 0 : i32
    %dma_start3A_606 = tpu.memref_slice %arg9[%dma_start3A_600, %dma_start3A_605] : memref<85x128xi32, #tpu.memory_space<vmem>> -> memref<1x128xi32, #tpu.memory_space<vmem>>
    %dma_start3A_607 = tpu.memref_squeeze %dma_start3A_606 : memref<1x128xi32, #tpu.memory_space<vmem>> -> memref<128xi32, #tpu.memory_space<vmem>>
    %dma_start3A_608 = arith.constant 0 : i32
    %dma_start3A_609 = tpu.memref_slice %arg2[%dma_start3A_608] : memref<16711680xf32, #tpu.memory_space<hbm>> -> memref<16711680xf32, #tpu.memory_space<hbm>>
    tpu.enqueue_indirect_dma source(%dma_start3A_609 : memref<16711680xf32, #tpu.memory_space<hbm>>) target(%dma_start3A_604 : memref<128xf32, #tpu.memory_space<vmem>>) offsets(%dma_start3A_607 : memref<128xi32, #tpu.memory_space<vmem>>) semaphore(%arg14 : memref<!tpu.dma_semaphore, #tpu.memory_space<semaphore_mem>>)
    %dma_start3A_610 = arith.constant 61 : i32
    %dma_start3A_611 = arith.constant 61 : i32
    %dma_start3A_612 = arith.constant 0 : i32
    %dma_start3A_613 = tpu.memref_slice %arg10[%dma_start3A_611, %dma_start3A_612] : memref<85x128xf32, #tpu.memory_space<vmem>> -> memref<1x128xf32, #tpu.memory_space<vmem>>
    %dma_start3A_614 = tpu.memref_squeeze %dma_start3A_613 : memref<1x128xf32, #tpu.memory_space<vmem>> -> memref<128xf32, #tpu.memory_space<vmem>>
    %dma_start3A_615 = arith.constant 0 : i32
    %dma_start3A_616 = tpu.memref_slice %arg9[%dma_start3A_610, %dma_start3A_615] : memref<85x128xi32, #tpu.memory_space<vmem>> -> memref<1x128xi32, #tpu.memory_space<vmem>>
    %dma_start3A_617 = tpu.memref_squeeze %dma_start3A_616 : memref<1x128xi32, #tpu.memory_space<vmem>> -> memref<128xi32, #tpu.memory_space<vmem>>
    %dma_start3A_618 = arith.constant 0 : i32
    %dma_start3A_619 = tpu.memref_slice %arg2[%dma_start3A_618] : memref<16711680xf32, #tpu.memory_space<hbm>> -> memref<16711680xf32, #tpu.memory_space<hbm>>
    tpu.enqueue_indirect_dma source(%dma_start3A_619 : memref<16711680xf32, #tpu.memory_space<hbm>>) target(%dma_start3A_614 : memref<128xf32, #tpu.memory_space<vmem>>) offsets(%dma_start3A_617 : memref<128xi32, #tpu.memory_space<vmem>>) semaphore(%arg14 : memref<!tpu.dma_semaphore, #tpu.memory_space<semaphore_mem>>)
    %dma_start3A_620 = arith.constant 62 : i32
    %dma_start3A_621 = arith.constant 62 : i32
    %dma_start3A_622 = arith.constant 0 : i32
    %dma_start3A_623 = tpu.memref_slice %arg10[%dma_start3A_621, %dma_start3A_622] : memref<85x128xf32, #tpu.memory_space<vmem>> -> memref<1x128xf32, #tpu.memory_space<vmem>>
    %dma_start3A_624 = tpu.memref_squeeze %dma_start3A_623 : memref<1x128xf32, #tpu.memory_space<vmem>> -> memref<128xf32, #tpu.memory_space<vmem>>
    %dma_start3A_625 = arith.constant 0 : i32
    %dma_start3A_626 = tpu.memref_slice %arg9[%dma_start3A_620, %dma_start3A_625] : memref<85x128xi32, #tpu.memory_space<vmem>> -> memref<1x128xi32, #tpu.memory_space<vmem>>
    %dma_start3A_627 = tpu.memref_squeeze %dma_start3A_626 : memref<1x128xi32, #tpu.memory_space<vmem>> -> memref<128xi32, #tpu.memory_space<vmem>>
    %dma_start3A_628 = arith.constant 0 : i32
    %dma_start3A_629 = tpu.memref_slice %arg2[%dma_start3A_628] : memref<16711680xf32, #tpu.memory_space<hbm>> -> memref<16711680xf32, #tpu.memory_space<hbm>>
    tpu.enqueue_indirect_dma source(%dma_start3A_629 : memref<16711680xf32, #tpu.memory_space<hbm>>) target(%dma_start3A_624 : memref<128xf32, #tpu.memory_space<vmem>>) offsets(%dma_start3A_627 : memref<128xi32, #tpu.memory_space<vmem>>) semaphore(%arg14 : memref<!tpu.dma_semaphore, #tpu.memory_space<semaphore_mem>>)
    %dma_start3A_630 = arith.constant 63 : i32
    %dma_start3A_631 = arith.constant 63 : i32
    %dma_start3A_632 = arith.constant 0 : i32
    %dma_start3A_633 = tpu.memref_slice %arg10[%dma_start3A_631, %dma_start3A_632] : memref<85x128xf32, #tpu.memory_space<vmem>> -> memref<1x128xf32, #tpu.memory_space<vmem>>
    %dma_start3A_634 = tpu.memref_squeeze %dma_start3A_633 : memref<1x128xf32, #tpu.memory_space<vmem>> -> memref<128xf32, #tpu.memory_space<vmem>>
    %dma_start3A_635 = arith.constant 0 : i32
    %dma_start3A_636 = tpu.memref_slice %arg9[%dma_start3A_630, %dma_start3A_635] : memref<85x128xi32, #tpu.memory_space<vmem>> -> memref<1x128xi32, #tpu.memory_space<vmem>>
    %dma_start3A_637 = tpu.memref_squeeze %dma_start3A_636 : memref<1x128xi32, #tpu.memory_space<vmem>> -> memref<128xi32, #tpu.memory_space<vmem>>
    %dma_start3A_638 = arith.constant 0 : i32
    %dma_start3A_639 = tpu.memref_slice %arg2[%dma_start3A_638] : memref<16711680xf32, #tpu.memory_space<hbm>> -> memref<16711680xf32, #tpu.memory_space<hbm>>
    tpu.enqueue_indirect_dma source(%dma_start3A_639 : memref<16711680xf32, #tpu.memory_space<hbm>>) target(%dma_start3A_634 : memref<128xf32, #tpu.memory_space<vmem>>) offsets(%dma_start3A_637 : memref<128xi32, #tpu.memory_space<vmem>>) semaphore(%arg14 : memref<!tpu.dma_semaphore, #tpu.memory_space<semaphore_mem>>)
    %dma_start3A_640 = arith.constant 64 : i32
    %dma_start3A_641 = arith.constant 64 : i32
    %dma_start3A_642 = arith.constant 0 : i32
    %dma_start3A_643 = tpu.memref_slice %arg10[%dma_start3A_641, %dma_start3A_642] : memref<85x128xf32, #tpu.memory_space<vmem>> -> memref<1x128xf32, #tpu.memory_space<vmem>>
    %dma_start3A_644 = tpu.memref_squeeze %dma_start3A_643 : memref<1x128xf32, #tpu.memory_space<vmem>> -> memref<128xf32, #tpu.memory_space<vmem>>
    %dma_start3A_645 = arith.constant 0 : i32
    %dma_start3A_646 = tpu.memref_slice %arg9[%dma_start3A_640, %dma_start3A_645] : memref<85x128xi32, #tpu.memory_space<vmem>> -> memref<1x128xi32, #tpu.memory_space<vmem>>
    %dma_start3A_647 = tpu.memref_squeeze %dma_start3A_646 : memref<1x128xi32, #tpu.memory_space<vmem>> -> memref<128xi32, #tpu.memory_space<vmem>>
    %dma_start3A_648 = arith.constant 0 : i32
    %dma_start3A_649 = tpu.memref_slice %arg2[%dma_start3A_648] : memref<16711680xf32, #tpu.memory_space<hbm>> -> memref<16711680xf32, #tpu.memory_space<hbm>>
    tpu.enqueue_indirect_dma source(%dma_start3A_649 : memref<16711680xf32, #tpu.memory_space<hbm>>) target(%dma_start3A_644 : memref<128xf32, #tpu.memory_space<vmem>>) offsets(%dma_start3A_647 : memref<128xi32, #tpu.memory_space<vmem>>) semaphore(%arg14 : memref<!tpu.dma_semaphore, #tpu.memory_space<semaphore_mem>>)
    %dma_start3A_650 = arith.constant 65 : i32
    %dma_start3A_651 = arith.constant 65 : i32
    %dma_start3A_652 = arith.constant 0 : i32
    %dma_start3A_653 = tpu.memref_slice %arg10[%dma_start3A_651, %dma_start3A_652] : memref<85x128xf32, #tpu.memory_space<vmem>> -> memref<1x128xf32, #tpu.memory_space<vmem>>
    %dma_start3A_654 = tpu.memref_squeeze %dma_start3A_653 : memref<1x128xf32, #tpu.memory_space<vmem>> -> memref<128xf32, #tpu.memory_space<vmem>>
    %dma_start3A_655 = arith.constant 0 : i32
    %dma_start3A_656 = tpu.memref_slice %arg9[%dma_start3A_650, %dma_start3A_655] : memref<85x128xi32, #tpu.memory_space<vmem>> -> memref<1x128xi32, #tpu.memory_space<vmem>>
    %dma_start3A_657 = tpu.memref_squeeze %dma_start3A_656 : memref<1x128xi32, #tpu.memory_space<vmem>> -> memref<128xi32, #tpu.memory_space<vmem>>
    %dma_start3A_658 = arith.constant 0 : i32
    %dma_start3A_659 = tpu.memref_slice %arg2[%dma_start3A_658] : memref<16711680xf32, #tpu.memory_space<hbm>> -> memref<16711680xf32, #tpu.memory_space<hbm>>
    tpu.enqueue_indirect_dma source(%dma_start3A_659 : memref<16711680xf32, #tpu.memory_space<hbm>>) target(%dma_start3A_654 : memref<128xf32, #tpu.memory_space<vmem>>) offsets(%dma_start3A_657 : memref<128xi32, #tpu.memory_space<vmem>>) semaphore(%arg14 : memref<!tpu.dma_semaphore, #tpu.memory_space<semaphore_mem>>)
    %dma_start3A_660 = arith.constant 66 : i32
    %dma_start3A_661 = arith.constant 66 : i32
    %dma_start3A_662 = arith.constant 0 : i32
    %dma_start3A_663 = tpu.memref_slice %arg10[%dma_start3A_661, %dma_start3A_662] : memref<85x128xf32, #tpu.memory_space<vmem>> -> memref<1x128xf32, #tpu.memory_space<vmem>>
    %dma_start3A_664 = tpu.memref_squeeze %dma_start3A_663 : memref<1x128xf32, #tpu.memory_space<vmem>> -> memref<128xf32, #tpu.memory_space<vmem>>
    %dma_start3A_665 = arith.constant 0 : i32
    %dma_start3A_666 = tpu.memref_slice %arg9[%dma_start3A_660, %dma_start3A_665] : memref<85x128xi32, #tpu.memory_space<vmem>> -> memref<1x128xi32, #tpu.memory_space<vmem>>
    %dma_start3A_667 = tpu.memref_squeeze %dma_start3A_666 : memref<1x128xi32, #tpu.memory_space<vmem>> -> memref<128xi32, #tpu.memory_space<vmem>>
    %dma_start3A_668 = arith.constant 0 : i32
    %dma_start3A_669 = tpu.memref_slice %arg2[%dma_start3A_668] : memref<16711680xf32, #tpu.memory_space<hbm>> -> memref<16711680xf32, #tpu.memory_space<hbm>>
    tpu.enqueue_indirect_dma source(%dma_start3A_669 : memref<16711680xf32, #tpu.memory_space<hbm>>) target(%dma_start3A_664 : memref<128xf32, #tpu.memory_space<vmem>>) offsets(%dma_start3A_667 : memref<128xi32, #tpu.memory_space<vmem>>) semaphore(%arg14 : memref<!tpu.dma_semaphore, #tpu.memory_space<semaphore_mem>>)
    %dma_start3A_670 = arith.constant 67 : i32
    %dma_start3A_671 = arith.constant 67 : i32
    %dma_start3A_672 = arith.constant 0 : i32
    %dma_start3A_673 = tpu.memref_slice %arg10[%dma_start3A_671, %dma_start3A_672] : memref<85x128xf32, #tpu.memory_space<vmem>> -> memref<1x128xf32, #tpu.memory_space<vmem>>
    %dma_start3A_674 = tpu.memref_squeeze %dma_start3A_673 : memref<1x128xf32, #tpu.memory_space<vmem>> -> memref<128xf32, #tpu.memory_space<vmem>>
    %dma_start3A_675 = arith.constant 0 : i32
    %dma_start3A_676 = tpu.memref_slice %arg9[%dma_start3A_670, %dma_start3A_675] : memref<85x128xi32, #tpu.memory_space<vmem>> -> memref<1x128xi32, #tpu.memory_space<vmem>>
    %dma_start3A_677 = tpu.memref_squeeze %dma_start3A_676 : memref<1x128xi32, #tpu.memory_space<vmem>> -> memref<128xi32, #tpu.memory_space<vmem>>
    %dma_start3A_678 = arith.constant 0 : i32
    %dma_start3A_679 = tpu.memref_slice %arg2[%dma_start3A_678] : memref<16711680xf32, #tpu.memory_space<hbm>> -> memref<16711680xf32, #tpu.memory_space<hbm>>
    tpu.enqueue_indirect_dma source(%dma_start3A_679 : memref<16711680xf32, #tpu.memory_space<hbm>>) target(%dma_start3A_674 : memref<128xf32, #tpu.memory_space<vmem>>) offsets(%dma_start3A_677 : memref<128xi32, #tpu.memory_space<vmem>>) semaphore(%arg14 : memref<!tpu.dma_semaphore, #tpu.memory_space<semaphore_mem>>)
    %dma_start3A_680 = arith.constant 68 : i32
    %dma_start3A_681 = arith.constant 68 : i32
    %dma_start3A_682 = arith.constant 0 : i32
    %dma_start3A_683 = tpu.memref_slice %arg10[%dma_start3A_681, %dma_start3A_682] : memref<85x128xf32, #tpu.memory_space<vmem>> -> memref<1x128xf32, #tpu.memory_space<vmem>>
    %dma_start3A_684 = tpu.memref_squeeze %dma_start3A_683 : memref<1x128xf32, #tpu.memory_space<vmem>> -> memref<128xf32, #tpu.memory_space<vmem>>
    %dma_start3A_685 = arith.constant 0 : i32
    %dma_start3A_686 = tpu.memref_slice %arg9[%dma_start3A_680, %dma_start3A_685] : memref<85x128xi32, #tpu.memory_space<vmem>> -> memref<1x128xi32, #tpu.memory_space<vmem>>
    %dma_start3A_687 = tpu.memref_squeeze %dma_start3A_686 : memref<1x128xi32, #tpu.memory_space<vmem>> -> memref<128xi32, #tpu.memory_space<vmem>>
    %dma_start3A_688 = arith.constant 0 : i32
    %dma_start3A_689 = tpu.memref_slice %arg2[%dma_start3A_688] : memref<16711680xf32, #tpu.memory_space<hbm>> -> memref<16711680xf32, #tpu.memory_space<hbm>>
    tpu.enqueue_indirect_dma source(%dma_start3A_689 : memref<16711680xf32, #tpu.memory_space<hbm>>) target(%dma_start3A_684 : memref<128xf32, #tpu.memory_space<vmem>>) offsets(%dma_start3A_687 : memref<128xi32, #tpu.memory_space<vmem>>) semaphore(%arg14 : memref<!tpu.dma_semaphore, #tpu.memory_space<semaphore_mem>>)
    %dma_start3A_690 = arith.constant 69 : i32
    %dma_start3A_691 = arith.constant 69 : i32
    %dma_start3A_692 = arith.constant 0 : i32
    %dma_start3A_693 = tpu.memref_slice %arg10[%dma_start3A_691, %dma_start3A_692] : memref<85x128xf32, #tpu.memory_space<vmem>> -> memref<1x128xf32, #tpu.memory_space<vmem>>
    %dma_start3A_694 = tpu.memref_squeeze %dma_start3A_693 : memref<1x128xf32, #tpu.memory_space<vmem>> -> memref<128xf32, #tpu.memory_space<vmem>>
    %dma_start3A_695 = arith.constant 0 : i32
    %dma_start3A_696 = tpu.memref_slice %arg9[%dma_start3A_690, %dma_start3A_695] : memref<85x128xi32, #tpu.memory_space<vmem>> -> memref<1x128xi32, #tpu.memory_space<vmem>>
    %dma_start3A_697 = tpu.memref_squeeze %dma_start3A_696 : memref<1x128xi32, #tpu.memory_space<vmem>> -> memref<128xi32, #tpu.memory_space<vmem>>
    %dma_start3A_698 = arith.constant 0 : i32
    %dma_start3A_699 = tpu.memref_slice %arg2[%dma_start3A_698] : memref<16711680xf32, #tpu.memory_space<hbm>> -> memref<16711680xf32, #tpu.memory_space<hbm>>
    tpu.enqueue_indirect_dma source(%dma_start3A_699 : memref<16711680xf32, #tpu.memory_space<hbm>>) target(%dma_start3A_694 : memref<128xf32, #tpu.memory_space<vmem>>) offsets(%dma_start3A_697 : memref<128xi32, #tpu.memory_space<vmem>>) semaphore(%arg14 : memref<!tpu.dma_semaphore, #tpu.memory_space<semaphore_mem>>)
    %dma_start3A_700 = arith.constant 70 : i32
    %dma_start3A_701 = arith.constant 70 : i32
    %dma_start3A_702 = arith.constant 0 : i32
    %dma_start3A_703 = tpu.memref_slice %arg10[%dma_start3A_701, %dma_start3A_702] : memref<85x128xf32, #tpu.memory_space<vmem>> -> memref<1x128xf32, #tpu.memory_space<vmem>>
    %dma_start3A_704 = tpu.memref_squeeze %dma_start3A_703 : memref<1x128xf32, #tpu.memory_space<vmem>> -> memref<128xf32, #tpu.memory_space<vmem>>
    %dma_start3A_705 = arith.constant 0 : i32
    %dma_start3A_706 = tpu.memref_slice %arg9[%dma_start3A_700, %dma_start3A_705] : memref<85x128xi32, #tpu.memory_space<vmem>> -> memref<1x128xi32, #tpu.memory_space<vmem>>
    %dma_start3A_707 = tpu.memref_squeeze %dma_start3A_706 : memref<1x128xi32, #tpu.memory_space<vmem>> -> memref<128xi32, #tpu.memory_space<vmem>>
    %dma_start3A_708 = arith.constant 0 : i32
    %dma_start3A_709 = tpu.memref_slice %arg2[%dma_start3A_708] : memref<16711680xf32, #tpu.memory_space<hbm>> -> memref<16711680xf32, #tpu.memory_space<hbm>>
    tpu.enqueue_indirect_dma source(%dma_start3A_709 : memref<16711680xf32, #tpu.memory_space<hbm>>) target(%dma_start3A_704 : memref<128xf32, #tpu.memory_space<vmem>>) offsets(%dma_start3A_707 : memref<128xi32, #tpu.memory_space<vmem>>) semaphore(%arg14 : memref<!tpu.dma_semaphore, #tpu.memory_space<semaphore_mem>>)
    %dma_start3A_710 = arith.constant 71 : i32
    %dma_start3A_711 = arith.constant 71 : i32
    %dma_start3A_712 = arith.constant 0 : i32
    %dma_start3A_713 = tpu.memref_slice %arg10[%dma_start3A_711, %dma_start3A_712] : memref<85x128xf32, #tpu.memory_space<vmem>> -> memref<1x128xf32, #tpu.memory_space<vmem>>
    %dma_start3A_714 = tpu.memref_squeeze %dma_start3A_713 : memref<1x128xf32, #tpu.memory_space<vmem>> -> memref<128xf32, #tpu.memory_space<vmem>>
    %dma_start3A_715 = arith.constant 0 : i32
    %dma_start3A_716 = tpu.memref_slice %arg9[%dma_start3A_710, %dma_start3A_715] : memref<85x128xi32, #tpu.memory_space<vmem>> -> memref<1x128xi32, #tpu.memory_space<vmem>>
    %dma_start3A_717 = tpu.memref_squeeze %dma_start3A_716 : memref<1x128xi32, #tpu.memory_space<vmem>> -> memref<128xi32, #tpu.memory_space<vmem>>
    %dma_start3A_718 = arith.constant 0 : i32
    %dma_start3A_719 = tpu.memref_slice %arg2[%dma_start3A_718] : memref<16711680xf32, #tpu.memory_space<hbm>> -> memref<16711680xf32, #tpu.memory_space<hbm>>
    tpu.enqueue_indirect_dma source(%dma_start3A_719 : memref<16711680xf32, #tpu.memory_space<hbm>>) target(%dma_start3A_714 : memref<128xf32, #tpu.memory_space<vmem>>) offsets(%dma_start3A_717 : memref<128xi32, #tpu.memory_space<vmem>>) semaphore(%arg14 : memref<!tpu.dma_semaphore, #tpu.memory_space<semaphore_mem>>)
    %dma_start3A_720 = arith.constant 72 : i32
    %dma_start3A_721 = arith.constant 72 : i32
    %dma_start3A_722 = arith.constant 0 : i32
    %dma_start3A_723 = tpu.memref_slice %arg10[%dma_start3A_721, %dma_start3A_722] : memref<85x128xf32, #tpu.memory_space<vmem>> -> memref<1x128xf32, #tpu.memory_space<vmem>>
    %dma_start3A_724 = tpu.memref_squeeze %dma_start3A_723 : memref<1x128xf32, #tpu.memory_space<vmem>> -> memref<128xf32, #tpu.memory_space<vmem>>
    %dma_start3A_725 = arith.constant 0 : i32
    %dma_start3A_726 = tpu.memref_slice %arg9[%dma_start3A_720, %dma_start3A_725] : memref<85x128xi32, #tpu.memory_space<vmem>> -> memref<1x128xi32, #tpu.memory_space<vmem>>
    %dma_start3A_727 = tpu.memref_squeeze %dma_start3A_726 : memref<1x128xi32, #tpu.memory_space<vmem>> -> memref<128xi32, #tpu.memory_space<vmem>>
    %dma_start3A_728 = arith.constant 0 : i32
    %dma_start3A_729 = tpu.memref_slice %arg2[%dma_start3A_728] : memref<16711680xf32, #tpu.memory_space<hbm>> -> memref<16711680xf32, #tpu.memory_space<hbm>>
    tpu.enqueue_indirect_dma source(%dma_start3A_729 : memref<16711680xf32, #tpu.memory_space<hbm>>) target(%dma_start3A_724 : memref<128xf32, #tpu.memory_space<vmem>>) offsets(%dma_start3A_727 : memref<128xi32, #tpu.memory_space<vmem>>) semaphore(%arg14 : memref<!tpu.dma_semaphore, #tpu.memory_space<semaphore_mem>>)
    %dma_start3A_730 = arith.constant 73 : i32
    %dma_start3A_731 = arith.constant 73 : i32
    %dma_start3A_732 = arith.constant 0 : i32
    %dma_start3A_733 = tpu.memref_slice %arg10[%dma_start3A_731, %dma_start3A_732] : memref<85x128xf32, #tpu.memory_space<vmem>> -> memref<1x128xf32, #tpu.memory_space<vmem>>
    %dma_start3A_734 = tpu.memref_squeeze %dma_start3A_733 : memref<1x128xf32, #tpu.memory_space<vmem>> -> memref<128xf32, #tpu.memory_space<vmem>>
    %dma_start3A_735 = arith.constant 0 : i32
    %dma_start3A_736 = tpu.memref_slice %arg9[%dma_start3A_730, %dma_start3A_735] : memref<85x128xi32, #tpu.memory_space<vmem>> -> memref<1x128xi32, #tpu.memory_space<vmem>>
    %dma_start3A_737 = tpu.memref_squeeze %dma_start3A_736 : memref<1x128xi32, #tpu.memory_space<vmem>> -> memref<128xi32, #tpu.memory_space<vmem>>
    %dma_start3A_738 = arith.constant 0 : i32
    %dma_start3A_739 = tpu.memref_slice %arg2[%dma_start3A_738] : memref<16711680xf32, #tpu.memory_space<hbm>> -> memref<16711680xf32, #tpu.memory_space<hbm>>
    tpu.enqueue_indirect_dma source(%dma_start3A_739 : memref<16711680xf32, #tpu.memory_space<hbm>>) target(%dma_start3A_734 : memref<128xf32, #tpu.memory_space<vmem>>) offsets(%dma_start3A_737 : memref<128xi32, #tpu.memory_space<vmem>>) semaphore(%arg14 : memref<!tpu.dma_semaphore, #tpu.memory_space<semaphore_mem>>)
    %dma_start3A_740 = arith.constant 74 : i32
    %dma_start3A_741 = arith.constant 74 : i32
    %dma_start3A_742 = arith.constant 0 : i32
    %dma_start3A_743 = tpu.memref_slice %arg10[%dma_start3A_741, %dma_start3A_742] : memref<85x128xf32, #tpu.memory_space<vmem>> -> memref<1x128xf32, #tpu.memory_space<vmem>>
    %dma_start3A_744 = tpu.memref_squeeze %dma_start3A_743 : memref<1x128xf32, #tpu.memory_space<vmem>> -> memref<128xf32, #tpu.memory_space<vmem>>
    %dma_start3A_745 = arith.constant 0 : i32
    %dma_start3A_746 = tpu.memref_slice %arg9[%dma_start3A_740, %dma_start3A_745] : memref<85x128xi32, #tpu.memory_space<vmem>> -> memref<1x128xi32, #tpu.memory_space<vmem>>
    %dma_start3A_747 = tpu.memref_squeeze %dma_start3A_746 : memref<1x128xi32, #tpu.memory_space<vmem>> -> memref<128xi32, #tpu.memory_space<vmem>>
    %dma_start3A_748 = arith.constant 0 : i32
    %dma_start3A_749 = tpu.memref_slice %arg2[%dma_start3A_748] : memref<16711680xf32, #tpu.memory_space<hbm>> -> memref<16711680xf32, #tpu.memory_space<hbm>>
    tpu.enqueue_indirect_dma source(%dma_start3A_749 : memref<16711680xf32, #tpu.memory_space<hbm>>) target(%dma_start3A_744 : memref<128xf32, #tpu.memory_space<vmem>>) offsets(%dma_start3A_747 : memref<128xi32, #tpu.memory_space<vmem>>) semaphore(%arg14 : memref<!tpu.dma_semaphore, #tpu.memory_space<semaphore_mem>>)
    %dma_start3A_750 = arith.constant 75 : i32
    %dma_start3A_751 = arith.constant 75 : i32
    %dma_start3A_752 = arith.constant 0 : i32
    %dma_start3A_753 = tpu.memref_slice %arg10[%dma_start3A_751, %dma_start3A_752] : memref<85x128xf32, #tpu.memory_space<vmem>> -> memref<1x128xf32, #tpu.memory_space<vmem>>
    %dma_start3A_754 = tpu.memref_squeeze %dma_start3A_753 : memref<1x128xf32, #tpu.memory_space<vmem>> -> memref<128xf32, #tpu.memory_space<vmem>>
    %dma_start3A_755 = arith.constant 0 : i32
    %dma_start3A_756 = tpu.memref_slice %arg9[%dma_start3A_750, %dma_start3A_755] : memref<85x128xi32, #tpu.memory_space<vmem>> -> memref<1x128xi32, #tpu.memory_space<vmem>>
    %dma_start3A_757 = tpu.memref_squeeze %dma_start3A_756 : memref<1x128xi32, #tpu.memory_space<vmem>> -> memref<128xi32, #tpu.memory_space<vmem>>
    %dma_start3A_758 = arith.constant 0 : i32
    %dma_start3A_759 = tpu.memref_slice %arg2[%dma_start3A_758] : memref<16711680xf32, #tpu.memory_space<hbm>> -> memref<16711680xf32, #tpu.memory_space<hbm>>
    tpu.enqueue_indirect_dma source(%dma_start3A_759 : memref<16711680xf32, #tpu.memory_space<hbm>>) target(%dma_start3A_754 : memref<128xf32, #tpu.memory_space<vmem>>) offsets(%dma_start3A_757 : memref<128xi32, #tpu.memory_space<vmem>>) semaphore(%arg14 : memref<!tpu.dma_semaphore, #tpu.memory_space<semaphore_mem>>)
    %dma_start3A_760 = arith.constant 76 : i32
    %dma_start3A_761 = arith.constant 76 : i32
    %dma_start3A_762 = arith.constant 0 : i32
    %dma_start3A_763 = tpu.memref_slice %arg10[%dma_start3A_761, %dma_start3A_762] : memref<85x128xf32, #tpu.memory_space<vmem>> -> memref<1x128xf32, #tpu.memory_space<vmem>>
    %dma_start3A_764 = tpu.memref_squeeze %dma_start3A_763 : memref<1x128xf32, #tpu.memory_space<vmem>> -> memref<128xf32, #tpu.memory_space<vmem>>
    %dma_start3A_765 = arith.constant 0 : i32
    %dma_start3A_766 = tpu.memref_slice %arg9[%dma_start3A_760, %dma_start3A_765] : memref<85x128xi32, #tpu.memory_space<vmem>> -> memref<1x128xi32, #tpu.memory_space<vmem>>
    %dma_start3A_767 = tpu.memref_squeeze %dma_start3A_766 : memref<1x128xi32, #tpu.memory_space<vmem>> -> memref<128xi32, #tpu.memory_space<vmem>>
    %dma_start3A_768 = arith.constant 0 : i32
    %dma_start3A_769 = tpu.memref_slice %arg2[%dma_start3A_768] : memref<16711680xf32, #tpu.memory_space<hbm>> -> memref<16711680xf32, #tpu.memory_space<hbm>>
    tpu.enqueue_indirect_dma source(%dma_start3A_769 : memref<16711680xf32, #tpu.memory_space<hbm>>) target(%dma_start3A_764 : memref<128xf32, #tpu.memory_space<vmem>>) offsets(%dma_start3A_767 : memref<128xi32, #tpu.memory_space<vmem>>) semaphore(%arg14 : memref<!tpu.dma_semaphore, #tpu.memory_space<semaphore_mem>>)
    %dma_start3A_770 = arith.constant 77 : i32
    %dma_start3A_771 = arith.constant 77 : i32
    %dma_start3A_772 = arith.constant 0 : i32
    %dma_start3A_773 = tpu.memref_slice %arg10[%dma_start3A_771, %dma_start3A_772] : memref<85x128xf32, #tpu.memory_space<vmem>> -> memref<1x128xf32, #tpu.memory_space<vmem>>
    %dma_start3A_774 = tpu.memref_squeeze %dma_start3A_773 : memref<1x128xf32, #tpu.memory_space<vmem>> -> memref<128xf32, #tpu.memory_space<vmem>>
    %dma_start3A_775 = arith.constant 0 : i32
    %dma_start3A_776 = tpu.memref_slice %arg9[%dma_start3A_770, %dma_start3A_775] : memref<85x128xi32, #tpu.memory_space<vmem>> -> memref<1x128xi32, #tpu.memory_space<vmem>>
    %dma_start3A_777 = tpu.memref_squeeze %dma_start3A_776 : memref<1x128xi32, #tpu.memory_space<vmem>> -> memref<128xi32, #tpu.memory_space<vmem>>
    %dma_start3A_778 = arith.constant 0 : i32
    %dma_start3A_779 = tpu.memref_slice %arg2[%dma_start3A_778] : memref<16711680xf32, #tpu.memory_space<hbm>> -> memref<16711680xf32, #tpu.memory_space<hbm>>
    tpu.enqueue_indirect_dma source(%dma_start3A_779 : memref<16711680xf32, #tpu.memory_space<hbm>>) target(%dma_start3A_774 : memref<128xf32, #tpu.memory_space<vmem>>) offsets(%dma_start3A_777 : memref<128xi32, #tpu.memory_space<vmem>>) semaphore(%arg14 : memref<!tpu.dma_semaphore, #tpu.memory_space<semaphore_mem>>)
    %dma_start3A_780 = arith.constant 78 : i32
    %dma_start3A_781 = arith.constant 78 : i32
    %dma_start3A_782 = arith.constant 0 : i32
    %dma_start3A_783 = tpu.memref_slice %arg10[%dma_start3A_781, %dma_start3A_782] : memref<85x128xf32, #tpu.memory_space<vmem>> -> memref<1x128xf32, #tpu.memory_space<vmem>>
    %dma_start3A_784 = tpu.memref_squeeze %dma_start3A_783 : memref<1x128xf32, #tpu.memory_space<vmem>> -> memref<128xf32, #tpu.memory_space<vmem>>
    %dma_start3A_785 = arith.constant 0 : i32
    %dma_start3A_786 = tpu.memref_slice %arg9[%dma_start3A_780, %dma_start3A_785] : memref<85x128xi32, #tpu.memory_space<vmem>> -> memref<1x128xi32, #tpu.memory_space<vmem>>
    %dma_start3A_787 = tpu.memref_squeeze %dma_start3A_786 : memref<1x128xi32, #tpu.memory_space<vmem>> -> memref<128xi32, #tpu.memory_space<vmem>>
    %dma_start3A_788 = arith.constant 0 : i32
    %dma_start3A_789 = tpu.memref_slice %arg2[%dma_start3A_788] : memref<16711680xf32, #tpu.memory_space<hbm>> -> memref<16711680xf32, #tpu.memory_space<hbm>>
    tpu.enqueue_indirect_dma source(%dma_start3A_789 : memref<16711680xf32, #tpu.memory_space<hbm>>) target(%dma_start3A_784 : memref<128xf32, #tpu.memory_space<vmem>>) offsets(%dma_start3A_787 : memref<128xi32, #tpu.memory_space<vmem>>) semaphore(%arg14 : memref<!tpu.dma_semaphore, #tpu.memory_space<semaphore_mem>>)
    %dma_start3A_790 = arith.constant 79 : i32
    %dma_start3A_791 = arith.constant 79 : i32
    %dma_start3A_792 = arith.constant 0 : i32
    %dma_start3A_793 = tpu.memref_slice %arg10[%dma_start3A_791, %dma_start3A_792] : memref<85x128xf32, #tpu.memory_space<vmem>> -> memref<1x128xf32, #tpu.memory_space<vmem>>
    %dma_start3A_794 = tpu.memref_squeeze %dma_start3A_793 : memref<1x128xf32, #tpu.memory_space<vmem>> -> memref<128xf32, #tpu.memory_space<vmem>>
    %dma_start3A_795 = arith.constant 0 : i32
    %dma_start3A_796 = tpu.memref_slice %arg9[%dma_start3A_790, %dma_start3A_795] : memref<85x128xi32, #tpu.memory_space<vmem>> -> memref<1x128xi32, #tpu.memory_space<vmem>>
    %dma_start3A_797 = tpu.memref_squeeze %dma_start3A_796 : memref<1x128xi32, #tpu.memory_space<vmem>> -> memref<128xi32, #tpu.memory_space<vmem>>
    %dma_start3A_798 = arith.constant 0 : i32
    %dma_start3A_799 = tpu.memref_slice %arg2[%dma_start3A_798] : memref<16711680xf32, #tpu.memory_space<hbm>> -> memref<16711680xf32, #tpu.memory_space<hbm>>
    tpu.enqueue_indirect_dma source(%dma_start3A_799 : memref<16711680xf32, #tpu.memory_space<hbm>>) target(%dma_start3A_794 : memref<128xf32, #tpu.memory_space<vmem>>) offsets(%dma_start3A_797 : memref<128xi32, #tpu.memory_space<vmem>>) semaphore(%arg14 : memref<!tpu.dma_semaphore, #tpu.memory_space<semaphore_mem>>)
    %dma_start3A_800 = arith.constant 80 : i32
    %dma_start3A_801 = arith.constant 80 : i32
    %dma_start3A_802 = arith.constant 0 : i32
    %dma_start3A_803 = tpu.memref_slice %arg10[%dma_start3A_801, %dma_start3A_802] : memref<85x128xf32, #tpu.memory_space<vmem>> -> memref<1x128xf32, #tpu.memory_space<vmem>>
    %dma_start3A_804 = tpu.memref_squeeze %dma_start3A_803 : memref<1x128xf32, #tpu.memory_space<vmem>> -> memref<128xf32, #tpu.memory_space<vmem>>
    %dma_start3A_805 = arith.constant 0 : i32
    %dma_start3A_806 = tpu.memref_slice %arg9[%dma_start3A_800, %dma_start3A_805] : memref<85x128xi32, #tpu.memory_space<vmem>> -> memref<1x128xi32, #tpu.memory_space<vmem>>
    %dma_start3A_807 = tpu.memref_squeeze %dma_start3A_806 : memref<1x128xi32, #tpu.memory_space<vmem>> -> memref<128xi32, #tpu.memory_space<vmem>>
    %dma_start3A_808 = arith.constant 0 : i32
    %dma_start3A_809 = tpu.memref_slice %arg2[%dma_start3A_808] : memref<16711680xf32, #tpu.memory_space<hbm>> -> memref<16711680xf32, #tpu.memory_space<hbm>>
    tpu.enqueue_indirect_dma source(%dma_start3A_809 : memref<16711680xf32, #tpu.memory_space<hbm>>) target(%dma_start3A_804 : memref<128xf32, #tpu.memory_space<vmem>>) offsets(%dma_start3A_807 : memref<128xi32, #tpu.memory_space<vmem>>) semaphore(%arg14 : memref<!tpu.dma_semaphore, #tpu.memory_space<semaphore_mem>>)
    %dma_start3A_810 = arith.constant 81 : i32
    %dma_start3A_811 = arith.constant 81 : i32
    %dma_start3A_812 = arith.constant 0 : i32
    %dma_start3A_813 = tpu.memref_slice %arg10[%dma_start3A_811, %dma_start3A_812] : memref<85x128xf32, #tpu.memory_space<vmem>> -> memref<1x128xf32, #tpu.memory_space<vmem>>
    %dma_start3A_814 = tpu.memref_squeeze %dma_start3A_813 : memref<1x128xf32, #tpu.memory_space<vmem>> -> memref<128xf32, #tpu.memory_space<vmem>>
    %dma_start3A_815 = arith.constant 0 : i32
    %dma_start3A_816 = tpu.memref_slice %arg9[%dma_start3A_810, %dma_start3A_815] : memref<85x128xi32, #tpu.memory_space<vmem>> -> memref<1x128xi32, #tpu.memory_space<vmem>>
    %dma_start3A_817 = tpu.memref_squeeze %dma_start3A_816 : memref<1x128xi32, #tpu.memory_space<vmem>> -> memref<128xi32, #tpu.memory_space<vmem>>
    %dma_start3A_818 = arith.constant 0 : i32
    %dma_start3A_819 = tpu.memref_slice %arg2[%dma_start3A_818] : memref<16711680xf32, #tpu.memory_space<hbm>> -> memref<16711680xf32, #tpu.memory_space<hbm>>
    tpu.enqueue_indirect_dma source(%dma_start3A_819 : memref<16711680xf32, #tpu.memory_space<hbm>>) target(%dma_start3A_814 : memref<128xf32, #tpu.memory_space<vmem>>) offsets(%dma_start3A_817 : memref<128xi32, #tpu.memory_space<vmem>>) semaphore(%arg14 : memref<!tpu.dma_semaphore, #tpu.memory_space<semaphore_mem>>)
    %dma_start3A_820 = arith.constant 82 : i32
    %dma_start3A_821 = arith.constant 82 : i32
    %dma_start3A_822 = arith.constant 0 : i32
    %dma_start3A_823 = tpu.memref_slice %arg10[%dma_start3A_821, %dma_start3A_822] : memref<85x128xf32, #tpu.memory_space<vmem>> -> memref<1x128xf32, #tpu.memory_space<vmem>>
    %dma_start3A_824 = tpu.memref_squeeze %dma_start3A_823 : memref<1x128xf32, #tpu.memory_space<vmem>> -> memref<128xf32, #tpu.memory_space<vmem>>
    %dma_start3A_825 = arith.constant 0 : i32
    %dma_start3A_826 = tpu.memref_slice %arg9[%dma_start3A_820, %dma_start3A_825] : memref<85x128xi32, #tpu.memory_space<vmem>> -> memref<1x128xi32, #tpu.memory_space<vmem>>
    %dma_start3A_827 = tpu.memref_squeeze %dma_start3A_826 : memref<1x128xi32, #tpu.memory_space<vmem>> -> memref<128xi32, #tpu.memory_space<vmem>>
    %dma_start3A_828 = arith.constant 0 : i32
    %dma_start3A_829 = tpu.memref_slice %arg2[%dma_start3A_828] : memref<16711680xf32, #tpu.memory_space<hbm>> -> memref<16711680xf32, #tpu.memory_space<hbm>>
    tpu.enqueue_indirect_dma source(%dma_start3A_829 : memref<16711680xf32, #tpu.memory_space<hbm>>) target(%dma_start3A_824 : memref<128xf32, #tpu.memory_space<vmem>>) offsets(%dma_start3A_827 : memref<128xi32, #tpu.memory_space<vmem>>) semaphore(%arg14 : memref<!tpu.dma_semaphore, #tpu.memory_space<semaphore_mem>>)
    %dma_start3A_830 = arith.constant 83 : i32
    %dma_start3A_831 = arith.constant 83 : i32
    %dma_start3A_832 = arith.constant 0 : i32
    %dma_start3A_833 = tpu.memref_slice %arg10[%dma_start3A_831, %dma_start3A_832] : memref<85x128xf32, #tpu.memory_space<vmem>> -> memref<1x128xf32, #tpu.memory_space<vmem>>
    %dma_start3A_834 = tpu.memref_squeeze %dma_start3A_833 : memref<1x128xf32, #tpu.memory_space<vmem>> -> memref<128xf32, #tpu.memory_space<vmem>>
    %dma_start3A_835 = arith.constant 0 : i32
    %dma_start3A_836 = tpu.memref_slice %arg9[%dma_start3A_830, %dma_start3A_835] : memref<85x128xi32, #tpu.memory_space<vmem>> -> memref<1x128xi32, #tpu.memory_space<vmem>>
    %dma_start3A_837 = tpu.memref_squeeze %dma_start3A_836 : memref<1x128xi32, #tpu.memory_space<vmem>> -> memref<128xi32, #tpu.memory_space<vmem>>
    %dma_start3A_838 = arith.constant 0 : i32
    %dma_start3A_839 = tpu.memref_slice %arg2[%dma_start3A_838] : memref<16711680xf32, #tpu.memory_space<hbm>> -> memref<16711680xf32, #tpu.memory_space<hbm>>
    tpu.enqueue_indirect_dma source(%dma_start3A_839 : memref<16711680xf32, #tpu.memory_space<hbm>>) target(%dma_start3A_834 : memref<128xf32, #tpu.memory_space<vmem>>) offsets(%dma_start3A_837 : memref<128xi32, #tpu.memory_space<vmem>>) semaphore(%arg14 : memref<!tpu.dma_semaphore, #tpu.memory_space<semaphore_mem>>)
    %dma_start3A_840 = arith.constant 84 : i32
    %dma_start3A_841 = arith.constant 84 : i32
    %dma_start3A_842 = arith.constant 0 : i32
    %dma_start3A_843 = tpu.memref_slice %arg10[%dma_start3A_841, %dma_start3A_842] : memref<85x128xf32, #tpu.memory_space<vmem>> -> memref<1x128xf32, #tpu.memory_space<vmem>>
    %dma_start3A_844 = tpu.memref_squeeze %dma_start3A_843 : memref<1x128xf32, #tpu.memory_space<vmem>> -> memref<128xf32, #tpu.memory_space<vmem>>
    %dma_start3A_845 = arith.constant 0 : i32
    %dma_start3A_846 = tpu.memref_slice %arg9[%dma_start3A_840, %dma_start3A_845] : memref<85x128xi32, #tpu.memory_space<vmem>> -> memref<1x128xi32, #tpu.memory_space<vmem>>
    %dma_start3A_847 = tpu.memref_squeeze %dma_start3A_846 : memref<1x128xi32, #tpu.memory_space<vmem>> -> memref<128xi32, #tpu.memory_space<vmem>>
    %dma_start3A_848 = arith.constant 0 : i32
    %dma_start3A_849 = tpu.memref_slice %arg2[%dma_start3A_848] : memref<16711680xf32, #tpu.memory_space<hbm>> -> memref<16711680xf32, #tpu.memory_space<hbm>>
    tpu.enqueue_indirect_dma source(%dma_start3A_849 : memref<16711680xf32, #tpu.memory_space<hbm>>) target(%dma_start3A_844 : memref<128xf32, #tpu.memory_space<vmem>>) offsets(%dma_start3A_847 : memref<128xi32, #tpu.memory_space<vmem>>) semaphore(%arg14 : memref<!tpu.dma_semaphore, #tpu.memory_space<semaphore_mem>>)
    %eq3A = arith.constant 0 : i32
    %eq3A_850 = arith.cmpi eq, %arg0, %eq3A : i32
    %convert_element_type3A = arith.extui %eq3A_850 : i1 to i32
    %cond3A = arith.constant 0 : i32
    %cond3A_851 = arith.cmpi ne, %convert_element_type3A, %cond3A : i32
    scf.if %cond3A_851 {
      "tpu.region"() ({
        %run_scoped3A = tpu.sem_alloc : memref<!tpu.dma_semaphore, #tpu.memory_space<semaphore_mem>>
        tpu.enqueue_dma source(%arg6 : memref<12288xf32, #tpu.memory_space<hbm>>) target(%arg13 : memref<12288xf32, #tpu.memory_space<vmem>>) target_semaphore(%run_scoped3A : memref<!tpu.dma_semaphore, #tpu.memory_space<semaphore_mem>>)
        tpu.wait_dma2 semaphore(%run_scoped3A : memref<!tpu.dma_semaphore, #tpu.memory_space<semaphore_mem>>) src(%arg6 : memref<12288xf32, #tpu.memory_space<hbm>>) dst(%arg13 : memref<12288xf32, #tpu.memory_space<vmem>>)
        tpu.yield
      }) : () -> ()
      %mul3A_1701 = arith.constant 12288 : i32
      %mul3A_1702 = arith.muli %arg1, %mul3A_1701 : i32
      "tpu.region"() ({
        %run_scoped3A = tpu.sem_alloc : memref<!tpu.dma_semaphore, #tpu.memory_space<semaphore_mem>>
        %dma_start3A_1719 = tpu.memref_slice %arg8[%mul3A_1702] : memref<196608xf32, #tpu.memory_space<hbm>> -> memref<12288xf32, #tpu.memory_space<hbm>>
        %dma_start3A_1720 = tpu.memref_slice %arg8[%mul3A_1702] : memref<196608xf32, #tpu.memory_space<hbm>> -> memref<12288xf32, #tpu.memory_space<hbm>>
        tpu.enqueue_dma source(%arg13 : memref<12288xf32, #tpu.memory_space<vmem>>) target(%dma_start3A_1720 : memref<12288xf32, #tpu.memory_space<hbm>>) target_semaphore(%run_scoped3A : memref<!tpu.dma_semaphore, #tpu.memory_space<semaphore_mem>>)
        %dma_wait3A_1721 = tpu.memref_slice %arg8[%mul3A_1702] : memref<196608xf32, #tpu.memory_space<hbm>> -> memref<12288xf32, #tpu.memory_space<hbm>>
        %dma_wait3A_1722 = tpu.memref_slice %arg8[%mul3A_1702] : memref<196608xf32, #tpu.memory_space<hbm>> -> memref<12288xf32, #tpu.memory_space<hbm>>
        tpu.wait_dma2 semaphore(%run_scoped3A : memref<!tpu.dma_semaphore, #tpu.memory_space<semaphore_mem>>) src(%arg13 : memref<12288xf32, #tpu.memory_space<vmem>>) dst(%dma_wait3A_1722 : memref<12288xf32, #tpu.memory_space<hbm>>)
        tpu.yield
      }) : () -> ()
      %barrier3A = arith.constant 0 : index
      tpu.barrier barrier_id(%barrier3A)
      "tpu.region"() ({
        %run_scoped3A = tpu.sem_alloc : memref<!tpu.dma_semaphore, #tpu.memory_space<semaphore_mem>>
        tpu.enqueue_dma source(%arg5 : memref<128xf32, #tpu.memory_space<hbm>>) target(%arg12 : memref<128xf32, #tpu.memory_space<vmem>>) target_semaphore(%run_scoped3A : memref<!tpu.dma_semaphore, #tpu.memory_space<semaphore_mem>>)
        tpu.wait_dma2 semaphore(%run_scoped3A : memref<!tpu.dma_semaphore, #tpu.memory_space<semaphore_mem>>) src(%arg5 : memref<128xf32, #tpu.memory_space<hbm>>) dst(%arg12 : memref<128xf32, #tpu.memory_space<vmem>>)
        tpu.yield
      }) : () -> ()
      %mul3A_1703 = arith.constant 2 : i32
      %mul3A_1704 = arith.muli %arg1, %mul3A_1703 : i32
      %add3A_1705 = arith.constant 0 : i32
      %add3A_1706 = arith.addi %mul3A_1704, %add3A_1705 : i32
      "tpu.region"() ({
        %run_scoped3A = tpu.sem_alloc : memref<!tpu.dma_semaphore, #tpu.memory_space<semaphore_mem>>
        %dma_start3A_1719 = arith.constant 0 : i32
        %dma_start3A_1720 = tpu.memref_slice %arg3[%add3A_1706, %dma_start3A_1719] : memref<32x128xi32, #tpu.memory_space<hbm>> -> memref<1x128xi32, #tpu.memory_space<hbm>>
        %dma_start3A_1721 = tpu.memref_squeeze %dma_start3A_1720 : memref<1x128xi32, #tpu.memory_space<hbm>> -> memref<128xi32, #tpu.memory_space<hbm>>
        %dma_start3A_1722 = arith.constant 0 : i32
        %dma_start3A_1723 = tpu.memref_slice %arg3[%add3A_1706, %dma_start3A_1722] : memref<32x128xi32, #tpu.memory_space<hbm>> -> memref<1x128xi32, #tpu.memory_space<hbm>>
        %dma_start3A_1724 = tpu.memref_squeeze %dma_start3A_1723 : memref<1x128xi32, #tpu.memory_space<hbm>> -> memref<128xi32, #tpu.memory_space<hbm>>
        tpu.enqueue_dma source(%dma_start3A_1724 : memref<128xi32, #tpu.memory_space<hbm>>) target(%arg11 : memref<128xi32, #tpu.memory_space<vmem>>) target_semaphore(%run_scoped3A : memref<!tpu.dma_semaphore, #tpu.memory_space<semaphore_mem>>)
        %dma_wait3A_1725 = arith.constant 0 : i32
        %dma_wait3A_1726 = tpu.memref_slice %arg3[%add3A_1706, %dma_wait3A_1725] : memref<32x128xi32, #tpu.memory_space<hbm>> -> memref<1x128xi32, #tpu.memory_space<hbm>>
        %dma_wait3A_1727 = tpu.memref_squeeze %dma_wait3A_1726 : memref<1x128xi32, #tpu.memory_space<hbm>> -> memref<128xi32, #tpu.memory_space<hbm>>
        %dma_wait3A_1728 = arith.constant 0 : i32
        %dma_wait3A_1729 = tpu.memref_slice %arg3[%add3A_1706, %dma_wait3A_1728] : memref<32x128xi32, #tpu.memory_space<hbm>> -> memref<1x128xi32, #tpu.memory_space<hbm>>
        %dma_wait3A_1730 = tpu.memref_squeeze %dma_wait3A_1729 : memref<1x128xi32, #tpu.memory_space<hbm>> -> memref<128xi32, #tpu.memory_space<hbm>>
        tpu.wait_dma2 semaphore(%run_scoped3A : memref<!tpu.dma_semaphore, #tpu.memory_space<semaphore_mem>>) src(%dma_wait3A_1730 : memref<128xi32, #tpu.memory_space<hbm>>) dst(%arg11 : memref<128xi32, #tpu.memory_space<vmem>>)
        tpu.yield
      }) : () -> ()
      %dma_start3A_1707 = arith.constant 0 : i32
      %dma_start3A_1708 = tpu.memref_slice %arg8[%dma_start3A_1707] : memref<196608xf32, #tpu.memory_space<hbm>> -> memref<196608xf32, #tpu.memory_space<hbm>>
      tpu.enqueue_indirect_dma source(%arg12 : memref<128xf32, #tpu.memory_space<vmem>>) target(%dma_start3A_1708 : memref<196608xf32, #tpu.memory_space<hbm>>) offsets(%arg11 : memref<128xi32, #tpu.memory_space<vmem>>) semaphore(%arg15 : memref<!tpu.dma_semaphore, #tpu.memory_space<semaphore_mem>>)
      %dma_wait3A_1709 = arith.constant 0 : i32
      %dma_wait3A_1710 = tpu.memref_slice %arg8[%dma_wait3A_1709] : memref<196608xf32, #tpu.memory_space<hbm>> -> memref<196608xf32, #tpu.memory_space<hbm>>
      tpu.wait_indirect_dma semaphore(%arg15 : memref<!tpu.dma_semaphore, #tpu.memory_space<semaphore_mem>>) src(%arg12 : memref<128xf32, #tpu.memory_space<vmem>>) dst(%dma_wait3A_1710 : memref<196608xf32, #tpu.memory_space<hbm>>)
      %mul3A_1711 = arith.constant 2 : i32
      %mul3A_1712 = arith.muli %arg1, %mul3A_1711 : i32
      %add3A_1713 = arith.constant 1 : i32
      %add3A_1714 = arith.addi %mul3A_1712, %add3A_1713 : i32
      "tpu.region"() ({
        %run_scoped3A = tpu.sem_alloc : memref<!tpu.dma_semaphore, #tpu.memory_space<semaphore_mem>>
        %dma_start3A_1719 = arith.constant 0 : i32
        %dma_start3A_1720 = tpu.memref_slice %arg3[%add3A_1714, %dma_start3A_1719] : memref<32x128xi32, #tpu.memory_space<hbm>> -> memref<1x128xi32, #tpu.memory_space<hbm>>
        %dma_start3A_1721 = tpu.memref_squeeze %dma_start3A_1720 : memref<1x128xi32, #tpu.memory_space<hbm>> -> memref<128xi32, #tpu.memory_space<hbm>>
        %dma_start3A_1722 = arith.constant 0 : i32
        %dma_start3A_1723 = tpu.memref_slice %arg3[%add3A_1714, %dma_start3A_1722] : memref<32x128xi32, #tpu.memory_space<hbm>> -> memref<1x128xi32, #tpu.memory_space<hbm>>
        %dma_start3A_1724 = tpu.memref_squeeze %dma_start3A_1723 : memref<1x128xi32, #tpu.memory_space<hbm>> -> memref<128xi32, #tpu.memory_space<hbm>>
        tpu.enqueue_dma source(%dma_start3A_1724 : memref<128xi32, #tpu.memory_space<hbm>>) target(%arg11 : memref<128xi32, #tpu.memory_space<vmem>>) target_semaphore(%run_scoped3A : memref<!tpu.dma_semaphore, #tpu.memory_space<semaphore_mem>>)
        %dma_wait3A_1725 = arith.constant 0 : i32
        %dma_wait3A_1726 = tpu.memref_slice %arg3[%add3A_1714, %dma_wait3A_1725] : memref<32x128xi32, #tpu.memory_space<hbm>> -> memref<1x128xi32, #tpu.memory_space<hbm>>
        %dma_wait3A_1727 = tpu.memref_squeeze %dma_wait3A_1726 : memref<1x128xi32, #tpu.memory_space<hbm>> -> memref<128xi32, #tpu.memory_space<hbm>>
        %dma_wait3A_1728 = arith.constant 0 : i32
        %dma_wait3A_1729 = tpu.memref_slice %arg3[%add3A_1714, %dma_wait3A_1728] : memref<32x128xi32, #tpu.memory_space<hbm>> -> memref<1x128xi32, #tpu.memory_space<hbm>>
        %dma_wait3A_1730 = tpu.memref_squeeze %dma_wait3A_1729 : memref<1x128xi32, #tpu.memory_space<hbm>> -> memref<128xi32, #tpu.memory_space<hbm>>
        tpu.wait_dma2 semaphore(%run_scoped3A : memref<!tpu.dma_semaphore, #tpu.memory_space<semaphore_mem>>) src(%dma_wait3A_1730 : memref<128xi32, #tpu.memory_space<hbm>>) dst(%arg11 : memref<128xi32, #tpu.memory_space<vmem>>)
        tpu.yield
      }) : () -> ()
      %dma_start3A_1715 = arith.constant 0 : i32
      %dma_start3A_1716 = tpu.memref_slice %arg8[%dma_start3A_1715] : memref<196608xf32, #tpu.memory_space<hbm>> -> memref<196608xf32, #tpu.memory_space<hbm>>
      tpu.enqueue_indirect_dma source(%arg12 : memref<128xf32, #tpu.memory_space<vmem>>) target(%dma_start3A_1716 : memref<196608xf32, #tpu.memory_space<hbm>>) offsets(%arg11 : memref<128xi32, #tpu.memory_space<vmem>>) semaphore(%arg15 : memref<!tpu.dma_semaphore, #tpu.memory_space<semaphore_mem>>)
      %dma_wait3A_1717 = arith.constant 0 : i32
      %dma_wait3A_1718 = tpu.memref_slice %arg8[%dma_wait3A_1717] : memref<196608xf32, #tpu.memory_space<hbm>> -> memref<196608xf32, #tpu.memory_space<hbm>>
      tpu.wait_indirect_dma semaphore(%arg15 : memref<!tpu.dma_semaphore, #tpu.memory_space<semaphore_mem>>) src(%arg12 : memref<128xf32, #tpu.memory_space<vmem>>) dst(%dma_wait3A_1718 : memref<196608xf32, #tpu.memory_space<hbm>>)
    } else {
    }
    %dma_wait3A = arith.constant 0 : i32
    %dma_wait3A_852 = arith.constant 0 : i32
    %dma_wait3A_853 = arith.constant 0 : i32
    %dma_wait3A_854 = tpu.memref_slice %arg10[%dma_wait3A_852, %dma_wait3A_853] : memref<85x128xf32, #tpu.memory_space<vmem>> -> memref<1x128xf32, #tpu.memory_space<vmem>>
    %dma_wait3A_855 = tpu.memref_squeeze %dma_wait3A_854 : memref<1x128xf32, #tpu.memory_space<vmem>> -> memref<128xf32, #tpu.memory_space<vmem>>
    %dma_wait3A_856 = arith.constant 0 : i32
    %dma_wait3A_857 = tpu.memref_slice %arg9[%dma_wait3A, %dma_wait3A_856] : memref<85x128xi32, #tpu.memory_space<vmem>> -> memref<1x128xi32, #tpu.memory_space<vmem>>
    %dma_wait3A_858 = tpu.memref_squeeze %dma_wait3A_857 : memref<1x128xi32, #tpu.memory_space<vmem>> -> memref<128xi32, #tpu.memory_space<vmem>>
    %dma_wait3A_859 = arith.constant 0 : i32
    %dma_wait3A_860 = tpu.memref_slice %arg2[%dma_wait3A_859] : memref<16711680xf32, #tpu.memory_space<hbm>> -> memref<16711680xf32, #tpu.memory_space<hbm>>
    tpu.wait_indirect_dma semaphore(%arg14 : memref<!tpu.dma_semaphore, #tpu.memory_space<semaphore_mem>>) src(%dma_wait3A_860 : memref<16711680xf32, #tpu.memory_space<hbm>>) dst(%dma_wait3A_855 : memref<128xf32, #tpu.memory_space<vmem>>)
    %dma_wait3A_861 = arith.constant 1 : i32
    %dma_wait3A_862 = arith.constant 1 : i32
    %dma_wait3A_863 = arith.constant 0 : i32
    %dma_wait3A_864 = tpu.memref_slice %arg10[%dma_wait3A_862, %dma_wait3A_863] : memref<85x128xf32, #tpu.memory_space<vmem>> -> memref<1x128xf32, #tpu.memory_space<vmem>>
    %dma_wait3A_865 = tpu.memref_squeeze %dma_wait3A_864 : memref<1x128xf32, #tpu.memory_space<vmem>> -> memref<128xf32, #tpu.memory_space<vmem>>
    %dma_wait3A_866 = arith.constant 0 : i32
    %dma_wait3A_867 = tpu.memref_slice %arg9[%dma_wait3A_861, %dma_wait3A_866] : memref<85x128xi32, #tpu.memory_space<vmem>> -> memref<1x128xi32, #tpu.memory_space<vmem>>
    %dma_wait3A_868 = tpu.memref_squeeze %dma_wait3A_867 : memref<1x128xi32, #tpu.memory_space<vmem>> -> memref<128xi32, #tpu.memory_space<vmem>>
    %dma_wait3A_869 = arith.constant 0 : i32
    %dma_wait3A_870 = tpu.memref_slice %arg2[%dma_wait3A_869] : memref<16711680xf32, #tpu.memory_space<hbm>> -> memref<16711680xf32, #tpu.memory_space<hbm>>
    tpu.wait_indirect_dma semaphore(%arg14 : memref<!tpu.dma_semaphore, #tpu.memory_space<semaphore_mem>>) src(%dma_wait3A_870 : memref<16711680xf32, #tpu.memory_space<hbm>>) dst(%dma_wait3A_865 : memref<128xf32, #tpu.memory_space<vmem>>)
    %dma_wait3A_871 = arith.constant 2 : i32
    %dma_wait3A_872 = arith.constant 2 : i32
    %dma_wait3A_873 = arith.constant 0 : i32
    %dma_wait3A_874 = tpu.memref_slice %arg10[%dma_wait3A_872, %dma_wait3A_873] : memref<85x128xf32, #tpu.memory_space<vmem>> -> memref<1x128xf32, #tpu.memory_space<vmem>>
    %dma_wait3A_875 = tpu.memref_squeeze %dma_wait3A_874 : memref<1x128xf32, #tpu.memory_space<vmem>> -> memref<128xf32, #tpu.memory_space<vmem>>
    %dma_wait3A_876 = arith.constant 0 : i32
    %dma_wait3A_877 = tpu.memref_slice %arg9[%dma_wait3A_871, %dma_wait3A_876] : memref<85x128xi32, #tpu.memory_space<vmem>> -> memref<1x128xi32, #tpu.memory_space<vmem>>
    %dma_wait3A_878 = tpu.memref_squeeze %dma_wait3A_877 : memref<1x128xi32, #tpu.memory_space<vmem>> -> memref<128xi32, #tpu.memory_space<vmem>>
    %dma_wait3A_879 = arith.constant 0 : i32
    %dma_wait3A_880 = tpu.memref_slice %arg2[%dma_wait3A_879] : memref<16711680xf32, #tpu.memory_space<hbm>> -> memref<16711680xf32, #tpu.memory_space<hbm>>
    tpu.wait_indirect_dma semaphore(%arg14 : memref<!tpu.dma_semaphore, #tpu.memory_space<semaphore_mem>>) src(%dma_wait3A_880 : memref<16711680xf32, #tpu.memory_space<hbm>>) dst(%dma_wait3A_875 : memref<128xf32, #tpu.memory_space<vmem>>)
    %dma_wait3A_881 = arith.constant 3 : i32
    %dma_wait3A_882 = arith.constant 3 : i32
    %dma_wait3A_883 = arith.constant 0 : i32
    %dma_wait3A_884 = tpu.memref_slice %arg10[%dma_wait3A_882, %dma_wait3A_883] : memref<85x128xf32, #tpu.memory_space<vmem>> -> memref<1x128xf32, #tpu.memory_space<vmem>>
    %dma_wait3A_885 = tpu.memref_squeeze %dma_wait3A_884 : memref<1x128xf32, #tpu.memory_space<vmem>> -> memref<128xf32, #tpu.memory_space<vmem>>
    %dma_wait3A_886 = arith.constant 0 : i32
    %dma_wait3A_887 = tpu.memref_slice %arg9[%dma_wait3A_881, %dma_wait3A_886] : memref<85x128xi32, #tpu.memory_space<vmem>> -> memref<1x128xi32, #tpu.memory_space<vmem>>
    %dma_wait3A_888 = tpu.memref_squeeze %dma_wait3A_887 : memref<1x128xi32, #tpu.memory_space<vmem>> -> memref<128xi32, #tpu.memory_space<vmem>>
    %dma_wait3A_889 = arith.constant 0 : i32
    %dma_wait3A_890 = tpu.memref_slice %arg2[%dma_wait3A_889] : memref<16711680xf32, #tpu.memory_space<hbm>> -> memref<16711680xf32, #tpu.memory_space<hbm>>
    tpu.wait_indirect_dma semaphore(%arg14 : memref<!tpu.dma_semaphore, #tpu.memory_space<semaphore_mem>>) src(%dma_wait3A_890 : memref<16711680xf32, #tpu.memory_space<hbm>>) dst(%dma_wait3A_885 : memref<128xf32, #tpu.memory_space<vmem>>)
    %dma_wait3A_891 = arith.constant 4 : i32
    %dma_wait3A_892 = arith.constant 4 : i32
    %dma_wait3A_893 = arith.constant 0 : i32
    %dma_wait3A_894 = tpu.memref_slice %arg10[%dma_wait3A_892, %dma_wait3A_893] : memref<85x128xf32, #tpu.memory_space<vmem>> -> memref<1x128xf32, #tpu.memory_space<vmem>>
    %dma_wait3A_895 = tpu.memref_squeeze %dma_wait3A_894 : memref<1x128xf32, #tpu.memory_space<vmem>> -> memref<128xf32, #tpu.memory_space<vmem>>
    %dma_wait3A_896 = arith.constant 0 : i32
    %dma_wait3A_897 = tpu.memref_slice %arg9[%dma_wait3A_891, %dma_wait3A_896] : memref<85x128xi32, #tpu.memory_space<vmem>> -> memref<1x128xi32, #tpu.memory_space<vmem>>
    %dma_wait3A_898 = tpu.memref_squeeze %dma_wait3A_897 : memref<1x128xi32, #tpu.memory_space<vmem>> -> memref<128xi32, #tpu.memory_space<vmem>>
    %dma_wait3A_899 = arith.constant 0 : i32
    %dma_wait3A_900 = tpu.memref_slice %arg2[%dma_wait3A_899] : memref<16711680xf32, #tpu.memory_space<hbm>> -> memref<16711680xf32, #tpu.memory_space<hbm>>
    tpu.wait_indirect_dma semaphore(%arg14 : memref<!tpu.dma_semaphore, #tpu.memory_space<semaphore_mem>>) src(%dma_wait3A_900 : memref<16711680xf32, #tpu.memory_space<hbm>>) dst(%dma_wait3A_895 : memref<128xf32, #tpu.memory_space<vmem>>)
    %dma_wait3A_901 = arith.constant 5 : i32
    %dma_wait3A_902 = arith.constant 5 : i32
    %dma_wait3A_903 = arith.constant 0 : i32
    %dma_wait3A_904 = tpu.memref_slice %arg10[%dma_wait3A_902, %dma_wait3A_903] : memref<85x128xf32, #tpu.memory_space<vmem>> -> memref<1x128xf32, #tpu.memory_space<vmem>>
    %dma_wait3A_905 = tpu.memref_squeeze %dma_wait3A_904 : memref<1x128xf32, #tpu.memory_space<vmem>> -> memref<128xf32, #tpu.memory_space<vmem>>
    %dma_wait3A_906 = arith.constant 0 : i32
    %dma_wait3A_907 = tpu.memref_slice %arg9[%dma_wait3A_901, %dma_wait3A_906] : memref<85x128xi32, #tpu.memory_space<vmem>> -> memref<1x128xi32, #tpu.memory_space<vmem>>
    %dma_wait3A_908 = tpu.memref_squeeze %dma_wait3A_907 : memref<1x128xi32, #tpu.memory_space<vmem>> -> memref<128xi32, #tpu.memory_space<vmem>>
    %dma_wait3A_909 = arith.constant 0 : i32
    %dma_wait3A_910 = tpu.memref_slice %arg2[%dma_wait3A_909] : memref<16711680xf32, #tpu.memory_space<hbm>> -> memref<16711680xf32, #tpu.memory_space<hbm>>
    tpu.wait_indirect_dma semaphore(%arg14 : memref<!tpu.dma_semaphore, #tpu.memory_space<semaphore_mem>>) src(%dma_wait3A_910 : memref<16711680xf32, #tpu.memory_space<hbm>>) dst(%dma_wait3A_905 : memref<128xf32, #tpu.memory_space<vmem>>)
    %dma_wait3A_911 = arith.constant 6 : i32
    %dma_wait3A_912 = arith.constant 6 : i32
    %dma_wait3A_913 = arith.constant 0 : i32
    %dma_wait3A_914 = tpu.memref_slice %arg10[%dma_wait3A_912, %dma_wait3A_913] : memref<85x128xf32, #tpu.memory_space<vmem>> -> memref<1x128xf32, #tpu.memory_space<vmem>>
    %dma_wait3A_915 = tpu.memref_squeeze %dma_wait3A_914 : memref<1x128xf32, #tpu.memory_space<vmem>> -> memref<128xf32, #tpu.memory_space<vmem>>
    %dma_wait3A_916 = arith.constant 0 : i32
    %dma_wait3A_917 = tpu.memref_slice %arg9[%dma_wait3A_911, %dma_wait3A_916] : memref<85x128xi32, #tpu.memory_space<vmem>> -> memref<1x128xi32, #tpu.memory_space<vmem>>
    %dma_wait3A_918 = tpu.memref_squeeze %dma_wait3A_917 : memref<1x128xi32, #tpu.memory_space<vmem>> -> memref<128xi32, #tpu.memory_space<vmem>>
    %dma_wait3A_919 = arith.constant 0 : i32
    %dma_wait3A_920 = tpu.memref_slice %arg2[%dma_wait3A_919] : memref<16711680xf32, #tpu.memory_space<hbm>> -> memref<16711680xf32, #tpu.memory_space<hbm>>
    tpu.wait_indirect_dma semaphore(%arg14 : memref<!tpu.dma_semaphore, #tpu.memory_space<semaphore_mem>>) src(%dma_wait3A_920 : memref<16711680xf32, #tpu.memory_space<hbm>>) dst(%dma_wait3A_915 : memref<128xf32, #tpu.memory_space<vmem>>)
    %dma_wait3A_921 = arith.constant 7 : i32
    %dma_wait3A_922 = arith.constant 7 : i32
    %dma_wait3A_923 = arith.constant 0 : i32
    %dma_wait3A_924 = tpu.memref_slice %arg10[%dma_wait3A_922, %dma_wait3A_923] : memref<85x128xf32, #tpu.memory_space<vmem>> -> memref<1x128xf32, #tpu.memory_space<vmem>>
    %dma_wait3A_925 = tpu.memref_squeeze %dma_wait3A_924 : memref<1x128xf32, #tpu.memory_space<vmem>> -> memref<128xf32, #tpu.memory_space<vmem>>
    %dma_wait3A_926 = arith.constant 0 : i32
    %dma_wait3A_927 = tpu.memref_slice %arg9[%dma_wait3A_921, %dma_wait3A_926] : memref<85x128xi32, #tpu.memory_space<vmem>> -> memref<1x128xi32, #tpu.memory_space<vmem>>
    %dma_wait3A_928 = tpu.memref_squeeze %dma_wait3A_927 : memref<1x128xi32, #tpu.memory_space<vmem>> -> memref<128xi32, #tpu.memory_space<vmem>>
    %dma_wait3A_929 = arith.constant 0 : i32
    %dma_wait3A_930 = tpu.memref_slice %arg2[%dma_wait3A_929] : memref<16711680xf32, #tpu.memory_space<hbm>> -> memref<16711680xf32, #tpu.memory_space<hbm>>
    tpu.wait_indirect_dma semaphore(%arg14 : memref<!tpu.dma_semaphore, #tpu.memory_space<semaphore_mem>>) src(%dma_wait3A_930 : memref<16711680xf32, #tpu.memory_space<hbm>>) dst(%dma_wait3A_925 : memref<128xf32, #tpu.memory_space<vmem>>)
    %dma_wait3A_931 = arith.constant 8 : i32
    %dma_wait3A_932 = arith.constant 8 : i32
    %dma_wait3A_933 = arith.constant 0 : i32
    %dma_wait3A_934 = tpu.memref_slice %arg10[%dma_wait3A_932, %dma_wait3A_933] : memref<85x128xf32, #tpu.memory_space<vmem>> -> memref<1x128xf32, #tpu.memory_space<vmem>>
    %dma_wait3A_935 = tpu.memref_squeeze %dma_wait3A_934 : memref<1x128xf32, #tpu.memory_space<vmem>> -> memref<128xf32, #tpu.memory_space<vmem>>
    %dma_wait3A_936 = arith.constant 0 : i32
    %dma_wait3A_937 = tpu.memref_slice %arg9[%dma_wait3A_931, %dma_wait3A_936] : memref<85x128xi32, #tpu.memory_space<vmem>> -> memref<1x128xi32, #tpu.memory_space<vmem>>
    %dma_wait3A_938 = tpu.memref_squeeze %dma_wait3A_937 : memref<1x128xi32, #tpu.memory_space<vmem>> -> memref<128xi32, #tpu.memory_space<vmem>>
    %dma_wait3A_939 = arith.constant 0 : i32
    %dma_wait3A_940 = tpu.memref_slice %arg2[%dma_wait3A_939] : memref<16711680xf32, #tpu.memory_space<hbm>> -> memref<16711680xf32, #tpu.memory_space<hbm>>
    tpu.wait_indirect_dma semaphore(%arg14 : memref<!tpu.dma_semaphore, #tpu.memory_space<semaphore_mem>>) src(%dma_wait3A_940 : memref<16711680xf32, #tpu.memory_space<hbm>>) dst(%dma_wait3A_935 : memref<128xf32, #tpu.memory_space<vmem>>)
    %dma_wait3A_941 = arith.constant 9 : i32
    %dma_wait3A_942 = arith.constant 9 : i32
    %dma_wait3A_943 = arith.constant 0 : i32
    %dma_wait3A_944 = tpu.memref_slice %arg10[%dma_wait3A_942, %dma_wait3A_943] : memref<85x128xf32, #tpu.memory_space<vmem>> -> memref<1x128xf32, #tpu.memory_space<vmem>>
    %dma_wait3A_945 = tpu.memref_squeeze %dma_wait3A_944 : memref<1x128xf32, #tpu.memory_space<vmem>> -> memref<128xf32, #tpu.memory_space<vmem>>
    %dma_wait3A_946 = arith.constant 0 : i32
    %dma_wait3A_947 = tpu.memref_slice %arg9[%dma_wait3A_941, %dma_wait3A_946] : memref<85x128xi32, #tpu.memory_space<vmem>> -> memref<1x128xi32, #tpu.memory_space<vmem>>
    %dma_wait3A_948 = tpu.memref_squeeze %dma_wait3A_947 : memref<1x128xi32, #tpu.memory_space<vmem>> -> memref<128xi32, #tpu.memory_space<vmem>>
    %dma_wait3A_949 = arith.constant 0 : i32
    %dma_wait3A_950 = tpu.memref_slice %arg2[%dma_wait3A_949] : memref<16711680xf32, #tpu.memory_space<hbm>> -> memref<16711680xf32, #tpu.memory_space<hbm>>
    tpu.wait_indirect_dma semaphore(%arg14 : memref<!tpu.dma_semaphore, #tpu.memory_space<semaphore_mem>>) src(%dma_wait3A_950 : memref<16711680xf32, #tpu.memory_space<hbm>>) dst(%dma_wait3A_945 : memref<128xf32, #tpu.memory_space<vmem>>)
    %dma_wait3A_951 = arith.constant 10 : i32
    %dma_wait3A_952 = arith.constant 10 : i32
    %dma_wait3A_953 = arith.constant 0 : i32
    %dma_wait3A_954 = tpu.memref_slice %arg10[%dma_wait3A_952, %dma_wait3A_953] : memref<85x128xf32, #tpu.memory_space<vmem>> -> memref<1x128xf32, #tpu.memory_space<vmem>>
    %dma_wait3A_955 = tpu.memref_squeeze %dma_wait3A_954 : memref<1x128xf32, #tpu.memory_space<vmem>> -> memref<128xf32, #tpu.memory_space<vmem>>
    %dma_wait3A_956 = arith.constant 0 : i32
    %dma_wait3A_957 = tpu.memref_slice %arg9[%dma_wait3A_951, %dma_wait3A_956] : memref<85x128xi32, #tpu.memory_space<vmem>> -> memref<1x128xi32, #tpu.memory_space<vmem>>
    %dma_wait3A_958 = tpu.memref_squeeze %dma_wait3A_957 : memref<1x128xi32, #tpu.memory_space<vmem>> -> memref<128xi32, #tpu.memory_space<vmem>>
    %dma_wait3A_959 = arith.constant 0 : i32
    %dma_wait3A_960 = tpu.memref_slice %arg2[%dma_wait3A_959] : memref<16711680xf32, #tpu.memory_space<hbm>> -> memref<16711680xf32, #tpu.memory_space<hbm>>
    tpu.wait_indirect_dma semaphore(%arg14 : memref<!tpu.dma_semaphore, #tpu.memory_space<semaphore_mem>>) src(%dma_wait3A_960 : memref<16711680xf32, #tpu.memory_space<hbm>>) dst(%dma_wait3A_955 : memref<128xf32, #tpu.memory_space<vmem>>)
    %dma_wait3A_961 = arith.constant 11 : i32
    %dma_wait3A_962 = arith.constant 11 : i32
    %dma_wait3A_963 = arith.constant 0 : i32
    %dma_wait3A_964 = tpu.memref_slice %arg10[%dma_wait3A_962, %dma_wait3A_963] : memref<85x128xf32, #tpu.memory_space<vmem>> -> memref<1x128xf32, #tpu.memory_space<vmem>>
    %dma_wait3A_965 = tpu.memref_squeeze %dma_wait3A_964 : memref<1x128xf32, #tpu.memory_space<vmem>> -> memref<128xf32, #tpu.memory_space<vmem>>
    %dma_wait3A_966 = arith.constant 0 : i32
    %dma_wait3A_967 = tpu.memref_slice %arg9[%dma_wait3A_961, %dma_wait3A_966] : memref<85x128xi32, #tpu.memory_space<vmem>> -> memref<1x128xi32, #tpu.memory_space<vmem>>
    %dma_wait3A_968 = tpu.memref_squeeze %dma_wait3A_967 : memref<1x128xi32, #tpu.memory_space<vmem>> -> memref<128xi32, #tpu.memory_space<vmem>>
    %dma_wait3A_969 = arith.constant 0 : i32
    %dma_wait3A_970 = tpu.memref_slice %arg2[%dma_wait3A_969] : memref<16711680xf32, #tpu.memory_space<hbm>> -> memref<16711680xf32, #tpu.memory_space<hbm>>
    tpu.wait_indirect_dma semaphore(%arg14 : memref<!tpu.dma_semaphore, #tpu.memory_space<semaphore_mem>>) src(%dma_wait3A_970 : memref<16711680xf32, #tpu.memory_space<hbm>>) dst(%dma_wait3A_965 : memref<128xf32, #tpu.memory_space<vmem>>)
    %dma_wait3A_971 = arith.constant 12 : i32
    %dma_wait3A_972 = arith.constant 12 : i32
    %dma_wait3A_973 = arith.constant 0 : i32
    %dma_wait3A_974 = tpu.memref_slice %arg10[%dma_wait3A_972, %dma_wait3A_973] : memref<85x128xf32, #tpu.memory_space<vmem>> -> memref<1x128xf32, #tpu.memory_space<vmem>>
    %dma_wait3A_975 = tpu.memref_squeeze %dma_wait3A_974 : memref<1x128xf32, #tpu.memory_space<vmem>> -> memref<128xf32, #tpu.memory_space<vmem>>
    %dma_wait3A_976 = arith.constant 0 : i32
    %dma_wait3A_977 = tpu.memref_slice %arg9[%dma_wait3A_971, %dma_wait3A_976] : memref<85x128xi32, #tpu.memory_space<vmem>> -> memref<1x128xi32, #tpu.memory_space<vmem>>
    %dma_wait3A_978 = tpu.memref_squeeze %dma_wait3A_977 : memref<1x128xi32, #tpu.memory_space<vmem>> -> memref<128xi32, #tpu.memory_space<vmem>>
    %dma_wait3A_979 = arith.constant 0 : i32
    %dma_wait3A_980 = tpu.memref_slice %arg2[%dma_wait3A_979] : memref<16711680xf32, #tpu.memory_space<hbm>> -> memref<16711680xf32, #tpu.memory_space<hbm>>
    tpu.wait_indirect_dma semaphore(%arg14 : memref<!tpu.dma_semaphore, #tpu.memory_space<semaphore_mem>>) src(%dma_wait3A_980 : memref<16711680xf32, #tpu.memory_space<hbm>>) dst(%dma_wait3A_975 : memref<128xf32, #tpu.memory_space<vmem>>)
    %dma_wait3A_981 = arith.constant 13 : i32
    %dma_wait3A_982 = arith.constant 13 : i32
    %dma_wait3A_983 = arith.constant 0 : i32
    %dma_wait3A_984 = tpu.memref_slice %arg10[%dma_wait3A_982, %dma_wait3A_983] : memref<85x128xf32, #tpu.memory_space<vmem>> -> memref<1x128xf32, #tpu.memory_space<vmem>>
    %dma_wait3A_985 = tpu.memref_squeeze %dma_wait3A_984 : memref<1x128xf32, #tpu.memory_space<vmem>> -> memref<128xf32, #tpu.memory_space<vmem>>
    %dma_wait3A_986 = arith.constant 0 : i32
    %dma_wait3A_987 = tpu.memref_slice %arg9[%dma_wait3A_981, %dma_wait3A_986] : memref<85x128xi32, #tpu.memory_space<vmem>> -> memref<1x128xi32, #tpu.memory_space<vmem>>
    %dma_wait3A_988 = tpu.memref_squeeze %dma_wait3A_987 : memref<1x128xi32, #tpu.memory_space<vmem>> -> memref<128xi32, #tpu.memory_space<vmem>>
    %dma_wait3A_989 = arith.constant 0 : i32
    %dma_wait3A_990 = tpu.memref_slice %arg2[%dma_wait3A_989] : memref<16711680xf32, #tpu.memory_space<hbm>> -> memref<16711680xf32, #tpu.memory_space<hbm>>
    tpu.wait_indirect_dma semaphore(%arg14 : memref<!tpu.dma_semaphore, #tpu.memory_space<semaphore_mem>>) src(%dma_wait3A_990 : memref<16711680xf32, #tpu.memory_space<hbm>>) dst(%dma_wait3A_985 : memref<128xf32, #tpu.memory_space<vmem>>)
    %dma_wait3A_991 = arith.constant 14 : i32
    %dma_wait3A_992 = arith.constant 14 : i32
    %dma_wait3A_993 = arith.constant 0 : i32
    %dma_wait3A_994 = tpu.memref_slice %arg10[%dma_wait3A_992, %dma_wait3A_993] : memref<85x128xf32, #tpu.memory_space<vmem>> -> memref<1x128xf32, #tpu.memory_space<vmem>>
    %dma_wait3A_995 = tpu.memref_squeeze %dma_wait3A_994 : memref<1x128xf32, #tpu.memory_space<vmem>> -> memref<128xf32, #tpu.memory_space<vmem>>
    %dma_wait3A_996 = arith.constant 0 : i32
    %dma_wait3A_997 = tpu.memref_slice %arg9[%dma_wait3A_991, %dma_wait3A_996] : memref<85x128xi32, #tpu.memory_space<vmem>> -> memref<1x128xi32, #tpu.memory_space<vmem>>
    %dma_wait3A_998 = tpu.memref_squeeze %dma_wait3A_997 : memref<1x128xi32, #tpu.memory_space<vmem>> -> memref<128xi32, #tpu.memory_space<vmem>>
    %dma_wait3A_999 = arith.constant 0 : i32
    %dma_wait3A_1000 = tpu.memref_slice %arg2[%dma_wait3A_999] : memref<16711680xf32, #tpu.memory_space<hbm>> -> memref<16711680xf32, #tpu.memory_space<hbm>>
    tpu.wait_indirect_dma semaphore(%arg14 : memref<!tpu.dma_semaphore, #tpu.memory_space<semaphore_mem>>) src(%dma_wait3A_1000 : memref<16711680xf32, #tpu.memory_space<hbm>>) dst(%dma_wait3A_995 : memref<128xf32, #tpu.memory_space<vmem>>)
    %dma_wait3A_1001 = arith.constant 15 : i32
    %dma_wait3A_1002 = arith.constant 15 : i32
    %dma_wait3A_1003 = arith.constant 0 : i32
    %dma_wait3A_1004 = tpu.memref_slice %arg10[%dma_wait3A_1002, %dma_wait3A_1003] : memref<85x128xf32, #tpu.memory_space<vmem>> -> memref<1x128xf32, #tpu.memory_space<vmem>>
    %dma_wait3A_1005 = tpu.memref_squeeze %dma_wait3A_1004 : memref<1x128xf32, #tpu.memory_space<vmem>> -> memref<128xf32, #tpu.memory_space<vmem>>
    %dma_wait3A_1006 = arith.constant 0 : i32
    %dma_wait3A_1007 = tpu.memref_slice %arg9[%dma_wait3A_1001, %dma_wait3A_1006] : memref<85x128xi32, #tpu.memory_space<vmem>> -> memref<1x128xi32, #tpu.memory_space<vmem>>
    %dma_wait3A_1008 = tpu.memref_squeeze %dma_wait3A_1007 : memref<1x128xi32, #tpu.memory_space<vmem>> -> memref<128xi32, #tpu.memory_space<vmem>>
    %dma_wait3A_1009 = arith.constant 0 : i32
    %dma_wait3A_1010 = tpu.memref_slice %arg2[%dma_wait3A_1009] : memref<16711680xf32, #tpu.memory_space<hbm>> -> memref<16711680xf32, #tpu.memory_space<hbm>>
    tpu.wait_indirect_dma semaphore(%arg14 : memref<!tpu.dma_semaphore, #tpu.memory_space<semaphore_mem>>) src(%dma_wait3A_1010 : memref<16711680xf32, #tpu.memory_space<hbm>>) dst(%dma_wait3A_1005 : memref<128xf32, #tpu.memory_space<vmem>>)
    %dma_wait3A_1011 = arith.constant 16 : i32
    %dma_wait3A_1012 = arith.constant 16 : i32
    %dma_wait3A_1013 = arith.constant 0 : i32
    %dma_wait3A_1014 = tpu.memref_slice %arg10[%dma_wait3A_1012, %dma_wait3A_1013] : memref<85x128xf32, #tpu.memory_space<vmem>> -> memref<1x128xf32, #tpu.memory_space<vmem>>
    %dma_wait3A_1015 = tpu.memref_squeeze %dma_wait3A_1014 : memref<1x128xf32, #tpu.memory_space<vmem>> -> memref<128xf32, #tpu.memory_space<vmem>>
    %dma_wait3A_1016 = arith.constant 0 : i32
    %dma_wait3A_1017 = tpu.memref_slice %arg9[%dma_wait3A_1011, %dma_wait3A_1016] : memref<85x128xi32, #tpu.memory_space<vmem>> -> memref<1x128xi32, #tpu.memory_space<vmem>>
    %dma_wait3A_1018 = tpu.memref_squeeze %dma_wait3A_1017 : memref<1x128xi32, #tpu.memory_space<vmem>> -> memref<128xi32, #tpu.memory_space<vmem>>
    %dma_wait3A_1019 = arith.constant 0 : i32
    %dma_wait3A_1020 = tpu.memref_slice %arg2[%dma_wait3A_1019] : memref<16711680xf32, #tpu.memory_space<hbm>> -> memref<16711680xf32, #tpu.memory_space<hbm>>
    tpu.wait_indirect_dma semaphore(%arg14 : memref<!tpu.dma_semaphore, #tpu.memory_space<semaphore_mem>>) src(%dma_wait3A_1020 : memref<16711680xf32, #tpu.memory_space<hbm>>) dst(%dma_wait3A_1015 : memref<128xf32, #tpu.memory_space<vmem>>)
    %dma_wait3A_1021 = arith.constant 17 : i32
    %dma_wait3A_1022 = arith.constant 17 : i32
    %dma_wait3A_1023 = arith.constant 0 : i32
    %dma_wait3A_1024 = tpu.memref_slice %arg10[%dma_wait3A_1022, %dma_wait3A_1023] : memref<85x128xf32, #tpu.memory_space<vmem>> -> memref<1x128xf32, #tpu.memory_space<vmem>>
    %dma_wait3A_1025 = tpu.memref_squeeze %dma_wait3A_1024 : memref<1x128xf32, #tpu.memory_space<vmem>> -> memref<128xf32, #tpu.memory_space<vmem>>
    %dma_wait3A_1026 = arith.constant 0 : i32
    %dma_wait3A_1027 = tpu.memref_slice %arg9[%dma_wait3A_1021, %dma_wait3A_1026] : memref<85x128xi32, #tpu.memory_space<vmem>> -> memref<1x128xi32, #tpu.memory_space<vmem>>
    %dma_wait3A_1028 = tpu.memref_squeeze %dma_wait3A_1027 : memref<1x128xi32, #tpu.memory_space<vmem>> -> memref<128xi32, #tpu.memory_space<vmem>>
    %dma_wait3A_1029 = arith.constant 0 : i32
    %dma_wait3A_1030 = tpu.memref_slice %arg2[%dma_wait3A_1029] : memref<16711680xf32, #tpu.memory_space<hbm>> -> memref<16711680xf32, #tpu.memory_space<hbm>>
    tpu.wait_indirect_dma semaphore(%arg14 : memref<!tpu.dma_semaphore, #tpu.memory_space<semaphore_mem>>) src(%dma_wait3A_1030 : memref<16711680xf32, #tpu.memory_space<hbm>>) dst(%dma_wait3A_1025 : memref<128xf32, #tpu.memory_space<vmem>>)
    %dma_wait3A_1031 = arith.constant 18 : i32
    %dma_wait3A_1032 = arith.constant 18 : i32
    %dma_wait3A_1033 = arith.constant 0 : i32
    %dma_wait3A_1034 = tpu.memref_slice %arg10[%dma_wait3A_1032, %dma_wait3A_1033] : memref<85x128xf32, #tpu.memory_space<vmem>> -> memref<1x128xf32, #tpu.memory_space<vmem>>
    %dma_wait3A_1035 = tpu.memref_squeeze %dma_wait3A_1034 : memref<1x128xf32, #tpu.memory_space<vmem>> -> memref<128xf32, #tpu.memory_space<vmem>>
    %dma_wait3A_1036 = arith.constant 0 : i32
    %dma_wait3A_1037 = tpu.memref_slice %arg9[%dma_wait3A_1031, %dma_wait3A_1036] : memref<85x128xi32, #tpu.memory_space<vmem>> -> memref<1x128xi32, #tpu.memory_space<vmem>>
    %dma_wait3A_1038 = tpu.memref_squeeze %dma_wait3A_1037 : memref<1x128xi32, #tpu.memory_space<vmem>> -> memref<128xi32, #tpu.memory_space<vmem>>
    %dma_wait3A_1039 = arith.constant 0 : i32
    %dma_wait3A_1040 = tpu.memref_slice %arg2[%dma_wait3A_1039] : memref<16711680xf32, #tpu.memory_space<hbm>> -> memref<16711680xf32, #tpu.memory_space<hbm>>
    tpu.wait_indirect_dma semaphore(%arg14 : memref<!tpu.dma_semaphore, #tpu.memory_space<semaphore_mem>>) src(%dma_wait3A_1040 : memref<16711680xf32, #tpu.memory_space<hbm>>) dst(%dma_wait3A_1035 : memref<128xf32, #tpu.memory_space<vmem>>)
    %dma_wait3A_1041 = arith.constant 19 : i32
    %dma_wait3A_1042 = arith.constant 19 : i32
    %dma_wait3A_1043 = arith.constant 0 : i32
    %dma_wait3A_1044 = tpu.memref_slice %arg10[%dma_wait3A_1042, %dma_wait3A_1043] : memref<85x128xf32, #tpu.memory_space<vmem>> -> memref<1x128xf32, #tpu.memory_space<vmem>>
    %dma_wait3A_1045 = tpu.memref_squeeze %dma_wait3A_1044 : memref<1x128xf32, #tpu.memory_space<vmem>> -> memref<128xf32, #tpu.memory_space<vmem>>
    %dma_wait3A_1046 = arith.constant 0 : i32
    %dma_wait3A_1047 = tpu.memref_slice %arg9[%dma_wait3A_1041, %dma_wait3A_1046] : memref<85x128xi32, #tpu.memory_space<vmem>> -> memref<1x128xi32, #tpu.memory_space<vmem>>
    %dma_wait3A_1048 = tpu.memref_squeeze %dma_wait3A_1047 : memref<1x128xi32, #tpu.memory_space<vmem>> -> memref<128xi32, #tpu.memory_space<vmem>>
    %dma_wait3A_1049 = arith.constant 0 : i32
    %dma_wait3A_1050 = tpu.memref_slice %arg2[%dma_wait3A_1049] : memref<16711680xf32, #tpu.memory_space<hbm>> -> memref<16711680xf32, #tpu.memory_space<hbm>>
    tpu.wait_indirect_dma semaphore(%arg14 : memref<!tpu.dma_semaphore, #tpu.memory_space<semaphore_mem>>) src(%dma_wait3A_1050 : memref<16711680xf32, #tpu.memory_space<hbm>>) dst(%dma_wait3A_1045 : memref<128xf32, #tpu.memory_space<vmem>>)
    %dma_wait3A_1051 = arith.constant 20 : i32
    %dma_wait3A_1052 = arith.constant 20 : i32
    %dma_wait3A_1053 = arith.constant 0 : i32
    %dma_wait3A_1054 = tpu.memref_slice %arg10[%dma_wait3A_1052, %dma_wait3A_1053] : memref<85x128xf32, #tpu.memory_space<vmem>> -> memref<1x128xf32, #tpu.memory_space<vmem>>
    %dma_wait3A_1055 = tpu.memref_squeeze %dma_wait3A_1054 : memref<1x128xf32, #tpu.memory_space<vmem>> -> memref<128xf32, #tpu.memory_space<vmem>>
    %dma_wait3A_1056 = arith.constant 0 : i32
    %dma_wait3A_1057 = tpu.memref_slice %arg9[%dma_wait3A_1051, %dma_wait3A_1056] : memref<85x128xi32, #tpu.memory_space<vmem>> -> memref<1x128xi32, #tpu.memory_space<vmem>>
    %dma_wait3A_1058 = tpu.memref_squeeze %dma_wait3A_1057 : memref<1x128xi32, #tpu.memory_space<vmem>> -> memref<128xi32, #tpu.memory_space<vmem>>
    %dma_wait3A_1059 = arith.constant 0 : i32
    %dma_wait3A_1060 = tpu.memref_slice %arg2[%dma_wait3A_1059] : memref<16711680xf32, #tpu.memory_space<hbm>> -> memref<16711680xf32, #tpu.memory_space<hbm>>
    tpu.wait_indirect_dma semaphore(%arg14 : memref<!tpu.dma_semaphore, #tpu.memory_space<semaphore_mem>>) src(%dma_wait3A_1060 : memref<16711680xf32, #tpu.memory_space<hbm>>) dst(%dma_wait3A_1055 : memref<128xf32, #tpu.memory_space<vmem>>)
    %dma_wait3A_1061 = arith.constant 21 : i32
    %dma_wait3A_1062 = arith.constant 21 : i32
    %dma_wait3A_1063 = arith.constant 0 : i32
    %dma_wait3A_1064 = tpu.memref_slice %arg10[%dma_wait3A_1062, %dma_wait3A_1063] : memref<85x128xf32, #tpu.memory_space<vmem>> -> memref<1x128xf32, #tpu.memory_space<vmem>>
    %dma_wait3A_1065 = tpu.memref_squeeze %dma_wait3A_1064 : memref<1x128xf32, #tpu.memory_space<vmem>> -> memref<128xf32, #tpu.memory_space<vmem>>
    %dma_wait3A_1066 = arith.constant 0 : i32
    %dma_wait3A_1067 = tpu.memref_slice %arg9[%dma_wait3A_1061, %dma_wait3A_1066] : memref<85x128xi32, #tpu.memory_space<vmem>> -> memref<1x128xi32, #tpu.memory_space<vmem>>
    %dma_wait3A_1068 = tpu.memref_squeeze %dma_wait3A_1067 : memref<1x128xi32, #tpu.memory_space<vmem>> -> memref<128xi32, #tpu.memory_space<vmem>>
    %dma_wait3A_1069 = arith.constant 0 : i32
    %dma_wait3A_1070 = tpu.memref_slice %arg2[%dma_wait3A_1069] : memref<16711680xf32, #tpu.memory_space<hbm>> -> memref<16711680xf32, #tpu.memory_space<hbm>>
    tpu.wait_indirect_dma semaphore(%arg14 : memref<!tpu.dma_semaphore, #tpu.memory_space<semaphore_mem>>) src(%dma_wait3A_1070 : memref<16711680xf32, #tpu.memory_space<hbm>>) dst(%dma_wait3A_1065 : memref<128xf32, #tpu.memory_space<vmem>>)
    %dma_wait3A_1071 = arith.constant 22 : i32
    %dma_wait3A_1072 = arith.constant 22 : i32
    %dma_wait3A_1073 = arith.constant 0 : i32
    %dma_wait3A_1074 = tpu.memref_slice %arg10[%dma_wait3A_1072, %dma_wait3A_1073] : memref<85x128xf32, #tpu.memory_space<vmem>> -> memref<1x128xf32, #tpu.memory_space<vmem>>
    %dma_wait3A_1075 = tpu.memref_squeeze %dma_wait3A_1074 : memref<1x128xf32, #tpu.memory_space<vmem>> -> memref<128xf32, #tpu.memory_space<vmem>>
    %dma_wait3A_1076 = arith.constant 0 : i32
    %dma_wait3A_1077 = tpu.memref_slice %arg9[%dma_wait3A_1071, %dma_wait3A_1076] : memref<85x128xi32, #tpu.memory_space<vmem>> -> memref<1x128xi32, #tpu.memory_space<vmem>>
    %dma_wait3A_1078 = tpu.memref_squeeze %dma_wait3A_1077 : memref<1x128xi32, #tpu.memory_space<vmem>> -> memref<128xi32, #tpu.memory_space<vmem>>
    %dma_wait3A_1079 = arith.constant 0 : i32
    %dma_wait3A_1080 = tpu.memref_slice %arg2[%dma_wait3A_1079] : memref<16711680xf32, #tpu.memory_space<hbm>> -> memref<16711680xf32, #tpu.memory_space<hbm>>
    tpu.wait_indirect_dma semaphore(%arg14 : memref<!tpu.dma_semaphore, #tpu.memory_space<semaphore_mem>>) src(%dma_wait3A_1080 : memref<16711680xf32, #tpu.memory_space<hbm>>) dst(%dma_wait3A_1075 : memref<128xf32, #tpu.memory_space<vmem>>)
    %dma_wait3A_1081 = arith.constant 23 : i32
    %dma_wait3A_1082 = arith.constant 23 : i32
    %dma_wait3A_1083 = arith.constant 0 : i32
    %dma_wait3A_1084 = tpu.memref_slice %arg10[%dma_wait3A_1082, %dma_wait3A_1083] : memref<85x128xf32, #tpu.memory_space<vmem>> -> memref<1x128xf32, #tpu.memory_space<vmem>>
    %dma_wait3A_1085 = tpu.memref_squeeze %dma_wait3A_1084 : memref<1x128xf32, #tpu.memory_space<vmem>> -> memref<128xf32, #tpu.memory_space<vmem>>
    %dma_wait3A_1086 = arith.constant 0 : i32
    %dma_wait3A_1087 = tpu.memref_slice %arg9[%dma_wait3A_1081, %dma_wait3A_1086] : memref<85x128xi32, #tpu.memory_space<vmem>> -> memref<1x128xi32, #tpu.memory_space<vmem>>
    %dma_wait3A_1088 = tpu.memref_squeeze %dma_wait3A_1087 : memref<1x128xi32, #tpu.memory_space<vmem>> -> memref<128xi32, #tpu.memory_space<vmem>>
    %dma_wait3A_1089 = arith.constant 0 : i32
    %dma_wait3A_1090 = tpu.memref_slice %arg2[%dma_wait3A_1089] : memref<16711680xf32, #tpu.memory_space<hbm>> -> memref<16711680xf32, #tpu.memory_space<hbm>>
    tpu.wait_indirect_dma semaphore(%arg14 : memref<!tpu.dma_semaphore, #tpu.memory_space<semaphore_mem>>) src(%dma_wait3A_1090 : memref<16711680xf32, #tpu.memory_space<hbm>>) dst(%dma_wait3A_1085 : memref<128xf32, #tpu.memory_space<vmem>>)
    %dma_wait3A_1091 = arith.constant 24 : i32
    %dma_wait3A_1092 = arith.constant 24 : i32
    %dma_wait3A_1093 = arith.constant 0 : i32
    %dma_wait3A_1094 = tpu.memref_slice %arg10[%dma_wait3A_1092, %dma_wait3A_1093] : memref<85x128xf32, #tpu.memory_space<vmem>> -> memref<1x128xf32, #tpu.memory_space<vmem>>
    %dma_wait3A_1095 = tpu.memref_squeeze %dma_wait3A_1094 : memref<1x128xf32, #tpu.memory_space<vmem>> -> memref<128xf32, #tpu.memory_space<vmem>>
    %dma_wait3A_1096 = arith.constant 0 : i32
    %dma_wait3A_1097 = tpu.memref_slice %arg9[%dma_wait3A_1091, %dma_wait3A_1096] : memref<85x128xi32, #tpu.memory_space<vmem>> -> memref<1x128xi32, #tpu.memory_space<vmem>>
    %dma_wait3A_1098 = tpu.memref_squeeze %dma_wait3A_1097 : memref<1x128xi32, #tpu.memory_space<vmem>> -> memref<128xi32, #tpu.memory_space<vmem>>
    %dma_wait3A_1099 = arith.constant 0 : i32
    %dma_wait3A_1100 = tpu.memref_slice %arg2[%dma_wait3A_1099] : memref<16711680xf32, #tpu.memory_space<hbm>> -> memref<16711680xf32, #tpu.memory_space<hbm>>
    tpu.wait_indirect_dma semaphore(%arg14 : memref<!tpu.dma_semaphore, #tpu.memory_space<semaphore_mem>>) src(%dma_wait3A_1100 : memref<16711680xf32, #tpu.memory_space<hbm>>) dst(%dma_wait3A_1095 : memref<128xf32, #tpu.memory_space<vmem>>)
    %dma_wait3A_1101 = arith.constant 25 : i32
    %dma_wait3A_1102 = arith.constant 25 : i32
    %dma_wait3A_1103 = arith.constant 0 : i32
    %dma_wait3A_1104 = tpu.memref_slice %arg10[%dma_wait3A_1102, %dma_wait3A_1103] : memref<85x128xf32, #tpu.memory_space<vmem>> -> memref<1x128xf32, #tpu.memory_space<vmem>>
    %dma_wait3A_1105 = tpu.memref_squeeze %dma_wait3A_1104 : memref<1x128xf32, #tpu.memory_space<vmem>> -> memref<128xf32, #tpu.memory_space<vmem>>
    %dma_wait3A_1106 = arith.constant 0 : i32
    %dma_wait3A_1107 = tpu.memref_slice %arg9[%dma_wait3A_1101, %dma_wait3A_1106] : memref<85x128xi32, #tpu.memory_space<vmem>> -> memref<1x128xi32, #tpu.memory_space<vmem>>
    %dma_wait3A_1108 = tpu.memref_squeeze %dma_wait3A_1107 : memref<1x128xi32, #tpu.memory_space<vmem>> -> memref<128xi32, #tpu.memory_space<vmem>>
    %dma_wait3A_1109 = arith.constant 0 : i32
    %dma_wait3A_1110 = tpu.memref_slice %arg2[%dma_wait3A_1109] : memref<16711680xf32, #tpu.memory_space<hbm>> -> memref<16711680xf32, #tpu.memory_space<hbm>>
    tpu.wait_indirect_dma semaphore(%arg14 : memref<!tpu.dma_semaphore, #tpu.memory_space<semaphore_mem>>) src(%dma_wait3A_1110 : memref<16711680xf32, #tpu.memory_space<hbm>>) dst(%dma_wait3A_1105 : memref<128xf32, #tpu.memory_space<vmem>>)
    %dma_wait3A_1111 = arith.constant 26 : i32
    %dma_wait3A_1112 = arith.constant 26 : i32
    %dma_wait3A_1113 = arith.constant 0 : i32
    %dma_wait3A_1114 = tpu.memref_slice %arg10[%dma_wait3A_1112, %dma_wait3A_1113] : memref<85x128xf32, #tpu.memory_space<vmem>> -> memref<1x128xf32, #tpu.memory_space<vmem>>
    %dma_wait3A_1115 = tpu.memref_squeeze %dma_wait3A_1114 : memref<1x128xf32, #tpu.memory_space<vmem>> -> memref<128xf32, #tpu.memory_space<vmem>>
    %dma_wait3A_1116 = arith.constant 0 : i32
    %dma_wait3A_1117 = tpu.memref_slice %arg9[%dma_wait3A_1111, %dma_wait3A_1116] : memref<85x128xi32, #tpu.memory_space<vmem>> -> memref<1x128xi32, #tpu.memory_space<vmem>>
    %dma_wait3A_1118 = tpu.memref_squeeze %dma_wait3A_1117 : memref<1x128xi32, #tpu.memory_space<vmem>> -> memref<128xi32, #tpu.memory_space<vmem>>
    %dma_wait3A_1119 = arith.constant 0 : i32
    %dma_wait3A_1120 = tpu.memref_slice %arg2[%dma_wait3A_1119] : memref<16711680xf32, #tpu.memory_space<hbm>> -> memref<16711680xf32, #tpu.memory_space<hbm>>
    tpu.wait_indirect_dma semaphore(%arg14 : memref<!tpu.dma_semaphore, #tpu.memory_space<semaphore_mem>>) src(%dma_wait3A_1120 : memref<16711680xf32, #tpu.memory_space<hbm>>) dst(%dma_wait3A_1115 : memref<128xf32, #tpu.memory_space<vmem>>)
    %dma_wait3A_1121 = arith.constant 27 : i32
    %dma_wait3A_1122 = arith.constant 27 : i32
    %dma_wait3A_1123 = arith.constant 0 : i32
    %dma_wait3A_1124 = tpu.memref_slice %arg10[%dma_wait3A_1122, %dma_wait3A_1123] : memref<85x128xf32, #tpu.memory_space<vmem>> -> memref<1x128xf32, #tpu.memory_space<vmem>>
    %dma_wait3A_1125 = tpu.memref_squeeze %dma_wait3A_1124 : memref<1x128xf32, #tpu.memory_space<vmem>> -> memref<128xf32, #tpu.memory_space<vmem>>
    %dma_wait3A_1126 = arith.constant 0 : i32
    %dma_wait3A_1127 = tpu.memref_slice %arg9[%dma_wait3A_1121, %dma_wait3A_1126] : memref<85x128xi32, #tpu.memory_space<vmem>> -> memref<1x128xi32, #tpu.memory_space<vmem>>
    %dma_wait3A_1128 = tpu.memref_squeeze %dma_wait3A_1127 : memref<1x128xi32, #tpu.memory_space<vmem>> -> memref<128xi32, #tpu.memory_space<vmem>>
    %dma_wait3A_1129 = arith.constant 0 : i32
    %dma_wait3A_1130 = tpu.memref_slice %arg2[%dma_wait3A_1129] : memref<16711680xf32, #tpu.memory_space<hbm>> -> memref<16711680xf32, #tpu.memory_space<hbm>>
    tpu.wait_indirect_dma semaphore(%arg14 : memref<!tpu.dma_semaphore, #tpu.memory_space<semaphore_mem>>) src(%dma_wait3A_1130 : memref<16711680xf32, #tpu.memory_space<hbm>>) dst(%dma_wait3A_1125 : memref<128xf32, #tpu.memory_space<vmem>>)
    %dma_wait3A_1131 = arith.constant 28 : i32
    %dma_wait3A_1132 = arith.constant 28 : i32
    %dma_wait3A_1133 = arith.constant 0 : i32
    %dma_wait3A_1134 = tpu.memref_slice %arg10[%dma_wait3A_1132, %dma_wait3A_1133] : memref<85x128xf32, #tpu.memory_space<vmem>> -> memref<1x128xf32, #tpu.memory_space<vmem>>
    %dma_wait3A_1135 = tpu.memref_squeeze %dma_wait3A_1134 : memref<1x128xf32, #tpu.memory_space<vmem>> -> memref<128xf32, #tpu.memory_space<vmem>>
    %dma_wait3A_1136 = arith.constant 0 : i32
    %dma_wait3A_1137 = tpu.memref_slice %arg9[%dma_wait3A_1131, %dma_wait3A_1136] : memref<85x128xi32, #tpu.memory_space<vmem>> -> memref<1x128xi32, #tpu.memory_space<vmem>>
    %dma_wait3A_1138 = tpu.memref_squeeze %dma_wait3A_1137 : memref<1x128xi32, #tpu.memory_space<vmem>> -> memref<128xi32, #tpu.memory_space<vmem>>
    %dma_wait3A_1139 = arith.constant 0 : i32
    %dma_wait3A_1140 = tpu.memref_slice %arg2[%dma_wait3A_1139] : memref<16711680xf32, #tpu.memory_space<hbm>> -> memref<16711680xf32, #tpu.memory_space<hbm>>
    tpu.wait_indirect_dma semaphore(%arg14 : memref<!tpu.dma_semaphore, #tpu.memory_space<semaphore_mem>>) src(%dma_wait3A_1140 : memref<16711680xf32, #tpu.memory_space<hbm>>) dst(%dma_wait3A_1135 : memref<128xf32, #tpu.memory_space<vmem>>)
    %dma_wait3A_1141 = arith.constant 29 : i32
    %dma_wait3A_1142 = arith.constant 29 : i32
    %dma_wait3A_1143 = arith.constant 0 : i32
    %dma_wait3A_1144 = tpu.memref_slice %arg10[%dma_wait3A_1142, %dma_wait3A_1143] : memref<85x128xf32, #tpu.memory_space<vmem>> -> memref<1x128xf32, #tpu.memory_space<vmem>>
    %dma_wait3A_1145 = tpu.memref_squeeze %dma_wait3A_1144 : memref<1x128xf32, #tpu.memory_space<vmem>> -> memref<128xf32, #tpu.memory_space<vmem>>
    %dma_wait3A_1146 = arith.constant 0 : i32
    %dma_wait3A_1147 = tpu.memref_slice %arg9[%dma_wait3A_1141, %dma_wait3A_1146] : memref<85x128xi32, #tpu.memory_space<vmem>> -> memref<1x128xi32, #tpu.memory_space<vmem>>
    %dma_wait3A_1148 = tpu.memref_squeeze %dma_wait3A_1147 : memref<1x128xi32, #tpu.memory_space<vmem>> -> memref<128xi32, #tpu.memory_space<vmem>>
    %dma_wait3A_1149 = arith.constant 0 : i32
    %dma_wait3A_1150 = tpu.memref_slice %arg2[%dma_wait3A_1149] : memref<16711680xf32, #tpu.memory_space<hbm>> -> memref<16711680xf32, #tpu.memory_space<hbm>>
    tpu.wait_indirect_dma semaphore(%arg14 : memref<!tpu.dma_semaphore, #tpu.memory_space<semaphore_mem>>) src(%dma_wait3A_1150 : memref<16711680xf32, #tpu.memory_space<hbm>>) dst(%dma_wait3A_1145 : memref<128xf32, #tpu.memory_space<vmem>>)
    %dma_wait3A_1151 = arith.constant 30 : i32
    %dma_wait3A_1152 = arith.constant 30 : i32
    %dma_wait3A_1153 = arith.constant 0 : i32
    %dma_wait3A_1154 = tpu.memref_slice %arg10[%dma_wait3A_1152, %dma_wait3A_1153] : memref<85x128xf32, #tpu.memory_space<vmem>> -> memref<1x128xf32, #tpu.memory_space<vmem>>
    %dma_wait3A_1155 = tpu.memref_squeeze %dma_wait3A_1154 : memref<1x128xf32, #tpu.memory_space<vmem>> -> memref<128xf32, #tpu.memory_space<vmem>>
    %dma_wait3A_1156 = arith.constant 0 : i32
    %dma_wait3A_1157 = tpu.memref_slice %arg9[%dma_wait3A_1151, %dma_wait3A_1156] : memref<85x128xi32, #tpu.memory_space<vmem>> -> memref<1x128xi32, #tpu.memory_space<vmem>>
    %dma_wait3A_1158 = tpu.memref_squeeze %dma_wait3A_1157 : memref<1x128xi32, #tpu.memory_space<vmem>> -> memref<128xi32, #tpu.memory_space<vmem>>
    %dma_wait3A_1159 = arith.constant 0 : i32
    %dma_wait3A_1160 = tpu.memref_slice %arg2[%dma_wait3A_1159] : memref<16711680xf32, #tpu.memory_space<hbm>> -> memref<16711680xf32, #tpu.memory_space<hbm>>
    tpu.wait_indirect_dma semaphore(%arg14 : memref<!tpu.dma_semaphore, #tpu.memory_space<semaphore_mem>>) src(%dma_wait3A_1160 : memref<16711680xf32, #tpu.memory_space<hbm>>) dst(%dma_wait3A_1155 : memref<128xf32, #tpu.memory_space<vmem>>)
    %dma_wait3A_1161 = arith.constant 31 : i32
    %dma_wait3A_1162 = arith.constant 31 : i32
    %dma_wait3A_1163 = arith.constant 0 : i32
    %dma_wait3A_1164 = tpu.memref_slice %arg10[%dma_wait3A_1162, %dma_wait3A_1163] : memref<85x128xf32, #tpu.memory_space<vmem>> -> memref<1x128xf32, #tpu.memory_space<vmem>>
    %dma_wait3A_1165 = tpu.memref_squeeze %dma_wait3A_1164 : memref<1x128xf32, #tpu.memory_space<vmem>> -> memref<128xf32, #tpu.memory_space<vmem>>
    %dma_wait3A_1166 = arith.constant 0 : i32
    %dma_wait3A_1167 = tpu.memref_slice %arg9[%dma_wait3A_1161, %dma_wait3A_1166] : memref<85x128xi32, #tpu.memory_space<vmem>> -> memref<1x128xi32, #tpu.memory_space<vmem>>
    %dma_wait3A_1168 = tpu.memref_squeeze %dma_wait3A_1167 : memref<1x128xi32, #tpu.memory_space<vmem>> -> memref<128xi32, #tpu.memory_space<vmem>>
    %dma_wait3A_1169 = arith.constant 0 : i32
    %dma_wait3A_1170 = tpu.memref_slice %arg2[%dma_wait3A_1169] : memref<16711680xf32, #tpu.memory_space<hbm>> -> memref<16711680xf32, #tpu.memory_space<hbm>>
    tpu.wait_indirect_dma semaphore(%arg14 : memref<!tpu.dma_semaphore, #tpu.memory_space<semaphore_mem>>) src(%dma_wait3A_1170 : memref<16711680xf32, #tpu.memory_space<hbm>>) dst(%dma_wait3A_1165 : memref<128xf32, #tpu.memory_space<vmem>>)
    %dma_wait3A_1171 = arith.constant 32 : i32
    %dma_wait3A_1172 = arith.constant 32 : i32
    %dma_wait3A_1173 = arith.constant 0 : i32
    %dma_wait3A_1174 = tpu.memref_slice %arg10[%dma_wait3A_1172, %dma_wait3A_1173] : memref<85x128xf32, #tpu.memory_space<vmem>> -> memref<1x128xf32, #tpu.memory_space<vmem>>
    %dma_wait3A_1175 = tpu.memref_squeeze %dma_wait3A_1174 : memref<1x128xf32, #tpu.memory_space<vmem>> -> memref<128xf32, #tpu.memory_space<vmem>>
    %dma_wait3A_1176 = arith.constant 0 : i32
    %dma_wait3A_1177 = tpu.memref_slice %arg9[%dma_wait3A_1171, %dma_wait3A_1176] : memref<85x128xi32, #tpu.memory_space<vmem>> -> memref<1x128xi32, #tpu.memory_space<vmem>>
    %dma_wait3A_1178 = tpu.memref_squeeze %dma_wait3A_1177 : memref<1x128xi32, #tpu.memory_space<vmem>> -> memref<128xi32, #tpu.memory_space<vmem>>
    %dma_wait3A_1179 = arith.constant 0 : i32
    %dma_wait3A_1180 = tpu.memref_slice %arg2[%dma_wait3A_1179] : memref<16711680xf32, #tpu.memory_space<hbm>> -> memref<16711680xf32, #tpu.memory_space<hbm>>
    tpu.wait_indirect_dma semaphore(%arg14 : memref<!tpu.dma_semaphore, #tpu.memory_space<semaphore_mem>>) src(%dma_wait3A_1180 : memref<16711680xf32, #tpu.memory_space<hbm>>) dst(%dma_wait3A_1175 : memref<128xf32, #tpu.memory_space<vmem>>)
    %dma_wait3A_1181 = arith.constant 33 : i32
    %dma_wait3A_1182 = arith.constant 33 : i32
    %dma_wait3A_1183 = arith.constant 0 : i32
    %dma_wait3A_1184 = tpu.memref_slice %arg10[%dma_wait3A_1182, %dma_wait3A_1183] : memref<85x128xf32, #tpu.memory_space<vmem>> -> memref<1x128xf32, #tpu.memory_space<vmem>>
    %dma_wait3A_1185 = tpu.memref_squeeze %dma_wait3A_1184 : memref<1x128xf32, #tpu.memory_space<vmem>> -> memref<128xf32, #tpu.memory_space<vmem>>
    %dma_wait3A_1186 = arith.constant 0 : i32
    %dma_wait3A_1187 = tpu.memref_slice %arg9[%dma_wait3A_1181, %dma_wait3A_1186] : memref<85x128xi32, #tpu.memory_space<vmem>> -> memref<1x128xi32, #tpu.memory_space<vmem>>
    %dma_wait3A_1188 = tpu.memref_squeeze %dma_wait3A_1187 : memref<1x128xi32, #tpu.memory_space<vmem>> -> memref<128xi32, #tpu.memory_space<vmem>>
    %dma_wait3A_1189 = arith.constant 0 : i32
    %dma_wait3A_1190 = tpu.memref_slice %arg2[%dma_wait3A_1189] : memref<16711680xf32, #tpu.memory_space<hbm>> -> memref<16711680xf32, #tpu.memory_space<hbm>>
    tpu.wait_indirect_dma semaphore(%arg14 : memref<!tpu.dma_semaphore, #tpu.memory_space<semaphore_mem>>) src(%dma_wait3A_1190 : memref<16711680xf32, #tpu.memory_space<hbm>>) dst(%dma_wait3A_1185 : memref<128xf32, #tpu.memory_space<vmem>>)
    %dma_wait3A_1191 = arith.constant 34 : i32
    %dma_wait3A_1192 = arith.constant 34 : i32
    %dma_wait3A_1193 = arith.constant 0 : i32
    %dma_wait3A_1194 = tpu.memref_slice %arg10[%dma_wait3A_1192, %dma_wait3A_1193] : memref<85x128xf32, #tpu.memory_space<vmem>> -> memref<1x128xf32, #tpu.memory_space<vmem>>
    %dma_wait3A_1195 = tpu.memref_squeeze %dma_wait3A_1194 : memref<1x128xf32, #tpu.memory_space<vmem>> -> memref<128xf32, #tpu.memory_space<vmem>>
    %dma_wait3A_1196 = arith.constant 0 : i32
    %dma_wait3A_1197 = tpu.memref_slice %arg9[%dma_wait3A_1191, %dma_wait3A_1196] : memref<85x128xi32, #tpu.memory_space<vmem>> -> memref<1x128xi32, #tpu.memory_space<vmem>>
    %dma_wait3A_1198 = tpu.memref_squeeze %dma_wait3A_1197 : memref<1x128xi32, #tpu.memory_space<vmem>> -> memref<128xi32, #tpu.memory_space<vmem>>
    %dma_wait3A_1199 = arith.constant 0 : i32
    %dma_wait3A_1200 = tpu.memref_slice %arg2[%dma_wait3A_1199] : memref<16711680xf32, #tpu.memory_space<hbm>> -> memref<16711680xf32, #tpu.memory_space<hbm>>
    tpu.wait_indirect_dma semaphore(%arg14 : memref<!tpu.dma_semaphore, #tpu.memory_space<semaphore_mem>>) src(%dma_wait3A_1200 : memref<16711680xf32, #tpu.memory_space<hbm>>) dst(%dma_wait3A_1195 : memref<128xf32, #tpu.memory_space<vmem>>)
    %dma_wait3A_1201 = arith.constant 35 : i32
    %dma_wait3A_1202 = arith.constant 35 : i32
    %dma_wait3A_1203 = arith.constant 0 : i32
    %dma_wait3A_1204 = tpu.memref_slice %arg10[%dma_wait3A_1202, %dma_wait3A_1203] : memref<85x128xf32, #tpu.memory_space<vmem>> -> memref<1x128xf32, #tpu.memory_space<vmem>>
    %dma_wait3A_1205 = tpu.memref_squeeze %dma_wait3A_1204 : memref<1x128xf32, #tpu.memory_space<vmem>> -> memref<128xf32, #tpu.memory_space<vmem>>
    %dma_wait3A_1206 = arith.constant 0 : i32
    %dma_wait3A_1207 = tpu.memref_slice %arg9[%dma_wait3A_1201, %dma_wait3A_1206] : memref<85x128xi32, #tpu.memory_space<vmem>> -> memref<1x128xi32, #tpu.memory_space<vmem>>
    %dma_wait3A_1208 = tpu.memref_squeeze %dma_wait3A_1207 : memref<1x128xi32, #tpu.memory_space<vmem>> -> memref<128xi32, #tpu.memory_space<vmem>>
    %dma_wait3A_1209 = arith.constant 0 : i32
    %dma_wait3A_1210 = tpu.memref_slice %arg2[%dma_wait3A_1209] : memref<16711680xf32, #tpu.memory_space<hbm>> -> memref<16711680xf32, #tpu.memory_space<hbm>>
    tpu.wait_indirect_dma semaphore(%arg14 : memref<!tpu.dma_semaphore, #tpu.memory_space<semaphore_mem>>) src(%dma_wait3A_1210 : memref<16711680xf32, #tpu.memory_space<hbm>>) dst(%dma_wait3A_1205 : memref<128xf32, #tpu.memory_space<vmem>>)
    %dma_wait3A_1211 = arith.constant 36 : i32
    %dma_wait3A_1212 = arith.constant 36 : i32
    %dma_wait3A_1213 = arith.constant 0 : i32
    %dma_wait3A_1214 = tpu.memref_slice %arg10[%dma_wait3A_1212, %dma_wait3A_1213] : memref<85x128xf32, #tpu.memory_space<vmem>> -> memref<1x128xf32, #tpu.memory_space<vmem>>
    %dma_wait3A_1215 = tpu.memref_squeeze %dma_wait3A_1214 : memref<1x128xf32, #tpu.memory_space<vmem>> -> memref<128xf32, #tpu.memory_space<vmem>>
    %dma_wait3A_1216 = arith.constant 0 : i32
    %dma_wait3A_1217 = tpu.memref_slice %arg9[%dma_wait3A_1211, %dma_wait3A_1216] : memref<85x128xi32, #tpu.memory_space<vmem>> -> memref<1x128xi32, #tpu.memory_space<vmem>>
    %dma_wait3A_1218 = tpu.memref_squeeze %dma_wait3A_1217 : memref<1x128xi32, #tpu.memory_space<vmem>> -> memref<128xi32, #tpu.memory_space<vmem>>
    %dma_wait3A_1219 = arith.constant 0 : i32
    %dma_wait3A_1220 = tpu.memref_slice %arg2[%dma_wait3A_1219] : memref<16711680xf32, #tpu.memory_space<hbm>> -> memref<16711680xf32, #tpu.memory_space<hbm>>
    tpu.wait_indirect_dma semaphore(%arg14 : memref<!tpu.dma_semaphore, #tpu.memory_space<semaphore_mem>>) src(%dma_wait3A_1220 : memref<16711680xf32, #tpu.memory_space<hbm>>) dst(%dma_wait3A_1215 : memref<128xf32, #tpu.memory_space<vmem>>)
    %dma_wait3A_1221 = arith.constant 37 : i32
    %dma_wait3A_1222 = arith.constant 37 : i32
    %dma_wait3A_1223 = arith.constant 0 : i32
    %dma_wait3A_1224 = tpu.memref_slice %arg10[%dma_wait3A_1222, %dma_wait3A_1223] : memref<85x128xf32, #tpu.memory_space<vmem>> -> memref<1x128xf32, #tpu.memory_space<vmem>>
    %dma_wait3A_1225 = tpu.memref_squeeze %dma_wait3A_1224 : memref<1x128xf32, #tpu.memory_space<vmem>> -> memref<128xf32, #tpu.memory_space<vmem>>
    %dma_wait3A_1226 = arith.constant 0 : i32
    %dma_wait3A_1227 = tpu.memref_slice %arg9[%dma_wait3A_1221, %dma_wait3A_1226] : memref<85x128xi32, #tpu.memory_space<vmem>> -> memref<1x128xi32, #tpu.memory_space<vmem>>
    %dma_wait3A_1228 = tpu.memref_squeeze %dma_wait3A_1227 : memref<1x128xi32, #tpu.memory_space<vmem>> -> memref<128xi32, #tpu.memory_space<vmem>>
    %dma_wait3A_1229 = arith.constant 0 : i32
    %dma_wait3A_1230 = tpu.memref_slice %arg2[%dma_wait3A_1229] : memref<16711680xf32, #tpu.memory_space<hbm>> -> memref<16711680xf32, #tpu.memory_space<hbm>>
    tpu.wait_indirect_dma semaphore(%arg14 : memref<!tpu.dma_semaphore, #tpu.memory_space<semaphore_mem>>) src(%dma_wait3A_1230 : memref<16711680xf32, #tpu.memory_space<hbm>>) dst(%dma_wait3A_1225 : memref<128xf32, #tpu.memory_space<vmem>>)
    %dma_wait3A_1231 = arith.constant 38 : i32
    %dma_wait3A_1232 = arith.constant 38 : i32
    %dma_wait3A_1233 = arith.constant 0 : i32
    %dma_wait3A_1234 = tpu.memref_slice %arg10[%dma_wait3A_1232, %dma_wait3A_1233] : memref<85x128xf32, #tpu.memory_space<vmem>> -> memref<1x128xf32, #tpu.memory_space<vmem>>
    %dma_wait3A_1235 = tpu.memref_squeeze %dma_wait3A_1234 : memref<1x128xf32, #tpu.memory_space<vmem>> -> memref<128xf32, #tpu.memory_space<vmem>>
    %dma_wait3A_1236 = arith.constant 0 : i32
    %dma_wait3A_1237 = tpu.memref_slice %arg9[%dma_wait3A_1231, %dma_wait3A_1236] : memref<85x128xi32, #tpu.memory_space<vmem>> -> memref<1x128xi32, #tpu.memory_space<vmem>>
    %dma_wait3A_1238 = tpu.memref_squeeze %dma_wait3A_1237 : memref<1x128xi32, #tpu.memory_space<vmem>> -> memref<128xi32, #tpu.memory_space<vmem>>
    %dma_wait3A_1239 = arith.constant 0 : i32
    %dma_wait3A_1240 = tpu.memref_slice %arg2[%dma_wait3A_1239] : memref<16711680xf32, #tpu.memory_space<hbm>> -> memref<16711680xf32, #tpu.memory_space<hbm>>
    tpu.wait_indirect_dma semaphore(%arg14 : memref<!tpu.dma_semaphore, #tpu.memory_space<semaphore_mem>>) src(%dma_wait3A_1240 : memref<16711680xf32, #tpu.memory_space<hbm>>) dst(%dma_wait3A_1235 : memref<128xf32, #tpu.memory_space<vmem>>)
    %dma_wait3A_1241 = arith.constant 39 : i32
    %dma_wait3A_1242 = arith.constant 39 : i32
    %dma_wait3A_1243 = arith.constant 0 : i32
    %dma_wait3A_1244 = tpu.memref_slice %arg10[%dma_wait3A_1242, %dma_wait3A_1243] : memref<85x128xf32, #tpu.memory_space<vmem>> -> memref<1x128xf32, #tpu.memory_space<vmem>>
    %dma_wait3A_1245 = tpu.memref_squeeze %dma_wait3A_1244 : memref<1x128xf32, #tpu.memory_space<vmem>> -> memref<128xf32, #tpu.memory_space<vmem>>
    %dma_wait3A_1246 = arith.constant 0 : i32
    %dma_wait3A_1247 = tpu.memref_slice %arg9[%dma_wait3A_1241, %dma_wait3A_1246] : memref<85x128xi32, #tpu.memory_space<vmem>> -> memref<1x128xi32, #tpu.memory_space<vmem>>
    %dma_wait3A_1248 = tpu.memref_squeeze %dma_wait3A_1247 : memref<1x128xi32, #tpu.memory_space<vmem>> -> memref<128xi32, #tpu.memory_space<vmem>>
    %dma_wait3A_1249 = arith.constant 0 : i32
    %dma_wait3A_1250 = tpu.memref_slice %arg2[%dma_wait3A_1249] : memref<16711680xf32, #tpu.memory_space<hbm>> -> memref<16711680xf32, #tpu.memory_space<hbm>>
    tpu.wait_indirect_dma semaphore(%arg14 : memref<!tpu.dma_semaphore, #tpu.memory_space<semaphore_mem>>) src(%dma_wait3A_1250 : memref<16711680xf32, #tpu.memory_space<hbm>>) dst(%dma_wait3A_1245 : memref<128xf32, #tpu.memory_space<vmem>>)
    %dma_wait3A_1251 = arith.constant 40 : i32
    %dma_wait3A_1252 = arith.constant 40 : i32
    %dma_wait3A_1253 = arith.constant 0 : i32
    %dma_wait3A_1254 = tpu.memref_slice %arg10[%dma_wait3A_1252, %dma_wait3A_1253] : memref<85x128xf32, #tpu.memory_space<vmem>> -> memref<1x128xf32, #tpu.memory_space<vmem>>
    %dma_wait3A_1255 = tpu.memref_squeeze %dma_wait3A_1254 : memref<1x128xf32, #tpu.memory_space<vmem>> -> memref<128xf32, #tpu.memory_space<vmem>>
    %dma_wait3A_1256 = arith.constant 0 : i32
    %dma_wait3A_1257 = tpu.memref_slice %arg9[%dma_wait3A_1251, %dma_wait3A_1256] : memref<85x128xi32, #tpu.memory_space<vmem>> -> memref<1x128xi32, #tpu.memory_space<vmem>>
    %dma_wait3A_1258 = tpu.memref_squeeze %dma_wait3A_1257 : memref<1x128xi32, #tpu.memory_space<vmem>> -> memref<128xi32, #tpu.memory_space<vmem>>
    %dma_wait3A_1259 = arith.constant 0 : i32
    %dma_wait3A_1260 = tpu.memref_slice %arg2[%dma_wait3A_1259] : memref<16711680xf32, #tpu.memory_space<hbm>> -> memref<16711680xf32, #tpu.memory_space<hbm>>
    tpu.wait_indirect_dma semaphore(%arg14 : memref<!tpu.dma_semaphore, #tpu.memory_space<semaphore_mem>>) src(%dma_wait3A_1260 : memref<16711680xf32, #tpu.memory_space<hbm>>) dst(%dma_wait3A_1255 : memref<128xf32, #tpu.memory_space<vmem>>)
    %dma_wait3A_1261 = arith.constant 41 : i32
    %dma_wait3A_1262 = arith.constant 41 : i32
    %dma_wait3A_1263 = arith.constant 0 : i32
    %dma_wait3A_1264 = tpu.memref_slice %arg10[%dma_wait3A_1262, %dma_wait3A_1263] : memref<85x128xf32, #tpu.memory_space<vmem>> -> memref<1x128xf32, #tpu.memory_space<vmem>>
    %dma_wait3A_1265 = tpu.memref_squeeze %dma_wait3A_1264 : memref<1x128xf32, #tpu.memory_space<vmem>> -> memref<128xf32, #tpu.memory_space<vmem>>
    %dma_wait3A_1266 = arith.constant 0 : i32
    %dma_wait3A_1267 = tpu.memref_slice %arg9[%dma_wait3A_1261, %dma_wait3A_1266] : memref<85x128xi32, #tpu.memory_space<vmem>> -> memref<1x128xi32, #tpu.memory_space<vmem>>
    %dma_wait3A_1268 = tpu.memref_squeeze %dma_wait3A_1267 : memref<1x128xi32, #tpu.memory_space<vmem>> -> memref<128xi32, #tpu.memory_space<vmem>>
    %dma_wait3A_1269 = arith.constant 0 : i32
    %dma_wait3A_1270 = tpu.memref_slice %arg2[%dma_wait3A_1269] : memref<16711680xf32, #tpu.memory_space<hbm>> -> memref<16711680xf32, #tpu.memory_space<hbm>>
    tpu.wait_indirect_dma semaphore(%arg14 : memref<!tpu.dma_semaphore, #tpu.memory_space<semaphore_mem>>) src(%dma_wait3A_1270 : memref<16711680xf32, #tpu.memory_space<hbm>>) dst(%dma_wait3A_1265 : memref<128xf32, #tpu.memory_space<vmem>>)
    %dma_wait3A_1271 = arith.constant 42 : i32
    %dma_wait3A_1272 = arith.constant 42 : i32
    %dma_wait3A_1273 = arith.constant 0 : i32
    %dma_wait3A_1274 = tpu.memref_slice %arg10[%dma_wait3A_1272, %dma_wait3A_1273] : memref<85x128xf32, #tpu.memory_space<vmem>> -> memref<1x128xf32, #tpu.memory_space<vmem>>
    %dma_wait3A_1275 = tpu.memref_squeeze %dma_wait3A_1274 : memref<1x128xf32, #tpu.memory_space<vmem>> -> memref<128xf32, #tpu.memory_space<vmem>>
    %dma_wait3A_1276 = arith.constant 0 : i32
    %dma_wait3A_1277 = tpu.memref_slice %arg9[%dma_wait3A_1271, %dma_wait3A_1276] : memref<85x128xi32, #tpu.memory_space<vmem>> -> memref<1x128xi32, #tpu.memory_space<vmem>>
    %dma_wait3A_1278 = tpu.memref_squeeze %dma_wait3A_1277 : memref<1x128xi32, #tpu.memory_space<vmem>> -> memref<128xi32, #tpu.memory_space<vmem>>
    %dma_wait3A_1279 = arith.constant 0 : i32
    %dma_wait3A_1280 = tpu.memref_slice %arg2[%dma_wait3A_1279] : memref<16711680xf32, #tpu.memory_space<hbm>> -> memref<16711680xf32, #tpu.memory_space<hbm>>
    tpu.wait_indirect_dma semaphore(%arg14 : memref<!tpu.dma_semaphore, #tpu.memory_space<semaphore_mem>>) src(%dma_wait3A_1280 : memref<16711680xf32, #tpu.memory_space<hbm>>) dst(%dma_wait3A_1275 : memref<128xf32, #tpu.memory_space<vmem>>)
    %dma_wait3A_1281 = arith.constant 43 : i32
    %dma_wait3A_1282 = arith.constant 43 : i32
    %dma_wait3A_1283 = arith.constant 0 : i32
    %dma_wait3A_1284 = tpu.memref_slice %arg10[%dma_wait3A_1282, %dma_wait3A_1283] : memref<85x128xf32, #tpu.memory_space<vmem>> -> memref<1x128xf32, #tpu.memory_space<vmem>>
    %dma_wait3A_1285 = tpu.memref_squeeze %dma_wait3A_1284 : memref<1x128xf32, #tpu.memory_space<vmem>> -> memref<128xf32, #tpu.memory_space<vmem>>
    %dma_wait3A_1286 = arith.constant 0 : i32
    %dma_wait3A_1287 = tpu.memref_slice %arg9[%dma_wait3A_1281, %dma_wait3A_1286] : memref<85x128xi32, #tpu.memory_space<vmem>> -> memref<1x128xi32, #tpu.memory_space<vmem>>
    %dma_wait3A_1288 = tpu.memref_squeeze %dma_wait3A_1287 : memref<1x128xi32, #tpu.memory_space<vmem>> -> memref<128xi32, #tpu.memory_space<vmem>>
    %dma_wait3A_1289 = arith.constant 0 : i32
    %dma_wait3A_1290 = tpu.memref_slice %arg2[%dma_wait3A_1289] : memref<16711680xf32, #tpu.memory_space<hbm>> -> memref<16711680xf32, #tpu.memory_space<hbm>>
    tpu.wait_indirect_dma semaphore(%arg14 : memref<!tpu.dma_semaphore, #tpu.memory_space<semaphore_mem>>) src(%dma_wait3A_1290 : memref<16711680xf32, #tpu.memory_space<hbm>>) dst(%dma_wait3A_1285 : memref<128xf32, #tpu.memory_space<vmem>>)
    %dma_wait3A_1291 = arith.constant 44 : i32
    %dma_wait3A_1292 = arith.constant 44 : i32
    %dma_wait3A_1293 = arith.constant 0 : i32
    %dma_wait3A_1294 = tpu.memref_slice %arg10[%dma_wait3A_1292, %dma_wait3A_1293] : memref<85x128xf32, #tpu.memory_space<vmem>> -> memref<1x128xf32, #tpu.memory_space<vmem>>
    %dma_wait3A_1295 = tpu.memref_squeeze %dma_wait3A_1294 : memref<1x128xf32, #tpu.memory_space<vmem>> -> memref<128xf32, #tpu.memory_space<vmem>>
    %dma_wait3A_1296 = arith.constant 0 : i32
    %dma_wait3A_1297 = tpu.memref_slice %arg9[%dma_wait3A_1291, %dma_wait3A_1296] : memref<85x128xi32, #tpu.memory_space<vmem>> -> memref<1x128xi32, #tpu.memory_space<vmem>>
    %dma_wait3A_1298 = tpu.memref_squeeze %dma_wait3A_1297 : memref<1x128xi32, #tpu.memory_space<vmem>> -> memref<128xi32, #tpu.memory_space<vmem>>
    %dma_wait3A_1299 = arith.constant 0 : i32
    %dma_wait3A_1300 = tpu.memref_slice %arg2[%dma_wait3A_1299] : memref<16711680xf32, #tpu.memory_space<hbm>> -> memref<16711680xf32, #tpu.memory_space<hbm>>
    tpu.wait_indirect_dma semaphore(%arg14 : memref<!tpu.dma_semaphore, #tpu.memory_space<semaphore_mem>>) src(%dma_wait3A_1300 : memref<16711680xf32, #tpu.memory_space<hbm>>) dst(%dma_wait3A_1295 : memref<128xf32, #tpu.memory_space<vmem>>)
    %dma_wait3A_1301 = arith.constant 45 : i32
    %dma_wait3A_1302 = arith.constant 45 : i32
    %dma_wait3A_1303 = arith.constant 0 : i32
    %dma_wait3A_1304 = tpu.memref_slice %arg10[%dma_wait3A_1302, %dma_wait3A_1303] : memref<85x128xf32, #tpu.memory_space<vmem>> -> memref<1x128xf32, #tpu.memory_space<vmem>>
    %dma_wait3A_1305 = tpu.memref_squeeze %dma_wait3A_1304 : memref<1x128xf32, #tpu.memory_space<vmem>> -> memref<128xf32, #tpu.memory_space<vmem>>
    %dma_wait3A_1306 = arith.constant 0 : i32
    %dma_wait3A_1307 = tpu.memref_slice %arg9[%dma_wait3A_1301, %dma_wait3A_1306] : memref<85x128xi32, #tpu.memory_space<vmem>> -> memref<1x128xi32, #tpu.memory_space<vmem>>
    %dma_wait3A_1308 = tpu.memref_squeeze %dma_wait3A_1307 : memref<1x128xi32, #tpu.memory_space<vmem>> -> memref<128xi32, #tpu.memory_space<vmem>>
    %dma_wait3A_1309 = arith.constant 0 : i32
    %dma_wait3A_1310 = tpu.memref_slice %arg2[%dma_wait3A_1309] : memref<16711680xf32, #tpu.memory_space<hbm>> -> memref<16711680xf32, #tpu.memory_space<hbm>>
    tpu.wait_indirect_dma semaphore(%arg14 : memref<!tpu.dma_semaphore, #tpu.memory_space<semaphore_mem>>) src(%dma_wait3A_1310 : memref<16711680xf32, #tpu.memory_space<hbm>>) dst(%dma_wait3A_1305 : memref<128xf32, #tpu.memory_space<vmem>>)
    %dma_wait3A_1311 = arith.constant 46 : i32
    %dma_wait3A_1312 = arith.constant 46 : i32
    %dma_wait3A_1313 = arith.constant 0 : i32
    %dma_wait3A_1314 = tpu.memref_slice %arg10[%dma_wait3A_1312, %dma_wait3A_1313] : memref<85x128xf32, #tpu.memory_space<vmem>> -> memref<1x128xf32, #tpu.memory_space<vmem>>
    %dma_wait3A_1315 = tpu.memref_squeeze %dma_wait3A_1314 : memref<1x128xf32, #tpu.memory_space<vmem>> -> memref<128xf32, #tpu.memory_space<vmem>>
    %dma_wait3A_1316 = arith.constant 0 : i32
    %dma_wait3A_1317 = tpu.memref_slice %arg9[%dma_wait3A_1311, %dma_wait3A_1316] : memref<85x128xi32, #tpu.memory_space<vmem>> -> memref<1x128xi32, #tpu.memory_space<vmem>>
    %dma_wait3A_1318 = tpu.memref_squeeze %dma_wait3A_1317 : memref<1x128xi32, #tpu.memory_space<vmem>> -> memref<128xi32, #tpu.memory_space<vmem>>
    %dma_wait3A_1319 = arith.constant 0 : i32
    %dma_wait3A_1320 = tpu.memref_slice %arg2[%dma_wait3A_1319] : memref<16711680xf32, #tpu.memory_space<hbm>> -> memref<16711680xf32, #tpu.memory_space<hbm>>
    tpu.wait_indirect_dma semaphore(%arg14 : memref<!tpu.dma_semaphore, #tpu.memory_space<semaphore_mem>>) src(%dma_wait3A_1320 : memref<16711680xf32, #tpu.memory_space<hbm>>) dst(%dma_wait3A_1315 : memref<128xf32, #tpu.memory_space<vmem>>)
    %dma_wait3A_1321 = arith.constant 47 : i32
    %dma_wait3A_1322 = arith.constant 47 : i32
    %dma_wait3A_1323 = arith.constant 0 : i32
    %dma_wait3A_1324 = tpu.memref_slice %arg10[%dma_wait3A_1322, %dma_wait3A_1323] : memref<85x128xf32, #tpu.memory_space<vmem>> -> memref<1x128xf32, #tpu.memory_space<vmem>>
    %dma_wait3A_1325 = tpu.memref_squeeze %dma_wait3A_1324 : memref<1x128xf32, #tpu.memory_space<vmem>> -> memref<128xf32, #tpu.memory_space<vmem>>
    %dma_wait3A_1326 = arith.constant 0 : i32
    %dma_wait3A_1327 = tpu.memref_slice %arg9[%dma_wait3A_1321, %dma_wait3A_1326] : memref<85x128xi32, #tpu.memory_space<vmem>> -> memref<1x128xi32, #tpu.memory_space<vmem>>
    %dma_wait3A_1328 = tpu.memref_squeeze %dma_wait3A_1327 : memref<1x128xi32, #tpu.memory_space<vmem>> -> memref<128xi32, #tpu.memory_space<vmem>>
    %dma_wait3A_1329 = arith.constant 0 : i32
    %dma_wait3A_1330 = tpu.memref_slice %arg2[%dma_wait3A_1329] : memref<16711680xf32, #tpu.memory_space<hbm>> -> memref<16711680xf32, #tpu.memory_space<hbm>>
    tpu.wait_indirect_dma semaphore(%arg14 : memref<!tpu.dma_semaphore, #tpu.memory_space<semaphore_mem>>) src(%dma_wait3A_1330 : memref<16711680xf32, #tpu.memory_space<hbm>>) dst(%dma_wait3A_1325 : memref<128xf32, #tpu.memory_space<vmem>>)
    %dma_wait3A_1331 = arith.constant 48 : i32
    %dma_wait3A_1332 = arith.constant 48 : i32
    %dma_wait3A_1333 = arith.constant 0 : i32
    %dma_wait3A_1334 = tpu.memref_slice %arg10[%dma_wait3A_1332, %dma_wait3A_1333] : memref<85x128xf32, #tpu.memory_space<vmem>> -> memref<1x128xf32, #tpu.memory_space<vmem>>
    %dma_wait3A_1335 = tpu.memref_squeeze %dma_wait3A_1334 : memref<1x128xf32, #tpu.memory_space<vmem>> -> memref<128xf32, #tpu.memory_space<vmem>>
    %dma_wait3A_1336 = arith.constant 0 : i32
    %dma_wait3A_1337 = tpu.memref_slice %arg9[%dma_wait3A_1331, %dma_wait3A_1336] : memref<85x128xi32, #tpu.memory_space<vmem>> -> memref<1x128xi32, #tpu.memory_space<vmem>>
    %dma_wait3A_1338 = tpu.memref_squeeze %dma_wait3A_1337 : memref<1x128xi32, #tpu.memory_space<vmem>> -> memref<128xi32, #tpu.memory_space<vmem>>
    %dma_wait3A_1339 = arith.constant 0 : i32
    %dma_wait3A_1340 = tpu.memref_slice %arg2[%dma_wait3A_1339] : memref<16711680xf32, #tpu.memory_space<hbm>> -> memref<16711680xf32, #tpu.memory_space<hbm>>
    tpu.wait_indirect_dma semaphore(%arg14 : memref<!tpu.dma_semaphore, #tpu.memory_space<semaphore_mem>>) src(%dma_wait3A_1340 : memref<16711680xf32, #tpu.memory_space<hbm>>) dst(%dma_wait3A_1335 : memref<128xf32, #tpu.memory_space<vmem>>)
    %dma_wait3A_1341 = arith.constant 49 : i32
    %dma_wait3A_1342 = arith.constant 49 : i32
    %dma_wait3A_1343 = arith.constant 0 : i32
    %dma_wait3A_1344 = tpu.memref_slice %arg10[%dma_wait3A_1342, %dma_wait3A_1343] : memref<85x128xf32, #tpu.memory_space<vmem>> -> memref<1x128xf32, #tpu.memory_space<vmem>>
    %dma_wait3A_1345 = tpu.memref_squeeze %dma_wait3A_1344 : memref<1x128xf32, #tpu.memory_space<vmem>> -> memref<128xf32, #tpu.memory_space<vmem>>
    %dma_wait3A_1346 = arith.constant 0 : i32
    %dma_wait3A_1347 = tpu.memref_slice %arg9[%dma_wait3A_1341, %dma_wait3A_1346] : memref<85x128xi32, #tpu.memory_space<vmem>> -> memref<1x128xi32, #tpu.memory_space<vmem>>
    %dma_wait3A_1348 = tpu.memref_squeeze %dma_wait3A_1347 : memref<1x128xi32, #tpu.memory_space<vmem>> -> memref<128xi32, #tpu.memory_space<vmem>>
    %dma_wait3A_1349 = arith.constant 0 : i32
    %dma_wait3A_1350 = tpu.memref_slice %arg2[%dma_wait3A_1349] : memref<16711680xf32, #tpu.memory_space<hbm>> -> memref<16711680xf32, #tpu.memory_space<hbm>>
    tpu.wait_indirect_dma semaphore(%arg14 : memref<!tpu.dma_semaphore, #tpu.memory_space<semaphore_mem>>) src(%dma_wait3A_1350 : memref<16711680xf32, #tpu.memory_space<hbm>>) dst(%dma_wait3A_1345 : memref<128xf32, #tpu.memory_space<vmem>>)
    %dma_wait3A_1351 = arith.constant 50 : i32
    %dma_wait3A_1352 = arith.constant 50 : i32
    %dma_wait3A_1353 = arith.constant 0 : i32
    %dma_wait3A_1354 = tpu.memref_slice %arg10[%dma_wait3A_1352, %dma_wait3A_1353] : memref<85x128xf32, #tpu.memory_space<vmem>> -> memref<1x128xf32, #tpu.memory_space<vmem>>
    %dma_wait3A_1355 = tpu.memref_squeeze %dma_wait3A_1354 : memref<1x128xf32, #tpu.memory_space<vmem>> -> memref<128xf32, #tpu.memory_space<vmem>>
    %dma_wait3A_1356 = arith.constant 0 : i32
    %dma_wait3A_1357 = tpu.memref_slice %arg9[%dma_wait3A_1351, %dma_wait3A_1356] : memref<85x128xi32, #tpu.memory_space<vmem>> -> memref<1x128xi32, #tpu.memory_space<vmem>>
    %dma_wait3A_1358 = tpu.memref_squeeze %dma_wait3A_1357 : memref<1x128xi32, #tpu.memory_space<vmem>> -> memref<128xi32, #tpu.memory_space<vmem>>
    %dma_wait3A_1359 = arith.constant 0 : i32
    %dma_wait3A_1360 = tpu.memref_slice %arg2[%dma_wait3A_1359] : memref<16711680xf32, #tpu.memory_space<hbm>> -> memref<16711680xf32, #tpu.memory_space<hbm>>
    tpu.wait_indirect_dma semaphore(%arg14 : memref<!tpu.dma_semaphore, #tpu.memory_space<semaphore_mem>>) src(%dma_wait3A_1360 : memref<16711680xf32, #tpu.memory_space<hbm>>) dst(%dma_wait3A_1355 : memref<128xf32, #tpu.memory_space<vmem>>)
    %dma_wait3A_1361 = arith.constant 51 : i32
    %dma_wait3A_1362 = arith.constant 51 : i32
    %dma_wait3A_1363 = arith.constant 0 : i32
    %dma_wait3A_1364 = tpu.memref_slice %arg10[%dma_wait3A_1362, %dma_wait3A_1363] : memref<85x128xf32, #tpu.memory_space<vmem>> -> memref<1x128xf32, #tpu.memory_space<vmem>>
    %dma_wait3A_1365 = tpu.memref_squeeze %dma_wait3A_1364 : memref<1x128xf32, #tpu.memory_space<vmem>> -> memref<128xf32, #tpu.memory_space<vmem>>
    %dma_wait3A_1366 = arith.constant 0 : i32
    %dma_wait3A_1367 = tpu.memref_slice %arg9[%dma_wait3A_1361, %dma_wait3A_1366] : memref<85x128xi32, #tpu.memory_space<vmem>> -> memref<1x128xi32, #tpu.memory_space<vmem>>
    %dma_wait3A_1368 = tpu.memref_squeeze %dma_wait3A_1367 : memref<1x128xi32, #tpu.memory_space<vmem>> -> memref<128xi32, #tpu.memory_space<vmem>>
    %dma_wait3A_1369 = arith.constant 0 : i32
    %dma_wait3A_1370 = tpu.memref_slice %arg2[%dma_wait3A_1369] : memref<16711680xf32, #tpu.memory_space<hbm>> -> memref<16711680xf32, #tpu.memory_space<hbm>>
    tpu.wait_indirect_dma semaphore(%arg14 : memref<!tpu.dma_semaphore, #tpu.memory_space<semaphore_mem>>) src(%dma_wait3A_1370 : memref<16711680xf32, #tpu.memory_space<hbm>>) dst(%dma_wait3A_1365 : memref<128xf32, #tpu.memory_space<vmem>>)
    %dma_wait3A_1371 = arith.constant 52 : i32
    %dma_wait3A_1372 = arith.constant 52 : i32
    %dma_wait3A_1373 = arith.constant 0 : i32
    %dma_wait3A_1374 = tpu.memref_slice %arg10[%dma_wait3A_1372, %dma_wait3A_1373] : memref<85x128xf32, #tpu.memory_space<vmem>> -> memref<1x128xf32, #tpu.memory_space<vmem>>
    %dma_wait3A_1375 = tpu.memref_squeeze %dma_wait3A_1374 : memref<1x128xf32, #tpu.memory_space<vmem>> -> memref<128xf32, #tpu.memory_space<vmem>>
    %dma_wait3A_1376 = arith.constant 0 : i32
    %dma_wait3A_1377 = tpu.memref_slice %arg9[%dma_wait3A_1371, %dma_wait3A_1376] : memref<85x128xi32, #tpu.memory_space<vmem>> -> memref<1x128xi32, #tpu.memory_space<vmem>>
    %dma_wait3A_1378 = tpu.memref_squeeze %dma_wait3A_1377 : memref<1x128xi32, #tpu.memory_space<vmem>> -> memref<128xi32, #tpu.memory_space<vmem>>
    %dma_wait3A_1379 = arith.constant 0 : i32
    %dma_wait3A_1380 = tpu.memref_slice %arg2[%dma_wait3A_1379] : memref<16711680xf32, #tpu.memory_space<hbm>> -> memref<16711680xf32, #tpu.memory_space<hbm>>
    tpu.wait_indirect_dma semaphore(%arg14 : memref<!tpu.dma_semaphore, #tpu.memory_space<semaphore_mem>>) src(%dma_wait3A_1380 : memref<16711680xf32, #tpu.memory_space<hbm>>) dst(%dma_wait3A_1375 : memref<128xf32, #tpu.memory_space<vmem>>)
    %dma_wait3A_1381 = arith.constant 53 : i32
    %dma_wait3A_1382 = arith.constant 53 : i32
    %dma_wait3A_1383 = arith.constant 0 : i32
    %dma_wait3A_1384 = tpu.memref_slice %arg10[%dma_wait3A_1382, %dma_wait3A_1383] : memref<85x128xf32, #tpu.memory_space<vmem>> -> memref<1x128xf32, #tpu.memory_space<vmem>>
    %dma_wait3A_1385 = tpu.memref_squeeze %dma_wait3A_1384 : memref<1x128xf32, #tpu.memory_space<vmem>> -> memref<128xf32, #tpu.memory_space<vmem>>
    %dma_wait3A_1386 = arith.constant 0 : i32
    %dma_wait3A_1387 = tpu.memref_slice %arg9[%dma_wait3A_1381, %dma_wait3A_1386] : memref<85x128xi32, #tpu.memory_space<vmem>> -> memref<1x128xi32, #tpu.memory_space<vmem>>
    %dma_wait3A_1388 = tpu.memref_squeeze %dma_wait3A_1387 : memref<1x128xi32, #tpu.memory_space<vmem>> -> memref<128xi32, #tpu.memory_space<vmem>>
    %dma_wait3A_1389 = arith.constant 0 : i32
    %dma_wait3A_1390 = tpu.memref_slice %arg2[%dma_wait3A_1389] : memref<16711680xf32, #tpu.memory_space<hbm>> -> memref<16711680xf32, #tpu.memory_space<hbm>>
    tpu.wait_indirect_dma semaphore(%arg14 : memref<!tpu.dma_semaphore, #tpu.memory_space<semaphore_mem>>) src(%dma_wait3A_1390 : memref<16711680xf32, #tpu.memory_space<hbm>>) dst(%dma_wait3A_1385 : memref<128xf32, #tpu.memory_space<vmem>>)
    %dma_wait3A_1391 = arith.constant 54 : i32
    %dma_wait3A_1392 = arith.constant 54 : i32
    %dma_wait3A_1393 = arith.constant 0 : i32
    %dma_wait3A_1394 = tpu.memref_slice %arg10[%dma_wait3A_1392, %dma_wait3A_1393] : memref<85x128xf32, #tpu.memory_space<vmem>> -> memref<1x128xf32, #tpu.memory_space<vmem>>
    %dma_wait3A_1395 = tpu.memref_squeeze %dma_wait3A_1394 : memref<1x128xf32, #tpu.memory_space<vmem>> -> memref<128xf32, #tpu.memory_space<vmem>>
    %dma_wait3A_1396 = arith.constant 0 : i32
    %dma_wait3A_1397 = tpu.memref_slice %arg9[%dma_wait3A_1391, %dma_wait3A_1396] : memref<85x128xi32, #tpu.memory_space<vmem>> -> memref<1x128xi32, #tpu.memory_space<vmem>>
    %dma_wait3A_1398 = tpu.memref_squeeze %dma_wait3A_1397 : memref<1x128xi32, #tpu.memory_space<vmem>> -> memref<128xi32, #tpu.memory_space<vmem>>
    %dma_wait3A_1399 = arith.constant 0 : i32
    %dma_wait3A_1400 = tpu.memref_slice %arg2[%dma_wait3A_1399] : memref<16711680xf32, #tpu.memory_space<hbm>> -> memref<16711680xf32, #tpu.memory_space<hbm>>
    tpu.wait_indirect_dma semaphore(%arg14 : memref<!tpu.dma_semaphore, #tpu.memory_space<semaphore_mem>>) src(%dma_wait3A_1400 : memref<16711680xf32, #tpu.memory_space<hbm>>) dst(%dma_wait3A_1395 : memref<128xf32, #tpu.memory_space<vmem>>)
    %dma_wait3A_1401 = arith.constant 55 : i32
    %dma_wait3A_1402 = arith.constant 55 : i32
    %dma_wait3A_1403 = arith.constant 0 : i32
    %dma_wait3A_1404 = tpu.memref_slice %arg10[%dma_wait3A_1402, %dma_wait3A_1403] : memref<85x128xf32, #tpu.memory_space<vmem>> -> memref<1x128xf32, #tpu.memory_space<vmem>>
    %dma_wait3A_1405 = tpu.memref_squeeze %dma_wait3A_1404 : memref<1x128xf32, #tpu.memory_space<vmem>> -> memref<128xf32, #tpu.memory_space<vmem>>
    %dma_wait3A_1406 = arith.constant 0 : i32
    %dma_wait3A_1407 = tpu.memref_slice %arg9[%dma_wait3A_1401, %dma_wait3A_1406] : memref<85x128xi32, #tpu.memory_space<vmem>> -> memref<1x128xi32, #tpu.memory_space<vmem>>
    %dma_wait3A_1408 = tpu.memref_squeeze %dma_wait3A_1407 : memref<1x128xi32, #tpu.memory_space<vmem>> -> memref<128xi32, #tpu.memory_space<vmem>>
    %dma_wait3A_1409 = arith.constant 0 : i32
    %dma_wait3A_1410 = tpu.memref_slice %arg2[%dma_wait3A_1409] : memref<16711680xf32, #tpu.memory_space<hbm>> -> memref<16711680xf32, #tpu.memory_space<hbm>>
    tpu.wait_indirect_dma semaphore(%arg14 : memref<!tpu.dma_semaphore, #tpu.memory_space<semaphore_mem>>) src(%dma_wait3A_1410 : memref<16711680xf32, #tpu.memory_space<hbm>>) dst(%dma_wait3A_1405 : memref<128xf32, #tpu.memory_space<vmem>>)
    %dma_wait3A_1411 = arith.constant 56 : i32
    %dma_wait3A_1412 = arith.constant 56 : i32
    %dma_wait3A_1413 = arith.constant 0 : i32
    %dma_wait3A_1414 = tpu.memref_slice %arg10[%dma_wait3A_1412, %dma_wait3A_1413] : memref<85x128xf32, #tpu.memory_space<vmem>> -> memref<1x128xf32, #tpu.memory_space<vmem>>
    %dma_wait3A_1415 = tpu.memref_squeeze %dma_wait3A_1414 : memref<1x128xf32, #tpu.memory_space<vmem>> -> memref<128xf32, #tpu.memory_space<vmem>>
    %dma_wait3A_1416 = arith.constant 0 : i32
    %dma_wait3A_1417 = tpu.memref_slice %arg9[%dma_wait3A_1411, %dma_wait3A_1416] : memref<85x128xi32, #tpu.memory_space<vmem>> -> memref<1x128xi32, #tpu.memory_space<vmem>>
    %dma_wait3A_1418 = tpu.memref_squeeze %dma_wait3A_1417 : memref<1x128xi32, #tpu.memory_space<vmem>> -> memref<128xi32, #tpu.memory_space<vmem>>
    %dma_wait3A_1419 = arith.constant 0 : i32
    %dma_wait3A_1420 = tpu.memref_slice %arg2[%dma_wait3A_1419] : memref<16711680xf32, #tpu.memory_space<hbm>> -> memref<16711680xf32, #tpu.memory_space<hbm>>
    tpu.wait_indirect_dma semaphore(%arg14 : memref<!tpu.dma_semaphore, #tpu.memory_space<semaphore_mem>>) src(%dma_wait3A_1420 : memref<16711680xf32, #tpu.memory_space<hbm>>) dst(%dma_wait3A_1415 : memref<128xf32, #tpu.memory_space<vmem>>)
    %dma_wait3A_1421 = arith.constant 57 : i32
    %dma_wait3A_1422 = arith.constant 57 : i32
    %dma_wait3A_1423 = arith.constant 0 : i32
    %dma_wait3A_1424 = tpu.memref_slice %arg10[%dma_wait3A_1422, %dma_wait3A_1423] : memref<85x128xf32, #tpu.memory_space<vmem>> -> memref<1x128xf32, #tpu.memory_space<vmem>>
    %dma_wait3A_1425 = tpu.memref_squeeze %dma_wait3A_1424 : memref<1x128xf32, #tpu.memory_space<vmem>> -> memref<128xf32, #tpu.memory_space<vmem>>
    %dma_wait3A_1426 = arith.constant 0 : i32
    %dma_wait3A_1427 = tpu.memref_slice %arg9[%dma_wait3A_1421, %dma_wait3A_1426] : memref<85x128xi32, #tpu.memory_space<vmem>> -> memref<1x128xi32, #tpu.memory_space<vmem>>
    %dma_wait3A_1428 = tpu.memref_squeeze %dma_wait3A_1427 : memref<1x128xi32, #tpu.memory_space<vmem>> -> memref<128xi32, #tpu.memory_space<vmem>>
    %dma_wait3A_1429 = arith.constant 0 : i32
    %dma_wait3A_1430 = tpu.memref_slice %arg2[%dma_wait3A_1429] : memref<16711680xf32, #tpu.memory_space<hbm>> -> memref<16711680xf32, #tpu.memory_space<hbm>>
    tpu.wait_indirect_dma semaphore(%arg14 : memref<!tpu.dma_semaphore, #tpu.memory_space<semaphore_mem>>) src(%dma_wait3A_1430 : memref<16711680xf32, #tpu.memory_space<hbm>>) dst(%dma_wait3A_1425 : memref<128xf32, #tpu.memory_space<vmem>>)
    %dma_wait3A_1431 = arith.constant 58 : i32
    %dma_wait3A_1432 = arith.constant 58 : i32
    %dma_wait3A_1433 = arith.constant 0 : i32
    %dma_wait3A_1434 = tpu.memref_slice %arg10[%dma_wait3A_1432, %dma_wait3A_1433] : memref<85x128xf32, #tpu.memory_space<vmem>> -> memref<1x128xf32, #tpu.memory_space<vmem>>
    %dma_wait3A_1435 = tpu.memref_squeeze %dma_wait3A_1434 : memref<1x128xf32, #tpu.memory_space<vmem>> -> memref<128xf32, #tpu.memory_space<vmem>>
    %dma_wait3A_1436 = arith.constant 0 : i32
    %dma_wait3A_1437 = tpu.memref_slice %arg9[%dma_wait3A_1431, %dma_wait3A_1436] : memref<85x128xi32, #tpu.memory_space<vmem>> -> memref<1x128xi32, #tpu.memory_space<vmem>>
    %dma_wait3A_1438 = tpu.memref_squeeze %dma_wait3A_1437 : memref<1x128xi32, #tpu.memory_space<vmem>> -> memref<128xi32, #tpu.memory_space<vmem>>
    %dma_wait3A_1439 = arith.constant 0 : i32
    %dma_wait3A_1440 = tpu.memref_slice %arg2[%dma_wait3A_1439] : memref<16711680xf32, #tpu.memory_space<hbm>> -> memref<16711680xf32, #tpu.memory_space<hbm>>
    tpu.wait_indirect_dma semaphore(%arg14 : memref<!tpu.dma_semaphore, #tpu.memory_space<semaphore_mem>>) src(%dma_wait3A_1440 : memref<16711680xf32, #tpu.memory_space<hbm>>) dst(%dma_wait3A_1435 : memref<128xf32, #tpu.memory_space<vmem>>)
    %dma_wait3A_1441 = arith.constant 59 : i32
    %dma_wait3A_1442 = arith.constant 59 : i32
    %dma_wait3A_1443 = arith.constant 0 : i32
    %dma_wait3A_1444 = tpu.memref_slice %arg10[%dma_wait3A_1442, %dma_wait3A_1443] : memref<85x128xf32, #tpu.memory_space<vmem>> -> memref<1x128xf32, #tpu.memory_space<vmem>>
    %dma_wait3A_1445 = tpu.memref_squeeze %dma_wait3A_1444 : memref<1x128xf32, #tpu.memory_space<vmem>> -> memref<128xf32, #tpu.memory_space<vmem>>
    %dma_wait3A_1446 = arith.constant 0 : i32
    %dma_wait3A_1447 = tpu.memref_slice %arg9[%dma_wait3A_1441, %dma_wait3A_1446] : memref<85x128xi32, #tpu.memory_space<vmem>> -> memref<1x128xi32, #tpu.memory_space<vmem>>
    %dma_wait3A_1448 = tpu.memref_squeeze %dma_wait3A_1447 : memref<1x128xi32, #tpu.memory_space<vmem>> -> memref<128xi32, #tpu.memory_space<vmem>>
    %dma_wait3A_1449 = arith.constant 0 : i32
    %dma_wait3A_1450 = tpu.memref_slice %arg2[%dma_wait3A_1449] : memref<16711680xf32, #tpu.memory_space<hbm>> -> memref<16711680xf32, #tpu.memory_space<hbm>>
    tpu.wait_indirect_dma semaphore(%arg14 : memref<!tpu.dma_semaphore, #tpu.memory_space<semaphore_mem>>) src(%dma_wait3A_1450 : memref<16711680xf32, #tpu.memory_space<hbm>>) dst(%dma_wait3A_1445 : memref<128xf32, #tpu.memory_space<vmem>>)
    %dma_wait3A_1451 = arith.constant 60 : i32
    %dma_wait3A_1452 = arith.constant 60 : i32
    %dma_wait3A_1453 = arith.constant 0 : i32
    %dma_wait3A_1454 = tpu.memref_slice %arg10[%dma_wait3A_1452, %dma_wait3A_1453] : memref<85x128xf32, #tpu.memory_space<vmem>> -> memref<1x128xf32, #tpu.memory_space<vmem>>
    %dma_wait3A_1455 = tpu.memref_squeeze %dma_wait3A_1454 : memref<1x128xf32, #tpu.memory_space<vmem>> -> memref<128xf32, #tpu.memory_space<vmem>>
    %dma_wait3A_1456 = arith.constant 0 : i32
    %dma_wait3A_1457 = tpu.memref_slice %arg9[%dma_wait3A_1451, %dma_wait3A_1456] : memref<85x128xi32, #tpu.memory_space<vmem>> -> memref<1x128xi32, #tpu.memory_space<vmem>>
    %dma_wait3A_1458 = tpu.memref_squeeze %dma_wait3A_1457 : memref<1x128xi32, #tpu.memory_space<vmem>> -> memref<128xi32, #tpu.memory_space<vmem>>
    %dma_wait3A_1459 = arith.constant 0 : i32
    %dma_wait3A_1460 = tpu.memref_slice %arg2[%dma_wait3A_1459] : memref<16711680xf32, #tpu.memory_space<hbm>> -> memref<16711680xf32, #tpu.memory_space<hbm>>
    tpu.wait_indirect_dma semaphore(%arg14 : memref<!tpu.dma_semaphore, #tpu.memory_space<semaphore_mem>>) src(%dma_wait3A_1460 : memref<16711680xf32, #tpu.memory_space<hbm>>) dst(%dma_wait3A_1455 : memref<128xf32, #tpu.memory_space<vmem>>)
    %dma_wait3A_1461 = arith.constant 61 : i32
    %dma_wait3A_1462 = arith.constant 61 : i32
    %dma_wait3A_1463 = arith.constant 0 : i32
    %dma_wait3A_1464 = tpu.memref_slice %arg10[%dma_wait3A_1462, %dma_wait3A_1463] : memref<85x128xf32, #tpu.memory_space<vmem>> -> memref<1x128xf32, #tpu.memory_space<vmem>>
    %dma_wait3A_1465 = tpu.memref_squeeze %dma_wait3A_1464 : memref<1x128xf32, #tpu.memory_space<vmem>> -> memref<128xf32, #tpu.memory_space<vmem>>
    %dma_wait3A_1466 = arith.constant 0 : i32
    %dma_wait3A_1467 = tpu.memref_slice %arg9[%dma_wait3A_1461, %dma_wait3A_1466] : memref<85x128xi32, #tpu.memory_space<vmem>> -> memref<1x128xi32, #tpu.memory_space<vmem>>
    %dma_wait3A_1468 = tpu.memref_squeeze %dma_wait3A_1467 : memref<1x128xi32, #tpu.memory_space<vmem>> -> memref<128xi32, #tpu.memory_space<vmem>>
    %dma_wait3A_1469 = arith.constant 0 : i32
    %dma_wait3A_1470 = tpu.memref_slice %arg2[%dma_wait3A_1469] : memref<16711680xf32, #tpu.memory_space<hbm>> -> memref<16711680xf32, #tpu.memory_space<hbm>>
    tpu.wait_indirect_dma semaphore(%arg14 : memref<!tpu.dma_semaphore, #tpu.memory_space<semaphore_mem>>) src(%dma_wait3A_1470 : memref<16711680xf32, #tpu.memory_space<hbm>>) dst(%dma_wait3A_1465 : memref<128xf32, #tpu.memory_space<vmem>>)
    %dma_wait3A_1471 = arith.constant 62 : i32
    %dma_wait3A_1472 = arith.constant 62 : i32
    %dma_wait3A_1473 = arith.constant 0 : i32
    %dma_wait3A_1474 = tpu.memref_slice %arg10[%dma_wait3A_1472, %dma_wait3A_1473] : memref<85x128xf32, #tpu.memory_space<vmem>> -> memref<1x128xf32, #tpu.memory_space<vmem>>
    %dma_wait3A_1475 = tpu.memref_squeeze %dma_wait3A_1474 : memref<1x128xf32, #tpu.memory_space<vmem>> -> memref<128xf32, #tpu.memory_space<vmem>>
    %dma_wait3A_1476 = arith.constant 0 : i32
    %dma_wait3A_1477 = tpu.memref_slice %arg9[%dma_wait3A_1471, %dma_wait3A_1476] : memref<85x128xi32, #tpu.memory_space<vmem>> -> memref<1x128xi32, #tpu.memory_space<vmem>>
    %dma_wait3A_1478 = tpu.memref_squeeze %dma_wait3A_1477 : memref<1x128xi32, #tpu.memory_space<vmem>> -> memref<128xi32, #tpu.memory_space<vmem>>
    %dma_wait3A_1479 = arith.constant 0 : i32
    %dma_wait3A_1480 = tpu.memref_slice %arg2[%dma_wait3A_1479] : memref<16711680xf32, #tpu.memory_space<hbm>> -> memref<16711680xf32, #tpu.memory_space<hbm>>
    tpu.wait_indirect_dma semaphore(%arg14 : memref<!tpu.dma_semaphore, #tpu.memory_space<semaphore_mem>>) src(%dma_wait3A_1480 : memref<16711680xf32, #tpu.memory_space<hbm>>) dst(%dma_wait3A_1475 : memref<128xf32, #tpu.memory_space<vmem>>)
    %dma_wait3A_1481 = arith.constant 63 : i32
    %dma_wait3A_1482 = arith.constant 63 : i32
    %dma_wait3A_1483 = arith.constant 0 : i32
    %dma_wait3A_1484 = tpu.memref_slice %arg10[%dma_wait3A_1482, %dma_wait3A_1483] : memref<85x128xf32, #tpu.memory_space<vmem>> -> memref<1x128xf32, #tpu.memory_space<vmem>>
    %dma_wait3A_1485 = tpu.memref_squeeze %dma_wait3A_1484 : memref<1x128xf32, #tpu.memory_space<vmem>> -> memref<128xf32, #tpu.memory_space<vmem>>
    %dma_wait3A_1486 = arith.constant 0 : i32
    %dma_wait3A_1487 = tpu.memref_slice %arg9[%dma_wait3A_1481, %dma_wait3A_1486] : memref<85x128xi32, #tpu.memory_space<vmem>> -> memref<1x128xi32, #tpu.memory_space<vmem>>
    %dma_wait3A_1488 = tpu.memref_squeeze %dma_wait3A_1487 : memref<1x128xi32, #tpu.memory_space<vmem>> -> memref<128xi32, #tpu.memory_space<vmem>>
    %dma_wait3A_1489 = arith.constant 0 : i32
    %dma_wait3A_1490 = tpu.memref_slice %arg2[%dma_wait3A_1489] : memref<16711680xf32, #tpu.memory_space<hbm>> -> memref<16711680xf32, #tpu.memory_space<hbm>>
    tpu.wait_indirect_dma semaphore(%arg14 : memref<!tpu.dma_semaphore, #tpu.memory_space<semaphore_mem>>) src(%dma_wait3A_1490 : memref<16711680xf32, #tpu.memory_space<hbm>>) dst(%dma_wait3A_1485 : memref<128xf32, #tpu.memory_space<vmem>>)
    %dma_wait3A_1491 = arith.constant 64 : i32
    %dma_wait3A_1492 = arith.constant 64 : i32
    %dma_wait3A_1493 = arith.constant 0 : i32
    %dma_wait3A_1494 = tpu.memref_slice %arg10[%dma_wait3A_1492, %dma_wait3A_1493] : memref<85x128xf32, #tpu.memory_space<vmem>> -> memref<1x128xf32, #tpu.memory_space<vmem>>
    %dma_wait3A_1495 = tpu.memref_squeeze %dma_wait3A_1494 : memref<1x128xf32, #tpu.memory_space<vmem>> -> memref<128xf32, #tpu.memory_space<vmem>>
    %dma_wait3A_1496 = arith.constant 0 : i32
    %dma_wait3A_1497 = tpu.memref_slice %arg9[%dma_wait3A_1491, %dma_wait3A_1496] : memref<85x128xi32, #tpu.memory_space<vmem>> -> memref<1x128xi32, #tpu.memory_space<vmem>>
    %dma_wait3A_1498 = tpu.memref_squeeze %dma_wait3A_1497 : memref<1x128xi32, #tpu.memory_space<vmem>> -> memref<128xi32, #tpu.memory_space<vmem>>
    %dma_wait3A_1499 = arith.constant 0 : i32
    %dma_wait3A_1500 = tpu.memref_slice %arg2[%dma_wait3A_1499] : memref<16711680xf32, #tpu.memory_space<hbm>> -> memref<16711680xf32, #tpu.memory_space<hbm>>
    tpu.wait_indirect_dma semaphore(%arg14 : memref<!tpu.dma_semaphore, #tpu.memory_space<semaphore_mem>>) src(%dma_wait3A_1500 : memref<16711680xf32, #tpu.memory_space<hbm>>) dst(%dma_wait3A_1495 : memref<128xf32, #tpu.memory_space<vmem>>)
    %dma_wait3A_1501 = arith.constant 65 : i32
    %dma_wait3A_1502 = arith.constant 65 : i32
    %dma_wait3A_1503 = arith.constant 0 : i32
    %dma_wait3A_1504 = tpu.memref_slice %arg10[%dma_wait3A_1502, %dma_wait3A_1503] : memref<85x128xf32, #tpu.memory_space<vmem>> -> memref<1x128xf32, #tpu.memory_space<vmem>>
    %dma_wait3A_1505 = tpu.memref_squeeze %dma_wait3A_1504 : memref<1x128xf32, #tpu.memory_space<vmem>> -> memref<128xf32, #tpu.memory_space<vmem>>
    %dma_wait3A_1506 = arith.constant 0 : i32
    %dma_wait3A_1507 = tpu.memref_slice %arg9[%dma_wait3A_1501, %dma_wait3A_1506] : memref<85x128xi32, #tpu.memory_space<vmem>> -> memref<1x128xi32, #tpu.memory_space<vmem>>
    %dma_wait3A_1508 = tpu.memref_squeeze %dma_wait3A_1507 : memref<1x128xi32, #tpu.memory_space<vmem>> -> memref<128xi32, #tpu.memory_space<vmem>>
    %dma_wait3A_1509 = arith.constant 0 : i32
    %dma_wait3A_1510 = tpu.memref_slice %arg2[%dma_wait3A_1509] : memref<16711680xf32, #tpu.memory_space<hbm>> -> memref<16711680xf32, #tpu.memory_space<hbm>>
    tpu.wait_indirect_dma semaphore(%arg14 : memref<!tpu.dma_semaphore, #tpu.memory_space<semaphore_mem>>) src(%dma_wait3A_1510 : memref<16711680xf32, #tpu.memory_space<hbm>>) dst(%dma_wait3A_1505 : memref<128xf32, #tpu.memory_space<vmem>>)
    %dma_wait3A_1511 = arith.constant 66 : i32
    %dma_wait3A_1512 = arith.constant 66 : i32
    %dma_wait3A_1513 = arith.constant 0 : i32
    %dma_wait3A_1514 = tpu.memref_slice %arg10[%dma_wait3A_1512, %dma_wait3A_1513] : memref<85x128xf32, #tpu.memory_space<vmem>> -> memref<1x128xf32, #tpu.memory_space<vmem>>
    %dma_wait3A_1515 = tpu.memref_squeeze %dma_wait3A_1514 : memref<1x128xf32, #tpu.memory_space<vmem>> -> memref<128xf32, #tpu.memory_space<vmem>>
    %dma_wait3A_1516 = arith.constant 0 : i32
    %dma_wait3A_1517 = tpu.memref_slice %arg9[%dma_wait3A_1511, %dma_wait3A_1516] : memref<85x128xi32, #tpu.memory_space<vmem>> -> memref<1x128xi32, #tpu.memory_space<vmem>>
    %dma_wait3A_1518 = tpu.memref_squeeze %dma_wait3A_1517 : memref<1x128xi32, #tpu.memory_space<vmem>> -> memref<128xi32, #tpu.memory_space<vmem>>
    %dma_wait3A_1519 = arith.constant 0 : i32
    %dma_wait3A_1520 = tpu.memref_slice %arg2[%dma_wait3A_1519] : memref<16711680xf32, #tpu.memory_space<hbm>> -> memref<16711680xf32, #tpu.memory_space<hbm>>
    tpu.wait_indirect_dma semaphore(%arg14 : memref<!tpu.dma_semaphore, #tpu.memory_space<semaphore_mem>>) src(%dma_wait3A_1520 : memref<16711680xf32, #tpu.memory_space<hbm>>) dst(%dma_wait3A_1515 : memref<128xf32, #tpu.memory_space<vmem>>)
    %dma_wait3A_1521 = arith.constant 67 : i32
    %dma_wait3A_1522 = arith.constant 67 : i32
    %dma_wait3A_1523 = arith.constant 0 : i32
    %dma_wait3A_1524 = tpu.memref_slice %arg10[%dma_wait3A_1522, %dma_wait3A_1523] : memref<85x128xf32, #tpu.memory_space<vmem>> -> memref<1x128xf32, #tpu.memory_space<vmem>>
    %dma_wait3A_1525 = tpu.memref_squeeze %dma_wait3A_1524 : memref<1x128xf32, #tpu.memory_space<vmem>> -> memref<128xf32, #tpu.memory_space<vmem>>
    %dma_wait3A_1526 = arith.constant 0 : i32
    %dma_wait3A_1527 = tpu.memref_slice %arg9[%dma_wait3A_1521, %dma_wait3A_1526] : memref<85x128xi32, #tpu.memory_space<vmem>> -> memref<1x128xi32, #tpu.memory_space<vmem>>
    %dma_wait3A_1528 = tpu.memref_squeeze %dma_wait3A_1527 : memref<1x128xi32, #tpu.memory_space<vmem>> -> memref<128xi32, #tpu.memory_space<vmem>>
    %dma_wait3A_1529 = arith.constant 0 : i32
    %dma_wait3A_1530 = tpu.memref_slice %arg2[%dma_wait3A_1529] : memref<16711680xf32, #tpu.memory_space<hbm>> -> memref<16711680xf32, #tpu.memory_space<hbm>>
    tpu.wait_indirect_dma semaphore(%arg14 : memref<!tpu.dma_semaphore, #tpu.memory_space<semaphore_mem>>) src(%dma_wait3A_1530 : memref<16711680xf32, #tpu.memory_space<hbm>>) dst(%dma_wait3A_1525 : memref<128xf32, #tpu.memory_space<vmem>>)
    %dma_wait3A_1531 = arith.constant 68 : i32
    %dma_wait3A_1532 = arith.constant 68 : i32
    %dma_wait3A_1533 = arith.constant 0 : i32
    %dma_wait3A_1534 = tpu.memref_slice %arg10[%dma_wait3A_1532, %dma_wait3A_1533] : memref<85x128xf32, #tpu.memory_space<vmem>> -> memref<1x128xf32, #tpu.memory_space<vmem>>
    %dma_wait3A_1535 = tpu.memref_squeeze %dma_wait3A_1534 : memref<1x128xf32, #tpu.memory_space<vmem>> -> memref<128xf32, #tpu.memory_space<vmem>>
    %dma_wait3A_1536 = arith.constant 0 : i32
    %dma_wait3A_1537 = tpu.memref_slice %arg9[%dma_wait3A_1531, %dma_wait3A_1536] : memref<85x128xi32, #tpu.memory_space<vmem>> -> memref<1x128xi32, #tpu.memory_space<vmem>>
    %dma_wait3A_1538 = tpu.memref_squeeze %dma_wait3A_1537 : memref<1x128xi32, #tpu.memory_space<vmem>> -> memref<128xi32, #tpu.memory_space<vmem>>
    %dma_wait3A_1539 = arith.constant 0 : i32
    %dma_wait3A_1540 = tpu.memref_slice %arg2[%dma_wait3A_1539] : memref<16711680xf32, #tpu.memory_space<hbm>> -> memref<16711680xf32, #tpu.memory_space<hbm>>
    tpu.wait_indirect_dma semaphore(%arg14 : memref<!tpu.dma_semaphore, #tpu.memory_space<semaphore_mem>>) src(%dma_wait3A_1540 : memref<16711680xf32, #tpu.memory_space<hbm>>) dst(%dma_wait3A_1535 : memref<128xf32, #tpu.memory_space<vmem>>)
    %dma_wait3A_1541 = arith.constant 69 : i32
    %dma_wait3A_1542 = arith.constant 69 : i32
    %dma_wait3A_1543 = arith.constant 0 : i32
    %dma_wait3A_1544 = tpu.memref_slice %arg10[%dma_wait3A_1542, %dma_wait3A_1543] : memref<85x128xf32, #tpu.memory_space<vmem>> -> memref<1x128xf32, #tpu.memory_space<vmem>>
    %dma_wait3A_1545 = tpu.memref_squeeze %dma_wait3A_1544 : memref<1x128xf32, #tpu.memory_space<vmem>> -> memref<128xf32, #tpu.memory_space<vmem>>
    %dma_wait3A_1546 = arith.constant 0 : i32
    %dma_wait3A_1547 = tpu.memref_slice %arg9[%dma_wait3A_1541, %dma_wait3A_1546] : memref<85x128xi32, #tpu.memory_space<vmem>> -> memref<1x128xi32, #tpu.memory_space<vmem>>
    %dma_wait3A_1548 = tpu.memref_squeeze %dma_wait3A_1547 : memref<1x128xi32, #tpu.memory_space<vmem>> -> memref<128xi32, #tpu.memory_space<vmem>>
    %dma_wait3A_1549 = arith.constant 0 : i32
    %dma_wait3A_1550 = tpu.memref_slice %arg2[%dma_wait3A_1549] : memref<16711680xf32, #tpu.memory_space<hbm>> -> memref<16711680xf32, #tpu.memory_space<hbm>>
    tpu.wait_indirect_dma semaphore(%arg14 : memref<!tpu.dma_semaphore, #tpu.memory_space<semaphore_mem>>) src(%dma_wait3A_1550 : memref<16711680xf32, #tpu.memory_space<hbm>>) dst(%dma_wait3A_1545 : memref<128xf32, #tpu.memory_space<vmem>>)
    %dma_wait3A_1551 = arith.constant 70 : i32
    %dma_wait3A_1552 = arith.constant 70 : i32
    %dma_wait3A_1553 = arith.constant 0 : i32
    %dma_wait3A_1554 = tpu.memref_slice %arg10[%dma_wait3A_1552, %dma_wait3A_1553] : memref<85x128xf32, #tpu.memory_space<vmem>> -> memref<1x128xf32, #tpu.memory_space<vmem>>
    %dma_wait3A_1555 = tpu.memref_squeeze %dma_wait3A_1554 : memref<1x128xf32, #tpu.memory_space<vmem>> -> memref<128xf32, #tpu.memory_space<vmem>>
    %dma_wait3A_1556 = arith.constant 0 : i32
    %dma_wait3A_1557 = tpu.memref_slice %arg9[%dma_wait3A_1551, %dma_wait3A_1556] : memref<85x128xi32, #tpu.memory_space<vmem>> -> memref<1x128xi32, #tpu.memory_space<vmem>>
    %dma_wait3A_1558 = tpu.memref_squeeze %dma_wait3A_1557 : memref<1x128xi32, #tpu.memory_space<vmem>> -> memref<128xi32, #tpu.memory_space<vmem>>
    %dma_wait3A_1559 = arith.constant 0 : i32
    %dma_wait3A_1560 = tpu.memref_slice %arg2[%dma_wait3A_1559] : memref<16711680xf32, #tpu.memory_space<hbm>> -> memref<16711680xf32, #tpu.memory_space<hbm>>
    tpu.wait_indirect_dma semaphore(%arg14 : memref<!tpu.dma_semaphore, #tpu.memory_space<semaphore_mem>>) src(%dma_wait3A_1560 : memref<16711680xf32, #tpu.memory_space<hbm>>) dst(%dma_wait3A_1555 : memref<128xf32, #tpu.memory_space<vmem>>)
    %dma_wait3A_1561 = arith.constant 71 : i32
    %dma_wait3A_1562 = arith.constant 71 : i32
    %dma_wait3A_1563 = arith.constant 0 : i32
    %dma_wait3A_1564 = tpu.memref_slice %arg10[%dma_wait3A_1562, %dma_wait3A_1563] : memref<85x128xf32, #tpu.memory_space<vmem>> -> memref<1x128xf32, #tpu.memory_space<vmem>>
    %dma_wait3A_1565 = tpu.memref_squeeze %dma_wait3A_1564 : memref<1x128xf32, #tpu.memory_space<vmem>> -> memref<128xf32, #tpu.memory_space<vmem>>
    %dma_wait3A_1566 = arith.constant 0 : i32
    %dma_wait3A_1567 = tpu.memref_slice %arg9[%dma_wait3A_1561, %dma_wait3A_1566] : memref<85x128xi32, #tpu.memory_space<vmem>> -> memref<1x128xi32, #tpu.memory_space<vmem>>
    %dma_wait3A_1568 = tpu.memref_squeeze %dma_wait3A_1567 : memref<1x128xi32, #tpu.memory_space<vmem>> -> memref<128xi32, #tpu.memory_space<vmem>>
    %dma_wait3A_1569 = arith.constant 0 : i32
    %dma_wait3A_1570 = tpu.memref_slice %arg2[%dma_wait3A_1569] : memref<16711680xf32, #tpu.memory_space<hbm>> -> memref<16711680xf32, #tpu.memory_space<hbm>>
    tpu.wait_indirect_dma semaphore(%arg14 : memref<!tpu.dma_semaphore, #tpu.memory_space<semaphore_mem>>) src(%dma_wait3A_1570 : memref<16711680xf32, #tpu.memory_space<hbm>>) dst(%dma_wait3A_1565 : memref<128xf32, #tpu.memory_space<vmem>>)
    %dma_wait3A_1571 = arith.constant 72 : i32
    %dma_wait3A_1572 = arith.constant 72 : i32
    %dma_wait3A_1573 = arith.constant 0 : i32
    %dma_wait3A_1574 = tpu.memref_slice %arg10[%dma_wait3A_1572, %dma_wait3A_1573] : memref<85x128xf32, #tpu.memory_space<vmem>> -> memref<1x128xf32, #tpu.memory_space<vmem>>
    %dma_wait3A_1575 = tpu.memref_squeeze %dma_wait3A_1574 : memref<1x128xf32, #tpu.memory_space<vmem>> -> memref<128xf32, #tpu.memory_space<vmem>>
    %dma_wait3A_1576 = arith.constant 0 : i32
    %dma_wait3A_1577 = tpu.memref_slice %arg9[%dma_wait3A_1571, %dma_wait3A_1576] : memref<85x128xi32, #tpu.memory_space<vmem>> -> memref<1x128xi32, #tpu.memory_space<vmem>>
    %dma_wait3A_1578 = tpu.memref_squeeze %dma_wait3A_1577 : memref<1x128xi32, #tpu.memory_space<vmem>> -> memref<128xi32, #tpu.memory_space<vmem>>
    %dma_wait3A_1579 = arith.constant 0 : i32
    %dma_wait3A_1580 = tpu.memref_slice %arg2[%dma_wait3A_1579] : memref<16711680xf32, #tpu.memory_space<hbm>> -> memref<16711680xf32, #tpu.memory_space<hbm>>
    tpu.wait_indirect_dma semaphore(%arg14 : memref<!tpu.dma_semaphore, #tpu.memory_space<semaphore_mem>>) src(%dma_wait3A_1580 : memref<16711680xf32, #tpu.memory_space<hbm>>) dst(%dma_wait3A_1575 : memref<128xf32, #tpu.memory_space<vmem>>)
    %dma_wait3A_1581 = arith.constant 73 : i32
    %dma_wait3A_1582 = arith.constant 73 : i32
    %dma_wait3A_1583 = arith.constant 0 : i32
    %dma_wait3A_1584 = tpu.memref_slice %arg10[%dma_wait3A_1582, %dma_wait3A_1583] : memref<85x128xf32, #tpu.memory_space<vmem>> -> memref<1x128xf32, #tpu.memory_space<vmem>>
    %dma_wait3A_1585 = tpu.memref_squeeze %dma_wait3A_1584 : memref<1x128xf32, #tpu.memory_space<vmem>> -> memref<128xf32, #tpu.memory_space<vmem>>
    %dma_wait3A_1586 = arith.constant 0 : i32
    %dma_wait3A_1587 = tpu.memref_slice %arg9[%dma_wait3A_1581, %dma_wait3A_1586] : memref<85x128xi32, #tpu.memory_space<vmem>> -> memref<1x128xi32, #tpu.memory_space<vmem>>
    %dma_wait3A_1588 = tpu.memref_squeeze %dma_wait3A_1587 : memref<1x128xi32, #tpu.memory_space<vmem>> -> memref<128xi32, #tpu.memory_space<vmem>>
    %dma_wait3A_1589 = arith.constant 0 : i32
    %dma_wait3A_1590 = tpu.memref_slice %arg2[%dma_wait3A_1589] : memref<16711680xf32, #tpu.memory_space<hbm>> -> memref<16711680xf32, #tpu.memory_space<hbm>>
    tpu.wait_indirect_dma semaphore(%arg14 : memref<!tpu.dma_semaphore, #tpu.memory_space<semaphore_mem>>) src(%dma_wait3A_1590 : memref<16711680xf32, #tpu.memory_space<hbm>>) dst(%dma_wait3A_1585 : memref<128xf32, #tpu.memory_space<vmem>>)
    %dma_wait3A_1591 = arith.constant 74 : i32
    %dma_wait3A_1592 = arith.constant 74 : i32
    %dma_wait3A_1593 = arith.constant 0 : i32
    %dma_wait3A_1594 = tpu.memref_slice %arg10[%dma_wait3A_1592, %dma_wait3A_1593] : memref<85x128xf32, #tpu.memory_space<vmem>> -> memref<1x128xf32, #tpu.memory_space<vmem>>
    %dma_wait3A_1595 = tpu.memref_squeeze %dma_wait3A_1594 : memref<1x128xf32, #tpu.memory_space<vmem>> -> memref<128xf32, #tpu.memory_space<vmem>>
    %dma_wait3A_1596 = arith.constant 0 : i32
    %dma_wait3A_1597 = tpu.memref_slice %arg9[%dma_wait3A_1591, %dma_wait3A_1596] : memref<85x128xi32, #tpu.memory_space<vmem>> -> memref<1x128xi32, #tpu.memory_space<vmem>>
    %dma_wait3A_1598 = tpu.memref_squeeze %dma_wait3A_1597 : memref<1x128xi32, #tpu.memory_space<vmem>> -> memref<128xi32, #tpu.memory_space<vmem>>
    %dma_wait3A_1599 = arith.constant 0 : i32
    %dma_wait3A_1600 = tpu.memref_slice %arg2[%dma_wait3A_1599] : memref<16711680xf32, #tpu.memory_space<hbm>> -> memref<16711680xf32, #tpu.memory_space<hbm>>
    tpu.wait_indirect_dma semaphore(%arg14 : memref<!tpu.dma_semaphore, #tpu.memory_space<semaphore_mem>>) src(%dma_wait3A_1600 : memref<16711680xf32, #tpu.memory_space<hbm>>) dst(%dma_wait3A_1595 : memref<128xf32, #tpu.memory_space<vmem>>)
    %dma_wait3A_1601 = arith.constant 75 : i32
    %dma_wait3A_1602 = arith.constant 75 : i32
    %dma_wait3A_1603 = arith.constant 0 : i32
    %dma_wait3A_1604 = tpu.memref_slice %arg10[%dma_wait3A_1602, %dma_wait3A_1603] : memref<85x128xf32, #tpu.memory_space<vmem>> -> memref<1x128xf32, #tpu.memory_space<vmem>>
    %dma_wait3A_1605 = tpu.memref_squeeze %dma_wait3A_1604 : memref<1x128xf32, #tpu.memory_space<vmem>> -> memref<128xf32, #tpu.memory_space<vmem>>
    %dma_wait3A_1606 = arith.constant 0 : i32
    %dma_wait3A_1607 = tpu.memref_slice %arg9[%dma_wait3A_1601, %dma_wait3A_1606] : memref<85x128xi32, #tpu.memory_space<vmem>> -> memref<1x128xi32, #tpu.memory_space<vmem>>
    %dma_wait3A_1608 = tpu.memref_squeeze %dma_wait3A_1607 : memref<1x128xi32, #tpu.memory_space<vmem>> -> memref<128xi32, #tpu.memory_space<vmem>>
    %dma_wait3A_1609 = arith.constant 0 : i32
    %dma_wait3A_1610 = tpu.memref_slice %arg2[%dma_wait3A_1609] : memref<16711680xf32, #tpu.memory_space<hbm>> -> memref<16711680xf32, #tpu.memory_space<hbm>>
    tpu.wait_indirect_dma semaphore(%arg14 : memref<!tpu.dma_semaphore, #tpu.memory_space<semaphore_mem>>) src(%dma_wait3A_1610 : memref<16711680xf32, #tpu.memory_space<hbm>>) dst(%dma_wait3A_1605 : memref<128xf32, #tpu.memory_space<vmem>>)
    %dma_wait3A_1611 = arith.constant 76 : i32
    %dma_wait3A_1612 = arith.constant 76 : i32
    %dma_wait3A_1613 = arith.constant 0 : i32
    %dma_wait3A_1614 = tpu.memref_slice %arg10[%dma_wait3A_1612, %dma_wait3A_1613] : memref<85x128xf32, #tpu.memory_space<vmem>> -> memref<1x128xf32, #tpu.memory_space<vmem>>
    %dma_wait3A_1615 = tpu.memref_squeeze %dma_wait3A_1614 : memref<1x128xf32, #tpu.memory_space<vmem>> -> memref<128xf32, #tpu.memory_space<vmem>>
    %dma_wait3A_1616 = arith.constant 0 : i32
    %dma_wait3A_1617 = tpu.memref_slice %arg9[%dma_wait3A_1611, %dma_wait3A_1616] : memref<85x128xi32, #tpu.memory_space<vmem>> -> memref<1x128xi32, #tpu.memory_space<vmem>>
    %dma_wait3A_1618 = tpu.memref_squeeze %dma_wait3A_1617 : memref<1x128xi32, #tpu.memory_space<vmem>> -> memref<128xi32, #tpu.memory_space<vmem>>
    %dma_wait3A_1619 = arith.constant 0 : i32
    %dma_wait3A_1620 = tpu.memref_slice %arg2[%dma_wait3A_1619] : memref<16711680xf32, #tpu.memory_space<hbm>> -> memref<16711680xf32, #tpu.memory_space<hbm>>
    tpu.wait_indirect_dma semaphore(%arg14 : memref<!tpu.dma_semaphore, #tpu.memory_space<semaphore_mem>>) src(%dma_wait3A_1620 : memref<16711680xf32, #tpu.memory_space<hbm>>) dst(%dma_wait3A_1615 : memref<128xf32, #tpu.memory_space<vmem>>)
    %dma_wait3A_1621 = arith.constant 77 : i32
    %dma_wait3A_1622 = arith.constant 77 : i32
    %dma_wait3A_1623 = arith.constant 0 : i32
    %dma_wait3A_1624 = tpu.memref_slice %arg10[%dma_wait3A_1622, %dma_wait3A_1623] : memref<85x128xf32, #tpu.memory_space<vmem>> -> memref<1x128xf32, #tpu.memory_space<vmem>>
    %dma_wait3A_1625 = tpu.memref_squeeze %dma_wait3A_1624 : memref<1x128xf32, #tpu.memory_space<vmem>> -> memref<128xf32, #tpu.memory_space<vmem>>
    %dma_wait3A_1626 = arith.constant 0 : i32
    %dma_wait3A_1627 = tpu.memref_slice %arg9[%dma_wait3A_1621, %dma_wait3A_1626] : memref<85x128xi32, #tpu.memory_space<vmem>> -> memref<1x128xi32, #tpu.memory_space<vmem>>
    %dma_wait3A_1628 = tpu.memref_squeeze %dma_wait3A_1627 : memref<1x128xi32, #tpu.memory_space<vmem>> -> memref<128xi32, #tpu.memory_space<vmem>>
    %dma_wait3A_1629 = arith.constant 0 : i32
    %dma_wait3A_1630 = tpu.memref_slice %arg2[%dma_wait3A_1629] : memref<16711680xf32, #tpu.memory_space<hbm>> -> memref<16711680xf32, #tpu.memory_space<hbm>>
    tpu.wait_indirect_dma semaphore(%arg14 : memref<!tpu.dma_semaphore, #tpu.memory_space<semaphore_mem>>) src(%dma_wait3A_1630 : memref<16711680xf32, #tpu.memory_space<hbm>>) dst(%dma_wait3A_1625 : memref<128xf32, #tpu.memory_space<vmem>>)
    %dma_wait3A_1631 = arith.constant 78 : i32
    %dma_wait3A_1632 = arith.constant 78 : i32
    %dma_wait3A_1633 = arith.constant 0 : i32
    %dma_wait3A_1634 = tpu.memref_slice %arg10[%dma_wait3A_1632, %dma_wait3A_1633] : memref<85x128xf32, #tpu.memory_space<vmem>> -> memref<1x128xf32, #tpu.memory_space<vmem>>
    %dma_wait3A_1635 = tpu.memref_squeeze %dma_wait3A_1634 : memref<1x128xf32, #tpu.memory_space<vmem>> -> memref<128xf32, #tpu.memory_space<vmem>>
    %dma_wait3A_1636 = arith.constant 0 : i32
    %dma_wait3A_1637 = tpu.memref_slice %arg9[%dma_wait3A_1631, %dma_wait3A_1636] : memref<85x128xi32, #tpu.memory_space<vmem>> -> memref<1x128xi32, #tpu.memory_space<vmem>>
    %dma_wait3A_1638 = tpu.memref_squeeze %dma_wait3A_1637 : memref<1x128xi32, #tpu.memory_space<vmem>> -> memref<128xi32, #tpu.memory_space<vmem>>
    %dma_wait3A_1639 = arith.constant 0 : i32
    %dma_wait3A_1640 = tpu.memref_slice %arg2[%dma_wait3A_1639] : memref<16711680xf32, #tpu.memory_space<hbm>> -> memref<16711680xf32, #tpu.memory_space<hbm>>
    tpu.wait_indirect_dma semaphore(%arg14 : memref<!tpu.dma_semaphore, #tpu.memory_space<semaphore_mem>>) src(%dma_wait3A_1640 : memref<16711680xf32, #tpu.memory_space<hbm>>) dst(%dma_wait3A_1635 : memref<128xf32, #tpu.memory_space<vmem>>)
    %dma_wait3A_1641 = arith.constant 79 : i32
    %dma_wait3A_1642 = arith.constant 79 : i32
    %dma_wait3A_1643 = arith.constant 0 : i32
    %dma_wait3A_1644 = tpu.memref_slice %arg10[%dma_wait3A_1642, %dma_wait3A_1643] : memref<85x128xf32, #tpu.memory_space<vmem>> -> memref<1x128xf32, #tpu.memory_space<vmem>>
    %dma_wait3A_1645 = tpu.memref_squeeze %dma_wait3A_1644 : memref<1x128xf32, #tpu.memory_space<vmem>> -> memref<128xf32, #tpu.memory_space<vmem>>
    %dma_wait3A_1646 = arith.constant 0 : i32
    %dma_wait3A_1647 = tpu.memref_slice %arg9[%dma_wait3A_1641, %dma_wait3A_1646] : memref<85x128xi32, #tpu.memory_space<vmem>> -> memref<1x128xi32, #tpu.memory_space<vmem>>
    %dma_wait3A_1648 = tpu.memref_squeeze %dma_wait3A_1647 : memref<1x128xi32, #tpu.memory_space<vmem>> -> memref<128xi32, #tpu.memory_space<vmem>>
    %dma_wait3A_1649 = arith.constant 0 : i32
    %dma_wait3A_1650 = tpu.memref_slice %arg2[%dma_wait3A_1649] : memref<16711680xf32, #tpu.memory_space<hbm>> -> memref<16711680xf32, #tpu.memory_space<hbm>>
    tpu.wait_indirect_dma semaphore(%arg14 : memref<!tpu.dma_semaphore, #tpu.memory_space<semaphore_mem>>) src(%dma_wait3A_1650 : memref<16711680xf32, #tpu.memory_space<hbm>>) dst(%dma_wait3A_1645 : memref<128xf32, #tpu.memory_space<vmem>>)
    %dma_wait3A_1651 = arith.constant 80 : i32
    %dma_wait3A_1652 = arith.constant 80 : i32
    %dma_wait3A_1653 = arith.constant 0 : i32
    %dma_wait3A_1654 = tpu.memref_slice %arg10[%dma_wait3A_1652, %dma_wait3A_1653] : memref<85x128xf32, #tpu.memory_space<vmem>> -> memref<1x128xf32, #tpu.memory_space<vmem>>
    %dma_wait3A_1655 = tpu.memref_squeeze %dma_wait3A_1654 : memref<1x128xf32, #tpu.memory_space<vmem>> -> memref<128xf32, #tpu.memory_space<vmem>>
    %dma_wait3A_1656 = arith.constant 0 : i32
    %dma_wait3A_1657 = tpu.memref_slice %arg9[%dma_wait3A_1651, %dma_wait3A_1656] : memref<85x128xi32, #tpu.memory_space<vmem>> -> memref<1x128xi32, #tpu.memory_space<vmem>>
    %dma_wait3A_1658 = tpu.memref_squeeze %dma_wait3A_1657 : memref<1x128xi32, #tpu.memory_space<vmem>> -> memref<128xi32, #tpu.memory_space<vmem>>
    %dma_wait3A_1659 = arith.constant 0 : i32
    %dma_wait3A_1660 = tpu.memref_slice %arg2[%dma_wait3A_1659] : memref<16711680xf32, #tpu.memory_space<hbm>> -> memref<16711680xf32, #tpu.memory_space<hbm>>
    tpu.wait_indirect_dma semaphore(%arg14 : memref<!tpu.dma_semaphore, #tpu.memory_space<semaphore_mem>>) src(%dma_wait3A_1660 : memref<16711680xf32, #tpu.memory_space<hbm>>) dst(%dma_wait3A_1655 : memref<128xf32, #tpu.memory_space<vmem>>)
    %dma_wait3A_1661 = arith.constant 81 : i32
    %dma_wait3A_1662 = arith.constant 81 : i32
    %dma_wait3A_1663 = arith.constant 0 : i32
    %dma_wait3A_1664 = tpu.memref_slice %arg10[%dma_wait3A_1662, %dma_wait3A_1663] : memref<85x128xf32, #tpu.memory_space<vmem>> -> memref<1x128xf32, #tpu.memory_space<vmem>>
    %dma_wait3A_1665 = tpu.memref_squeeze %dma_wait3A_1664 : memref<1x128xf32, #tpu.memory_space<vmem>> -> memref<128xf32, #tpu.memory_space<vmem>>
    %dma_wait3A_1666 = arith.constant 0 : i32
    %dma_wait3A_1667 = tpu.memref_slice %arg9[%dma_wait3A_1661, %dma_wait3A_1666] : memref<85x128xi32, #tpu.memory_space<vmem>> -> memref<1x128xi32, #tpu.memory_space<vmem>>
    %dma_wait3A_1668 = tpu.memref_squeeze %dma_wait3A_1667 : memref<1x128xi32, #tpu.memory_space<vmem>> -> memref<128xi32, #tpu.memory_space<vmem>>
    %dma_wait3A_1669 = arith.constant 0 : i32
    %dma_wait3A_1670 = tpu.memref_slice %arg2[%dma_wait3A_1669] : memref<16711680xf32, #tpu.memory_space<hbm>> -> memref<16711680xf32, #tpu.memory_space<hbm>>
    tpu.wait_indirect_dma semaphore(%arg14 : memref<!tpu.dma_semaphore, #tpu.memory_space<semaphore_mem>>) src(%dma_wait3A_1670 : memref<16711680xf32, #tpu.memory_space<hbm>>) dst(%dma_wait3A_1665 : memref<128xf32, #tpu.memory_space<vmem>>)
    %dma_wait3A_1671 = arith.constant 82 : i32
    %dma_wait3A_1672 = arith.constant 82 : i32
    %dma_wait3A_1673 = arith.constant 0 : i32
    %dma_wait3A_1674 = tpu.memref_slice %arg10[%dma_wait3A_1672, %dma_wait3A_1673] : memref<85x128xf32, #tpu.memory_space<vmem>> -> memref<1x128xf32, #tpu.memory_space<vmem>>
    %dma_wait3A_1675 = tpu.memref_squeeze %dma_wait3A_1674 : memref<1x128xf32, #tpu.memory_space<vmem>> -> memref<128xf32, #tpu.memory_space<vmem>>
    %dma_wait3A_1676 = arith.constant 0 : i32
    %dma_wait3A_1677 = tpu.memref_slice %arg9[%dma_wait3A_1671, %dma_wait3A_1676] : memref<85x128xi32, #tpu.memory_space<vmem>> -> memref<1x128xi32, #tpu.memory_space<vmem>>
    %dma_wait3A_1678 = tpu.memref_squeeze %dma_wait3A_1677 : memref<1x128xi32, #tpu.memory_space<vmem>> -> memref<128xi32, #tpu.memory_space<vmem>>
    %dma_wait3A_1679 = arith.constant 0 : i32
    %dma_wait3A_1680 = tpu.memref_slice %arg2[%dma_wait3A_1679] : memref<16711680xf32, #tpu.memory_space<hbm>> -> memref<16711680xf32, #tpu.memory_space<hbm>>
    tpu.wait_indirect_dma semaphore(%arg14 : memref<!tpu.dma_semaphore, #tpu.memory_space<semaphore_mem>>) src(%dma_wait3A_1680 : memref<16711680xf32, #tpu.memory_space<hbm>>) dst(%dma_wait3A_1675 : memref<128xf32, #tpu.memory_space<vmem>>)
    %dma_wait3A_1681 = arith.constant 83 : i32
    %dma_wait3A_1682 = arith.constant 83 : i32
    %dma_wait3A_1683 = arith.constant 0 : i32
    %dma_wait3A_1684 = tpu.memref_slice %arg10[%dma_wait3A_1682, %dma_wait3A_1683] : memref<85x128xf32, #tpu.memory_space<vmem>> -> memref<1x128xf32, #tpu.memory_space<vmem>>
    %dma_wait3A_1685 = tpu.memref_squeeze %dma_wait3A_1684 : memref<1x128xf32, #tpu.memory_space<vmem>> -> memref<128xf32, #tpu.memory_space<vmem>>
    %dma_wait3A_1686 = arith.constant 0 : i32
    %dma_wait3A_1687 = tpu.memref_slice %arg9[%dma_wait3A_1681, %dma_wait3A_1686] : memref<85x128xi32, #tpu.memory_space<vmem>> -> memref<1x128xi32, #tpu.memory_space<vmem>>
    %dma_wait3A_1688 = tpu.memref_squeeze %dma_wait3A_1687 : memref<1x128xi32, #tpu.memory_space<vmem>> -> memref<128xi32, #tpu.memory_space<vmem>>
    %dma_wait3A_1689 = arith.constant 0 : i32
    %dma_wait3A_1690 = tpu.memref_slice %arg2[%dma_wait3A_1689] : memref<16711680xf32, #tpu.memory_space<hbm>> -> memref<16711680xf32, #tpu.memory_space<hbm>>
    tpu.wait_indirect_dma semaphore(%arg14 : memref<!tpu.dma_semaphore, #tpu.memory_space<semaphore_mem>>) src(%dma_wait3A_1690 : memref<16711680xf32, #tpu.memory_space<hbm>>) dst(%dma_wait3A_1685 : memref<128xf32, #tpu.memory_space<vmem>>)
    %dma_wait3A_1691 = arith.constant 84 : i32
    %dma_wait3A_1692 = arith.constant 84 : i32
    %dma_wait3A_1693 = arith.constant 0 : i32
    %dma_wait3A_1694 = tpu.memref_slice %arg10[%dma_wait3A_1692, %dma_wait3A_1693] : memref<85x128xf32, #tpu.memory_space<vmem>> -> memref<1x128xf32, #tpu.memory_space<vmem>>
    %dma_wait3A_1695 = tpu.memref_squeeze %dma_wait3A_1694 : memref<1x128xf32, #tpu.memory_space<vmem>> -> memref<128xf32, #tpu.memory_space<vmem>>
    %dma_wait3A_1696 = arith.constant 0 : i32
    %dma_wait3A_1697 = tpu.memref_slice %arg9[%dma_wait3A_1691, %dma_wait3A_1696] : memref<85x128xi32, #tpu.memory_space<vmem>> -> memref<1x128xi32, #tpu.memory_space<vmem>>
    %dma_wait3A_1698 = tpu.memref_squeeze %dma_wait3A_1697 : memref<1x128xi32, #tpu.memory_space<vmem>> -> memref<128xi32, #tpu.memory_space<vmem>>
    %dma_wait3A_1699 = arith.constant 0 : i32
    %dma_wait3A_1700 = tpu.memref_slice %arg2[%dma_wait3A_1699] : memref<16711680xf32, #tpu.memory_space<hbm>> -> memref<16711680xf32, #tpu.memory_space<hbm>>
    tpu.wait_indirect_dma semaphore(%arg14 : memref<!tpu.dma_semaphore, #tpu.memory_space<semaphore_mem>>) src(%dma_wait3A_1700 : memref<16711680xf32, #tpu.memory_space<hbm>>) dst(%dma_wait3A_1695 : memref<128xf32, #tpu.memory_space<vmem>>)
    "tpu.region"() ({
      %run_scoped3A = tpu.sem_alloc : memref<!tpu.dma_semaphore, #tpu.memory_space<semaphore_mem>>
      %dma_start3A_1701 = arith.constant 0 : i32
      %dma_start3A_1702 = arith.constant 0 : i32
      %dma_start3A_1703 = tpu.memref_slice %arg7[%add3A, %dma_start3A_1701, %dma_start3A_1702] : memref<32x85x128xf32, #tpu.memory_space<hbm>> -> memref<1x85x128xf32, #tpu.memory_space<hbm>>
      %dma_start3A_1704 = tpu.memref_squeeze %dma_start3A_1703 : memref<1x85x128xf32, #tpu.memory_space<hbm>> -> memref<85x128xf32, #tpu.memory_space<hbm>>
      %dma_start3A_1705 = arith.constant 0 : i32
      %dma_start3A_1706 = arith.constant 0 : i32
      %dma_start3A_1707 = tpu.memref_slice %arg7[%add3A, %dma_start3A_1705, %dma_start3A_1706] : memref<32x85x128xf32, #tpu.memory_space<hbm>> -> memref<1x85x128xf32, #tpu.memory_space<hbm>>
      %dma_start3A_1708 = tpu.memref_squeeze %dma_start3A_1707 : memref<1x85x128xf32, #tpu.memory_space<hbm>> -> memref<85x128xf32, #tpu.memory_space<hbm>>
      tpu.enqueue_dma source(%arg10 : memref<85x128xf32, #tpu.memory_space<vmem>>) target(%dma_start3A_1708 : memref<85x128xf32, #tpu.memory_space<hbm>>) target_semaphore(%run_scoped3A : memref<!tpu.dma_semaphore, #tpu.memory_space<semaphore_mem>>)
      %dma_wait3A_1709 = arith.constant 0 : i32
      %dma_wait3A_1710 = arith.constant 0 : i32
      %dma_wait3A_1711 = tpu.memref_slice %arg7[%add3A, %dma_wait3A_1709, %dma_wait3A_1710] : memref<32x85x128xf32, #tpu.memory_space<hbm>> -> memref<1x85x128xf32, #tpu.memory_space<hbm>>
      %dma_wait3A_1712 = tpu.memref_squeeze %dma_wait3A_1711 : memref<1x85x128xf32, #tpu.memory_space<hbm>> -> memref<85x128xf32, #tpu.memory_space<hbm>>
      %dma_wait3A_1713 = arith.constant 0 : i32
      %dma_wait3A_1714 = arith.constant 0 : i32
      %dma_wait3A_1715 = tpu.memref_slice %arg7[%add3A, %dma_wait3A_1713, %dma_wait3A_1714] : memref<32x85x128xf32, #tpu.memory_space<hbm>> -> memref<1x85x128xf32, #tpu.memory_space<hbm>>
      %dma_wait3A_1716 = tpu.memref_squeeze %dma_wait3A_1715 : memref<1x85x128xf32, #tpu.memory_space<hbm>> -> memref<85x128xf32, #tpu.memory_space<hbm>>
      tpu.wait_dma2 semaphore(%run_scoped3A : memref<!tpu.dma_semaphore, #tpu.memory_space<semaphore_mem>>) src(%arg10 : memref<85x128xf32, #tpu.memory_space<vmem>>) dst(%dma_wait3A_1716 : memref<85x128xf32, #tpu.memory_space<hbm>>)
      tpu.yield
    }) : () -> ()
    return
  }
}

module attributes {stable_mosaic.version = 14 : i64} {
  func.func @_fused_body(%arg0: i32, %arg1: memref<1536x128xf32, #tpu.memory_space<vmem>>, %arg2: memref<1536x128xf32, #tpu.memory_space<vmem>>, %arg3: memref<4096x80xf32, #tpu.memory_space<vmem>>, %arg4: memref<4096x80xf32, #tpu.memory_space<vmem>>, %arg5: memref<4096x4xf32, #tpu.memory_space<vmem>>, %arg6: memref<8x4096xf32, #tpu.memory_space<vmem>>, %arg7: memref<1x1xf32, #tpu.memory_space<vmem>>, %arg8: memref<4096x1xf32, #tpu.memory_space<vmem>>, %arg9: memref<4096x1xf32, #tpu.memory_space<vmem>>, %arg10: memref<4096x1xf32, #tpu.memory_space<vmem>>, %arg11: memref<4096x1xf32, #tpu.memory_space<vmem>>, %arg12: memref<4096x1xf32, #tpu.memory_space<vmem>>, %arg13: memref<4096x1xf32, #tpu.memory_space<vmem>>, %arg14: memref<4096x1xf32, #tpu.memory_space<vmem>>, %arg15: memref<4096x1xf32, #tpu.memory_space<vmem>>, %arg16: memref<4096x1xf32, #tpu.memory_space<vmem>>, %arg17: memref<4096x1xf32, #tpu.memory_space<vmem>>, %arg18: memref<1x4096xf32, #tpu.memory_space<vmem>>, %arg19: memref<1x4096xf32, #tpu.memory_space<vmem>>, %arg20: memref<1x4096xf32, #tpu.memory_space<vmem>>, %arg21: memref<1x4096xf32, #tpu.memory_space<vmem>>, %arg22: memref<1x4096xf32, #tpu.memory_space<vmem>>, %arg23: memref<1x4096xf32, #tpu.memory_space<vmem>>, %arg24: memref<1x4096xf32, #tpu.memory_space<vmem>>, %arg25: memref<1x4096xf32, #tpu.memory_space<vmem>>, %arg26: memref<1x4096xf32, #tpu.memory_space<vmem>>, %arg27: memref<1x4096xf32, #tpu.memory_space<vmem>>) attributes {dimension_semantics = [#tpu.dimension_semantics<arbitrary>], iteration_bounds = array<i64: 17>, scalar_prefetch = 0 : i64, scratch_operands = 20 : i64, tpu.core_type = #tpu.core_type<tc>, window_params = [{pipeline_mode = #tpu.pipeline_mode<synchronous>, transform_indices = @transform_0, window_bounds = array<i64: 1536, 128>}, {pipeline_mode = #tpu.pipeline_mode<synchronous>, transform_indices = @transform_1, window_bounds = array<i64: 1536, 128>}, {pipeline_mode = #tpu.pipeline_mode<synchronous>, transform_indices = @transform_2, window_bounds = array<i64: 4096, 80>}, {pipeline_mode = #tpu.pipeline_mode<synchronous>, transform_indices = @transform_3, window_bounds = array<i64: 4096, 80>}, {pipeline_mode = #tpu.pipeline_mode<synchronous>, transform_indices = @transform_4, window_bounds = array<i64: 4096, 4>}, {pipeline_mode = #tpu.pipeline_mode<synchronous>, transform_indices = @transform_5, window_bounds = array<i64: 8, 4096>}, {pipeline_mode = #tpu.pipeline_mode<synchronous>, transform_indices = @transform_6, window_bounds = array<i64: 1, 1>}]} {
    %eq3A = arith.constant 0 : i32
    %eq3A_0 = arith.cmpi eq, %arg0, %eq3A : i32
    %convert_element_type3A = arith.extui %eq3A_0 : i1 to i32
    %cond3A = arith.constant 0 : i32
    %cond3A_1 = arith.cmpi ne, %convert_element_type3A, %cond3A : i32
    scf.if %cond3A_1 {
      %get3A = arith.constant 0 : index
      %get3A_6 = arith.constant 0 : index
      %get3A_7 = vector.load %arg1[%get3A, %get3A_6] : memref<1536x128xf32, #tpu.memory_space<vmem>>, vector<1536x128xf32>
      %get3A_8 = arith.constant 0 : index
      %get3A_9 = arith.constant 0 : index
      %get3A_10 = vector.load %arg2[%get3A_8, %get3A_9] : memref<1536x128xf32, #tpu.memory_space<vmem>>, vector<1536x128xf32>
      %max3A = arith.constant 0.000000e+00 : f32
      %max3A_11 = vector.broadcast %max3A : f32 to vector<1536x128xf32>
      %max3A_12 = arith.maximumf %get3A_7, %max3A_11 : vector<1536x128xf32>
      %mul3A = arith.mulf %get3A_7, %get3A_10 : vector<1536x128xf32>
      %sub3A = arith.subf %max3A_12, %mul3A : vector<1536x128xf32>
      %abs3A = math.absf %get3A_7 : vector<1536x128xf32>
      %neg3A = arith.constant 0.000000e+00 : f32
      %neg3A_13 = vector.broadcast %neg3A : f32 to vector<1536x128xf32>
      %neg3A_14 = arith.subf %neg3A_13, %abs3A : vector<1536x128xf32>
      %exp3A = math.exp %neg3A_14 : vector<1536x128xf32>
      %add3A = arith.constant 1.000000e+00 : f32
      %add3A_15 = vector.broadcast %add3A : f32 to vector<1536x128xf32>
      %add3A_16 = arith.addf %add3A_15, %exp3A : vector<1536x128xf32>
      %log3A = math.log %add3A_16 : vector<1536x128xf32>
      %add3A_17 = arith.addf %sub3A, %log3A : vector<1536x128xf32>
      %reduce_sum3A = vector.shape_cast %add3A_17 : vector<1536x128xf32> to vector<1x1536x128xf32>
      %reduce_sum3A_18 = arith.constant dense<0.000000e+00> : vector<1xf32>
      %reduce_sum3A_19 = vector.multi_reduction <add>, %reduce_sum3A, %reduce_sum3A_18 [1, 2] : vector<1x1536x128xf32> to vector<1xf32>
      %reduce_sum3A_20 = vector.shape_cast %reduce_sum3A_19 : vector<1xf32> to vector<1x1x1xf32>
      %reduce_sum3A_21 = vector.extract %reduce_sum3A_20[0, 0, 0] : f32 from vector<1x1x1xf32>
      %get3A_22 = arith.constant 0 : index
      %get3A_23 = arith.constant 0 : index
      %get3A_24 = vector.load %arg3[%get3A_22, %get3A_23] : memref<4096x80xf32, #tpu.memory_space<vmem>>, vector<4096x80xf32>
      %get3A_25 = arith.constant 0 : index
      %get3A_26 = arith.constant 0 : index
      %get3A_27 = vector.load %arg4[%get3A_25, %get3A_26] : memref<4096x80xf32, #tpu.memory_space<vmem>>, vector<4096x80xf32>
      %max3A_28 = arith.constant 0.000000e+00 : f32
      %max3A_29 = vector.broadcast %max3A_28 : f32 to vector<4096x80xf32>
      %max3A_30 = arith.maximumf %get3A_24, %max3A_29 : vector<4096x80xf32>
      %mul3A_31 = arith.mulf %get3A_24, %get3A_27 : vector<4096x80xf32>
      %sub3A_32 = arith.subf %max3A_30, %mul3A_31 : vector<4096x80xf32>
      %abs3A_33 = math.absf %get3A_24 : vector<4096x80xf32>
      %neg3A_34 = arith.constant 0.000000e+00 : f32
      %neg3A_35 = vector.broadcast %neg3A_34 : f32 to vector<4096x80xf32>
      %neg3A_36 = arith.subf %neg3A_35, %abs3A_33 : vector<4096x80xf32>
      %exp3A_37 = math.exp %neg3A_36 : vector<4096x80xf32>
      %add3A_38 = arith.constant 1.000000e+00 : f32
      %add3A_39 = vector.broadcast %add3A_38 : f32 to vector<4096x80xf32>
      %add3A_40 = arith.addf %add3A_39, %exp3A_37 : vector<4096x80xf32>
      %log3A_41 = math.log %add3A_40 : vector<4096x80xf32>
      %add3A_42 = arith.addf %sub3A_32, %log3A_41 : vector<4096x80xf32>
      %reduce_sum3A_43 = vector.shape_cast %add3A_42 : vector<4096x80xf32> to vector<1x4096x80xf32>
      %reduce_sum3A_44 = arith.constant dense<0.000000e+00> : vector<1xf32>
      %reduce_sum3A_45 = vector.multi_reduction <add>, %reduce_sum3A_43, %reduce_sum3A_44 [1, 2] : vector<1x4096x80xf32> to vector<1xf32>
      %reduce_sum3A_46 = vector.shape_cast %reduce_sum3A_45 : vector<1xf32> to vector<1x1x1xf32>
      %reduce_sum3A_47 = vector.extract %reduce_sum3A_46[0, 0, 0] : f32 from vector<1x1x1xf32>
      %mul3A_48 = arith.constant 5.08626317E-6 : f32
      %mul3A_49 = arith.mulf %reduce_sum3A_21, %mul3A_48 : f32
      %mul3A_50 = arith.constant 3.05175786E-6 : f32
      %mul3A_51 = arith.mulf %reduce_sum3A_47, %mul3A_50 : f32
      %add3A_52 = arith.addf %mul3A_49, %mul3A_51 : f32
      %add3A_53 = arith.constant 1.000000e+00 : f32
      %add3A_54 = arith.addf %add3A_52, %add3A_53 : f32
      %reshape3A = vector.broadcast %add3A_54 : f32 to vector<1x1xf32>
      %swap3A = arith.constant 0 : index
      %swap3A_55 = arith.constant 0 : index
      %swap3A_56 = vector.load %arg7[%swap3A, %swap3A_55] : memref<1x1xf32, #tpu.memory_space<vmem>>, vector<1x1xf32>
      tpu.vector_store %arg7[%swap3A, %swap3A_55], %reshape3A {strides = array<i32>} : memref<1x1xf32, #tpu.memory_space<vmem>>, vector<1x1xf32>,
      %get3A_57 = arith.constant 0 : index
      %get3A_58 = arith.constant 0 : index
      %get3A_59 = vector.load %arg5[%get3A_57, %get3A_58] : memref<4096x4xf32, #tpu.memory_space<vmem>>, vector<4096x1xf32>
      %get3A_60 = arith.constant 0 : index
      %get3A_61 = arith.constant 1 : index
      %get3A_62 = vector.load %arg5[%get3A_60, %get3A_61] : memref<4096x4xf32, #tpu.memory_space<vmem>>, vector<4096x1xf32>
      %get3A_63 = arith.constant 0 : index
      %get3A_64 = arith.constant 2 : index
      %get3A_65 = vector.load %arg5[%get3A_63, %get3A_64] : memref<4096x4xf32, #tpu.memory_space<vmem>>, vector<4096x1xf32>
      %get3A_66 = arith.constant 0 : index
      %get3A_67 = arith.constant 3 : index
      %get3A_68 = vector.load %arg5[%get3A_66, %get3A_67] : memref<4096x4xf32, #tpu.memory_space<vmem>>, vector<4096x1xf32>
      %sub3A_69 = arith.subf %get3A_65, %get3A_59 : vector<4096x1xf32>
      %sub3A_70 = arith.subf %get3A_68, %get3A_62 : vector<4096x1xf32>
      %mul3A_71 = arith.mulf %sub3A_69, %sub3A_70 : vector<4096x1xf32>
      %add3A_72 = arith.addf %get3A_59, %get3A_65 : vector<4096x1xf32>
      %mul3A_73 = arith.constant 5.000000e-01 : f32
      %mul3A_74 = vector.broadcast %mul3A_73 : f32 to vector<4096x1xf32>
      %mul3A_75 = arith.mulf %add3A_72, %mul3A_74 : vector<4096x1xf32>
      %add3A_76 = arith.addf %get3A_62, %get3A_68 : vector<4096x1xf32>
      %mul3A_77 = arith.constant 5.000000e-01 : f32
      %mul3A_78 = vector.broadcast %mul3A_77 : f32 to vector<4096x1xf32>
      %mul3A_79 = arith.mulf %add3A_76, %mul3A_78 : vector<4096x1xf32>
      %add3A_80 = arith.constant 1.000000e-07 : f32
      %add3A_81 = vector.broadcast %add3A_80 : f32 to vector<4096x1xf32>
      %add3A_82 = arith.addf %sub3A_70, %add3A_81 : vector<4096x1xf32>
      %div3A = arith.divf %sub3A_69, %add3A_82 : vector<4096x1xf32>
      %abs3A_83 = math.absf %div3A : vector<4096x1xf32>
      %gt3A_84 = arith.constant 1.000000e+00 : f32
      %gt3A_85 = vector.broadcast %gt3A_84 : f32 to vector<4096x1xf32>
      %gt3A_86 = arith.cmpf ogt, %abs3A_83, %gt3A_85 : vector<4096x1xf32>
      %div3A_87 = arith.constant 1.000000e+00 : f32
      %div3A_88 = vector.broadcast %div3A_87 : f32 to vector<4096x1xf32>
      %div3A_89 = arith.divf %div3A_88, %abs3A_83 : vector<4096x1xf32>
      %select_n3A = arith.select %gt3A_86, %div3A_89, %abs3A_83 : vector<4096x1xi1>, vector<4096x1xf32>
      %gt3A_90 = arith.constant 0.414213568 : f32
      %gt3A_91 = vector.broadcast %gt3A_90 : f32 to vector<4096x1xf32>
      %gt3A_92 = arith.cmpf ogt, %select_n3A, %gt3A_91 : vector<4096x1xf32>
      %sub3A_93 = arith.constant 1.000000e+00 : f32
      %sub3A_94 = vector.broadcast %sub3A_93 : f32 to vector<4096x1xf32>
      %sub3A_95 = arith.subf %select_n3A, %sub3A_94 : vector<4096x1xf32>
      %add3A_96 = arith.constant 1.000000e+00 : f32
      %add3A_97 = vector.broadcast %add3A_96 : f32 to vector<4096x1xf32>
      %add3A_98 = arith.addf %select_n3A, %add3A_97 : vector<4096x1xf32>
      %div3A_99 = arith.divf %sub3A_95, %add3A_98 : vector<4096x1xf32>
      %select_n3A_100 = arith.select %gt3A_92, %div3A_99, %select_n3A : vector<4096x1xi1>, vector<4096x1xf32>
      %mul3A_101 = arith.mulf %select_n3A_100, %select_n3A_100 : vector<4096x1xf32>
      %mul3A_102 = arith.mulf %select_n3A_100, %mul3A_101 : vector<4096x1xf32>
      %mul3A_103 = arith.constant 0.0805374458 : f32
      %mul3A_104 = vector.broadcast %mul3A_103 : f32 to vector<4096x1xf32>
      %mul3A_105 = arith.mulf %mul3A_101, %mul3A_104 : vector<4096x1xf32>
      %add3A_106 = arith.constant -0.138776854 : f32
      %add3A_107 = vector.broadcast %add3A_106 : f32 to vector<4096x1xf32>
      %add3A_108 = arith.addf %add3A_107, %mul3A_105 : vector<4096x1xf32>
      %mul3A_109 = arith.mulf %mul3A_101, %add3A_108 : vector<4096x1xf32>
      %add3A_110 = arith.constant 0.199777111 : f32
      %add3A_111 = vector.broadcast %add3A_110 : f32 to vector<4096x1xf32>
      %add3A_112 = arith.addf %add3A_111, %mul3A_109 : vector<4096x1xf32>
      %mul3A_113 = arith.mulf %mul3A_101, %add3A_112 : vector<4096x1xf32>
      %add3A_114 = arith.constant -0.333329499 : f32
      %add3A_115 = vector.broadcast %add3A_114 : f32 to vector<4096x1xf32>
      %add3A_116 = arith.addf %add3A_115, %mul3A_113 : vector<4096x1xf32>
      %mul3A_117 = arith.mulf %mul3A_102, %add3A_116 : vector<4096x1xf32>
      %add3A_118 = arith.addf %select_n3A_100, %mul3A_117 : vector<4096x1xf32>
      %add3A_119 = arith.constant 0.785398185 : f32
      %add3A_120 = vector.broadcast %add3A_119 : f32 to vector<4096x1xf32>
      %add3A_121 = arith.addf %add3A_120, %add3A_118 : vector<4096x1xf32>
      %select_n3A_122 = arith.select %gt3A_92, %add3A_121, %add3A_118 : vector<4096x1xi1>, vector<4096x1xf32>
      %sub3A_123 = arith.constant 1.57079637 : f32
      %sub3A_124 = vector.broadcast %sub3A_123 : f32 to vector<4096x1xf32>
      %sub3A_125 = arith.subf %sub3A_124, %select_n3A_122 : vector<4096x1xf32>
      %select_n3A_126 = arith.select %gt3A_86, %sub3A_125, %select_n3A_122 : vector<4096x1xi1>, vector<4096x1xf32>
      %lt3A = arith.constant 0.000000e+00 : f32
      %lt3A_127 = vector.broadcast %lt3A : f32 to vector<4096x1xf32>
      %lt3A_128 = arith.cmpf olt, %div3A, %lt3A_127 : vector<4096x1xf32>
      %neg3A_129 = arith.constant 0.000000e+00 : f32
      %neg3A_130 = vector.broadcast %neg3A_129 : f32 to vector<4096x1xf32>
      %neg3A_131 = arith.subf %neg3A_130, %select_n3A_126 : vector<4096x1xf32>
      %select_n3A_132 = arith.select %lt3A_128, %neg3A_131, %select_n3A_126 : vector<4096x1xi1>, vector<4096x1xf32>
      %mul3A_133 = arith.constant 0.636618257 : f32
      %mul3A_134 = vector.broadcast %mul3A_133 : f32 to vector<4096x1xf32>
      %mul3A_135 = arith.mulf %mul3A_134, %select_n3A_132 : vector<4096x1xf32>
      %get3A_136 = arith.constant 0 : index
      %get3A_137 = arith.constant 0 : index
      %get3A_138 = vector.load %arg6[%get3A_136, %get3A_137] : memref<8x4096xf32, #tpu.memory_space<vmem>>, vector<1x4096xf32>
      %get3A_139 = arith.constant 1 : index
      %get3A_140 = arith.constant 0 : index
      %get3A_141 = vector.load %arg6[%get3A_139, %get3A_140] : memref<8x4096xf32, #tpu.memory_space<vmem>>, vector<1x4096xf32>
      %get3A_142 = arith.constant 2 : index
      %get3A_143 = arith.constant 0 : index
      %get3A_144 = vector.load %arg6[%get3A_142, %get3A_143] : memref<8x4096xf32, #tpu.memory_space<vmem>>, vector<1x4096xf32>
      %get3A_145 = arith.constant 3 : index
      %get3A_146 = arith.constant 0 : index
      %get3A_147 = vector.load %arg6[%get3A_145, %get3A_146] : memref<8x4096xf32, #tpu.memory_space<vmem>>, vector<1x4096xf32>
      %sub3A_148 = arith.subf %get3A_144, %get3A_138 : vector<1x4096xf32>
      %sub3A_149 = arith.subf %get3A_147, %get3A_141 : vector<1x4096xf32>
      %mul3A_150 = arith.mulf %sub3A_148, %sub3A_149 : vector<1x4096xf32>
      %add3A_151 = arith.addf %get3A_138, %get3A_144 : vector<1x4096xf32>
      %mul3A_152 = arith.constant 5.000000e-01 : f32
      %mul3A_153 = vector.broadcast %mul3A_152 : f32 to vector<1x4096xf32>
      %mul3A_154 = arith.mulf %add3A_151, %mul3A_153 : vector<1x4096xf32>
      %add3A_155 = arith.addf %get3A_141, %get3A_147 : vector<1x4096xf32>
      %mul3A_156 = arith.constant 5.000000e-01 : f32
      %mul3A_157 = vector.broadcast %mul3A_156 : f32 to vector<1x4096xf32>
      %mul3A_158 = arith.mulf %add3A_155, %mul3A_157 : vector<1x4096xf32>
      %add3A_159 = arith.constant 1.000000e-07 : f32
      %add3A_160 = vector.broadcast %add3A_159 : f32 to vector<1x4096xf32>
      %add3A_161 = arith.addf %sub3A_149, %add3A_160 : vector<1x4096xf32>
      %div3A_162 = arith.divf %sub3A_148, %add3A_161 : vector<1x4096xf32>
      %abs3A_163 = math.absf %div3A_162 : vector<1x4096xf32>
      %gt3A_164 = arith.constant 1.000000e+00 : f32
      %gt3A_165 = vector.broadcast %gt3A_164 : f32 to vector<1x4096xf32>
      %gt3A_166 = arith.cmpf ogt, %abs3A_163, %gt3A_165 : vector<1x4096xf32>
      %div3A_167 = arith.constant 1.000000e+00 : f32
      %div3A_168 = vector.broadcast %div3A_167 : f32 to vector<1x4096xf32>
      %div3A_169 = arith.divf %div3A_168, %abs3A_163 : vector<1x4096xf32>
      %select_n3A_170 = arith.select %gt3A_166, %div3A_169, %abs3A_163 : vector<1x4096xi1>, vector<1x4096xf32>
      %gt3A_171 = arith.constant 0.414213568 : f32
      %gt3A_172 = vector.broadcast %gt3A_171 : f32 to vector<1x4096xf32>
      %gt3A_173 = arith.cmpf ogt, %select_n3A_170, %gt3A_172 : vector<1x4096xf32>
      %sub3A_174 = arith.constant 1.000000e+00 : f32
      %sub3A_175 = vector.broadcast %sub3A_174 : f32 to vector<1x4096xf32>
      %sub3A_176 = arith.subf %select_n3A_170, %sub3A_175 : vector<1x4096xf32>
      %add3A_177 = arith.constant 1.000000e+00 : f32
      %add3A_178 = vector.broadcast %add3A_177 : f32 to vector<1x4096xf32>
      %add3A_179 = arith.addf %select_n3A_170, %add3A_178 : vector<1x4096xf32>
      %div3A_180 = arith.divf %sub3A_176, %add3A_179 : vector<1x4096xf32>
      %select_n3A_181 = arith.select %gt3A_173, %div3A_180, %select_n3A_170 : vector<1x4096xi1>, vector<1x4096xf32>
      %mul3A_182 = arith.mulf %select_n3A_181, %select_n3A_181 : vector<1x4096xf32>
      %mul3A_183 = arith.mulf %select_n3A_181, %mul3A_182 : vector<1x4096xf32>
      %mul3A_184 = arith.constant 0.0805374458 : f32
      %mul3A_185 = vector.broadcast %mul3A_184 : f32 to vector<1x4096xf32>
      %mul3A_186 = arith.mulf %mul3A_182, %mul3A_185 : vector<1x4096xf32>
      %add3A_187 = arith.constant -0.138776854 : f32
      %add3A_188 = vector.broadcast %add3A_187 : f32 to vector<1x4096xf32>
      %add3A_189 = arith.addf %add3A_188, %mul3A_186 : vector<1x4096xf32>
      %mul3A_190 = arith.mulf %mul3A_182, %add3A_189 : vector<1x4096xf32>
      %add3A_191 = arith.constant 0.199777111 : f32
      %add3A_192 = vector.broadcast %add3A_191 : f32 to vector<1x4096xf32>
      %add3A_193 = arith.addf %add3A_192, %mul3A_190 : vector<1x4096xf32>
      %mul3A_194 = arith.mulf %mul3A_182, %add3A_193 : vector<1x4096xf32>
      %add3A_195 = arith.constant -0.333329499 : f32
      %add3A_196 = vector.broadcast %add3A_195 : f32 to vector<1x4096xf32>
      %add3A_197 = arith.addf %add3A_196, %mul3A_194 : vector<1x4096xf32>
      %mul3A_198 = arith.mulf %mul3A_183, %add3A_197 : vector<1x4096xf32>
      %add3A_199 = arith.addf %select_n3A_181, %mul3A_198 : vector<1x4096xf32>
      %add3A_200 = arith.constant 0.785398185 : f32
      %add3A_201 = vector.broadcast %add3A_200 : f32 to vector<1x4096xf32>
      %add3A_202 = arith.addf %add3A_201, %add3A_199 : vector<1x4096xf32>
      %select_n3A_203 = arith.select %gt3A_173, %add3A_202, %add3A_199 : vector<1x4096xi1>, vector<1x4096xf32>
      %sub3A_204 = arith.constant 1.57079637 : f32
      %sub3A_205 = vector.broadcast %sub3A_204 : f32 to vector<1x4096xf32>
      %sub3A_206 = arith.subf %sub3A_205, %select_n3A_203 : vector<1x4096xf32>
      %select_n3A_207 = arith.select %gt3A_166, %sub3A_206, %select_n3A_203 : vector<1x4096xi1>, vector<1x4096xf32>
      %lt3A_208 = arith.constant 0.000000e+00 : f32
      %lt3A_209 = vector.broadcast %lt3A_208 : f32 to vector<1x4096xf32>
      %lt3A_210 = arith.cmpf olt, %div3A_162, %lt3A_209 : vector<1x4096xf32>
      %neg3A_211 = arith.constant 0.000000e+00 : f32
      %neg3A_212 = vector.broadcast %neg3A_211 : f32 to vector<1x4096xf32>
      %neg3A_213 = arith.subf %neg3A_212, %select_n3A_207 : vector<1x4096xf32>
      %select_n3A_214 = arith.select %lt3A_210, %neg3A_213, %select_n3A_207 : vector<1x4096xi1>, vector<1x4096xf32>
      %mul3A_215 = arith.constant 0.636618257 : f32
      %mul3A_216 = vector.broadcast %mul3A_215 : f32 to vector<1x4096xf32>
      %mul3A_217 = arith.mulf %mul3A_216, %select_n3A_214 : vector<1x4096xf32>
      %swap3A_218 = arith.constant 0 : index
      %swap3A_219 = arith.constant 0 : index
      %swap3A_220 = vector.load %arg8[%swap3A_218, %swap3A_219] : memref<4096x1xf32, #tpu.memory_space<vmem>>, vector<4096x1xf32>
      tpu.vector_store %arg8[%swap3A_218, %swap3A_219], %get3A_59 {strides = array<i32>} : memref<4096x1xf32, #tpu.memory_space<vmem>>, vector<4096x1xf32>,
      %swap3A_221 = arith.constant 0 : index
      %swap3A_222 = arith.constant 0 : index
      %swap3A_223 = vector.load %arg18[%swap3A_221, %swap3A_222] : memref<1x4096xf32, #tpu.memory_space<vmem>>, vector<1x4096xf32>
      tpu.vector_store %arg18[%swap3A_221, %swap3A_222], %get3A_138 {strides = array<i32>} : memref<1x4096xf32, #tpu.memory_space<vmem>>, vector<1x4096xf32>,
      %swap3A_224 = arith.constant 0 : index
      %swap3A_225 = arith.constant 0 : index
      %swap3A_226 = vector.load %arg9[%swap3A_224, %swap3A_225] : memref<4096x1xf32, #tpu.memory_space<vmem>>, vector<4096x1xf32>
      tpu.vector_store %arg9[%swap3A_224, %swap3A_225], %get3A_62 {strides = array<i32>} : memref<4096x1xf32, #tpu.memory_space<vmem>>, vector<4096x1xf32>,
      %swap3A_227 = arith.constant 0 : index
      %swap3A_228 = arith.constant 0 : index
      %swap3A_229 = vector.load %arg19[%swap3A_227, %swap3A_228] : memref<1x4096xf32, #tpu.memory_space<vmem>>, vector<1x4096xf32>
      tpu.vector_store %arg19[%swap3A_227, %swap3A_228], %get3A_141 {strides = array<i32>} : memref<1x4096xf32, #tpu.memory_space<vmem>>, vector<1x4096xf32>,
      %swap3A_230 = arith.constant 0 : index
      %swap3A_231 = arith.constant 0 : index
      %swap3A_232 = vector.load %arg10[%swap3A_230, %swap3A_231] : memref<4096x1xf32, #tpu.memory_space<vmem>>, vector<4096x1xf32>
      tpu.vector_store %arg10[%swap3A_230, %swap3A_231], %get3A_65 {strides = array<i32>} : memref<4096x1xf32, #tpu.memory_space<vmem>>, vector<4096x1xf32>,
      %swap3A_233 = arith.constant 0 : index
      %swap3A_234 = arith.constant 0 : index
      %swap3A_235 = vector.load %arg20[%swap3A_233, %swap3A_234] : memref<1x4096xf32, #tpu.memory_space<vmem>>, vector<1x4096xf32>
      tpu.vector_store %arg20[%swap3A_233, %swap3A_234], %get3A_144 {strides = array<i32>} : memref<1x4096xf32, #tpu.memory_space<vmem>>, vector<1x4096xf32>,
      %swap3A_236 = arith.constant 0 : index
      %swap3A_237 = arith.constant 0 : index
      %swap3A_238 = vector.load %arg11[%swap3A_236, %swap3A_237] : memref<4096x1xf32, #tpu.memory_space<vmem>>, vector<4096x1xf32>
      tpu.vector_store %arg11[%swap3A_236, %swap3A_237], %get3A_68 {strides = array<i32>} : memref<4096x1xf32, #tpu.memory_space<vmem>>, vector<4096x1xf32>,
      %swap3A_239 = arith.constant 0 : index
      %swap3A_240 = arith.constant 0 : index
      %swap3A_241 = vector.load %arg21[%swap3A_239, %swap3A_240] : memref<1x4096xf32, #tpu.memory_space<vmem>>, vector<1x4096xf32>
      tpu.vector_store %arg21[%swap3A_239, %swap3A_240], %get3A_147 {strides = array<i32>} : memref<1x4096xf32, #tpu.memory_space<vmem>>, vector<1x4096xf32>,
      %swap3A_242 = arith.constant 0 : index
      %swap3A_243 = arith.constant 0 : index
      %swap3A_244 = vector.load %arg12[%swap3A_242, %swap3A_243] : memref<4096x1xf32, #tpu.memory_space<vmem>>, vector<4096x1xf32>
      tpu.vector_store %arg12[%swap3A_242, %swap3A_243], %sub3A_69 {strides = array<i32>} : memref<4096x1xf32, #tpu.memory_space<vmem>>, vector<4096x1xf32>,
      %swap3A_245 = arith.constant 0 : index
      %swap3A_246 = arith.constant 0 : index
      %swap3A_247 = vector.load %arg22[%swap3A_245, %swap3A_246] : memref<1x4096xf32, #tpu.memory_space<vmem>>, vector<1x4096xf32>
      tpu.vector_store %arg22[%swap3A_245, %swap3A_246], %sub3A_148 {strides = array<i32>} : memref<1x4096xf32, #tpu.memory_space<vmem>>, vector<1x4096xf32>,
      %swap3A_248 = arith.constant 0 : index
      %swap3A_249 = arith.constant 0 : index
      %swap3A_250 = vector.load %arg13[%swap3A_248, %swap3A_249] : memref<4096x1xf32, #tpu.memory_space<vmem>>, vector<4096x1xf32>
      tpu.vector_store %arg13[%swap3A_248, %swap3A_249], %sub3A_70 {strides = array<i32>} : memref<4096x1xf32, #tpu.memory_space<vmem>>, vector<4096x1xf32>,
      %swap3A_251 = arith.constant 0 : index
      %swap3A_252 = arith.constant 0 : index
      %swap3A_253 = vector.load %arg23[%swap3A_251, %swap3A_252] : memref<1x4096xf32, #tpu.memory_space<vmem>>, vector<1x4096xf32>
      tpu.vector_store %arg23[%swap3A_251, %swap3A_252], %sub3A_149 {strides = array<i32>} : memref<1x4096xf32, #tpu.memory_space<vmem>>, vector<1x4096xf32>,
      %swap3A_254 = arith.constant 0 : index
      %swap3A_255 = arith.constant 0 : index
      %swap3A_256 = vector.load %arg14[%swap3A_254, %swap3A_255] : memref<4096x1xf32, #tpu.memory_space<vmem>>, vector<4096x1xf32>
      tpu.vector_store %arg14[%swap3A_254, %swap3A_255], %mul3A_71 {strides = array<i32>} : memref<4096x1xf32, #tpu.memory_space<vmem>>, vector<4096x1xf32>,
      %swap3A_257 = arith.constant 0 : index
      %swap3A_258 = arith.constant 0 : index
      %swap3A_259 = vector.load %arg24[%swap3A_257, %swap3A_258] : memref<1x4096xf32, #tpu.memory_space<vmem>>, vector<1x4096xf32>
      tpu.vector_store %arg24[%swap3A_257, %swap3A_258], %mul3A_150 {strides = array<i32>} : memref<1x4096xf32, #tpu.memory_space<vmem>>, vector<1x4096xf32>,
      %swap3A_260 = arith.constant 0 : index
      %swap3A_261 = arith.constant 0 : index
      %swap3A_262 = vector.load %arg15[%swap3A_260, %swap3A_261] : memref<4096x1xf32, #tpu.memory_space<vmem>>, vector<4096x1xf32>
      tpu.vector_store %arg15[%swap3A_260, %swap3A_261], %mul3A_75 {strides = array<i32>} : memref<4096x1xf32, #tpu.memory_space<vmem>>, vector<4096x1xf32>,
      %swap3A_263 = arith.constant 0 : index
      %swap3A_264 = arith.constant 0 : index
      %swap3A_265 = vector.load %arg25[%swap3A_263, %swap3A_264] : memref<1x4096xf32, #tpu.memory_space<vmem>>, vector<1x4096xf32>
      tpu.vector_store %arg25[%swap3A_263, %swap3A_264], %mul3A_154 {strides = array<i32>} : memref<1x4096xf32, #tpu.memory_space<vmem>>, vector<1x4096xf32>,
      %swap3A_266 = arith.constant 0 : index
      %swap3A_267 = arith.constant 0 : index
      %swap3A_268 = vector.load %arg16[%swap3A_266, %swap3A_267] : memref<4096x1xf32, #tpu.memory_space<vmem>>, vector<4096x1xf32>
      tpu.vector_store %arg16[%swap3A_266, %swap3A_267], %mul3A_79 {strides = array<i32>} : memref<4096x1xf32, #tpu.memory_space<vmem>>, vector<4096x1xf32>,
      %swap3A_269 = arith.constant 0 : index
      %swap3A_270 = arith.constant 0 : index
      %swap3A_271 = vector.load %arg26[%swap3A_269, %swap3A_270] : memref<1x4096xf32, #tpu.memory_space<vmem>>, vector<1x4096xf32>
      tpu.vector_store %arg26[%swap3A_269, %swap3A_270], %mul3A_158 {strides = array<i32>} : memref<1x4096xf32, #tpu.memory_space<vmem>>, vector<1x4096xf32>,
      %swap3A_272 = arith.constant 0 : index
      %swap3A_273 = arith.constant 0 : index
      %swap3A_274 = vector.load %arg17[%swap3A_272, %swap3A_273] : memref<4096x1xf32, #tpu.memory_space<vmem>>, vector<4096x1xf32>
      tpu.vector_store %arg17[%swap3A_272, %swap3A_273], %mul3A_135 {strides = array<i32>} : memref<4096x1xf32, #tpu.memory_space<vmem>>, vector<4096x1xf32>,
      %swap3A_275 = arith.constant 0 : index
      %swap3A_276 = arith.constant 0 : index
      %swap3A_277 = vector.load %arg27[%swap3A_275, %swap3A_276] : memref<1x4096xf32, #tpu.memory_space<vmem>>, vector<1x4096xf32>
      tpu.vector_store %arg27[%swap3A_275, %swap3A_276], %mul3A_217 {strides = array<i32>} : memref<1x4096xf32, #tpu.memory_space<vmem>>, vector<1x4096xf32>,
    } else {
    }
    %gt3A = arith.constant 0 : i32
    %gt3A_2 = arith.cmpi sgt, %arg0, %gt3A : i32
    %convert_element_type3A_3 = arith.extui %gt3A_2 : i1 to i32
    %cond3A_4 = arith.constant 0 : i32
    %cond3A_5 = arith.cmpi ne, %convert_element_type3A_3, %cond3A_4 : i32
    scf.if %cond3A_5 {
      %sub3A = arith.constant 1 : i32
      %sub3A_6 = arith.subi %arg0, %sub3A : i32
      %jit3A = arith.constant 2 : i32
      %div3A = arith.divsi %sub3A_6, %jit3A : i32
      %sign3A = arith.constant 0 : i32
      %sign3A_7 = arith.cmpi sgt, %sub3A_6, %sign3A : i32
      %sign3A_8 = arith.extui %sign3A_7 : i1 to i32
      %sign3A_9 = arith.constant 0 : i32
      %sign3A_10 = arith.cmpi slt, %sub3A_6, %sign3A_9 : i32
      %sign3A_11 = arith.extui %sign3A_10 : i1 to i32
      %sign3A_12 = arith.subi %sign3A_8, %sign3A_11 : i32
      %sign3A_13 = arith.constant 0 : i32
      %sign3A_14 = arith.cmpi sgt, %jit3A, %sign3A_13 : i32
      %sign3A_15 = arith.extui %sign3A_14 : i1 to i32
      %sign3A_16 = arith.constant 0 : i32
      %sign3A_17 = arith.cmpi slt, %jit3A, %sign3A_16 : i32
      %sign3A_18 = arith.extui %sign3A_17 : i1 to i32
      %sign3A_19 = arith.subi %sign3A_15, %sign3A_18 : i32
      %ne3A = arith.cmpi ne, %sign3A_12, %sign3A_19 : i32
      %rem3A = arith.remsi %sub3A_6, %jit3A : i32
      %ne3A_20 = arith.constant 0 : i32
      %ne3A_21 = arith.cmpi ne, %rem3A, %ne3A_20 : i32
      %and3A = arith.andi %ne3A, %ne3A_21 : i1
      %sub3A_22 = arith.constant 1 : i32
      %sub3A_23 = arith.subi %div3A, %sub3A_22 : i32
      %select_n3A = arith.select %and3A, %sub3A_23, %div3A : i32
      %jit3A_24 = arith.constant 2 : i32
      %eq3A_25 = arith.constant 0 : i32
      %eq3A_26 = arith.cmpi eq, %jit3A_24, %eq3A_25 : i32
      %jit3A_27 = arith.constant 1 : i32
      %select_n3A_28 = arith.select %eq3A_26, %jit3A_27, %jit3A_24 : i32
      %rem3A_29 = arith.remsi %sub3A_6, %select_n3A_28 : i32
      %ne3A_30 = arith.constant 0 : i32
      %ne3A_31 = arith.cmpi ne, %rem3A_29, %ne3A_30 : i32
      %lt3A = arith.constant 0 : i32
      %lt3A_32 = arith.cmpi slt, %rem3A_29, %lt3A : i32
      %lt3A_33 = arith.constant 0 : i32
      %lt3A_34 = arith.cmpi slt, %select_n3A_28, %lt3A_33 : i32
      %ne3A_35 = arith.xori %lt3A_32, %lt3A_34 : i1
      %and3A_36 = arith.andi %ne3A_35, %ne3A_31 : i1
      %add3A = arith.addi %rem3A_29, %select_n3A_28 : i32
      %select_n3A_37 = arith.select %and3A_36, %add3A, %rem3A_29 : i32
      %mul3A = arith.constant 512 : i32
      %mul3A_38 = arith.muli %select_n3A, %mul3A : i32
      %mul3A_39 = arith.constant 2048 : i32
      %mul3A_40 = arith.muli %select_n3A_37, %mul3A_39 : i32
      %get3A = arith.index_cast %mul3A_38 : i32 to index
      %get3A_41 = arith.constant 0 : index
      %get3A_42 = vector.load %arg8[%get3A, %get3A_41] : memref<4096x1xf32, #tpu.memory_space<vmem>>, vector<512x1xf32>
      %get3A_43 = arith.index_cast %mul3A_38 : i32 to index
      %get3A_44 = arith.constant 0 : index
      %get3A_45 = vector.load %arg9[%get3A_43, %get3A_44] : memref<4096x1xf32, #tpu.memory_space<vmem>>, vector<512x1xf32>
      %get3A_46 = arith.index_cast %mul3A_38 : i32 to index
      %get3A_47 = arith.constant 0 : index
      %get3A_48 = vector.load %arg10[%get3A_46, %get3A_47] : memref<4096x1xf32, #tpu.memory_space<vmem>>, vector<512x1xf32>
      %get3A_49 = arith.index_cast %mul3A_38 : i32 to index
      %get3A_50 = arith.constant 0 : index
      %get3A_51 = vector.load %arg11[%get3A_49, %get3A_50] : memref<4096x1xf32, #tpu.memory_space<vmem>>, vector<512x1xf32>
      %get3A_52 = arith.index_cast %mul3A_38 : i32 to index
      %get3A_53 = arith.constant 0 : index
      %get3A_54 = vector.load %arg12[%get3A_52, %get3A_53] : memref<4096x1xf32, #tpu.memory_space<vmem>>, vector<512x1xf32>
      %get3A_55 = arith.index_cast %mul3A_38 : i32 to index
      %get3A_56 = arith.constant 0 : index
      %get3A_57 = vector.load %arg13[%get3A_55, %get3A_56] : memref<4096x1xf32, #tpu.memory_space<vmem>>, vector<512x1xf32>
      %get3A_58 = arith.index_cast %mul3A_38 : i32 to index
      %get3A_59 = arith.constant 0 : index
      %get3A_60 = vector.load %arg14[%get3A_58, %get3A_59] : memref<4096x1xf32, #tpu.memory_space<vmem>>, vector<512x1xf32>
      %get3A_61 = arith.index_cast %mul3A_38 : i32 to index
      %get3A_62 = arith.constant 0 : index
      %get3A_63 = vector.load %arg15[%get3A_61, %get3A_62] : memref<4096x1xf32, #tpu.memory_space<vmem>>, vector<512x1xf32>
      %get3A_64 = arith.index_cast %mul3A_38 : i32 to index
      %get3A_65 = arith.constant 0 : index
      %get3A_66 = vector.load %arg16[%get3A_64, %get3A_65] : memref<4096x1xf32, #tpu.memory_space<vmem>>, vector<512x1xf32>
      %get3A_67 = arith.index_cast %mul3A_38 : i32 to index
      %get3A_68 = arith.constant 0 : index
      %get3A_69 = vector.load %arg17[%get3A_67, %get3A_68] : memref<4096x1xf32, #tpu.memory_space<vmem>>, vector<512x1xf32>
      %get3A_70 = arith.constant 0 : index
      %get3A_71 = arith.index_cast %mul3A_40 : i32 to index
      %get3A_72 = vector.load %arg18[%get3A_70, %get3A_71] : memref<1x4096xf32, #tpu.memory_space<vmem>>, vector<1x2048xf32>
      %get3A_73 = arith.constant 0 : index
      %get3A_74 = arith.index_cast %mul3A_40 : i32 to index
      %get3A_75 = vector.load %arg19[%get3A_73, %get3A_74] : memref<1x4096xf32, #tpu.memory_space<vmem>>, vector<1x2048xf32>
      %get3A_76 = arith.constant 0 : index
      %get3A_77 = arith.index_cast %mul3A_40 : i32 to index
      %get3A_78 = vector.load %arg20[%get3A_76, %get3A_77] : memref<1x4096xf32, #tpu.memory_space<vmem>>, vector<1x2048xf32>
      %get3A_79 = arith.constant 0 : index
      %get3A_80 = arith.index_cast %mul3A_40 : i32 to index
      %get3A_81 = vector.load %arg21[%get3A_79, %get3A_80] : memref<1x4096xf32, #tpu.memory_space<vmem>>, vector<1x2048xf32>
      %get3A_82 = arith.constant 0 : index
      %get3A_83 = arith.index_cast %mul3A_40 : i32 to index
      %get3A_84 = vector.load %arg22[%get3A_82, %get3A_83] : memref<1x4096xf32, #tpu.memory_space<vmem>>, vector<1x2048xf32>
      %get3A_85 = arith.constant 0 : index
      %get3A_86 = arith.index_cast %mul3A_40 : i32 to index
      %get3A_87 = vector.load %arg23[%get3A_85, %get3A_86] : memref<1x4096xf32, #tpu.memory_space<vmem>>, vector<1x2048xf32>
      %get3A_88 = arith.constant 0 : index
      %get3A_89 = arith.index_cast %mul3A_40 : i32 to index
      %get3A_90 = vector.load %arg24[%get3A_88, %get3A_89] : memref<1x4096xf32, #tpu.memory_space<vmem>>, vector<1x2048xf32>
      %get3A_91 = arith.constant 0 : index
      %get3A_92 = arith.index_cast %mul3A_40 : i32 to index
      %get3A_93 = vector.load %arg25[%get3A_91, %get3A_92] : memref<1x4096xf32, #tpu.memory_space<vmem>>, vector<1x2048xf32>
      %get3A_94 = arith.constant 0 : index
      %get3A_95 = arith.index_cast %mul3A_40 : i32 to index
      %get3A_96 = vector.load %arg26[%get3A_94, %get3A_95] : memref<1x4096xf32, #tpu.memory_space<vmem>>, vector<1x2048xf32>
      %get3A_97 = arith.constant 0 : index
      %get3A_98 = arith.index_cast %mul3A_40 : i32 to index
      %get3A_99 = vector.load %arg27[%get3A_97, %get3A_98] : memref<1x4096xf32, #tpu.memory_space<vmem>>, vector<1x2048xf32>
      %max3A = vector.broadcast %get3A_42 : vector<512x1xf32> to vector<512x2048xf32>
      %max3A_100 = vector.broadcast %get3A_72 : vector<1x2048xf32> to vector<512x2048xf32>
      %max3A_101 = arith.maximumf %max3A, %max3A_100 : vector<512x2048xf32>
      %max3A_102 = vector.broadcast %get3A_45 : vector<512x1xf32> to vector<512x2048xf32>
      %max3A_103 = vector.broadcast %get3A_75 : vector<1x2048xf32> to vector<512x2048xf32>
      %max3A_104 = arith.maximumf %max3A_102, %max3A_103 : vector<512x2048xf32>
      %min3A = vector.broadcast %get3A_48 : vector<512x1xf32> to vector<512x2048xf32>
      %min3A_105 = vector.broadcast %get3A_78 : vector<1x2048xf32> to vector<512x2048xf32>
      %min3A_106 = arith.minimumf %min3A, %min3A_105 : vector<512x2048xf32>
      %min3A_107 = vector.broadcast %get3A_51 : vector<512x1xf32> to vector<512x2048xf32>
      %min3A_108 = vector.broadcast %get3A_81 : vector<1x2048xf32> to vector<512x2048xf32>
      %min3A_109 = arith.minimumf %min3A_107, %min3A_108 : vector<512x2048xf32>
      %sub3A_110 = arith.subf %min3A_106, %max3A_101 : vector<512x2048xf32>
      %sub3A_111 = arith.subf %min3A_109, %max3A_104 : vector<512x2048xf32>
      %max3A_112 = arith.constant 0.000000e+00 : f32
      %max3A_113 = vector.broadcast %max3A_112 : f32 to vector<512x2048xf32>
      %max3A_114 = arith.maximumf %sub3A_110, %max3A_113 : vector<512x2048xf32>
      %max3A_115 = arith.constant 0.000000e+00 : f32
      %max3A_116 = vector.broadcast %max3A_115 : f32 to vector<512x2048xf32>
      %max3A_117 = arith.maximumf %sub3A_111, %max3A_116 : vector<512x2048xf32>
      %mul3A_118 = arith.mulf %max3A_114, %max3A_117 : vector<512x2048xf32>
      %add3A_119 = vector.broadcast %get3A_60 : vector<512x1xf32> to vector<512x2048xf32>
      %add3A_120 = vector.broadcast %get3A_90 : vector<1x2048xf32> to vector<512x2048xf32>
      %add3A_121 = arith.addf %add3A_119, %add3A_120 : vector<512x2048xf32>
      %sub3A_122 = arith.subf %add3A_121, %mul3A_118 : vector<512x2048xf32>
      %add3A_123 = arith.constant 1.000000e-07 : f32
      %add3A_124 = vector.broadcast %add3A_123 : f32 to vector<512x2048xf32>
      %add3A_125 = arith.addf %sub3A_122, %add3A_124 : vector<512x2048xf32>
      %div3A_126 = arith.divf %mul3A_118, %add3A_125 : vector<512x2048xf32>
      %add3A_127 = vector.broadcast %get3A_54 : vector<512x1xf32> to vector<512x2048xf32>
      %add3A_128 = vector.broadcast %get3A_84 : vector<1x2048xf32> to vector<512x2048xf32>
      %add3A_129 = arith.addf %add3A_127, %add3A_128 : vector<512x2048xf32>
      %sub3A_130 = arith.subf %add3A_129, %sub3A_110 : vector<512x2048xf32>
      %add3A_131 = vector.broadcast %get3A_57 : vector<512x1xf32> to vector<512x2048xf32>
      %add3A_132 = vector.broadcast %get3A_87 : vector<1x2048xf32> to vector<512x2048xf32>
      %add3A_133 = arith.addf %add3A_131, %add3A_132 : vector<512x2048xf32>
      %sub3A_134 = arith.subf %add3A_133, %sub3A_111 : vector<512x2048xf32>
      %mul3A_135 = arith.mulf %sub3A_130, %sub3A_130 : vector<512x2048xf32>
      %mul3A_136 = arith.mulf %sub3A_134, %sub3A_134 : vector<512x2048xf32>
      %add3A_137 = arith.constant 1.000000e-07 : f32
      %add3A_138 = vector.broadcast %add3A_137 : f32 to vector<512x2048xf32>
      %add3A_139 = arith.addf %mul3A_136, %add3A_138 : vector<512x2048xf32>
      %add3A_140 = arith.addf %mul3A_135, %add3A_139 : vector<512x2048xf32>
      %sub3A_141 = vector.broadcast %get3A_63 : vector<512x1xf32> to vector<512x2048xf32>
      %sub3A_142 = vector.broadcast %get3A_93 : vector<1x2048xf32> to vector<512x2048xf32>
      %sub3A_143 = arith.subf %sub3A_141, %sub3A_142 : vector<512x2048xf32>
      %sub3A_144 = vector.broadcast %get3A_66 : vector<512x1xf32> to vector<512x2048xf32>
      %sub3A_145 = vector.broadcast %get3A_96 : vector<1x2048xf32> to vector<512x2048xf32>
      %sub3A_146 = arith.subf %sub3A_144, %sub3A_145 : vector<512x2048xf32>
      %mul3A_147 = arith.mulf %sub3A_143, %sub3A_143 : vector<512x2048xf32>
      %mul3A_148 = arith.mulf %sub3A_146, %sub3A_146 : vector<512x2048xf32>
      %add3A_149 = arith.addf %mul3A_147, %mul3A_148 : vector<512x2048xf32>
      %sub3A_150 = vector.broadcast %get3A_69 : vector<512x1xf32> to vector<512x2048xf32>
      %sub3A_151 = vector.broadcast %get3A_99 : vector<1x2048xf32> to vector<512x2048xf32>
      %sub3A_152 = arith.subf %sub3A_150, %sub3A_151 : vector<512x2048xf32>
      %mul3A_153 = arith.mulf %sub3A_152, %sub3A_152 : vector<512x2048xf32>
      %sub3A_154 = arith.constant 1.000000e+00 : f32
      %sub3A_155 = vector.broadcast %sub3A_154 : f32 to vector<512x2048xf32>
      %sub3A_156 = arith.subf %sub3A_155, %div3A_126 : vector<512x2048xf32>
      %add3A_157 = arith.addf %sub3A_156, %mul3A_153 : vector<512x2048xf32>
      %add3A_158 = arith.constant 1.000000e-07 : f32
      %add3A_159 = vector.broadcast %add3A_158 : f32 to vector<512x2048xf32>
      %add3A_160 = arith.addf %add3A_157, %add3A_159 : vector<512x2048xf32>
      %div3A_161 = arith.divf %add3A_149, %add3A_140 : vector<512x2048xf32>
      %sub3A_162 = arith.subf %div3A_126, %div3A_161 : vector<512x2048xf32>
      %div3A_163 = arith.divf %mul3A_153, %add3A_160 : vector<512x2048xf32>
      %mul3A_164 = arith.mulf %div3A_163, %mul3A_153 : vector<512x2048xf32>
      %sub3A_165 = arith.subf %sub3A_162, %mul3A_164 : vector<512x2048xf32>
      %get3A_166 = arith.constant 0 : index
      %get3A_167 = arith.constant 0 : index
      %get3A_168 = vector.load %arg7[%get3A_166, %get3A_167] : memref<1x1xf32, #tpu.memory_space<vmem>>, vector<1x1xf32>
      %reduce_sum3A = vector.shape_cast %sub3A_165 : vector<512x2048xf32> to vector<1x512x2048xf32>
      %reduce_sum3A_169 = arith.constant dense<0.000000e+00> : vector<1xf32>
      %reduce_sum3A_170 = vector.multi_reduction <add>, %reduce_sum3A, %reduce_sum3A_169 [1, 2] : vector<1x512x2048xf32> to vector<1xf32>
      %reduce_sum3A_171 = vector.shape_cast %reduce_sum3A_170 : vector<1xf32> to vector<1x1x1xf32>
      %reduce_sum3A_172 = vector.extract %reduce_sum3A_171[0, 0, 0] : f32 from vector<1x1x1xf32>
      %mul3A_173 = arith.constant -5.96046448E-8 : f32
      %mul3A_174 = arith.mulf %reduce_sum3A_172, %mul3A_173 : f32
      %reshape3A = vector.broadcast %mul3A_174 : f32 to vector<1x1xf32>
      %add3A_175 = arith.addf %get3A_168, %reshape3A : vector<1x1xf32>
      %swap3A = arith.constant 0 : index
      %swap3A_176 = arith.constant 0 : index
      %swap3A_177 = vector.load %arg7[%swap3A, %swap3A_176] : memref<1x1xf32, #tpu.memory_space<vmem>>, vector<1x1xf32>
      tpu.vector_store %arg7[%swap3A, %swap3A_176], %add3A_175 {strides = array<i32>} : memref<1x1xf32, #tpu.memory_space<vmem>>, vector<1x1xf32>,
    } else {
    }
    return
  }
  func.func @transform_0(%arg0: i32) -> (i32, i32) {
    %c0_i32 = arith.constant 0 : i32
    %c0_i32_0 = arith.constant 0 : i32
    %c0_i32_1 = arith.constant 0 : i32
    return %c0_i32, %c0_i32_0 : i32, i32
  }
  func.func @transform_1(%arg0: i32) -> (i32, i32) {
    %c0_i32 = arith.constant 0 : i32
    %c0_i32_0 = arith.constant 0 : i32
    %c0_i32_1 = arith.constant 0 : i32
    return %c0_i32, %c0_i32_0 : i32, i32
  }
  func.func @transform_2(%arg0: i32) -> (i32, i32) {
    %c0_i32 = arith.constant 0 : i32
    %c0_i32_0 = arith.constant 0 : i32
    %c0_i32_1 = arith.constant 0 : i32
    return %c0_i32, %c0_i32_0 : i32, i32
  }
  func.func @transform_3(%arg0: i32) -> (i32, i32) {
    %c0_i32 = arith.constant 0 : i32
    %c0_i32_0 = arith.constant 0 : i32
    %c0_i32_1 = arith.constant 0 : i32
    return %c0_i32, %c0_i32_0 : i32, i32
  }
  func.func @transform_4(%arg0: i32) -> (i32, i32) {
    %c0_i32 = arith.constant 0 : i32
    %c0_i32_0 = arith.constant 0 : i32
    %c0_i32_1 = arith.constant 0 : i32
    return %c0_i32, %c0_i32_0 : i32, i32
  }
  func.func @transform_5(%arg0: i32) -> (i32, i32) {
    %c0_i32 = arith.constant 0 : i32
    %c0_i32_0 = arith.constant 0 : i32
    %c0_i32_1 = arith.constant 0 : i32
    return %c0_i32, %c0_i32_0 : i32, i32
  }
  func.func @transform_6(%arg0: i32) -> (i32, i32) {
    %c0_i32 = arith.constant 0 : i32
    %c0_i32_0 = arith.constant 0 : i32
    %c0_i32_1 = arith.constant 0 : i32
    return %c0_i32, %c0_i32_0 : i32, i32
  }
}

</mosaic_0001>

<sc_bundles>
// kernel: kernel.4.cloned.1.call-start
scs
__scs_entry_jumppad:
0x0: {  	(pc) =	sbr.rel $0x88, $3  }
0x1: {  	(tag) =	ssettag $0x0;
	lr =	simm.s32 $0x1  }
0x2: {  	[smem:$0x3F9B] =	sst lr;
	_ =	strace $0xD0000000  }
0x3: {  	_ = 	snop  }
0x4: {  	_ = 	snop  }
0x5: {  	_ = 	snop  }
0x6: {  	_ = 	snop  }
0x7: {  	_ = 	snop  }
__scs_overlays_trampoline_lowered:
0x8: {  	[smem:$0x3FAA] =	sst s0  }
0x9: {  	[smem:$0x3FAB] =	sst s1  }
0xa: {  	[smem:$0x3FAC] =	sst s2  }
0xb: {  	[smem:$0x3FAD] =	sst s3  }
0xc: {  	[smem:$0x3FAE] =	sst s4  }
0xd: {  	[smem:$0x3FAF] =	sst s5  }
0xe: {  	[smem:$0x3FB0] =	sst s6  }
0xf: {  	[smem:$0x3FB1] =	sst s7  }
0x10: {  	[smem:$0x3FB2] =	sst s8  }
0x11: {  	[smem:$0x3FB3] =	sst s9;
	s0 =	simm.s32 @!p0 $0x0  }
0x12: {  	s1 =	sld [smem:$0x3F99];
	s0 =	simm.s32 @p0 $0x1  }
0x13: {  	[smem:$0x3FB4] =	sst s0;
	s0 =	simm.s32 @!p1 $0x0  }
0x14: {  	s2 =	sld [smem:$0x3F98];
	s0 =	simm.s32 @p1 $0x1  }
0x15: {  	[smem:$0x3FB5] =	sst s0;
	s0 =	simm.s32 @!p2 $0x0  }
0x16: {  	s3 =	sld [smem:$0x3FDB];
	s0 =	simm.s32 @p2 $0x1  }
0x17: {  	s4 =	simm.s32 $0x1BF5;
	[smem:$0x3FB7] =	sst s0  }
0x18: {  	s0 =	sld [smem:$0x3F9A];
	_ =	swait.ge [sflag:s4], $0x0  }
0x19: {  	s7 =	sld [smem:$0x3F9B]  }
0x1a: {  	s8 =	sadd.s32 $0xFFFFE003, lr  }
0x1b: {  	s9 =	sadd.s32 $0xFFFFFEF7, lr;
	s5 =	simm.s32 $0xFFFFFFFF;
	p2 =	slt.u32 s8, $0xFFFFF086  }
0x1c: {  	p1 =	slt.u32 s9, $0xF7A;
	s5 =	simm.s32 @!p2 $0x0  }
0x1d: {  	s5 =	simm.s32 @p1 $0x1;
	p0 =	seq.s32 s7, s2  }
0x1e: {  	s7 =	smul.u32 @!p0 $0xF7A, s2;
	p2 =	seq.s32 @!p0 s5, $0x0  }
0x1f: {  	s9 =	smul.u32 $0xF7A, s1;
	s8 =	simm.s32 @!p0 $0x1BF5;
	p2 =	por !p2, p0  }
0x20: {  	[sflag:s8] =	ssyncset.s32 @!p0 $0xFFFFF086;
	s6 =	sadd.s32 @!p0 s3, s7;
	s7 =	simm.s32 @!p0 $0x108  }
0x21: {  	s3 =	sadd.s32 s3, s9;
	s6 =	sadd.s32 @!p0 $0x88, s6;
	s7 =	simm.s32 @p2 $0x1082  }
0x22: {  	[simem:s7], [sflag:s8] =	dma.local @!p0 [hbm:s6], $0xF7A  }
0x23: {  	s9 =	sor.u32 $0xD0000000, s2;
	s6 =	simm.s32 $0x108;
	_ =	swait.ge @!p0 [sflag:s8], $0x0  }
0x24: {  	s3 =	sadd.s32 $0x88, s3;
	s6 =	simm.s32 @!p1 $0x1082;
	[sflag:s4] =	ssyncset.s32 $0xFFFFF086  }
0x25: {  	[simem:s6], [sflag:s4] =	dma.local [hbm:s3], $0xF7A  }
0x26: {  	[smem:$0x3F9B] =	sst s1;
	(tag) =	ssettag s2;
	_ =	strace s9  }
0x27: {  	s1 =	sld [smem:$0x3FAB]  }
0x28: {  	s2 =	sld [smem:$0x3FAC]  }
0x29: {  	s4 =	sld [smem:$0x3FAE]  }
0x2a: {  	p0 =	seq.s32 s5, $0x0;
	s5 =	sld [smem:$0x3FAF]  }
0x2b: {  	s6 =	sld [smem:$0x3FB0]  }
0x2c: {  	s7 =	sld [smem:$0x3FB1]  }
0x2d: {  	s3 =	simm.s32 $0x108;
	s8 =	sld [smem:$0x3FB2]  }
0x2e: {  	s3 =	simm.s32 @!p0 $0x1082;
	s9 =	sld [smem:$0x3FB3]  }
0x2f: {  	lr =	sadd.s32 s0, s3;
	s0 =	sld [smem:$0x3FAA]  }
0x30: {  	s3 =	sld [smem:$0x3FAD]  }
0x31: {  	[smem:$0x3FB6] =	sst s10  }
0x32: {  	s10 =	sld [smem:$0x3FB4];
	_ =	sdelay $0x3  }
0x33: {  	p0 =	seq.s32 s10, $0x1;
	s10 =	sld [smem:$0x3FB6];
	_ =	sdelay $0x3  }
0x34: {  	[smem:$0x3FB6] =	sst s10  }
0x35: {  	s10 =	sld [smem:$0x3FB5];
	_ =	sdelay $0x3  }
0x36: {  	p1 =	seq.s32 s10, $0x1;
	s10 =	sld [smem:$0x3FB6];
	_ =	sdelay $0x3  }
0x37: {  	[smem:$0x3FB6] =	sst s10  }
0x38: {  	s10 =	sld [smem:$0x3FB7]  }
0x39: {  	_ = 	snop;
	(pc) =	sbr.ind lr, $3  }
0x3a: {  	_ = 	snop  }
0x3b: {  	_ = 	snop  }
0x3c: {  	p2 =	seq.s32 s10, $0x1;
	s10 =	sld [smem:$0x3FB6]  }
0x3d: {  	_ =	shalt  }
0x3e: {  	_ =	shalt  }
0x3f: {  	_ =	shalt  }
0x40: {  	_ =	shalt  }
0x41: {  	_ =	shalt  }
0x42: {  	_ =	shalt  }
0x43: {  	_ =	shalt  }
0x44: {  	_ =	shalt  }
0x45: {  	_ =	shalt  }
0x46: {  	_ =	shalt  }
0x47: {  	_ =	shalt  }
0x48: {  	_ =	shalt  }
0x49: {  	_ =	shalt  }
0x4a: {  	_ =	shalt  }
0x4b: {  	_ =	shalt  }
0x4c: {  	_ =	shalt  }
0x4d: {  	_ =	shalt  }
0x4e: {  	_ =	shalt  }
0x4f: {  	_ =	shalt  }
0x50: {  	_ =	shalt  }
0x51: {  	_ =	shalt  }
0x52: {  	_ =	shalt  }
0x53: {  	_ =	shalt  }
0x54: {  	_ =	shalt  }
0x55: {  	_ =	shalt  }
0x56: {  	_ =	shalt  }
0x57: {  	_ =	shalt  }
0x58: {  	_ =	shalt  }
0x59: {  	_ =	shalt  }
0x5a: {  	_ =	shalt  }
0x5b: {  	_ =	shalt  }
0x5c: {  	_ =	shalt  }
0x5d: {  	_ =	shalt  }
0x5e: {  	_ =	shalt  }
0x5f: {  	_ =	shalt  }
0x60: {  	_ =	shalt  }
0x61: {  	_ =	shalt  }
0x62: {  	_ =	shalt  }
0x63: {  	_ =	shalt  }
0x64: {  	_ =	shalt  }
0x65: {  	_ =	shalt  }
0x66: {  	_ =	shalt  }
0x67: {  	_ =	shalt  }
0x68: {  	_ =	shalt  }
0x69: {  	_ =	shalt  }
0x6a: {  	_ =	shalt  }
0x6b: {  	_ =	shalt  }
0x6c: {  	_ =	shalt  }
0x6d: {  	_ =	shalt  }
0x6e: {  	_ =	shalt  }
0x6f: {  	_ =	shalt  }
0x70: {  	_ =	shalt  }
0x71: {  	_ =	shalt  }
0x72: {  	_ =	shalt  }
0x73: {  	_ =	shalt  }
0x74: {  	_ =	shalt  }
0x75: {  	_ =	shalt  }
0x76: {  	_ =	shalt  }
0x77: {  	_ =	shalt  }
0x78: {  	_ =	shalt  }
0x79: {  	_ =	shalt  }
0x7a: {  	_ =	shalt  }
0x7b: {  	_ =	shalt  }
0x7c: {  	_ =	shalt  }
0x7d: {  	_ =	shalt  }
0x7e: {  	_ =	shalt  }
0x7f: {  	_ =	shalt  }
0x80: {  	_ =	shalt  }
0x81: {  	_ =	shalt  }
0x82: {  	_ =	shalt  }
0x83: {  	_ =	shalt  }
0x84: {  	_ =	shalt  }
0x85: {  	_ =	shalt  }
0x86: {  	_ =	shalt  }
0x87: {  	_ =	shalt  }
.Lfunc_end0:
.L_simem_size_0:
called_computation_lowered:
.L_overlay_start_0:
0x88: {  	s2 =	sld [smem:$0x3FD9]  }
0x89: {  	s3 =	sld [smem:$0x3FFE];
	_ =	sdelay $0x1  }
0x8a: {  	s1 =	srdreg.scid  }
0x8b: {  	s0 =	sand.u32 $0x1, s1  }
0x8c: {  	s17 =	sshll.u32 s0, $0xA;
	s2 =	sadd.s32 s3, s2  }
0x8d: {  	s2 =	sadd.s32 s2, s17  }
0x8e: {  	[smem:$0x3FC2] =	sst s2  }
0x8f: {  	_ = 	snop  }
0x90: {  	s2 =	sld [smem:$0x3FD0];
	(tm) =	ssettm $0x1  }
0x91: {  	s18 =	sld [smem:$0x3FFB];
	_ =	sdelay $0x3  }
0x92: {  	_ =	strace s18  }
0x93: {  	s3 =	sld [smem:$0x3FFC];
	_ =	sdelay $0x3  }
0x94: {  	_ =	strace s3  }
0x95: {  	s3 =	sld [smem:$0x3FFD];
	_ =	sdelay $0x3  }
0x96: {  	_ =	strace s3  }
0x97: {  	_ =	strace $0x8FFFFFFF  }
0x98: {  	s19 =	sld [smem:$0x3FDB];
	_ =	sdelay $0x1  }
0x99: {  	s4 =	simm.s32 $_scs_section_size  }
0x9a: {  	s5 =	simm.s32 $_size__tile_overlayer_lowered;
	s6 =	simm.s32 $_tile_overlayer_lowered  }
0x9b: {  	s22 =	simm.s32 $0x1BFF;
	s21 =	sshll.u32 s6, $0x1;
	s3 =	sadd.s32 s4, s19  }
0x9c: {  	s7 =	simm.s32 $0x0;
	s20 =	sshll.u32 s5, $0x1;
	s5 =	sadd.s32 s21, s3  }
0x9d: {  	[timem:s7], [sflag:s22] =	dma.local [hbm:s5], s20  }
0x9e: {  	_ =	swait.ge [sflag:s22], s20  }
0x9f: {  	s4 =	ssub.s32 $0x0, s20;
	[sflag:s22] =	ssyncset.done $0x0  }
0xa0: {  	[sflag:s22] =	ssyncadd.s32 s4;
	_ =	sdelay $0x1  }
0xa1: {  	s23 =	simm.s32 $0x1B8B  }
0xa2: {  	_ =	swait.ge [sflag:s23], $0x1  }
0xa3: {  	[sflag:s23] =	ssyncset.done $0x0  }
0xa4: {  	s25 =	simm.s32 $0x1B8E;
	s24 =	sld [smem:$0x3FFE];
	[sflag:s23] =	ssyncadd.s32 $0xFFFFFFFF  }
0xa5: {  	s26 =	simm.s32 $execute0_lowered;
	[smem:$0x3FD2] =	sst s25  }
0xa6: {  	s5 =	sshll.u32 s26, $0x1;
	_ =	strace $0x80000046;
	[dreg:$0x1] =	wrdreg $0xFFFFFFFF  }
0xa7: {  	s28 =	simm.s32 $_size_execute0_lowered;
	s3 =	sadd.s32 s3, s5;
	[dreg:$0x0] =	wrdreg $0x0  }
0xa8: {  	s5 =	sshll.u32 s28, $0x1;
	[dreg:$0x2] =	wrdreg s3  }
0xa9: {  	[dreg:$0x3] =	wrdreg s5  }
0xaa: {  	[dreg:$0x4] =	wrdreg $0xC0  }
0xab: {  	_ =	task [dreg:s7], $0x5FFFF  }
0xac: {  	[dreg:$0x1] =	wrdreg $0xFFFFFFFF  }
0xad: {  	[dreg:$0x0] =	wrdreg $0x60  }
0xae: {  	[dreg:$0x2] =	wrdreg s24  }
0xaf: {  	[dreg:$0x3] =	wrdreg s2  }
0xb0: {  	[dreg:$0x4] =	wrdreg $0x9  }
0xb1: {  	_ =	task.clear_ibuf [dreg:s7], $0x5FFFF;
	_ =	strace $0x90000046  }
0xb2: {  	s29 =	simm.s32 $0x9;
	_ =	strace $0x80000048  }
0xb3: {  	_ =	swait.ge [sflag:s29], $0x1  }
0xb4: {  	[sflag:s29] =	ssyncadd.s32 $0xFFFFFFFF  }
0xb5: {  	_ =	strace $0x90000048  }
0xb6: {  	_ =	sfence  }
0xb7: {  	s30 =	sld [smem:$0x0];
	_ =	sdelay $0x2  }
0xb8: {  	s31 =	sshll.u32 s1, $0xD;
	s1 =	sshrl.u32 s1, $0x2  }
0xb9: {  	s3 =	sand.u32 $0x4000, s31;
	s1 =	sadd.s32 s1, s30  }
0xba: {  	s0 =	sor.u32 s3, s0;
	s1 =	sshll.u32 s1, $0x11  }
0xbb: {  	s0 =	sor.u32 s1, s0  }
0xbc: {  	s0 =	sadd.s32 $0x8F2B, s0  }
0xbd: {  	[sflag:s0] =	ssyncadd.remote.s32 $0x1  }
0xbe: {  	_ =	sfence.sel $0xFFFF  }
0xbf: {  	[dreg:$0x0] =	wrdreg $0xFFFFFFFF;
	(pc) =	sbr.abs _section_cstart, $3  }
0xc0: {  	[dreg:$0x1] =	wrdreg $0xFFFFFFFF  }
0xc1: {  	_ =	task.clear_ibuf [dreg:s7], $0x2FFFF;
	_ =	strace $0x9FFFFFFF  }
0xc2: {  	(tm) =	ssettm $0x7FFFFFFF  }
0xc3: {  	_ =	shalt  }
tec
execute0_lowered:
.L_overlay_start_1:
0x0: {  	(tag) =	ssettag $0x1  }
0x1: {  	s4 =	rddreg [dreg:$0x0]  }
0x2: {  	s1 =	rddreg [dreg:$0x1];
	s2 =	srdreg.scid  }
0x3: {  	[dreg:$0x3] =	wrdreg s1;
	s6 =	sand.u32 $0x1, s2;
	s2 =	simm.s32 $0x0  }
0x4: {  	s7 =	sadd.s32 $0xC600, s4;
	[smem:$0x7FF] =	sst s2  }
0x5: {  	s10 =	simm.s32 $0x2B80;
	_ =	strace $0x80000047;
	[dreg:$0x4] =	wrdreg s7  }
0x6: {  	s11 =	simm.s32 $0x180;
	[dreg:$0xc] =	wrdreg s10  }
0x7: {  	s12 =	simm.s32 $0x2C00;
	[dreg:$0xd] =	wrdreg s11  }
0x8: {  	s13 =	simm.s32 $0x200;
	[dreg:$0xe] =	wrdreg s12  }
0x9: {  	s14 =	simm.s32 $0x2C80;
	[dreg:$0xf] =	wrdreg s13  }
0xa: {  	s15 =	simm.s32 $0x280;
	[dreg:$0x10] =	wrdreg s14  }
0xb: {  	s16 =	simm.s32 $0x2D00;
	[dreg:$0x11] =	wrdreg s15  }
0xc: {  	s17 =	simm.s32 $0x300;
	[dreg:$0x12] =	wrdreg s16  }
0xd: {  	s18 =	simm.s32 $0x2D80;
	[dreg:$0x13] =	wrdreg s17  }
0xe: {  	s19 =	simm.s32 $0x380;
	[dreg:$0x14] =	wrdreg s18  }
0xf: {  	s20 =	simm.s32 $0x2E00;
	[dreg:$0x15] =	wrdreg s19  }
0x10: {  	s21 =	simm.s32 $0x400;
	[dreg:$0x16] =	wrdreg s20  }
0x11: {  	s22 =	simm.s32 $0x2E80;
	[dreg:$0x17] =	wrdreg s21  }
0x12: {  	s23 =	simm.s32 $0x480;
	[dreg:$0x18] =	wrdreg s22  }
0x13: {  	s24 =	simm.s32 $0x2F00;
	[dreg:$0x19] =	wrdreg s23  }
0x14: {  	s25 =	simm.s32 $0x500;
	[dreg:$0x1a] =	wrdreg s24  }
0x15: {  	s26 =	simm.s32 $0x2F80;
	[dreg:$0x1b] =	wrdreg s25  }
0x16: {  	s0 =	stileid.u32;
	s28 =	simm.s32 $0x580;
	[dreg:$0x1c] =	wrdreg s26  }
0x17: {  	s29 =	simm.s32 $0x3000;
	s5 =	sshll.u32 s0, $0x5;
	[dreg:$0x1d] =	wrdreg s28  }
0x18: {  	s30 =	simm.s32 $0x600;
	s5 =	sadd.s32 s5, s4;
	[dreg:$0x1e] =	wrdreg s29  }
0x19: {  	s1 =	sadd.s32 $0x1A00, s5;
	[dreg:$0x1f] =	wrdreg s30  }
0x1a: {  	s5 =	sadd.s32 $0x1A10, s5;
	[dreg:$0x7] =	wrdreg s1  }
0x1b: {  	s10 =	simm.s32 $0x3200;
	[dreg:$0x8] =	wrdreg s5  }
0x1c: {  	s11 =	simm.s32 $0x800;
	[smem:$0x783] =	sst s10  }
0x1d: {  	s12 =	simm.s32 $0x3280;
	[smem:$0x784] =	sst s11  }
0x1e: {  	s13 =	simm.s32 $0x880;
	[smem:$0x785] =	sst s12  }
0x1f: {  	s14 =	simm.s32 $0x3300;
	[smem:$0x786] =	sst s13  }
0x20: {  	s15 =	simm.s32 $0x900;
	[smem:$0x787] =	sst s14  }
0x21: {  	s16 =	simm.s32 $0x3380;
	[smem:$0x788] =	sst s15  }
0x22: {  	s17 =	simm.s32 $0x980;
	[smem:$0x789] =	sst s16  }
0x23: {  	s18 =	simm.s32 $0x3400;
	[smem:$0x78A] =	sst s17  }
0x24: {  	s19 =	simm.s32 $0xA00;
	[smem:$0x78B] =	sst s18  }
0x25: {  	s20 =	simm.s32 $0x3480;
	[smem:$0x78C] =	sst s19  }
0x26: {  	s21 =	simm.s32 $0xA80;
	[smem:$0x78D] =	sst s20  }
0x27: {  	s22 =	simm.s32 $0x3500;
	[smem:$0x78E] =	sst s21  }
0x28: {  	s23 =	simm.s32 $0xB00;
	[smem:$0x78F] =	sst s22  }
0x29: {  	s24 =	simm.s32 $0x3580;
	[smem:$0x790] =	sst s23  }
0x2a: {  	s25 =	simm.s32 $0xB80;
	[smem:$0x791] =	sst s24  }
0x2b: {  	s26 =	simm.s32 $0x3600;
	[smem:$0x792] =	sst s25  }
0x2c: {  	s28 =	simm.s32 $0xC00;
	[smem:$0x793] =	sst s26  }
0x2d: {  	s29 =	simm.s32 $0x3680;
	[smem:$0x794] =	sst s28  }
0x2e: {  	s30 =	simm.s32 $0xC80;
	[smem:$0x795] =	sst s29  }
0x2f: {  	s1 =	simm.s32 $0x3100;
	[smem:$0x796] =	sst s30  }
0x30: {  	s10 =	simm.s32 $0x3880;
	[smem:$0x77F] =	sst s1  }
0x31: {  	s11 =	simm.s32 $0xE80;
	[smem:$0x79D] =	sst s10  }
0x32: {  	s12 =	simm.s32 $0x3900;
	[smem:$0x79E] =	sst s11  }
0x33: {  	s13 =	simm.s32 $0xF00;
	[smem:$0x79F] =	sst s12  }
0x34: {  	s14 =	simm.s32 $0x3980;
	[smem:$0x7A0] =	sst s13  }
0x35: {  	s15 =	simm.s32 $0xF80;
	[smem:$0x7A1] =	sst s14  }
0x36: {  	s16 =	simm.s32 $0x3A00;
	[smem:$0x7A2] =	sst s15  }
0x37: {  	s17 =	simm.s32 $0x1000;
	[smem:$0x7A3] =	sst s16  }
0x38: {  	s18 =	simm.s32 $0x3A80;
	[smem:$0x7A4] =	sst s17  }
0x39: {  	s19 =	simm.s32 $0x1080;
	[smem:$0x7A5] =	sst s18  }
0x3a: {  	s20 =	simm.s32 $0x3B00;
	[smem:$0x7A6] =	sst s19  }
0x3b: {  	s21 =	simm.s32 $0x1100;
	[smem:$0x7A7] =	sst s20  }
0x3c: {  	s22 =	simm.s32 $0x3B80;
	[smem:$0x7A8] =	sst s21  }
0x3d: {  	s23 =	simm.s32 $0x1180;
	[smem:$0x7A9] =	sst s22  }
0x3e: {  	s24 =	simm.s32 $0x3C00;
	[smem:$0x7AA] =	sst s23  }
0x3f: {  	s25 =	simm.s32 $0x1200;
	[smem:$0x7AB] =	sst s24  }
0x40: {  	s26 =	simm.s32 $0x3C80;
	[smem:$0x7AC] =	sst s25  }
0x41: {  	s28 =	simm.s32 $0x1280;
	[smem:$0x7AD] =	sst s26  }
0x42: {  	s29 =	simm.s32 $0x3D00;
	[smem:$0x7AE] =	sst s28  }
0x43: {  	s30 =	simm.s32 $0x1300;
	[smem:$0x7AF] =	sst s29  }
0x44: {  	s1 =	simm.s32 $0x3780;
	[smem:$0x7B0] =	sst s30  }
0x45: {  	s10 =	simm.s32 $0x3F00;
	[smem:$0x799] =	sst s1  }
0x46: {  	s11 =	simm.s32 $0x1500;
	[smem:$0x7B7] =	sst s10  }
0x47: {  	s12 =	simm.s32 $0x3F80;
	[smem:$0x7B8] =	sst s11  }
0x48: {  	s13 =	simm.s32 $0x1580;
	[smem:$0x7B9] =	sst s12  }
0x49: {  	s14 =	simm.s32 $0x4000;
	[smem:$0x7BA] =	sst s13  }
0x4a: {  	s15 =	simm.s32 $0x1600;
	[smem:$0x7BB] =	sst s14  }
0x4b: {  	s16 =	simm.s32 $0x4080;
	[smem:$0x7BC] =	sst s15  }
0x4c: {  	s17 =	simm.s32 $0x1680;
	[smem:$0x7BD] =	sst s16  }
0x4d: {  	s18 =	simm.s32 $0x4100;
	[smem:$0x7BE] =	sst s17  }
0x4e: {  	s19 =	simm.s32 $0x1700;
	[smem:$0x7BF] =	sst s18  }
0x4f: {  	s20 =	simm.s32 $0x4180;
	[smem:$0x7C0] =	sst s19  }
0x50: {  	s21 =	simm.s32 $0x1780;
	[smem:$0x7C1] =	sst s20  }
0x51: {  	s22 =	simm.s32 $0x4200;
	[smem:$0x7C2] =	sst s21  }
0x52: {  	s23 =	simm.s32 $0x1800;
	[smem:$0x7C3] =	sst s22  }
0x53: {  	s24 =	simm.s32 $0x4280;
	[smem:$0x7C4] =	sst s23  }
0x54: {  	s3 =	sshll.u32 s0, $0x1;
	s25 =	simm.s32 $0x1880;
	[smem:$0x7C5] =	sst s24  }
0x55: {  	s3 =	sor.u32 s6, s3;
	s26 =	simm.s32 $0x4300;
	[smem:$0x7C6] =	sst s25  }
0x56: {  	s3 =	smul.u32 $0x550, s3;
	s28 =	simm.s32 $0x1900;
	[smem:$0x7C7] =	sst s26  }
0x57: {  	s9 =	smul.u32 $0x600, s0;
	s29 =	simm.s32 $0x4380;
	[smem:$0x7C8] =	sst s28  }
0x58: {  	s8 =	sadd.s32 s3, s4;
	s30 =	simm.s32 $0x1980;
	[smem:$0x7C9] =	sst s29  }
0x59: {  	s3 =	sadd.s32 $0x17600, s4;
	s31 =	sadd.s32 $0x1C00, s8;
	[smem:$0x7CA] =	sst s30  }
0x5a: {  	s0 =	sadd.s32 s3, s9;
	[dreg:$0x5] =	wrdreg s31  }
0x5b: {  	s7 =	sadd.s32 $0xCC00, s8;
	[dreg:$0x6] =	wrdreg s0  }
0x5c: {  	s8 =	simm.s32 $0x2B00;
	[dreg:$0x9] =	wrdreg s7  }
0x5d: {  	s9 =	simm.s32 $0x100;
	[dreg:$0xa] =	wrdreg s8  }
0x5e: {  	s1 =	simm.s32 $0x3E00;
	[dreg:$0xb] =	wrdreg s9  }
0x5f: {  	s10 =	simm.s32 $0x4580;
	[smem:$0x7B3] =	sst s1  }
0x60: {  	s11 =	simm.s32 $0x1B80;
	[smem:$0x7D1] =	sst s10  }
0x61: {  	s12 =	simm.s32 $0x4600;
	[smem:$0x7D2] =	sst s11  }
0x62: {  	s13 =	simm.s32 $0x1C00;
	[smem:$0x7D3] =	sst s12  }
0x63: {  	s14 =	simm.s32 $0x4680;
	[smem:$0x7D4] =	sst s13  }
0x64: {  	s15 =	simm.s32 $0x1C80;
	[smem:$0x7D5] =	sst s14  }
0x65: {  	s16 =	simm.s32 $0x4700;
	[smem:$0x7D6] =	sst s15  }
0x66: {  	s17 =	simm.s32 $0x1D00;
	[smem:$0x7D7] =	sst s16  }
0x67: {  	s18 =	simm.s32 $0x4780;
	[smem:$0x7D8] =	sst s17  }
0x68: {  	s19 =	simm.s32 $0x1D80;
	[smem:$0x7D9] =	sst s18  }
0x69: {  	s20 =	simm.s32 $0x4800;
	[smem:$0x7DA] =	sst s19  }
0x6a: {  	s21 =	simm.s32 $0x1E00;
	[smem:$0x7DB] =	sst s20  }
0x6b: {  	s22 =	simm.s32 $0x4880;
	[smem:$0x7DC] =	sst s21  }
0x6c: {  	s23 =	simm.s32 $0x1E80;
	[smem:$0x7DD] =	sst s22  }
0x6d: {  	s24 =	simm.s32 $0x4900;
	[smem:$0x7DE] =	sst s23  }
0x6e: {  	s25 =	simm.s32 $0x1F00;
	[smem:$0x7DF] =	sst s24  }
0x6f: {  	s26 =	simm.s32 $0x4980;
	[smem:$0x7E0] =	sst s25  }
0x70: {  	s28 =	simm.s32 $0x1F80;
	[smem:$0x7E1] =	sst s26  }
0x71: {  	s29 =	simm.s32 $0x4A00;
	[smem:$0x7E2] =	sst s28  }
0x72: {  	s30 =	simm.s32 $0x2000;
	[smem:$0x7E3] =	sst s29  }
0x73: {  	s31 =	simm.s32 $0x3080;
	[smem:$0x7E4] =	sst s30  }
0x74: {  	s0 =	simm.s32 $0x680;
	[smem:$0x77D] =	sst s31  }
0x75: {  	s7 =	simm.s32 $0x700;
	[smem:$0x77E] =	sst s0  }
0x76: {  	s8 =	simm.s32 $0x3180;
	[smem:$0x780] =	sst s7  }
0x77: {  	s9 =	simm.s32 $0x780;
	[smem:$0x781] =	sst s8  }
0x78: {  	s1 =	simm.s32 $0x4480;
	[smem:$0x782] =	sst s9  }
0x79: {  	s10 =	simm.s32 $0x4C00;
	[smem:$0x7CD] =	sst s1  }
0x7a: {  	s11 =	simm.s32 $0x2200;
	[smem:$0x7EB] =	sst s10  }
0x7b: {  	s12 =	simm.s32 $0x4C80;
	[smem:$0x7EC] =	sst s11  }
0x7c: {  	s13 =	simm.s32 $0x2280;
	[smem:$0x7ED] =	sst s12  }
0x7d: {  	s14 =	simm.s32 $0x4D00;
	[smem:$0x7EE] =	sst s13  }
0x7e: {  	s15 =	simm.s32 $0x2300;
	[smem:$0x7EF] =	sst s14  }
0x7f: {  	s16 =	simm.s32 $0x4D80;
	[smem:$0x7F0] =	sst s15  }
0x80: {  	s17 =	simm.s32 $0x2380;
	[smem:$0x7F1] =	sst s16  }
0x81: {  	s18 =	simm.s32 $0x4E00;
	[smem:$0x7F2] =	sst s17  }
0x82: {  	s19 =	simm.s32 $0x2400;
	[smem:$0x7F3] =	sst s18  }
0x83: {  	s20 =	simm.s32 $0x4E80;
	[smem:$0x7F4] =	sst s19  }
0x84: {  	s22 =	simm.s32 $0x2480;
	[smem:$0x7F5] =	sst s20  }
0x85: {  	s24 =	simm.s32 $0x4F00;
	[smem:$0x7F6] =	sst s22  }
0x86: {  	s25 =	simm.s32 $0x2500;
	[smem:$0x7F7] =	sst s24  }
0x87: {  	s26 =	simm.s32 $0x4F80;
	[smem:$0x7F8] =	sst s25  }
0x88: {  	s28 =	simm.s32 $0x2580;
	[smem:$0x7F9] =	sst s26  }
0x89: {  	s29 =	simm.s32 $0x5000;
	[smem:$0x7FA] =	sst s28  }
0x8a: {  	s30 =	simm.s32 $0x2600;
	[smem:$0x7FB] =	sst s29  }
0x8b: {  	s31 =	simm.s32 $0x3700;
	[smem:$0x7FC] =	sst s30  }
0x8c: {  	s0 =	simm.s32 $0xD00;
	[smem:$0x797] =	sst s31  }
0x8d: {  	s7 =	simm.s32 $0xD80;
	[smem:$0x798] =	sst s0  }
0x8e: {  	s8 =	simm.s32 $0x3800;
	[smem:$0x79A] =	sst s7  }
0x8f: {  	p0 =	sne.s32 s6, $0x0;
	s9 =	simm.s32 $0xE00;
	[smem:$0x79B] =	sst s8  }
0x90: {  	s4 =	sadd.s32 $0x301A00, s4;
	s1 =	simm.s32 $0x4B00;
	[smem:$0x79C] =	sst s9  }
0x91: {  	s21 =	ssub.s32 $0x2, s6;
	s31 =	simm.s32 $0x3D80;
	[smem:$0x7E7] =	sst s1  }
0x92: {  	s6 =	simm.s32 $0x3;
	s0 =	simm.s32 $0x1380;
	[smem:$0x7B1] =	sst s31  }
0x93: {  	s23 =	sshrl.u32 s21, $0x1;
	s7 =	simm.s32 $0x1400;
	[smem:$0x7B2] =	sst s0  }
0x94: {  	s10 =	simm.s32 $0x5100;
	s8 =	simm.s32 $0x3E80;
	[smem:$0x7B4] =	sst s7  }
0x95: {  	s11 =	simm.s32 $0x2700;
	s9 =	simm.s32 $0x1480;
	[smem:$0x7B5] =	sst s8  }
0x96: {  	s12 =	simm.s32 $0x5180;
	[smem:$0x7B6] =	sst s9;
	s31 =	simm.s32 $0x4400  }
0x97: {  	s13 =	simm.s32 $0x2780;
	s0 =	simm.s32 $0x1A00;
	[smem:$0x7CB] =	sst s31  }
0x98: {  	s14 =	simm.s32 $0x5200;
	s7 =	simm.s32 $0x1A80;
	[smem:$0x7CC] =	sst s0  }
0x99: {  	s15 =	simm.s32 $0x2800;
	s8 =	simm.s32 $0x4500;
	[smem:$0x7CE] =	sst s7  }
0x9a: {  	s16 =	simm.s32 $0x5280;
	s9 =	simm.s32 $0x1B00;
	[smem:$0x7CF] =	sst s8  }
0x9b: {  	s17 =	simm.s32 $0x2880;
	[smem:$0x7D0] =	sst s9;
	s31 =	simm.s32 $0x4A80  }
0x9c: {  	s18 =	simm.s32 $0x5300;
	s0 =	simm.s32 $0x2080;
	[smem:$0x7E5] =	sst s31  }
0x9d: {  	s19 =	simm.s32 $0x2900;
	s7 =	simm.s32 $0x2100;
	[smem:$0x7E6] =	sst s0  }
0x9e: {  	s20 =	simm.s32 $0x5380;
	s8 =	simm.s32 $0x4B80;
	[smem:$0x7E8] =	sst s7  }
0x9f: {  	s22 =	simm.s32 $0x5400;
	s9 =	simm.s32 $0x2180;
	[smem:$0x7E9] =	sst s8  }
0xa0: {  	s24 =	simm.s32 $0x5480;
	s25 =	simm.s32 $0x1;
	[smem:$0x7EA] =	sst s9  }
0xa1: {  	s7 =	ssub.s32 s21, s23;
	s8 =	simm.s32 $0x2A80;
	s31 =	simm.s32 $0x5080  }
0xa2: {  	s9 =	simm.s32 $0x2680;
	s21 =	simm.s32 $0x2980;
	s23 =	simm.s32 $0x2A00  }
0xa3: {  	s5 =	smax.u32 s7, $0x1;
	s7 =	simm.s32 $0x80;
	[smem:$0x7FD] =	sst s31  }
.LBB2_1:
0xa4: {  	s26 =	rddreg [dreg:$0x5]  }
0xa5: {  	[tilespmem:s2], [sflag:$0x3] =	stream.linear.gather [hbm4b:s26+s2], $0x2A80, $0x38;
	[tilespmem:$0x8600] =	vst v63  }
0xa6: {  	_ =	swait.ge [sflag:s6], $0x2A80  }
0xa7: {  	s30 =	rddreg [dreg:$0xa]  }
0xa8: {  	s28 =	rddreg [dreg:$0xb]  }
0xa9: {  	s29 =	rddreg [dreg:$0xc]  }
0xaa: {  	[sflag:s6] =	ssyncset.done $0x0;
	s31 =	rddreg [dreg:$0xd]  }
0xab: {  	s0 =	rddreg [dreg:$0xe];
	[sflag:s6] =	ssyncadd.s32 $0xFFFFD580  }
0xac: {  	[tilespmem:s8], [sflag:$0x1] =	stream.indirect.gather [hbm4b:s4+s7], $0x1, s2, s7, $0xb8;
	[tilespmem:$0x8600] =	vst v63  }
0xad: {  	s1 =	rddreg [dreg:$0xf]  }
0xae: {  	[tilespmem:s30], [sflag:$0x1] =	stream.indirect.gather [hbm4b:s4+s7], $0x1, s7, s7, $0xb8;
	[tilespmem:$0x8600] =	vst v63  }
0xaf: {  	s26 =	rddreg [dreg:$0x11]  }
0xb0: {  	[tilespmem:s29], [sflag:$0x1] =	stream.indirect.gather [hbm4b:s4+s7], $0x1, s28, s7, $0xb8;
	[tilespmem:$0x8600] =	vst v63  }
0xb1: {  	s30 =	rddreg [dreg:$0x10]  }
0xb2: {  	[tilespmem:s0], [sflag:$0x1] =	stream.indirect.gather [hbm4b:s4+s7], $0x1, s31, s7, $0xb8;
	[tilespmem:$0x8600] =	vst v63  }
0xb3: {  	s31 =	rddreg [dreg:$0x12]  }
0xb4: {  	s0 =	rddreg [dreg:$0x13]  }
0xb5: {  	[tilespmem:s30], [sflag:$0x1] =	stream.indirect.gather [hbm4b:s4+s7], $0x1, s1, s7, $0xb8;
	[tilespmem:$0x8600] =	vst v63  }
0xb6: {  	s1 =	rddreg [dreg:$0x14]  }
0xb7: {  	[tilespmem:s31], [sflag:$0x1] =	stream.indirect.gather [hbm4b:s4+s7], $0x1, s26, s7, $0xb8;
	[tilespmem:$0x8600] =	vst v63  }
0xb8: {  	s26 =	rddreg [dreg:$0x15]  }
0xb9: {  	s31 =	rddreg [dreg:$0x16]  }
0xba: {  	[tilespmem:s1], [sflag:$0x1] =	stream.indirect.gather [hbm4b:s4+s7], $0x1, s0, s7, $0xb8;
	[tilespmem:$0x8600] =	vst v63  }
0xbb: {  	s0 =	rddreg [dreg:$0x17]  }
0xbc: {  	s1 =	rddreg [dreg:$0x18]  }
0xbd: {  	[tilespmem:s31], [sflag:$0x1] =	stream.indirect.gather [hbm4b:s4+s7], $0x1, s26, s7, $0xb8;
	[tilespmem:$0x8600] =	vst v63  }
0xbe: {  	s26 =	rddreg [dreg:$0x19]  }
0xbf: {  	s31 =	rddreg [dreg:$0x1a]  }
0xc0: {  	[tilespmem:s1], [sflag:$0x1] =	stream.indirect.gather [hbm4b:s4+s7], $0x1, s0, s7, $0xb8;
	[tilespmem:$0x8600] =	vst v63  }
0xc1: {  	s0 =	rddreg [dreg:$0x1b]  }
0xc2: {  	s1 =	rddreg [dreg:$0x1c]  }
0xc3: {  	[tilespmem:s31], [sflag:$0x1] =	stream.indirect.gather [hbm4b:s4+s7], $0x1, s26, s7, $0xb8;
	[tilespmem:$0x8600] =	vst v63  }
0xc4: {  	s26 =	rddreg [dreg:$0x1d]  }
0xc5: {  	s31 =	rddreg [dreg:$0x1e]  }
0xc6: {  	[tilespmem:s1], [sflag:$0x1] =	stream.indirect.gather [hbm4b:s4+s7], $0x1, s0, s7, $0xb8;
	[tilespmem:$0x8600] =	vst v63  }
0xc7: {  	s0 =	rddreg [dreg:$0x1f]  }
0xc8: {  	s1 =	sld [smem:$0x77D]  }
0xc9: {  	[tilespmem:s31], [sflag:$0x1] =	stream.indirect.gather [hbm4b:s4+s7], $0x1, s26, s7, $0xb8;
	[tilespmem:$0x8600] =	vst v63  }
0xca: {  	s26 =	sld [smem:$0x77E]  }
0xcb: {  	s31 =	sld [smem:$0x77F]  }
0xcc: {  	[tilespmem:s1], [sflag:$0x1] =	stream.indirect.gather [hbm4b:s4+s7], $0x1, s0, s7, $0xb8;
	[tilespmem:$0x8600] =	vst v63  }
0xcd: {  	s0 =	sld [smem:$0x780]  }
0xce: {  	s1 =	sld [smem:$0x781]  }
0xcf: {  	[tilespmem:s31], [sflag:$0x1] =	stream.indirect.gather [hbm4b:s4+s7], $0x1, s26, s7, $0xb8;
	[tilespmem:$0x8600] =	vst v63  }
0xd0: {  	s26 =	sld [smem:$0x782]  }
0xd1: {  	s31 =	sld [smem:$0x783]  }
0xd2: {  	[tilespmem:s1], [sflag:$0x1] =	stream.indirect.gather [hbm4b:s4+s7], $0x1, s0, s7, $0xb8;
	[tilespmem:$0x8600] =	vst v63  }
0xd3: {  	s0 =	sld [smem:$0x784]  }
0xd4: {  	s1 =	sld [smem:$0x785]  }
0xd5: {  	[tilespmem:s31], [sflag:$0x1] =	stream.indirect.gather [hbm4b:s4+s7], $0x1, s26, s7, $0xb8;
	[tilespmem:$0x8600] =	vst v63  }
0xd6: {  	s26 =	sld [smem:$0x786]  }
0xd7: {  	s31 =	sld [smem:$0x787]  }
0xd8: {  	[tilespmem:s1], [sflag:$0x1] =	stream.indirect.gather [hbm4b:s4+s7], $0x1, s0, s7, $0xb8;
	[tilespmem:$0x8600] =	vst v63  }
0xd9: {  	s0 =	sld [smem:$0x788]  }
0xda: {  	s1 =	sld [smem:$0x789]  }
0xdb: {  	[tilespmem:s31], [sflag:$0x1] =	stream.indirect.gather [hbm4b:s4+s7], $0x1, s26, s7, $0xb8;
	[tilespmem:$0x8600] =	vst v63  }
0xdc: {  	s26 =	sld [smem:$0x78A]  }
0xdd: {  	s31 =	sld [smem:$0x78B]  }
0xde: {  	[tilespmem:s1], [sflag:$0x1] =	stream.indirect.gather [hbm4b:s4+s7], $0x1, s0, s7, $0xb8;
	[tilespmem:$0x8600] =	vst v63  }
0xdf: {  	s0 =	sld [smem:$0x78C]  }
0xe0: {  	s1 =	sld [smem:$0x78D]  }
0xe1: {  	[tilespmem:s31], [sflag:$0x1] =	stream.indirect.gather [hbm4b:s4+s7], $0x1, s26, s7, $0xb8;
	[tilespmem:$0x8600] =	vst v63  }
0xe2: {  	s26 =	sld [smem:$0x78E]  }
0xe3: {  	s31 =	sld [smem:$0x78F]  }
0xe4: {  	[tilespmem:s1], [sflag:$0x1] =	stream.indirect.gather [hbm4b:s4+s7], $0x1, s0, s7, $0xb8;
	[tilespmem:$0x8600] =	vst v63  }
0xe5: {  	s0 =	sld [smem:$0x790]  }
0xe6: {  	s1 =	sld [smem:$0x791]  }
0xe7: {  	[tilespmem:s31], [sflag:$0x1] =	stream.indirect.gather [hbm4b:s4+s7], $0x1, s26, s7, $0xb8;
	[tilespmem:$0x8600] =	vst v63  }
0xe8: {  	s26 =	sld [smem:$0x792]  }
0xe9: {  	s31 =	sld [smem:$0x793]  }
0xea: {  	[tilespmem:s1], [sflag:$0x1] =	stream.indirect.gather [hbm4b:s4+s7], $0x1, s0, s7, $0xb8;
	[tilespmem:$0x8600] =	vst v63  }
0xeb: {  	s0 =	sld [smem:$0x794]  }
0xec: {  	s1 =	sld [smem:$0x795]  }
0xed: {  	[tilespmem:s31], [sflag:$0x1] =	stream.indirect.gather [hbm4b:s4+s7], $0x1, s26, s7, $0xb8;
	[tilespmem:$0x8600] =	vst v63  }
0xee: {  	s26 =	sld [smem:$0x796]  }
0xef: {  	s31 =	sld [smem:$0x797]  }
0xf0: {  	[tilespmem:s1], [sflag:$0x1] =	stream.indirect.gather [hbm4b:s4+s7], $0x1, s0, s7, $0xb8;
	[tilespmem:$0x8600] =	vst v63  }
0xf1: {  	s0 =	sld [smem:$0x798]  }
0xf2: {  	s1 =	sld [smem:$0x799]  }
0xf3: {  	[tilespmem:s31], [sflag:$0x1] =	stream.indirect.gather [hbm4b:s4+s7], $0x1, s26, s7, $0xb8;
	[tilespmem:$0x8600] =	vst v63  }
0xf4: {  	s26 =	sld [smem:$0x79A]  }
0xf5: {  	s31 =	sld [smem:$0x79B]  }
0xf6: {  	[tilespmem:s1], [sflag:$0x1] =	stream.indirect.gather [hbm4b:s4+s7], $0x1, s0, s7, $0xb8;
	[tilespmem:$0x8600] =	vst v63  }
0xf7: {  	s0 =	sld [smem:$0x79C]  }
0xf8: {  	s1 =	sld [smem:$0x79D]  }
0xf9: {  	[tilespmem:s31], [sflag:$0x1] =	stream.indirect.gather [hbm4b:s4+s7], $0x1, s26, s7, $0xb8;
	[tilespmem:$0x8600] =	vst v63  }
0xfa: {  	s26 =	sld [smem:$0x79E]  }
0xfb: {  	s31 =	sld [smem:$0x79F]  }
0xfc: {  	[tilespmem:s1], [sflag:$0x1] =	stream.indirect.gather [hbm4b:s4+s7], $0x1, s0, s7, $0xb8;
	[tilespmem:$0x8600] =	vst v63  }
0xfd: {  	s0 =	sld [smem:$0x7A0]  }
0xfe: {  	s1 =	sld [smem:$0x7A1]  }
0xff: {  	[tilespmem:s31], [sflag:$0x1] =	stream.indirect.gather [hbm4b:s4+s7], $0x1, s26, s7, $0xb8;
	[tilespmem:$0x8600] =	vst v63  }
0x100: {  	s26 =	sld [smem:$0x7A2]  }
0x101: {  	s31 =	sld [smem:$0x7A3]  }
0x102: {  	[tilespmem:s1], [sflag:$0x1] =	stream.indirect.gather [hbm4b:s4+s7], $0x1, s0, s7, $0xb8;
	[tilespmem:$0x8600] =	vst v63  }
0x103: {  	s0 =	sld [smem:$0x7A4]  }
0x104: {  	s1 =	sld [smem:$0x7A5]  }
0x105: {  	[tilespmem:s31], [sflag:$0x1] =	stream.indirect.gather [hbm4b:s4+s7], $0x1, s26, s7, $0xb8;
	[tilespmem:$0x8600] =	vst v63  }
0x106: {  	s26 =	sld [smem:$0x7A6]  }
0x107: {  	s31 =	sld [smem:$0x7A7]  }
0x108: {  	[tilespmem:s1], [sflag:$0x1] =	stream.indirect.gather [hbm4b:s4+s7], $0x1, s0, s7, $0xb8;
	[tilespmem:$0x8600] =	vst v63  }
0x109: {  	s0 =	sld [smem:$0x7A8]  }
0x10a: {  	s1 =	sld [smem:$0x7A9]  }
0x10b: {  	[tilespmem:s31], [sflag:$0x1] =	stream.indirect.gather [hbm4b:s4+s7], $0x1, s26, s7, $0xb8;
	[tilespmem:$0x8600] =	vst v63  }
0x10c: {  	s26 =	sld [smem:$0x7AA]  }
0x10d: {  	s31 =	sld [smem:$0x7AB]  }
0x10e: {  	[tilespmem:s1], [sflag:$0x1] =	stream.indirect.gather [hbm4b:s4+s7], $0x1, s0, s7, $0xb8;
	[tilespmem:$0x8600] =	vst v63  }
0x10f: {  	s0 =	sld [smem:$0x7AC]  }
0x110: {  	s1 =	sld [smem:$0x7AD]  }
0x111: {  	[tilespmem:s31], [sflag:$0x1] =	stream.indirect.gather [hbm4b:s4+s7], $0x1, s26, s7, $0xb8;
	[tilespmem:$0x8600] =	vst v63  }
0x112: {  	s26 =	sld [smem:$0x7AE]  }
0x113: {  	s31 =	sld [smem:$0x7AF]  }
0x114: {  	[tilespmem:s1], [sflag:$0x1] =	stream.indirect.gather [hbm4b:s4+s7], $0x1, s0, s7, $0xb8;
	[tilespmem:$0x8600] =	vst v63  }
0x115: {  	s0 =	sld [smem:$0x7B0]  }
0x116: {  	s1 =	sld [smem:$0x7B1]  }
0x117: {  	[tilespmem:s31], [sflag:$0x1] =	stream.indirect.gather [hbm4b:s4+s7], $0x1, s26, s7, $0xb8;
	[tilespmem:$0x8600] =	vst v63  }
0x118: {  	s26 =	sld [smem:$0x7B2]  }
0x119: {  	s31 =	sld [smem:$0x7B3]  }
0x11a: {  	[tilespmem:s1], [sflag:$0x1] =	stream.indirect.gather [hbm4b:s4+s7], $0x1, s0, s7, $0xb8;
	[tilespmem:$0x8600] =	vst v63  }
0x11b: {  	s0 =	sld [smem:$0x7B4]  }
0x11c: {  	s1 =	sld [smem:$0x7B5]  }
0x11d: {  	[tilespmem:s31], [sflag:$0x1] =	stream.indirect.gather [hbm4b:s4+s7], $0x1, s26, s7, $0xb8;
	[tilespmem:$0x8600] =	vst v63  }
0x11e: {  	s26 =	sld [smem:$0x7B6]  }
0x11f: {  	s31 =	sld [smem:$0x7B7]  }
0x120: {  	[tilespmem:s1], [sflag:$0x1] =	stream.indirect.gather [hbm4b:s4+s7], $0x1, s0, s7, $0xb8;
	[tilespmem:$0x8600] =	vst v63  }
0x121: {  	s0 =	sld [smem:$0x7B8]  }
0x122: {  	s1 =	sld [smem:$0x7B9]  }
0x123: {  	[tilespmem:s31], [sflag:$0x1] =	stream.indirect.gather [hbm4b:s4+s7], $0x1, s26, s7, $0xb8;
	[tilespmem:$0x8600] =	vst v63  }
0x124: {  	s26 =	sld [smem:$0x7BA]  }
0x125: {  	s31 =	sld [smem:$0x7BB]  }
0x126: {  	[tilespmem:s1], [sflag:$0x1] =	stream.indirect.gather [hbm4b:s4+s7], $0x1, s0, s7, $0xb8;
	[tilespmem:$0x8600] =	vst v63  }
0x127: {  	s0 =	sld [smem:$0x7BC]  }
0x128: {  	s1 =	sld [smem:$0x7BD]  }
0x129: {  	[tilespmem:s31], [sflag:$0x1] =	stream.indirect.gather [hbm4b:s4+s7], $0x1, s26, s7, $0xb8;
	[tilespmem:$0x8600] =	vst v63  }
0x12a: {  	s26 =	sld [smem:$0x7BE]  }
0x12b: {  	s31 =	sld [smem:$0x7BF]  }
0x12c: {  	[tilespmem:s1], [sflag:$0x1] =	stream.indirect.gather [hbm4b:s4+s7], $0x1, s0, s7, $0xb8;
	[tilespmem:$0x8600] =	vst v63  }
0x12d: {  	s0 =	sld [smem:$0x7C0]  }
0x12e: {  	s1 =	sld [smem:$0x7C1]  }
0x12f: {  	[tilespmem:s31], [sflag:$0x1] =	stream.indirect.gather [hbm4b:s4+s7], $0x1, s26, s7, $0xb8;
	[tilespmem:$0x8600] =	vst v63  }
0x130: {  	s26 =	sld [smem:$0x7C2]  }
0x131: {  	s31 =	sld [smem:$0x7C3]  }
0x132: {  	[tilespmem:s1], [sflag:$0x1] =	stream.indirect.gather [hbm4b:s4+s7], $0x1, s0, s7, $0xb8;
	[tilespmem:$0x8600] =	vst v63  }
0x133: {  	s0 =	sld [smem:$0x7C4]  }
0x134: {  	s1 =	sld [smem:$0x7C5]  }
0x135: {  	[tilespmem:s31], [sflag:$0x1] =	stream.indirect.gather [hbm4b:s4+s7], $0x1, s26, s7, $0xb8;
	[tilespmem:$0x8600] =	vst v63  }
0x136: {  	s26 =	sld [smem:$0x7C6]  }
0x137: {  	s31 =	sld [smem:$0x7C7]  }
0x138: {  	[tilespmem:s1], [sflag:$0x1] =	stream.indirect.gather [hbm4b:s4+s7], $0x1, s0, s7, $0xb8;
	[tilespmem:$0x8600] =	vst v63  }
0x139: {  	s0 =	sld [smem:$0x7C8]  }
0x13a: {  	s1 =	sld [smem:$0x7C9]  }
0x13b: {  	[tilespmem:s31], [sflag:$0x1] =	stream.indirect.gather [hbm4b:s4+s7], $0x1, s26, s7, $0xb8;
	[tilespmem:$0x8600] =	vst v63  }
0x13c: {  	s26 =	sld [smem:$0x7CA]  }
0x13d: {  	s31 =	sld [smem:$0x7CB]  }
0x13e: {  	[tilespmem:s1], [sflag:$0x1] =	stream.indirect.gather [hbm4b:s4+s7], $0x1, s0, s7, $0xb8;
	[tilespmem:$0x8600] =	vst v63  }
0x13f: {  	s0 =	sld [smem:$0x7CC]  }
0x140: {  	s1 =	sld [smem:$0x7CD]  }
0x141: {  	[tilespmem:s31], [sflag:$0x1] =	stream.indirect.gather [hbm4b:s4+s7], $0x1, s26, s7, $0xb8;
	[tilespmem:$0x8600] =	vst v63  }
0x142: {  	s26 =	sld [smem:$0x7CE]  }
0x143: {  	s31 =	sld [smem:$0x7CF]  }
0x144: {  	[tilespmem:s1], [sflag:$0x1] =	stream.indirect.gather [hbm4b:s4+s7], $0x1, s0, s7, $0xb8;
	[tilespmem:$0x8600] =	vst v63  }
0x145: {  	s0 =	sld [smem:$0x7D0]  }
0x146: {  	s1 =	sld [smem:$0x7D1]  }
0x147: {  	[tilespmem:s31], [sflag:$0x1] =	stream.indirect.gather [hbm4b:s4+s7], $0x1, s26, s7, $0xb8;
	[tilespmem:$0x8600] =	vst v63  }
0x148: {  	s26 =	sld [smem:$0x7D2]  }
0x149: {  	s31 =	sld [smem:$0x7D3]  }
0x14a: {  	[tilespmem:s1], [sflag:$0x1] =	stream.indirect.gather [hbm4b:s4+s7], $0x1, s0, s7, $0xb8;
	[tilespmem:$0x8600] =	vst v63  }
0x14b: {  	s0 =	sld [smem:$0x7D4]  }
0x14c: {  	s1 =	sld [smem:$0x7D5]  }
0x14d: {  	[tilespmem:s31], [sflag:$0x1] =	stream.indirect.gather [hbm4b:s4+s7], $0x1, s26, s7, $0xb8;
	[tilespmem:$0x8600] =	vst v63  }
0x14e: {  	s26 =	sld [smem:$0x7D6]  }
0x14f: {  	s31 =	sld [smem:$0x7D7]  }
0x150: {  	[tilespmem:s1], [sflag:$0x1] =	stream.indirect.gather [hbm4b:s4+s7], $0x1, s0, s7, $0xb8;
	[tilespmem:$0x8600] =	vst v63  }
0x151: {  	s0 =	sld [smem:$0x7D8]  }
0x152: {  	s1 =	sld [smem:$0x7D9]  }
0x153: {  	[tilespmem:s31], [sflag:$0x1] =	stream.indirect.gather [hbm4b:s4+s7], $0x1, s26, s7, $0xb8;
	[tilespmem:$0x8600] =	vst v63  }
0x154: {  	s26 =	sld [smem:$0x7DA]  }
0x155: {  	s31 =	sld [smem:$0x7DB]  }
0x156: {  	[tilespmem:s1], [sflag:$0x1] =	stream.indirect.gather [hbm4b:s4+s7], $0x1, s0, s7, $0xb8;
	[tilespmem:$0x8600] =	vst v63  }
0x157: {  	s0 =	sld [smem:$0x7DC]  }
0x158: {  	s1 =	sld [smem:$0x7DD]  }
0x159: {  	[tilespmem:s31], [sflag:$0x1] =	stream.indirect.gather [hbm4b:s4+s7], $0x1, s26, s7, $0xb8;
	[tilespmem:$0x8600] =	vst v63  }
0x15a: {  	s26 =	sld [smem:$0x7DE]  }
0x15b: {  	s31 =	sld [smem:$0x7DF]  }
0x15c: {  	[tilespmem:s1], [sflag:$0x1] =	stream.indirect.gather [hbm4b:s4+s7], $0x1, s0, s7, $0xb8;
	[tilespmem:$0x8600] =	vst v63  }
0x15d: {  	s0 =	sld [smem:$0x7E0]  }
0x15e: {  	s1 =	sld [smem:$0x7E1]  }
0x15f: {  	[tilespmem:s31], [sflag:$0x1] =	stream.indirect.gather [hbm4b:s4+s7], $0x1, s26, s7, $0xb8;
	[tilespmem:$0x8600] =	vst v63  }
0x160: {  	s26 =	sld [smem:$0x7E2]  }
0x161: {  	s31 =	sld [smem:$0x7E3]  }
0x162: {  	[tilespmem:s1], [sflag:$0x1] =	stream.indirect.gather [hbm4b:s4+s7], $0x1, s0, s7, $0xb8;
	[tilespmem:$0x8600] =	vst v63  }
0x163: {  	s0 =	sld [smem:$0x7E4]  }
0x164: {  	s1 =	sld [smem:$0x7E5]  }
0x165: {  	[tilespmem:s31], [sflag:$0x1] =	stream.indirect.gather [hbm4b:s4+s7], $0x1, s26, s7, $0xb8;
	[tilespmem:$0x8600] =	vst v63  }
0x166: {  	s26 =	sld [smem:$0x7E6]  }
0x167: {  	s31 =	sld [smem:$0x7E7]  }
0x168: {  	[tilespmem:s1], [sflag:$0x1] =	stream.indirect.gather [hbm4b:s4+s7], $0x1, s0, s7, $0xb8;
	[tilespmem:$0x8600] =	vst v63  }
0x169: {  	s0 =	sld [smem:$0x7E8]  }
0x16a: {  	s1 =	sld [smem:$0x7E9]  }
0x16b: {  	[tilespmem:s31], [sflag:$0x1] =	stream.indirect.gather [hbm4b:s4+s7], $0x1, s26, s7, $0xb8;
	[tilespmem:$0x8600] =	vst v63  }
0x16c: {  	s26 =	sld [smem:$0x7EA]  }
0x16d: {  	s31 =	sld [smem:$0x7EB]  }
0x16e: {  	[tilespmem:s1], [sflag:$0x1] =	stream.indirect.gather [hbm4b:s4+s7], $0x1, s0, s7, $0xb8;
	[tilespmem:$0x8600] =	vst v63  }
0x16f: {  	s0 =	sld [smem:$0x7EC]  }
0x170: {  	s1 =	sld [smem:$0x7ED]  }
0x171: {  	[tilespmem:s31], [sflag:$0x1] =	stream.indirect.gather [hbm4b:s4+s7], $0x1, s26, s7, $0xb8;
	[tilespmem:$0x8600] =	vst v63  }
0x172: {  	s26 =	sld [smem:$0x7EE]  }
0x173: {  	s31 =	sld [smem:$0x7EF]  }
0x174: {  	[tilespmem:s1], [sflag:$0x1] =	stream.indirect.gather [hbm4b:s4+s7], $0x1, s0, s7, $0xb8;
	[tilespmem:$0x8600] =	vst v63  }
0x175: {  	s0 =	sld [smem:$0x7F0]  }
0x176: {  	s1 =	sld [smem:$0x7F1]  }
0x177: {  	[tilespmem:s31], [sflag:$0x1] =	stream.indirect.gather [hbm4b:s4+s7], $0x1, s26, s7, $0xb8;
	[tilespmem:$0x8600] =	vst v63  }
0x178: {  	s26 =	sld [smem:$0x7F2]  }
0x179: {  	s31 =	sld [smem:$0x7F3]  }
0x17a: {  	[tilespmem:s1], [sflag:$0x1] =	stream.indirect.gather [hbm4b:s4+s7], $0x1, s0, s7, $0xb8;
	[tilespmem:$0x8600] =	vst v63  }
0x17b: {  	s0 =	sld [smem:$0x7F4]  }
0x17c: {  	s1 =	sld [smem:$0x7F5]  }
0x17d: {  	[tilespmem:s31], [sflag:$0x1] =	stream.indirect.gather [hbm4b:s4+s7], $0x1, s26, s7, $0xb8;
	[tilespmem:$0x8600] =	vst v63  }
0x17e: {  	s26 =	sld [smem:$0x7F6]  }
0x17f: {  	s31 =	sld [smem:$0x7F7]  }
0x180: {  	[tilespmem:s1], [sflag:$0x1] =	stream.indirect.gather [hbm4b:s4+s7], $0x1, s0, s7, $0xb8;
	[tilespmem:$0x8600] =	vst v63  }
0x181: {  	s0 =	sld [smem:$0x7F8]  }
0x182: {  	s1 =	sld [smem:$0x7F9]  }
0x183: {  	[tilespmem:s31], [sflag:$0x1] =	stream.indirect.gather [hbm4b:s4+s7], $0x1, s26, s7, $0xb8;
	[tilespmem:$0x8600] =	vst v63  }
0x184: {  	s26 =	sld [smem:$0x7FA]  }
0x185: {  	s31 =	sld [smem:$0x7FB]  }
0x186: {  	[tilespmem:s1], [sflag:$0x1] =	stream.indirect.gather [hbm4b:s4+s7], $0x1, s0, s7, $0xb8;
	[tilespmem:$0x8600] =	vst v63  }
0x187: {  	s0 =	sld [smem:$0x7FC]  }
0x188: {  	s1 =	sld [smem:$0x7FD]  }
0x189: {  	[tilespmem:s31], [sflag:$0x1] =	stream.indirect.gather [hbm4b:s4+s7], $0x1, s26, s7, $0xb8;
	[tilespmem:$0x8600] =	vst v63  }
0x18a: {  	_ = 	snop  }
0x18b: {  	[tilespmem:s1], [sflag:$0x1] =	stream.indirect.gather [hbm4b:s4+s7], $0x1, s0, s7, $0xb8;
	[tilespmem:$0x8600] =	vst v63  }
0x18c: {  	_ = 	snop  }
0x18d: {  	[tilespmem:s10], [sflag:$0x1] =	stream.indirect.gather [hbm4b:s4+s7], $0x1, s9, s7, $0xb8;
	[tilespmem:$0x8600] =	vst v63  }
0x18e: {  	_ = 	snop  }
0x18f: {  	[tilespmem:s12], [sflag:$0x1] =	stream.indirect.gather [hbm4b:s4+s7], $0x1, s11, s7, $0xb8;
	[tilespmem:$0x8600] =	vst v63  }
0x190: {  	_ = 	snop  }
0x191: {  	[tilespmem:s14], [sflag:$0x1] =	stream.indirect.gather [hbm4b:s4+s7], $0x1, s13, s7, $0xb8;
	[tilespmem:$0x8600] =	vst v63  }
0x192: {  	_ = 	snop  }
0x193: {  	[tilespmem:s16], [sflag:$0x1] =	stream.indirect.gather [hbm4b:s4+s7], $0x1, s15, s7, $0xb8;
	[tilespmem:$0x8600] =	vst v63  }
0x194: {  	_ = 	snop  }
0x195: {  	[tilespmem:s18], [sflag:$0x1] =	stream.indirect.gather [hbm4b:s4+s7], $0x1, s17, s7, $0xb8;
	[tilespmem:$0x8600] =	vst v63  }
0x196: {  	_ = 	snop  }
0x197: {  	[tilespmem:s20], [sflag:$0x1] =	stream.indirect.gather [hbm4b:s4+s7], $0x1, s19, s7, $0xb8;
	[tilespmem:$0x8600] =	vst v63  }
0x198: {  	_ = 	snop  }
0x199: {  	[tilespmem:s22], [sflag:$0x1] =	stream.indirect.gather [hbm4b:s4+s7], $0x1, s21, s7, $0xb8;
	[tilespmem:$0x8600] =	vst v63  }
0x19a: {  	_ = 	snop  }
0x19b: {  	[tilespmem:s24], [sflag:$0x1] =	stream.indirect.gather [hbm4b:s4+s7], $0x1, s23, s7, $0xb8;
	[tilespmem:$0x8600] =	vst v63  }
0x19c: {  	s28 =	simm.s32 @!p0 $0x0;
	s29 =	simm.s32 @!p0 $0x5600;
	s26 =	rddreg [dreg:$0x4]  }
0x19d: {  	[tilespmem:s29], [sflag:$0x3] =	stream.linear.gather @!p0 [hbm4b:s26+s28], $0x3000, $0x38;
	[tilespmem:$0x8600] =	vst v63  }
0x19e: {  	s26 =	simm.s32 @!p0 $0x3  }
0x19f: {  	_ =	swait.ge @!p0 [sflag:s26], $0x3000  }
0x1a0: {  	[sflag:s26] =	ssyncset.done @!p0 $0x0  }
0x1a1: {  	s30 =	rddreg [dreg:$0x6];
	[sflag:s26] =	ssyncadd.s32 @!p0 $0xFFFFD000  }
0x1a2: {  	[hbm4b:s30+s28] =	stream.linear.scatter @!p0 [tilespmem:s29], [sflag:$0x3], $0x3000, $0x38;
	[tilespmem:$0x8600] =	vst v63  }
0x1a3: {  	_ =	swait.ge @!p0 [sflag:s26], $0x3000  }
0x1a4: {  	[sflag:s26] =	ssyncset.done @!p0 $0x0  }
0x1a5: {  	[sflag:s26] =	ssyncadd.s32 @!p0 $0xFFFFD000  }
0x1a6: {  	[bflag:$0x0] =	sbarrier.arrive @!p0 $0xFFFF  }
0x1a7: {  	s30 =	simm.s32 @!p0 $0x5580;
	s29 =	rddreg [dreg:$0x3]  }
0x1a8: {  	[tilespmem:s30], [sflag:$0x3] =	stream.linear.gather @!p0 [hbm4b:s29+s28], $0x80, $0x38;
	[tilespmem:$0x8600] =	vst v63  }
0x1a9: {  	_ =	swait.ge @!p0 [sflag:s26], $0x80  }
0x1aa: {  	[sflag:s26] =	ssyncset.done @!p0 $0x0  }
0x1ab: {  	s31 =	simm.s32 @!p0 $0x5500;
	s29 =	rddreg [dreg:$0x7];
	[sflag:s26] =	ssyncadd.s32 @!p0 $0xFFFFFF80  }
0x1ac: {  	[tilespmem:s31], [sflag:$0x3] =	stream.linear.gather @!p0 [hbm4b:s29+s28], $0x80, $0x38;
	[tilespmem:$0x8600] =	vst v63  }
0x1ad: {  	_ =	swait.ge @!p0 [sflag:s26], $0x80  }
0x1ae: {  	[sflag:s26] =	ssyncset.done @!p0 $0x0  }
0x1af: {  	s1 =	simm.s32 @!p0 $0x2;
	s29 =	simm.s32 @!p0 $0x80;
	[sflag:s26] =	ssyncadd.s32 @!p0 $0xFFFFFF80  }
0x1b0: {  	[hbm4b:s3+s29] =	stream.indirect.scatter @!p0 [tilespmem:s30], [sflag:$0x2], $0x1, s31, s29, $0xb8;
	[tilespmem:$0x8600] =	vst v63  }
0x1b1: {  	_ =	swait.ge @!p0 [sflag:s1], $0x80  }
0x1b2: {  	[sflag:s1] =	ssyncset.done @!p0 $0x0  }
0x1b3: {  	s0 =	rddreg [dreg:$0x8];
	[sflag:s1] =	ssyncadd.s32 @!p0 $0xFFFFFF80  }
0x1b4: {  	[tilespmem:s31], [sflag:$0x3] =	stream.linear.gather @!p0 [hbm4b:s0+s28], $0x80, $0x38;
	[tilespmem:$0x8600] =	vst v63  }
0x1b5: {  	_ =	swait.ge @!p0 [sflag:s26], $0x80  }
0x1b6: {  	[sflag:s26] =	ssyncset.done @!p0 $0x0  }
0x1b7: {  	[sflag:s26] =	ssyncadd.s32 @!p0 $0xFFFFFF80  }
0x1b8: {  	[hbm4b:s3+s29] =	stream.indirect.scatter @!p0 [tilespmem:s30], [sflag:$0x2], $0x1, s31, s29, $0xb8;
	[tilespmem:$0x8600] =	vst v63  }
0x1b9: {  	_ =	swait.ge @!p0 [sflag:s1], $0x80  }
0x1ba: {  	[sflag:s1] =	ssyncset.done @!p0 $0x0  }
0x1bb: {  	[sflag:s1] =	ssyncadd.s32 @!p0 $0xFFFFFF80  }
0x1bc: {  	_ =	swait.ge [sflag:s25], $0x80  }
0x1bd: {  	[sflag:s25] =	ssyncset.done $0x0  }
0x1be: {  	[sflag:s25] =	ssyncadd.s32 $0xFFFFFF80  }
0x1bf: {  	_ =	swait.ge [sflag:s25], $0x80  }
0x1c0: {  	[sflag:s25] =	ssyncset.done $0x0  }
0x1c1: {  	[sflag:s25] =	ssyncadd.s32 $0xFFFFFF80  }
0x1c2: {  	_ =	swait.ge [sflag:s25], $0x80  }
0x1c3: {  	[sflag:s25] =	ssyncset.done $0x0  }
0x1c4: {  	[sflag:s25] =	ssyncadd.s32 $0xFFFFFF80  }
0x1c5: {  	_ =	swait.ge [sflag:s25], $0x80  }
0x1c6: {  	[sflag:s25] =	ssyncset.done $0x0  }
0x1c7: {  	[sflag:s25] =	ssyncadd.s32 $0xFFFFFF80  }
0x1c8: {  	_ =	swait.ge [sflag:s25], $0x80  }
0x1c9: {  	[sflag:s25] =	ssyncset.done $0x0  }
0x1ca: {  	[sflag:s25] =	ssyncadd.s32 $0xFFFFFF80  }
0x1cb: {  	_ =	swait.ge [sflag:s25], $0x80  }
0x1cc: {  	[sflag:s25] =	ssyncset.done $0x0  }
0x1cd: {  	[sflag:s25] =	ssyncadd.s32 $0xFFFFFF80  }
0x1ce: {  	_ =	swait.ge [sflag:s25], $0x80  }
0x1cf: {  	[sflag:s25] =	ssyncset.done $0x0  }
0x1d0: {  	[sflag:s25] =	ssyncadd.s32 $0xFFFFFF80  }
0x1d1: {  	_ =	swait.ge [sflag:s25], $0x80  }
0x1d2: {  	[sflag:s25] =	ssyncset.done $0x0  }
0x1d3: {  	[sflag:s25] =	ssyncadd.s32 $0xFFFFFF80  }
0x1d4: {  	_ =	swait.ge [sflag:s25], $0x80  }
0x1d5: {  	[sflag:s25] =	ssyncset.done $0x0  }
0x1d6: {  	[sflag:s25] =	ssyncadd.s32 $0xFFFFFF80  }
0x1d7: {  	_ =	swait.ge [sflag:s25], $0x80  }
0x1d8: {  	[sflag:s25] =	ssyncset.done $0x0  }
0x1d9: {  	[sflag:s25] =	ssyncadd.s32 $0xFFFFFF80  }
0x1da: {  	_ =	swait.ge [sflag:s25], $0x80  }
0x1db: {  	[sflag:s25] =	ssyncset.done $0x0  }
0x1dc: {  	[sflag:s25] =	ssyncadd.s32 $0xFFFFFF80  }
0x1dd: {  	_ =	swait.ge [sflag:s25], $0x80  }
0x1de: {  	[sflag:s25] =	ssyncset.done $0x0  }
0x1df: {  	[sflag:s25] =	ssyncadd.s32 $0xFFFFFF80  }
0x1e0: {  	_ =	swait.ge [sflag:s25], $0x80  }
0x1e1: {  	[sflag:s25] =	ssyncset.done $0x0  }
0x1e2: {  	[sflag:s25] =	ssyncadd.s32 $0xFFFFFF80  }
0x1e3: {  	_ =	swait.ge [sflag:s25], $0x80  }
0x1e4: {  	[sflag:s25] =	ssyncset.done $0x0  }
0x1e5: {  	[sflag:s25] =	ssyncadd.s32 $0xFFFFFF80  }
0x1e6: {  	_ =	swait.ge [sflag:s25], $0x80  }
0x1e7: {  	[sflag:s25] =	ssyncset.done $0x0  }
0x1e8: {  	[sflag:s25] =	ssyncadd.s32 $0xFFFFFF80  }
0x1e9: {  	_ =	swait.ge [sflag:s25], $0x80  }
0x1ea: {  	[sflag:s25] =	ssyncset.done $0x0  }
0x1eb: {  	[sflag:s25] =	ssyncadd.s32 $0xFFFFFF80  }
0x1ec: {  	_ =	swait.ge [sflag:s25], $0x80  }
0x1ed: {  	[sflag:s25] =	ssyncset.done $0x0  }
0x1ee: {  	[sflag:s25] =	ssyncadd.s32 $0xFFFFFF80  }
0x1ef: {  	_ =	swait.ge [sflag:s25], $0x80  }
0x1f0: {  	[sflag:s25] =	ssyncset.done $0x0  }
0x1f1: {  	[sflag:s25] =	ssyncadd.s32 $0xFFFFFF80  }
0x1f2: {  	_ =	swait.ge [sflag:s25], $0x80  }
0x1f3: {  	[sflag:s25] =	ssyncset.done $0x0  }
0x1f4: {  	[sflag:s25] =	ssyncadd.s32 $0xFFFFFF80  }
0x1f5: {  	_ =	swait.ge [sflag:s25], $0x80  }
0x1f6: {  	[sflag:s25] =	ssyncset.done $0x0  }
0x1f7: {  	[sflag:s25] =	ssyncadd.s32 $0xFFFFFF80  }
0x1f8: {  	_ =	swait.ge [sflag:s25], $0x80  }
0x1f9: {  	[sflag:s25] =	ssyncset.done $0x0  }
0x1fa: {  	[sflag:s25] =	ssyncadd.s32 $0xFFFFFF80  }
0x1fb: {  	_ =	swait.ge [sflag:s25], $0x80  }
0x1fc: {  	[sflag:s25] =	ssyncset.done $0x0  }
0x1fd: {  	[sflag:s25] =	ssyncadd.s32 $0xFFFFFF80  }
0x1fe: {  	_ =	swait.ge [sflag:s25], $0x80  }
0x1ff: {  	[sflag:s25] =	ssyncset.done $0x0  }
0x200: {  	[sflag:s25] =	ssyncadd.s32 $0xFFFFFF80  }
0x201: {  	_ =	swait.ge [sflag:s25], $0x80  }
0x202: {  	[sflag:s25] =	ssyncset.done $0x0  }
0x203: {  	[sflag:s25] =	ssyncadd.s32 $0xFFFFFF80  }
0x204: {  	_ =	swait.ge [sflag:s25], $0x80  }
0x205: {  	[sflag:s25] =	ssyncset.done $0x0  }
0x206: {  	[sflag:s25] =	ssyncadd.s32 $0xFFFFFF80  }
0x207: {  	_ =	swait.ge [sflag:s25], $0x80  }
0x208: {  	[sflag:s25] =	ssyncset.done $0x0  }
0x209: {  	[sflag:s25] =	ssyncadd.s32 $0xFFFFFF80  }
0x20a: {  	_ =	swait.ge [sflag:s25], $0x80  }
0x20b: {  	[sflag:s25] =	ssyncset.done $0x0  }
0x20c: {  	[sflag:s25] =	ssyncadd.s32 $0xFFFFFF80  }
0x20d: {  	_ =	swait.ge [sflag:s25], $0x80  }
0x20e: {  	[sflag:s25] =	ssyncset.done $0x0  }
0x20f: {  	[sflag:s25] =	ssyncadd.s32 $0xFFFFFF80  }
0x210: {  	_ =	swait.ge [sflag:s25], $0x80  }
0x211: {  	[sflag:s25] =	ssyncset.done $0x0  }
0x212: {  	[sflag:s25] =	ssyncadd.s32 $0xFFFFFF80  }
0x213: {  	_ =	swait.ge [sflag:s25], $0x80  }
0x214: {  	[sflag:s25] =	ssyncset.done $0x0  }
0x215: {  	[sflag:s25] =	ssyncadd.s32 $0xFFFFFF80  }
0x216: {  	_ =	swait.ge [sflag:s25], $0x80  }
0x217: {  	[sflag:s25] =	ssyncset.done $0x0  }
0x218: {  	[sflag:s25] =	ssyncadd.s32 $0xFFFFFF80  }
0x219: {  	_ =	swait.ge [sflag:s25], $0x80  }
0x21a: {  	[sflag:s25] =	ssyncset.done $0x0  }
0x21b: {  	[sflag:s25] =	ssyncadd.s32 $0xFFFFFF80  }
0x21c: {  	_ =	swait.ge [sflag:s25], $0x80  }
0x21d: {  	[sflag:s25] =	ssyncset.done $0x0  }
0x21e: {  	[sflag:s25] =	ssyncadd.s32 $0xFFFFFF80  }
0x21f: {  	_ =	swait.ge [sflag:s25], $0x80  }
0x220: {  	[sflag:s25] =	ssyncset.done $0x0  }
0x221: {  	[sflag:s25] =	ssyncadd.s32 $0xFFFFFF80  }
0x222: {  	_ =	swait.ge [sflag:s25], $0x80  }
0x223: {  	[sflag:s25] =	ssyncset.done $0x0  }
0x224: {  	[sflag:s25] =	ssyncadd.s32 $0xFFFFFF80  }
0x225: {  	_ =	swait.ge [sflag:s25], $0x80  }
0x226: {  	[sflag:s25] =	ssyncset.done $0x0  }
0x227: {  	[sflag:s25] =	ssyncadd.s32 $0xFFFFFF80  }
0x228: {  	_ =	swait.ge [sflag:s25], $0x80  }
0x229: {  	[sflag:s25] =	ssyncset.done $0x0  }
0x22a: {  	[sflag:s25] =	ssyncadd.s32 $0xFFFFFF80  }
0x22b: {  	_ =	swait.ge [sflag:s25], $0x80  }
0x22c: {  	[sflag:s25] =	ssyncset.done $0x0  }
0x22d: {  	[sflag:s25] =	ssyncadd.s32 $0xFFFFFF80  }
0x22e: {  	_ =	swait.ge [sflag:s25], $0x80  }
0x22f: {  	[sflag:s25] =	ssyncset.done $0x0  }
0x230: {  	[sflag:s25] =	ssyncadd.s32 $0xFFFFFF80  }
0x231: {  	_ =	swait.ge [sflag:s25], $0x80  }
0x232: {  	[sflag:s25] =	ssyncset.done $0x0  }
0x233: {  	[sflag:s25] =	ssyncadd.s32 $0xFFFFFF80  }
0x234: {  	_ =	swait.ge [sflag:s25], $0x80  }
0x235: {  	[sflag:s25] =	ssyncset.done $0x0  }
0x236: {  	[sflag:s25] =	ssyncadd.s32 $0xFFFFFF80  }
0x237: {  	_ =	swait.ge [sflag:s25], $0x80  }
0x238: {  	[sflag:s25] =	ssyncset.done $0x0  }
0x239: {  	[sflag:s25] =	ssyncadd.s32 $0xFFFFFF80  }
0x23a: {  	_ =	swait.ge [sflag:s25], $0x80  }
0x23b: {  	[sflag:s25] =	ssyncset.done $0x0  }
0x23c: {  	[sflag:s25] =	ssyncadd.s32 $0xFFFFFF80  }
0x23d: {  	_ =	swait.ge [sflag:s25], $0x80  }
0x23e: {  	[sflag:s25] =	ssyncset.done $0x0  }
0x23f: {  	[sflag:s25] =	ssyncadd.s32 $0xFFFFFF80  }
0x240: {  	_ =	swait.ge [sflag:s25], $0x80  }
0x241: {  	[sflag:s25] =	ssyncset.done $0x0  }
0x242: {  	[sflag:s25] =	ssyncadd.s32 $0xFFFFFF80  }
0x243: {  	_ =	swait.ge [sflag:s25], $0x80  }
0x244: {  	[sflag:s25] =	ssyncset.done $0x0  }
0x245: {  	[sflag:s25] =	ssyncadd.s32 $0xFFFFFF80  }
0x246: {  	_ =	swait.ge [sflag:s25], $0x80  }
0x247: {  	[sflag:s25] =	ssyncset.done $0x0  }
0x248: {  	[sflag:s25] =	ssyncadd.s32 $0xFFFFFF80  }
0x249: {  	_ =	swait.ge [sflag:s25], $0x80  }
0x24a: {  	[sflag:s25] =	ssyncset.done $0x0  }
0x24b: {  	[sflag:s25] =	ssyncadd.s32 $0xFFFFFF80  }
0x24c: {  	_ =	swait.ge [sflag:s25], $0x80  }
0x24d: {  	[sflag:s25] =	ssyncset.done $0x0  }
0x24e: {  	[sflag:s25] =	ssyncadd.s32 $0xFFFFFF80  }
0x24f: {  	_ =	swait.ge [sflag:s25], $0x80  }
0x250: {  	[sflag:s25] =	ssyncset.done $0x0  }
0x251: {  	[sflag:s25] =	ssyncadd.s32 $0xFFFFFF80  }
0x252: {  	_ =	swait.ge [sflag:s25], $0x80  }
0x253: {  	[sflag:s25] =	ssyncset.done $0x0  }
0x254: {  	[sflag:s25] =	ssyncadd.s32 $0xFFFFFF80  }
0x255: {  	_ =	swait.ge [sflag:s25], $0x80  }
0x256: {  	[sflag:s25] =	ssyncset.done $0x0  }
0x257: {  	[sflag:s25] =	ssyncadd.s32 $0xFFFFFF80  }
0x258: {  	_ =	swait.ge [sflag:s25], $0x80  }
0x259: {  	[sflag:s25] =	ssyncset.done $0x0  }
0x25a: {  	[sflag:s25] =	ssyncadd.s32 $0xFFFFFF80  }
0x25b: {  	_ =	swait.ge [sflag:s25], $0x80  }
0x25c: {  	[sflag:s25] =	ssyncset.done $0x0  }
0x25d: {  	[sflag:s25] =	ssyncadd.s32 $0xFFFFFF80  }
0x25e: {  	_ =	swait.ge [sflag:s25], $0x80  }
0x25f: {  	[sflag:s25] =	ssyncset.done $0x0  }
0x260: {  	[sflag:s25] =	ssyncadd.s32 $0xFFFFFF80  }
0x261: {  	_ =	swait.ge [sflag:s25], $0x80  }
0x262: {  	[sflag:s25] =	ssyncset.done $0x0  }
0x263: {  	[sflag:s25] =	ssyncadd.s32 $0xFFFFFF80  }
0x264: {  	_ =	swait.ge [sflag:s25], $0x80  }
0x265: {  	[sflag:s25] =	ssyncset.done $0x0  }
0x266: {  	[sflag:s25] =	ssyncadd.s32 $0xFFFFFF80  }
0x267: {  	_ =	swait.ge [sflag:s25], $0x80  }
0x268: {  	[sflag:s25] =	ssyncset.done $0x0  }
0x269: {  	[sflag:s25] =	ssyncadd.s32 $0xFFFFFF80  }
0x26a: {  	_ =	swait.ge [sflag:s25], $0x80  }
0x26b: {  	[sflag:s25] =	ssyncset.done $0x0  }
0x26c: {  	[sflag:s25] =	ssyncadd.s32 $0xFFFFFF80  }
0x26d: {  	_ =	swait.ge [sflag:s25], $0x80  }
0x26e: {  	[sflag:s25] =	ssyncset.done $0x0  }
0x26f: {  	[sflag:s25] =	ssyncadd.s32 $0xFFFFFF80  }
0x270: {  	_ =	swait.ge [sflag:s25], $0x80  }
0x271: {  	[sflag:s25] =	ssyncset.done $0x0  }
0x272: {  	[sflag:s25] =	ssyncadd.s32 $0xFFFFFF80  }
0x273: {  	_ =	swait.ge [sflag:s25], $0x80  }
0x274: {  	[sflag:s25] =	ssyncset.done $0x0  }
0x275: {  	[sflag:s25] =	ssyncadd.s32 $0xFFFFFF80  }
0x276: {  	_ =	swait.ge [sflag:s25], $0x80  }
0x277: {  	[sflag:s25] =	ssyncset.done $0x0  }
0x278: {  	[sflag:s25] =	ssyncadd.s32 $0xFFFFFF80  }
0x279: {  	_ =	swait.ge [sflag:s25], $0x80  }
0x27a: {  	[sflag:s25] =	ssyncset.done $0x0  }
0x27b: {  	[sflag:s25] =	ssyncadd.s32 $0xFFFFFF80  }
0x27c: {  	_ =	swait.ge [sflag:s25], $0x80  }
0x27d: {  	[sflag:s25] =	ssyncset.done $0x0  }
0x27e: {  	[sflag:s25] =	ssyncadd.s32 $0xFFFFFF80  }
0x27f: {  	_ =	swait.ge [sflag:s25], $0x80  }
0x280: {  	[sflag:s25] =	ssyncset.done $0x0  }
0x281: {  	[sflag:s25] =	ssyncadd.s32 $0xFFFFFF80  }
0x282: {  	_ =	swait.ge [sflag:s25], $0x80  }
0x283: {  	[sflag:s25] =	ssyncset.done $0x0  }
0x284: {  	[sflag:s25] =	ssyncadd.s32 $0xFFFFFF80  }
0x285: {  	_ =	swait.ge [sflag:s25], $0x80  }
0x286: {  	[sflag:s25] =	ssyncset.done $0x0  }
0x287: {  	[sflag:s25] =	ssyncadd.s32 $0xFFFFFF80  }
0x288: {  	_ =	swait.ge [sflag:s25], $0x80  }
0x289: {  	[sflag:s25] =	ssyncset.done $0x0  }
0x28a: {  	[sflag:s25] =	ssyncadd.s32 $0xFFFFFF80  }
0x28b: {  	_ =	swait.ge [sflag:s25], $0x80  }
0x28c: {  	[sflag:s25] =	ssyncset.done $0x0  }
0x28d: {  	[sflag:s25] =	ssyncadd.s32 $0xFFFFFF80  }
0x28e: {  	_ =	swait.ge [sflag:s25], $0x80  }
0x28f: {  	[sflag:s25] =	ssyncset.done $0x0  }
0x290: {  	[sflag:s25] =	ssyncadd.s32 $0xFFFFFF80  }
0x291: {  	_ =	swait.ge [sflag:s25], $0x80  }
0x292: {  	[sflag:s25] =	ssyncset.done $0x0  }
0x293: {  	[sflag:s25] =	ssyncadd.s32 $0xFFFFFF80  }
0x294: {  	_ =	swait.ge [sflag:s25], $0x80  }
0x295: {  	[sflag:s25] =	ssyncset.done $0x0  }
0x296: {  	[sflag:s25] =	ssyncadd.s32 $0xFFFFFF80  }
0x297: {  	_ =	swait.ge [sflag:s25], $0x80  }
0x298: {  	[sflag:s25] =	ssyncset.done $0x0  }
0x299: {  	[sflag:s25] =	ssyncadd.s32 $0xFFFFFF80  }
0x29a: {  	_ =	swait.ge [sflag:s25], $0x80  }
0x29b: {  	[sflag:s25] =	ssyncset.done $0x0  }
0x29c: {  	[sflag:s25] =	ssyncadd.s32 $0xFFFFFF80  }
0x29d: {  	_ =	swait.ge [sflag:s25], $0x80  }
0x29e: {  	[sflag:s25] =	ssyncset.done $0x0  }
0x29f: {  	[sflag:s25] =	ssyncadd.s32 $0xFFFFFF80  }
0x2a0: {  	_ =	swait.ge [sflag:s25], $0x80  }
0x2a1: {  	[sflag:s25] =	ssyncset.done $0x0  }
0x2a2: {  	[sflag:s25] =	ssyncadd.s32 $0xFFFFFF80  }
0x2a3: {  	_ =	swait.ge [sflag:s25], $0x80  }
0x2a4: {  	[sflag:s25] =	ssyncset.done $0x0  }
0x2a5: {  	[sflag:s25] =	ssyncadd.s32 $0xFFFFFF80  }
0x2a6: {  	_ =	swait.ge [sflag:s25], $0x80  }
0x2a7: {  	[sflag:s25] =	ssyncset.done $0x0  }
0x2a8: {  	[sflag:s25] =	ssyncadd.s32 $0xFFFFFF80  }
0x2a9: {  	_ =	swait.ge [sflag:s25], $0x80  }
0x2aa: {  	[sflag:s25] =	ssyncset.done $0x0  }
0x2ab: {  	[sflag:s25] =	ssyncadd.s32 $0xFFFFFF80  }
0x2ac: {  	_ =	swait.ge [sflag:s25], $0x80  }
0x2ad: {  	[sflag:s25] =	ssyncset.done $0x0  }
0x2ae: {  	[sflag:s25] =	ssyncadd.s32 $0xFFFFFF80  }
0x2af: {  	_ =	swait.ge [sflag:s25], $0x80  }
0x2b0: {  	[sflag:s25] =	ssyncset.done $0x0  }
0x2b1: {  	[sflag:s25] =	ssyncadd.s32 $0xFFFFFF80  }
0x2b2: {  	_ =	swait.ge [sflag:s25], $0x80  }
0x2b3: {  	[sflag:s25] =	ssyncset.done $0x0  }
0x2b4: {  	[sflag:s25] =	ssyncadd.s32 $0xFFFFFF80  }
0x2b5: {  	_ =	swait.ge [sflag:s25], $0x80  }
0x2b6: {  	[sflag:s25] =	ssyncset.done $0x0  }
0x2b7: {  	[sflag:s25] =	ssyncadd.s32 $0xFFFFFF80  }
0x2b8: {  	s5 =	sadd.s32 $0xFFFFFFFF, s5;
	_ =	swait.ge [sflag:s25], $0x80  }
0x2b9: {  	p1 =	sne.s32 s5, $0x0;
	[sflag:s25] =	ssyncset.done $0x0  }
.Ltmp0:
0x2ba: {  	s31 =	rddreg [dreg:$0x9];
	[sflag:s25] =	ssyncadd.s32 $0xFFFFFF80;
	(pc) =	sbr.rel @p1 .LBB2_1-.Ltmp0, $4  }
0x2bb: {  	[hbm4b:s31+s2] =	stream.linear.scatter [tilespmem:s8], [sflag:$0x3], $0x2A80, $0x38;
	[tilespmem:$0x8600] =	vst v63  }
0x2bc: {  	_ =	swait.ge [sflag:s6], $0x2A80  }
0x2bd: {  	[sflag:s6] =	ssyncset.done $0x0  }
0x2be: {  	[sflag:s6] =	ssyncadd.s32 $0xFFFFD580  }
0x2bf: {  	_ =	sfence.sel $0x180000  }
0x2c0: {  	[bflag:$0x0] =	sbarrier.arrive $0xFFFF  }
0x2c1: {  	_ =	strace $0x90000047  }
0x2c2: {  	s0 =	stileid.u32;
	[bflag:$0x2] =	sbarrier.arrive $0xFFFF  }
0x2c3: {  	p0 =	sne.s32 s0, $0x0;
	s0 =	rddreg [dreg:$0x2]  }
0x2c4: {  	s0 =	sadd.s32 @!p0 $0x100000, s0  }
0x2c5: {  	[sflag:s0] =	ssyncadd.tile.s32 @!p0 $0x1;
	_ =	shalt  }
.Lfunc_end2:
_tile_overlayer_lowered:
.L_overlay_start_2:
0x2c6: {  	(tag) =	ssettag $0x2  }
0x2c7: {  	s0 =	rddreg [dreg:$0x0];
	s2 =	stileid.u32  }
0x2c8: {  	s1 =	rddreg [dreg:$0x1];
	p0 =	sne.s32 s2, $0x0  }
0x2c9: {  	s3 =	rddreg [dreg:$0x2];
	[bflag:$0x3] =	sbarrier.arrive $0xFFFF;
	s2 =	simm.s32 @!p0 $0x1C03  }
0x2ca: {  	[timem:s3], [sflag:s2] =	dma.local @!p0 [hbm:s0], s1  }
0x2cb: {  	s0 =	simm.s32 @!p0 $0x3  }
0x2cc: {  	_ =	swait.ge @!p0 [sflag:s0], s1  }
0x2cd: {  	s1 =	ssub.s32 @!p0 $0x0, s1;
	[sflag:s0] =	ssyncset.done @!p0 $0x0  }
0x2ce: {  	[sflag:s0] =	ssyncadd.s32 @!p0 s1  }
0x2cf: {  	[bflag:$0x3] =	sbarrier.arrive $0xFFFF  }
0x2d0: {  	_ =	shalt  }

</sc_bundles>
